<compile_context>
chip_gen: v7x
topology: tpu7x:2x2x1
jax: 0.10.2.dev20260603
libtpu: 0.0.44.dev20260713+nightly
codegen_flags: <defaults>
</compile_context>

<pallas_src>
import jax
import jax.numpy as jnp
from jax import lax
from jax.experimental import pallas as pl
from jax.experimental.pallas import tpu as pltpu
from jax.experimental.pallas import tpu_sc as plsc

N = 10000
E = 320000
NC, NS = 2, 16
NW = NC * NS
CW = 128
NBUF = 8
FAST = 0
KFB, KSB = 112, 48
NBLK = NS * (KFB + KSB)
EP = NBLK * CW
N_TBL = N + 16
ROWS_PER_TILE = 640
N_ACC = NS * ROWS_PER_TILE
D = 8



def _sc_mesh():
    return plsc.VectorSubcoreMesh(core_axis_name="c", subcore_axis_name="s")


_SC_PARAMS = pltpu.CompilerParams(use_tc_tiling_on_sc=False)


def _chunk_assignment(c, s):
    is_fast = c == FAST
    base = lax.select(is_fast, s * KFB, NS * KFB + s * KSB)
    kcb = lax.select(is_fast, KFB, KSB)
    return is_fast, base, kcb


def _load_idx(ei_hbm, d, is_fast, base, dst):
    @pl.when(is_fast)
    def _():
        pltpu.sync_copy(ei_hbm.at[d].at[pl.ds(base, KFB)], dst.at[pl.ds(0, KFB)])

    @pl.when(jnp.logical_not(is_fast))
    def _():
        pltpu.sync_copy(ei_hbm.at[d].at[pl.ds(base, KSB)], dst.at[pl.ds(0, KSB)])


def _deg_body(ei_hbm, ones_hbm, zeros_hbm, out_hbm, didx, ones_v, acc, sem):
    c = lax.axis_index("c")
    s = lax.axis_index("s")
    is_fast, base, kcb = _chunk_assignment(c, s)
    pltpu.sync_copy(zeros_hbm, acc.at[pl.ds(s * ROWS_PER_TILE, ROWS_PER_TILE)])
    pltpu.sync_copy(ones_hbm, ones_v)
    _load_idx(ei_hbm, 1, is_fast, base, didx)
    plsc.subcore_barrier()

    def body(i, _):
        for j in range(NBUF):
            pltpu.async_copy(ones_v, acc.at[didx.at[i * NBUF + j]], sem,
                             add=True)
        for j in range(NBUF):
            pltpu.make_async_copy(ones_v, acc.at[didx.at[i * NBUF + j]],
                                  sem).wait()
        return _

    lax.fori_loop(0, kcb // NBUF, body, None)
    plsc.subcore_barrier()
    sl = pl.ds(s * ROWS_PER_TILE, ROWS_PER_TILE)
    pltpu.sync_copy(acc.at[sl], out_hbm.at[c].at[sl])


def _prop_body(table_hbm, ei_hbm, zeros_hbm, out_hbm,
               sidx, didx, rows, acc, gsem, ssem):
    c = lax.axis_index("c")
    s = lax.axis_index("s")
    is_fast, base, kcb = _chunk_assignment(c, s)
    pltpu.sync_copy(zeros_hbm, acc.at[pl.ds(s * ROWS_PER_TILE, ROWS_PER_TILE)])
    _load_idx(ei_hbm, 0, is_fast, base, sidx)
    _load_idx(ei_hbm, 1, is_fast, base, didx)
    plsc.subcore_barrier()

    for j in range(NBUF):
        pltpu.async_copy(table_hbm.at[sidx.at[j]], rows.at[j], gsem.at[j])

    def body(i, _):
        for j in range(NBUF):
            k = i * NBUF + j
            pltpu.make_async_copy(table_hbm.at[sidx.at[k]], rows.at[j],
                                  gsem.at[j]).wait()
            pltpu.async_copy(rows.at[j], acc.at[didx.at[k]], ssem.at[j],
                             add=True)
            nk = k + NBUF

            @pl.when(nk < kcb)
            def _prefetch():
                pltpu.make_async_copy(rows.at[j], acc.at[didx.at[k]],
                                      ssem.at[j]).wait()
                pltpu.async_copy(table_hbm.at[sidx.at[nk]], rows.at[j],
                                 gsem.at[j])
        return _

    lax.fori_loop(0, kcb // NBUF, body, None)
    for j in range(NBUF):
        pltpu.make_async_copy(rows.at[j], acc.at[didx.at[kcb - NBUF + j]],
                              ssem.at[j]).wait()
    plsc.subcore_barrier()
    sl = pl.ds(s * ROWS_PER_TILE, ROWS_PER_TILE)
    pltpu.sync_copy(acc.at[sl], out_hbm.at[c].at[sl])


def _sc_degree(ei_r, ones128, zeros640):
    return pl.kernel(
        _deg_body,
        out_type=jax.ShapeDtypeStruct((NC, N_ACC, D), jnp.float32),
        mesh=_sc_mesh(),
        compiler_params=_SC_PARAMS,
        scratch_types=[
            pltpu.VMEM((KFB, CW), jnp.int32),
            pltpu.VMEM((CW, D), jnp.float32),
            pltpu.VMEM_SHARED((N_ACC, D), jnp.float32),
            pltpu.SemaphoreType.DMA,
        ],
    )(ei_r, ones128, zeros640)


def _sc_propagate(table, ei_r, zeros640):
    return pl.kernel(
        _prop_body,
        out_type=jax.ShapeDtypeStruct((NC, N_ACC, D), jnp.float32),
        mesh=_sc_mesh(),
        compiler_params=_SC_PARAMS,
        scratch_types=[
            pltpu.VMEM((KFB, CW), jnp.int32),
            pltpu.VMEM((KFB, CW), jnp.int32),
            pltpu.VMEM((NBUF, CW, D), jnp.float32),
            pltpu.VMEM_SHARED((N_ACC, D), jnp.float32),
            pltpu.SemaphoreType.DMA((NBUF,)),
            pltpu.SemaphoreType.DMA((NBUF,)),
        ],
    )(table, ei_r, zeros640)



def _tca_body(x_ref, w1_ref, h_ref):
    h_ref[...] = jnp.dot(x_ref[...], w1_ref[...],
                         preferred_element_type=jnp.float32)


def _tcb_body(degp_ref, h_ref, hp1_ref, dis_ref):
    deg = degp_ref[0, : N, 0:1] + degp_ref[1, : N, 0:1] + 1.0
    dis = lax.rsqrt(deg)
    hp1_ref[pl.ds(0, N), :] = dis * h_ref[...]
    hp1_ref[pl.ds(N, N_TBL - N), :] = jnp.zeros((N_TBL - N, D), jnp.float32)
    dis_ref[...] = dis


def _tc2_body(p1_ref, hp1_ref, dis_ref, b1_ref, q_ref):
    s1 = p1_ref[0, : N, :] + p1_ref[1, : N, :]
    dis = dis_ref[...]
    pre = dis * (s1 + hp1_ref[pl.ds(0, N), :]) + b1_ref[...]
    q_ref[pl.ds(0, N), :] = dis * jnp.maximum(pre, 0.0)
    q_ref[pl.ds(N, N_TBL - N), :] = jnp.zeros((N_TBL - N, D), jnp.float32)


def _tc3_body(p2_ref, q_ref, dis_ref, w2_ref, b2_ref, wc_ref, bc_ref, out_ref):
    s2 = p2_ref[0, : N, :] + p2_ref[1, : N, :]
    t = s2 + q_ref[pl.ds(0, N), :]
    conv2 = dis_ref[...] * jnp.dot(
        t, w2_ref[...], preferred_element_type=jnp.float32) + b2_ref[...]
    emb = jnp.maximum(conv2, 0.0)
    z = jnp.dot(emb, wc_ref[...], preferred_element_type=jnp.float32) + bc_ref[...]
    out_ref[...] = jax.nn.sigmoid(z)


def _tc_call(body, out_shapes, *args):
    return pl.pallas_call(body, out_shape=out_shapes)(*args)



@jax.jit
def kernel(x, edge_index, W1, b1, W2, b2, Wc, bc):
    ei_r = jnp.pad(edge_index.astype(jnp.int32), ((0, 0), (0, EP - E)),
                   constant_values=N).reshape(2, NBLK, CW)
    zeros640 = jnp.zeros((ROWS_PER_TILE, D), jnp.float32)
    ones128 = jnp.ones((CW, D), jnp.float32)

    h = _tc_call(_tca_body, jax.ShapeDtypeStruct((N, D), jnp.float32), x, W1)
    degp = _sc_degree(ei_r, ones128, zeros640)
    hp1, dis = _tc_call(
        _tcb_body,
        [jax.ShapeDtypeStruct((N_TBL, D), jnp.float32),
         jax.ShapeDtypeStruct((N, 1), jnp.float32)],
        degp, h)
    p1 = _sc_propagate(hp1, ei_r, zeros640)
    q = _tc_call(
        _tc2_body,
        jax.ShapeDtypeStruct((N_TBL, D), jnp.float32),
        p1, hp1, dis, b1.reshape(1, D))
    p2 = _sc_propagate(q, ei_r, zeros640)
    out = _tc_call(
        _tc3_body,
        jax.ShapeDtypeStruct((N, 1), jnp.float32),
        p2, q, dis, W2, b2.reshape(1, 2), Wc, bc.reshape(1, 1))
    return out

# --- scband reference (transcript-rebuilt; emitter-appended) ---
"""Pipeline reference for scband-gcn-35914516529779 (READ-ONLY COPY).

The authoritative reference and input builder live on the scoring server;
editing this copy changes nothing except your own understanding.
"""

import jax, jax.numpy as jnp
import numpy as np

N_NODES = 10000


def gcn_conv(x, edge_index, W, b):
    # PyG GCNConv: lin -> add self-loops -> sym-normalize -> scatter-add propagate
    num_nodes = x.shape[0]
    src = edge_index[0]
    dst = edge_index[1]
    loop = jnp.arange(num_nodes, dtype=src.dtype)
    src = jnp.concatenate([src, loop])
    dst = jnp.concatenate([dst, loop])
    h = x @ W  # linear transform (no bias inside lin; bias added after aggregation)
    edge_weight = jnp.ones((src.shape[0],), dtype=h.dtype)
    deg = jnp.zeros((num_nodes,), dtype=h.dtype).at[dst].add(edge_weight)
    deg_inv_sqrt = jnp.where(deg > 0, deg ** -0.5, 0.0)
    norm = deg_inv_sqrt[src] * deg_inv_sqrt[dst]
    msg = norm[:, None] * h[src]
    out = jax.ops.segment_sum(msg, dst, num_segments=num_nodes)
    return out + b


def setup_inputs(seed: int = 0) -> dict:
    key = jax.random.key(seed)
    k1, k2, k3, k4, k5 = jax.random.split(key, 5)
    x = jax.random.normal(k1, (N_NODES, 128), dtype=jnp.float32)
    edge_index = jax.random.randint(k2, (2, 320000), 0, N_NODES, dtype=jnp.int64)
    W1 = jax.random.normal(k3, (128, 8), dtype=jnp.float32) * (1.0 / np.sqrt(128))
    b1 = jnp.zeros((8,), dtype=jnp.float32)
    W2 = jax.random.normal(k4, (8, 2), dtype=jnp.float32) * (1.0 / np.sqrt(8))
    b2 = jnp.zeros((2,), dtype=jnp.float32)
    Wc = jax.random.normal(k5, (2, 1), dtype=jnp.float32) * (1.0 / np.sqrt(2))
    bc = jnp.zeros((1,), dtype=jnp.float32)
    return {"x": x, "edge_index": edge_index, "W1": W1, "b1": b1, "W2": W2, "b2": b2, "Wc": Wc, "bc": bc}


def reference(x, edge_index, W1, b1, W2, b2, Wc, bc):
    h = gcn_conv(x, edge_index, W1, b1)
    h = jax.nn.relu(h)
    h1 = gcn_conv(h, edge_index, W2, b2)
    embeddings = jax.nn.relu(h1)
    out = embeddings @ Wc + bc
    return jax.nn.sigmoid(out)

if __name__ == "__main__":
    import jax
    _d = setup_inputs()
    print(jax.jit(kernel)(*tuple(_d.values())))

</pallas_src>

<mosaic_0001>
#map = affine_map<(d0, d1) -> (0, 0, 0)>
#map1 = affine_map<(d0, d1) -> (0, 0)>
module attributes {stable_mosaic.version = 14 : i64} {
  func.func @_deg_body(%arg0: i32, %arg1: i32, %arg2: memref<2x2560x128xi32, #tpu.memory_space<hbm>>, %arg3: memref<128x8xf32, #tpu.memory_space<hbm>>, %arg4: memref<640x8xf32, #tpu.memory_space<hbm>>, %arg5: memref<2x10240x8xf32, #tpu.memory_space<hbm>>, %arg6: memref<112x128xi32, #tpu.memory_space<vmem>>, %arg7: memref<128x8xf32, #tpu.memory_space<vmem>>, %arg8: memref<10240x8xf32, #tpu.memory_space<vmem_shared>>, %arg9: memref<!tpu.dma_semaphore, #tpu.memory_space<semaphore_mem>>) attributes {dimension_semantics = [#tpu.dimension_semantics<core_parallel>, #tpu.dimension_semantics<subcore_parallel>], iteration_bounds = array<i64: 2, 16>, scalar_prefetch = 0 : i64, scratch_operands = 4 : i64, tpu.core_type = #tpu.core_type<sc_vector_subcore>, window_params = [{transform_indices = #map}, {transform_indices = #map1}, {transform_indices = #map1}, {transform_indices = #map}]} {
    %eq3A = arith.constant 0 : i32
    %eq3A_0 = arith.cmpi eq, %arg0, %eq3A : i32
    %mul3A = arith.constant 112 : i32
    %mul3A_1 = arith.muli %arg1, %mul3A : i32
    %mul3A_2 = arith.constant 48 : i32
    %mul3A_3 = arith.muli %arg1, %mul3A_2 : i32
    %add3A = arith.constant 1792 : i32
    %add3A_4 = arith.addi %add3A, %mul3A_3 : i32
    %select_n3A = arith.select %eq3A_0, %mul3A_1, %add3A_4 : i32
    %select_n3A_5 = arith.constant 48 : i32
    %select_n3A_6 = arith.constant 112 : i32
    %select_n3A_7 = arith.select %eq3A_0, %select_n3A_6, %select_n3A_5 : i32
    %mul3A_8 = arith.constant 640 : i32
    %mul3A_9 = arith.muli %arg1, %mul3A_8 : i32
    "tpu.region"() ({
      %run_scoped3A = tpu.sem_alloc : memref<!tpu.dma_semaphore, #tpu.memory_space<semaphore_mem>>
      %dma_start3A = arith.constant 0 : i32
      %dma_start3A_43 = tpu.memref_slice %arg8[%mul3A_9, %dma_start3A] : memref<10240x8xf32, #tpu.memory_space<vmem_shared>> -> memref<640x8xf32, #tpu.memory_space<vmem_shared>>
      tpu.enqueue_dma source(%arg4 : memref<640x8xf32, #tpu.memory_space<hbm>>) target(%dma_start3A_43 : memref<640x8xf32, #tpu.memory_space<vmem_shared>>) target_semaphore(%run_scoped3A : memref<!tpu.dma_semaphore, #tpu.memory_space<semaphore_mem>>)
      %dma_wait3A = arith.constant 0 : i32
      %dma_wait3A_44 = tpu.memref_slice %arg8[%mul3A_9, %dma_wait3A] : memref<10240x8xf32, #tpu.memory_space<vmem_shared>> -> memref<640x8xf32, #tpu.memory_space<vmem_shared>>
      tpu.wait_dma2 semaphore(%run_scoped3A : memref<!tpu.dma_semaphore, #tpu.memory_space<semaphore_mem>>) src(%arg4 : memref<640x8xf32, #tpu.memory_space<hbm>>) dst(%dma_wait3A_44 : memref<640x8xf32, #tpu.memory_space<vmem_shared>>)
      tpu.yield
    }) : () -> ()
    "tpu.region"() ({
      %run_scoped3A = tpu.sem_alloc : memref<!tpu.dma_semaphore, #tpu.memory_space<semaphore_mem>>
      tpu.enqueue_dma source(%arg3 : memref<128x8xf32, #tpu.memory_space<hbm>>) target(%arg7 : memref<128x8xf32, #tpu.memory_space<vmem>>) target_semaphore(%run_scoped3A : memref<!tpu.dma_semaphore, #tpu.memory_space<semaphore_mem>>)
      tpu.wait_dma2 semaphore(%run_scoped3A : memref<!tpu.dma_semaphore, #tpu.memory_space<semaphore_mem>>) src(%arg3 : memref<128x8xf32, #tpu.memory_space<hbm>>) dst(%arg7 : memref<128x8xf32, #tpu.memory_space<vmem>>)
      tpu.yield
    }) : () -> ()
    %convert_element_type3A = arith.extui %eq3A_0 : i1 to i32
    %cond3A = arith.constant 0 : i32
    %cond3A_10 = arith.cmpi ne, %convert_element_type3A, %cond3A : i32
    scf.if %cond3A_10 {
      %run_scoped3A = arith.constant 1 : i32
      "tpu.region"() ({
        %run_scoped3A_43 = tpu.sem_alloc : memref<!tpu.dma_semaphore, #tpu.memory_space<semaphore_mem>>
        %dma_start3A = arith.constant 0 : i32
        %dma_start3A_44 = arith.constant 0 : i32
        %dma_start3A_45 = tpu.memref_slice %arg6[%dma_start3A, %dma_start3A_44] : memref<112x128xi32, #tpu.memory_space<vmem>> -> memref<112x128xi32, #tpu.memory_space<vmem>>
        %dma_start3A_46 = arith.constant 0 : i32
        %dma_start3A_47 = arith.constant 0 : i32
        %dma_start3A_48 = tpu.memref_slice %arg2[%run_scoped3A, %dma_start3A_46, %dma_start3A_47] : memref<2x2560x128xi32, #tpu.memory_space<hbm>> -> memref<1x2560x128xi32, #tpu.memory_space<hbm>>
        %dma_start3A_49 = tpu.memref_squeeze %dma_start3A_48 : memref<1x2560x128xi32, #tpu.memory_space<hbm>> -> memref<2560x128xi32, #tpu.memory_space<hbm>>
        %dma_start3A_50 = arith.constant 0 : i32
        %dma_start3A_51 = tpu.memref_slice %dma_start3A_49[%select_n3A, %dma_start3A_50] : memref<2560x128xi32, #tpu.memory_space<hbm>> -> memref<112x128xi32, #tpu.memory_space<hbm>>
        %dma_start3A_52 = arith.constant 0 : i32
        %dma_start3A_53 = arith.constant 0 : i32
        %dma_start3A_54 = tpu.memref_slice %arg6[%dma_start3A_52, %dma_start3A_53] : memref<112x128xi32, #tpu.memory_space<vmem>> -> memref<112x128xi32, #tpu.memory_space<vmem>>
        %dma_start3A_55 = arith.constant 0 : i32
        %dma_start3A_56 = arith.constant 0 : i32
        %dma_start3A_57 = tpu.memref_slice %arg2[%run_scoped3A, %dma_start3A_55, %dma_start3A_56] : memref<2x2560x128xi32, #tpu.memory_space<hbm>> -> memref<1x2560x128xi32, #tpu.memory_space<hbm>>
        %dma_start3A_58 = tpu.memref_squeeze %dma_start3A_57 : memref<1x2560x128xi32, #tpu.memory_space<hbm>> -> memref<2560x128xi32, #tpu.memory_space<hbm>>
        %dma_start3A_59 = arith.constant 0 : i32
        %dma_start3A_60 = tpu.memref_slice %dma_start3A_58[%select_n3A, %dma_start3A_59] : memref<2560x128xi32, #tpu.memory_space<hbm>> -> memref<112x128xi32, #tpu.memory_space<hbm>>
        tpu.enqueue_dma source(%dma_start3A_60 : memref<112x128xi32, #tpu.memory_space<hbm>>) target(%dma_start3A_54 : memref<112x128xi32, #tpu.memory_space<vmem>>) target_semaphore(%run_scoped3A_43 : memref<!tpu.dma_semaphore, #tpu.memory_space<semaphore_mem>>)
        %dma_wait3A = arith.constant 0 : i32
        %dma_wait3A_61 = arith.constant 0 : i32
        %dma_wait3A_62 = tpu.memref_slice %arg6[%dma_wait3A, %dma_wait3A_61] : memref<112x128xi32, #tpu.memory_space<vmem>> -> memref<112x128xi32, #tpu.memory_space<vmem>>
        %dma_wait3A_63 = arith.constant 0 : i32
        %dma_wait3A_64 = arith.constant 0 : i32
        %dma_wait3A_65 = tpu.memref_slice %arg2[%run_scoped3A, %dma_wait3A_63, %dma_wait3A_64] : memref<2x2560x128xi32, #tpu.memory_space<hbm>> -> memref<1x2560x128xi32, #tpu.memory_space<hbm>>
        %dma_wait3A_66 = tpu.memref_squeeze %dma_wait3A_65 : memref<1x2560x128xi32, #tpu.memory_space<hbm>> -> memref<2560x128xi32, #tpu.memory_space<hbm>>
        %dma_wait3A_67 = arith.constant 0 : i32
        %dma_wait3A_68 = tpu.memref_slice %dma_wait3A_66[%select_n3A, %dma_wait3A_67] : memref<2560x128xi32, #tpu.memory_space<hbm>> -> memref<112x128xi32, #tpu.memory_space<hbm>>
        %dma_wait3A_69 = arith.constant 0 : i32
        %dma_wait3A_70 = arith.constant 0 : i32
        %dma_wait3A_71 = tpu.memref_slice %arg6[%dma_wait3A_69, %dma_wait3A_70] : memref<112x128xi32, #tpu.memory_space<vmem>> -> memref<112x128xi32, #tpu.memory_space<vmem>>
        %dma_wait3A_72 = arith.constant 0 : i32
        %dma_wait3A_73 = arith.constant 0 : i32
        %dma_wait3A_74 = tpu.memref_slice %arg2[%run_scoped3A, %dma_wait3A_72, %dma_wait3A_73] : memref<2x2560x128xi32, #tpu.memory_space<hbm>> -> memref<1x2560x128xi32, #tpu.memory_space<hbm>>
        %dma_wait3A_75 = tpu.memref_squeeze %dma_wait3A_74 : memref<1x2560x128xi32, #tpu.memory_space<hbm>> -> memref<2560x128xi32, #tpu.memory_space<hbm>>
        %dma_wait3A_76 = arith.constant 0 : i32
        %dma_wait3A_77 = tpu.memref_slice %dma_wait3A_75[%select_n3A, %dma_wait3A_76] : memref<2560x128xi32, #tpu.memory_space<hbm>> -> memref<112x128xi32, #tpu.memory_space<hbm>>
        tpu.wait_dma2 semaphore(%run_scoped3A_43 : memref<!tpu.dma_semaphore, #tpu.memory_space<semaphore_mem>>) src(%dma_wait3A_77 : memref<112x128xi32, #tpu.memory_space<hbm>>) dst(%dma_wait3A_71 : memref<112x128xi32, #tpu.memory_space<vmem>>)
        tpu.yield
      }) : () -> ()
    } else {
    }
    %not3A = arith.constant true
    %not3A_11 = arith.xori %eq3A_0, %not3A : i1
    %convert_element_type3A_12 = arith.extui %not3A_11 : i1 to i32
    %cond3A_13 = arith.constant 0 : i32
    %cond3A_14 = arith.cmpi ne, %convert_element_type3A_12, %cond3A_13 : i32
    scf.if %cond3A_14 {
      %run_scoped3A = arith.constant 1 : i32
      "tpu.region"() ({
        %run_scoped3A_43 = tpu.sem_alloc : memref<!tpu.dma_semaphore, #tpu.memory_space<semaphore_mem>>
        %dma_start3A = arith.constant 0 : i32
        %dma_start3A_44 = arith.constant 0 : i32
        %dma_start3A_45 = tpu.memref_slice %arg6[%dma_start3A, %dma_start3A_44] : memref<112x128xi32, #tpu.memory_space<vmem>> -> memref<48x128xi32, #tpu.memory_space<vmem>>
        %dma_start3A_46 = arith.constant 0 : i32
        %dma_start3A_47 = arith.constant 0 : i32
        %dma_start3A_48 = tpu.memref_slice %arg2[%run_scoped3A, %dma_start3A_46, %dma_start3A_47] : memref<2x2560x128xi32, #tpu.memory_space<hbm>> -> memref<1x2560x128xi32, #tpu.memory_space<hbm>>
        %dma_start3A_49 = tpu.memref_squeeze %dma_start3A_48 : memref<1x2560x128xi32, #tpu.memory_space<hbm>> -> memref<2560x128xi32, #tpu.memory_space<hbm>>
        %dma_start3A_50 = arith.constant 0 : i32
        %dma_start3A_51 = tpu.memref_slice %dma_start3A_49[%select_n3A, %dma_start3A_50] : memref<2560x128xi32, #tpu.memory_space<hbm>> -> memref<48x128xi32, #tpu.memory_space<hbm>>
        %dma_start3A_52 = arith.constant 0 : i32
        %dma_start3A_53 = arith.constant 0 : i32
        %dma_start3A_54 = tpu.memref_slice %arg6[%dma_start3A_52, %dma_start3A_53] : memref<112x128xi32, #tpu.memory_space<vmem>> -> memref<48x128xi32, #tpu.memory_space<vmem>>
        %dma_start3A_55 = arith.constant 0 : i32
        %dma_start3A_56 = arith.constant 0 : i32
        %dma_start3A_57 = tpu.memref_slice %arg2[%run_scoped3A, %dma_start3A_55, %dma_start3A_56] : memref<2x2560x128xi32, #tpu.memory_space<hbm>> -> memref<1x2560x128xi32, #tpu.memory_space<hbm>>
        %dma_start3A_58 = tpu.memref_squeeze %dma_start3A_57 : memref<1x2560x128xi32, #tpu.memory_space<hbm>> -> memref<2560x128xi32, #tpu.memory_space<hbm>>
        %dma_start3A_59 = arith.constant 0 : i32
        %dma_start3A_60 = tpu.memref_slice %dma_start3A_58[%select_n3A, %dma_start3A_59] : memref<2560x128xi32, #tpu.memory_space<hbm>> -> memref<48x128xi32, #tpu.memory_space<hbm>>
        tpu.enqueue_dma source(%dma_start3A_60 : memref<48x128xi32, #tpu.memory_space<hbm>>) target(%dma_start3A_54 : memref<48x128xi32, #tpu.memory_space<vmem>>) target_semaphore(%run_scoped3A_43 : memref<!tpu.dma_semaphore, #tpu.memory_space<semaphore_mem>>)
        %dma_wait3A = arith.constant 0 : i32
        %dma_wait3A_61 = arith.constant 0 : i32
        %dma_wait3A_62 = tpu.memref_slice %arg6[%dma_wait3A, %dma_wait3A_61] : memref<112x128xi32, #tpu.memory_space<vmem>> -> memref<48x128xi32, #tpu.memory_space<vmem>>
        %dma_wait3A_63 = arith.constant 0 : i32
        %dma_wait3A_64 = arith.constant 0 : i32
        %dma_wait3A_65 = tpu.memref_slice %arg2[%run_scoped3A, %dma_wait3A_63, %dma_wait3A_64] : memref<2x2560x128xi32, #tpu.memory_space<hbm>> -> memref<1x2560x128xi32, #tpu.memory_space<hbm>>
        %dma_wait3A_66 = tpu.memref_squeeze %dma_wait3A_65 : memref<1x2560x128xi32, #tpu.memory_space<hbm>> -> memref<2560x128xi32, #tpu.memory_space<hbm>>
        %dma_wait3A_67 = arith.constant 0 : i32
        %dma_wait3A_68 = tpu.memref_slice %dma_wait3A_66[%select_n3A, %dma_wait3A_67] : memref<2560x128xi32, #tpu.memory_space<hbm>> -> memref<48x128xi32, #tpu.memory_space<hbm>>
        %dma_wait3A_69 = arith.constant 0 : i32
        %dma_wait3A_70 = arith.constant 0 : i32
        %dma_wait3A_71 = tpu.memref_slice %arg6[%dma_wait3A_69, %dma_wait3A_70] : memref<112x128xi32, #tpu.memory_space<vmem>> -> memref<48x128xi32, #tpu.memory_space<vmem>>
        %dma_wait3A_72 = arith.constant 0 : i32
        %dma_wait3A_73 = arith.constant 0 : i32
        %dma_wait3A_74 = tpu.memref_slice %arg2[%run_scoped3A, %dma_wait3A_72, %dma_wait3A_73] : memref<2x2560x128xi32, #tpu.memory_space<hbm>> -> memref<1x2560x128xi32, #tpu.memory_space<hbm>>
        %dma_wait3A_75 = tpu.memref_squeeze %dma_wait3A_74 : memref<1x2560x128xi32, #tpu.memory_space<hbm>> -> memref<2560x128xi32, #tpu.memory_space<hbm>>
        %dma_wait3A_76 = arith.constant 0 : i32
        %dma_wait3A_77 = tpu.memref_slice %dma_wait3A_75[%select_n3A, %dma_wait3A_76] : memref<2560x128xi32, #tpu.memory_space<hbm>> -> memref<48x128xi32, #tpu.memory_space<hbm>>
        tpu.wait_dma2 semaphore(%run_scoped3A_43 : memref<!tpu.dma_semaphore, #tpu.memory_space<semaphore_mem>>) src(%dma_wait3A_77 : memref<48x128xi32, #tpu.memory_space<hbm>>) dst(%dma_wait3A_71 : memref<48x128xi32, #tpu.memory_space<vmem>>)
        tpu.yield
      }) : () -> ()
    } else {
    }
    %barrier3A = arith.constant 0 : index
    tpu.barrier barrier_id(%barrier3A)
    %jit3A = arith.constant 8 : i32
    %div3A = arith.divsi %select_n3A_7, %jit3A : i32
    %sign3A = arith.constant 0 : i32
    %sign3A_15 = arith.cmpi sgt, %select_n3A_7, %sign3A : i32
    %sign3A_16 = arith.extui %sign3A_15 : i1 to i32
    %sign3A_17 = arith.constant 0 : i32
    %sign3A_18 = arith.cmpi slt, %select_n3A_7, %sign3A_17 : i32
    %sign3A_19 = arith.extui %sign3A_18 : i1 to i32
    %sign3A_20 = arith.subi %sign3A_16, %sign3A_19 : i32
    %sign3A_21 = arith.constant 0 : i32
    %sign3A_22 = arith.cmpi sgt, %jit3A, %sign3A_21 : i32
    %sign3A_23 = arith.extui %sign3A_22 : i1 to i32
    %sign3A_24 = arith.constant 0 : i32
    %sign3A_25 = arith.cmpi slt, %jit3A, %sign3A_24 : i32
    %sign3A_26 = arith.extui %sign3A_25 : i1 to i32
    %sign3A_27 = arith.subi %sign3A_23, %sign3A_26 : i32
    %ne3A = arith.cmpi ne, %sign3A_20, %sign3A_27 : i32
    %rem3A = arith.remsi %select_n3A_7, %jit3A : i32
    %ne3A_28 = arith.constant 0 : i32
    %ne3A_29 = arith.cmpi ne, %rem3A, %ne3A_28 : i32
    %and3A = arith.andi %ne3A, %ne3A_29 : i1
    %sub3A = arith.constant 1 : i32
    %sub3A_30 = arith.subi %div3A, %sub3A : i32
    %select_n3A_31 = arith.select %and3A, %sub3A_30, %div3A : i32
    %while3A = arith.constant 0 : i32
    %while3A_32 = arith.subi %select_n3A_31, %while3A : i32
    %while3A_33 = arith.addi %while3A, %while3A_32 : i32
    %while3A_34 = arith.constant 1 : i32
    %while3A_35 = arith.divsi %while3A_32, %while3A_34 : i32
    %while3A_36 = arith.muli %while3A_35, %while3A_34 : i32
    %while3A_37 = arith.addi %while3A, %while3A_36 : i32
    %while3A_38 = arith.constant 1 : i32
    scf.for %while3A_43 = %while3A to %while3A_37 step %while3A_38  : i32 {
      %mul3A_44 = arith.constant 8 : i32
      %mul3A_45 = arith.muli %while3A_43, %mul3A_44 : i32
      %add3A_46 = arith.constant 0 : i32
      %add3A_47 = arith.addi %mul3A_45, %add3A_46 : i32
      %dma_start3A = arith.constant 0 : i32
      %dma_start3A_48 = tpu.memref_slice %arg6[%add3A_47, %dma_start3A] : memref<112x128xi32, #tpu.memory_space<vmem>> -> memref<1x128xi32, #tpu.memory_space<vmem>>
      %dma_start3A_49 = tpu.memref_squeeze %dma_start3A_48 : memref<1x128xi32, #tpu.memory_space<vmem>> -> memref<128xi32, #tpu.memory_space<vmem>>
      %dma_start3A_50 = arith.constant 0 : i32
      %dma_start3A_51 = arith.constant 0 : i32
      %dma_start3A_52 = tpu.memref_slice %arg8[%dma_start3A_50, %dma_start3A_51] : memref<10240x8xf32, #tpu.memory_space<vmem_shared>> -> memref<10240x8xf32, #tpu.memory_space<vmem_shared>>
      tpu.enqueue_indirect_dma source(%arg7 : memref<128x8xf32, #tpu.memory_space<vmem>>) target(%dma_start3A_52 : memref<10240x8xf32, #tpu.memory_space<vmem_shared>>) offsets(%dma_start3A_49 : memref<128xi32, #tpu.memory_space<vmem>>) semaphore(%arg9 : memref<!tpu.dma_semaphore, #tpu.memory_space<semaphore_mem>>) {add = true}
      %mul3A_53 = arith.constant 8 : i32
      %mul3A_54 = arith.muli %while3A_43, %mul3A_53 : i32
      %add3A_55 = arith.constant 1 : i32
      %add3A_56 = arith.addi %mul3A_54, %add3A_55 : i32
      %dma_start3A_57 = arith.constant 0 : i32
      %dma_start3A_58 = tpu.memref_slice %arg6[%add3A_56, %dma_start3A_57] : memref<112x128xi32, #tpu.memory_space<vmem>> -> memref<1x128xi32, #tpu.memory_space<vmem>>
      %dma_start3A_59 = tpu.memref_squeeze %dma_start3A_58 : memref<1x128xi32, #tpu.memory_space<vmem>> -> memref<128xi32, #tpu.memory_space<vmem>>
      %dma_start3A_60 = arith.constant 0 : i32
      %dma_start3A_61 = arith.constant 0 : i32
      %dma_start3A_62 = tpu.memref_slice %arg8[%dma_start3A_60, %dma_start3A_61] : memref<10240x8xf32, #tpu.memory_space<vmem_shared>> -> memref<10240x8xf32, #tpu.memory_space<vmem_shared>>
      tpu.enqueue_indirect_dma source(%arg7 : memref<128x8xf32, #tpu.memory_space<vmem>>) target(%dma_start3A_62 : memref<10240x8xf32, #tpu.memory_space<vmem_shared>>) offsets(%dma_start3A_59 : memref<128xi32, #tpu.memory_space<vmem>>) semaphore(%arg9 : memref<!tpu.dma_semaphore, #tpu.memory_space<semaphore_mem>>) {add = true}
      %mul3A_63 = arith.constant 8 : i32
      %mul3A_64 = arith.muli %while3A_43, %mul3A_63 : i32
      %add3A_65 = arith.constant 2 : i32
      %add3A_66 = arith.addi %mul3A_64, %add3A_65 : i32
      %dma_start3A_67 = arith.constant 0 : i32
      %dma_start3A_68 = tpu.memref_slice %arg6[%add3A_66, %dma_start3A_67] : memref<112x128xi32, #tpu.memory_space<vmem>> -> memref<1x128xi32, #tpu.memory_space<vmem>>
      %dma_start3A_69 = tpu.memref_squeeze %dma_start3A_68 : memref<1x128xi32, #tpu.memory_space<vmem>> -> memref<128xi32, #tpu.memory_space<vmem>>
      %dma_start3A_70 = arith.constant 0 : i32
      %dma_start3A_71 = arith.constant 0 : i32
      %dma_start3A_72 = tpu.memref_slice %arg8[%dma_start3A_70, %dma_start3A_71] : memref<10240x8xf32, #tpu.memory_space<vmem_shared>> -> memref<10240x8xf32, #tpu.memory_space<vmem_shared>>
      tpu.enqueue_indirect_dma source(%arg7 : memref<128x8xf32, #tpu.memory_space<vmem>>) target(%dma_start3A_72 : memref<10240x8xf32, #tpu.memory_space<vmem_shared>>) offsets(%dma_start3A_69 : memref<128xi32, #tpu.memory_space<vmem>>) semaphore(%arg9 : memref<!tpu.dma_semaphore, #tpu.memory_space<semaphore_mem>>) {add = true}
      %mul3A_73 = arith.constant 8 : i32
      %mul3A_74 = arith.muli %while3A_43, %mul3A_73 : i32
      %add3A_75 = arith.constant 3 : i32
      %add3A_76 = arith.addi %mul3A_74, %add3A_75 : i32
      %dma_start3A_77 = arith.constant 0 : i32
      %dma_start3A_78 = tpu.memref_slice %arg6[%add3A_76, %dma_start3A_77] : memref<112x128xi32, #tpu.memory_space<vmem>> -> memref<1x128xi32, #tpu.memory_space<vmem>>
      %dma_start3A_79 = tpu.memref_squeeze %dma_start3A_78 : memref<1x128xi32, #tpu.memory_space<vmem>> -> memref<128xi32, #tpu.memory_space<vmem>>
      %dma_start3A_80 = arith.constant 0 : i32
      %dma_start3A_81 = arith.constant 0 : i32
      %dma_start3A_82 = tpu.memref_slice %arg8[%dma_start3A_80, %dma_start3A_81] : memref<10240x8xf32, #tpu.memory_space<vmem_shared>> -> memref<10240x8xf32, #tpu.memory_space<vmem_shared>>
      tpu.enqueue_indirect_dma source(%arg7 : memref<128x8xf32, #tpu.memory_space<vmem>>) target(%dma_start3A_82 : memref<10240x8xf32, #tpu.memory_space<vmem_shared>>) offsets(%dma_start3A_79 : memref<128xi32, #tpu.memory_space<vmem>>) semaphore(%arg9 : memref<!tpu.dma_semaphore, #tpu.memory_space<semaphore_mem>>) {add = true}
      %mul3A_83 = arith.constant 8 : i32
      %mul3A_84 = arith.muli %while3A_43, %mul3A_83 : i32
      %add3A_85 = arith.constant 4 : i32
      %add3A_86 = arith.addi %mul3A_84, %add3A_85 : i32
      %dma_start3A_87 = arith.constant 0 : i32
      %dma_start3A_88 = tpu.memref_slice %arg6[%add3A_86, %dma_start3A_87] : memref<112x128xi32, #tpu.memory_space<vmem>> -> memref<1x128xi32, #tpu.memory_space<vmem>>
      %dma_start3A_89 = tpu.memref_squeeze %dma_start3A_88 : memref<1x128xi32, #tpu.memory_space<vmem>> -> memref<128xi32, #tpu.memory_space<vmem>>
      %dma_start3A_90 = arith.constant 0 : i32
      %dma_start3A_91 = arith.constant 0 : i32
      %dma_start3A_92 = tpu.memref_slice %arg8[%dma_start3A_90, %dma_start3A_91] : memref<10240x8xf32, #tpu.memory_space<vmem_shared>> -> memref<10240x8xf32, #tpu.memory_space<vmem_shared>>
      tpu.enqueue_indirect_dma source(%arg7 : memref<128x8xf32, #tpu.memory_space<vmem>>) target(%dma_start3A_92 : memref<10240x8xf32, #tpu.memory_space<vmem_shared>>) offsets(%dma_start3A_89 : memref<128xi32, #tpu.memory_space<vmem>>) semaphore(%arg9 : memref<!tpu.dma_semaphore, #tpu.memory_space<semaphore_mem>>) {add = true}
      %mul3A_93 = arith.constant 8 : i32
      %mul3A_94 = arith.muli %while3A_43, %mul3A_93 : i32
      %add3A_95 = arith.constant 5 : i32
      %add3A_96 = arith.addi %mul3A_94, %add3A_95 : i32
      %dma_start3A_97 = arith.constant 0 : i32
      %dma_start3A_98 = tpu.memref_slice %arg6[%add3A_96, %dma_start3A_97] : memref<112x128xi32, #tpu.memory_space<vmem>> -> memref<1x128xi32, #tpu.memory_space<vmem>>
      %dma_start3A_99 = tpu.memref_squeeze %dma_start3A_98 : memref<1x128xi32, #tpu.memory_space<vmem>> -> memref<128xi32, #tpu.memory_space<vmem>>
      %dma_start3A_100 = arith.constant 0 : i32
      %dma_start3A_101 = arith.constant 0 : i32
      %dma_start3A_102 = tpu.memref_slice %arg8[%dma_start3A_100, %dma_start3A_101] : memref<10240x8xf32, #tpu.memory_space<vmem_shared>> -> memref<10240x8xf32, #tpu.memory_space<vmem_shared>>
      tpu.enqueue_indirect_dma source(%arg7 : memref<128x8xf32, #tpu.memory_space<vmem>>) target(%dma_start3A_102 : memref<10240x8xf32, #tpu.memory_space<vmem_shared>>) offsets(%dma_start3A_99 : memref<128xi32, #tpu.memory_space<vmem>>) semaphore(%arg9 : memref<!tpu.dma_semaphore, #tpu.memory_space<semaphore_mem>>) {add = true}
      %mul3A_103 = arith.constant 8 : i32
      %mul3A_104 = arith.muli %while3A_43, %mul3A_103 : i32
      %add3A_105 = arith.constant 6 : i32
      %add3A_106 = arith.addi %mul3A_104, %add3A_105 : i32
      %dma_start3A_107 = arith.constant 0 : i32
      %dma_start3A_108 = tpu.memref_slice %arg6[%add3A_106, %dma_start3A_107] : memref<112x128xi32, #tpu.memory_space<vmem>> -> memref<1x128xi32, #tpu.memory_space<vmem>>
      %dma_start3A_109 = tpu.memref_squeeze %dma_start3A_108 : memref<1x128xi32, #tpu.memory_space<vmem>> -> memref<128xi32, #tpu.memory_space<vmem>>
      %dma_start3A_110 = arith.constant 0 : i32
      %dma_start3A_111 = arith.constant 0 : i32
      %dma_start3A_112 = tpu.memref_slice %arg8[%dma_start3A_110, %dma_start3A_111] : memref<10240x8xf32, #tpu.memory_space<vmem_shared>> -> memref<10240x8xf32, #tpu.memory_space<vmem_shared>>
      tpu.enqueue_indirect_dma source(%arg7 : memref<128x8xf32, #tpu.memory_space<vmem>>) target(%dma_start3A_112 : memref<10240x8xf32, #tpu.memory_space<vmem_shared>>) offsets(%dma_start3A_109 : memref<128xi32, #tpu.memory_space<vmem>>) semaphore(%arg9 : memref<!tpu.dma_semaphore, #tpu.memory_space<semaphore_mem>>) {add = true}
      %mul3A_113 = arith.constant 8 : i32
      %mul3A_114 = arith.muli %while3A_43, %mul3A_113 : i32
      %add3A_115 = arith.constant 7 : i32
      %add3A_116 = arith.addi %mul3A_114, %add3A_115 : i32
      %dma_start3A_117 = arith.constant 0 : i32
      %dma_start3A_118 = tpu.memref_slice %arg6[%add3A_116, %dma_start3A_117] : memref<112x128xi32, #tpu.memory_space<vmem>> -> memref<1x128xi32, #tpu.memory_space<vmem>>
      %dma_start3A_119 = tpu.memref_squeeze %dma_start3A_118 : memref<1x128xi32, #tpu.memory_space<vmem>> -> memref<128xi32, #tpu.memory_space<vmem>>
      %dma_start3A_120 = arith.constant 0 : i32
      %dma_start3A_121 = arith.constant 0 : i32
      %dma_start3A_122 = tpu.memref_slice %arg8[%dma_start3A_120, %dma_start3A_121] : memref<10240x8xf32, #tpu.memory_space<vmem_shared>> -> memref<10240x8xf32, #tpu.memory_space<vmem_shared>>
      tpu.enqueue_indirect_dma source(%arg7 : memref<128x8xf32, #tpu.memory_space<vmem>>) target(%dma_start3A_122 : memref<10240x8xf32, #tpu.memory_space<vmem_shared>>) offsets(%dma_start3A_119 : memref<128xi32, #tpu.memory_space<vmem>>) semaphore(%arg9 : memref<!tpu.dma_semaphore, #tpu.memory_space<semaphore_mem>>) {add = true}
      %mul3A_123 = arith.constant 8 : i32
      %mul3A_124 = arith.muli %while3A_43, %mul3A_123 : i32
      %add3A_125 = arith.constant 0 : i32
      %add3A_126 = arith.addi %mul3A_124, %add3A_125 : i32
      %dma_wait3A = arith.constant 0 : i32
      %dma_wait3A_127 = tpu.memref_slice %arg6[%add3A_126, %dma_wait3A] : memref<112x128xi32, #tpu.memory_space<vmem>> -> memref<1x128xi32, #tpu.memory_space<vmem>>
      %dma_wait3A_128 = tpu.memref_squeeze %dma_wait3A_127 : memref<1x128xi32, #tpu.memory_space<vmem>> -> memref<128xi32, #tpu.memory_space<vmem>>
      %dma_wait3A_129 = arith.constant 0 : i32
      %dma_wait3A_130 = arith.constant 0 : i32
      %dma_wait3A_131 = tpu.memref_slice %arg8[%dma_wait3A_129, %dma_wait3A_130] : memref<10240x8xf32, #tpu.memory_space<vmem_shared>> -> memref<10240x8xf32, #tpu.memory_space<vmem_shared>>
      tpu.wait_indirect_dma semaphore(%arg9 : memref<!tpu.dma_semaphore, #tpu.memory_space<semaphore_mem>>) src(%arg7 : memref<128x8xf32, #tpu.memory_space<vmem>>) dst(%dma_wait3A_131 : memref<10240x8xf32, #tpu.memory_space<vmem_shared>>)
      %mul3A_132 = arith.constant 8 : i32
      %mul3A_133 = arith.muli %while3A_43, %mul3A_132 : i32
      %add3A_134 = arith.constant 1 : i32
      %add3A_135 = arith.addi %mul3A_133, %add3A_134 : i32
      %dma_wait3A_136 = arith.constant 0 : i32
      %dma_wait3A_137 = tpu.memref_slice %arg6[%add3A_135, %dma_wait3A_136] : memref<112x128xi32, #tpu.memory_space<vmem>> -> memref<1x128xi32, #tpu.memory_space<vmem>>
      %dma_wait3A_138 = tpu.memref_squeeze %dma_wait3A_137 : memref<1x128xi32, #tpu.memory_space<vmem>> -> memref<128xi32, #tpu.memory_space<vmem>>
      %dma_wait3A_139 = arith.constant 0 : i32
      %dma_wait3A_140 = arith.constant 0 : i32
      %dma_wait3A_141 = tpu.memref_slice %arg8[%dma_wait3A_139, %dma_wait3A_140] : memref<10240x8xf32, #tpu.memory_space<vmem_shared>> -> memref<10240x8xf32, #tpu.memory_space<vmem_shared>>
      tpu.wait_indirect_dma semaphore(%arg9 : memref<!tpu.dma_semaphore, #tpu.memory_space<semaphore_mem>>) src(%arg7 : memref<128x8xf32, #tpu.memory_space<vmem>>) dst(%dma_wait3A_141 : memref<10240x8xf32, #tpu.memory_space<vmem_shared>>)
      %mul3A_142 = arith.constant 8 : i32
      %mul3A_143 = arith.muli %while3A_43, %mul3A_142 : i32
      %add3A_144 = arith.constant 2 : i32
      %add3A_145 = arith.addi %mul3A_143, %add3A_144 : i32
      %dma_wait3A_146 = arith.constant 0 : i32
      %dma_wait3A_147 = tpu.memref_slice %arg6[%add3A_145, %dma_wait3A_146] : memref<112x128xi32, #tpu.memory_space<vmem>> -> memref<1x128xi32, #tpu.memory_space<vmem>>
      %dma_wait3A_148 = tpu.memref_squeeze %dma_wait3A_147 : memref<1x128xi32, #tpu.memory_space<vmem>> -> memref<128xi32, #tpu.memory_space<vmem>>
      %dma_wait3A_149 = arith.constant 0 : i32
      %dma_wait3A_150 = arith.constant 0 : i32
      %dma_wait3A_151 = tpu.memref_slice %arg8[%dma_wait3A_149, %dma_wait3A_150] : memref<10240x8xf32, #tpu.memory_space<vmem_shared>> -> memref<10240x8xf32, #tpu.memory_space<vmem_shared>>
      tpu.wait_indirect_dma semaphore(%arg9 : memref<!tpu.dma_semaphore, #tpu.memory_space<semaphore_mem>>) src(%arg7 : memref<128x8xf32, #tpu.memory_space<vmem>>) dst(%dma_wait3A_151 : memref<10240x8xf32, #tpu.memory_space<vmem_shared>>)
      %mul3A_152 = arith.constant 8 : i32
      %mul3A_153 = arith.muli %while3A_43, %mul3A_152 : i32
      %add3A_154 = arith.constant 3 : i32
      %add3A_155 = arith.addi %mul3A_153, %add3A_154 : i32
      %dma_wait3A_156 = arith.constant 0 : i32
      %dma_wait3A_157 = tpu.memref_slice %arg6[%add3A_155, %dma_wait3A_156] : memref<112x128xi32, #tpu.memory_space<vmem>> -> memref<1x128xi32, #tpu.memory_space<vmem>>
      %dma_wait3A_158 = tpu.memref_squeeze %dma_wait3A_157 : memref<1x128xi32, #tpu.memory_space<vmem>> -> memref<128xi32, #tpu.memory_space<vmem>>
      %dma_wait3A_159 = arith.constant 0 : i32
      %dma_wait3A_160 = arith.constant 0 : i32
      %dma_wait3A_161 = tpu.memref_slice %arg8[%dma_wait3A_159, %dma_wait3A_160] : memref<10240x8xf32, #tpu.memory_space<vmem_shared>> -> memref<10240x8xf32, #tpu.memory_space<vmem_shared>>
      tpu.wait_indirect_dma semaphore(%arg9 : memref<!tpu.dma_semaphore, #tpu.memory_space<semaphore_mem>>) src(%arg7 : memref<128x8xf32, #tpu.memory_space<vmem>>) dst(%dma_wait3A_161 : memref<10240x8xf32, #tpu.memory_space<vmem_shared>>)
      %mul3A_162 = arith.constant 8 : i32
      %mul3A_163 = arith.muli %while3A_43, %mul3A_162 : i32
      %add3A_164 = arith.constant 4 : i32
      %add3A_165 = arith.addi %mul3A_163, %add3A_164 : i32
      %dma_wait3A_166 = arith.constant 0 : i32
      %dma_wait3A_167 = tpu.memref_slice %arg6[%add3A_165, %dma_wait3A_166] : memref<112x128xi32, #tpu.memory_space<vmem>> -> memref<1x128xi32, #tpu.memory_space<vmem>>
      %dma_wait3A_168 = tpu.memref_squeeze %dma_wait3A_167 : memref<1x128xi32, #tpu.memory_space<vmem>> -> memref<128xi32, #tpu.memory_space<vmem>>
      %dma_wait3A_169 = arith.constant 0 : i32
      %dma_wait3A_170 = arith.constant 0 : i32
      %dma_wait3A_171 = tpu.memref_slice %arg8[%dma_wait3A_169, %dma_wait3A_170] : memref<10240x8xf32, #tpu.memory_space<vmem_shared>> -> memref<10240x8xf32, #tpu.memory_space<vmem_shared>>
      tpu.wait_indirect_dma semaphore(%arg9 : memref<!tpu.dma_semaphore, #tpu.memory_space<semaphore_mem>>) src(%arg7 : memref<128x8xf32, #tpu.memory_space<vmem>>) dst(%dma_wait3A_171 : memref<10240x8xf32, #tpu.memory_space<vmem_shared>>)
      %mul3A_172 = arith.constant 8 : i32
      %mul3A_173 = arith.muli %while3A_43, %mul3A_172 : i32
      %add3A_174 = arith.constant 5 : i32
      %add3A_175 = arith.addi %mul3A_173, %add3A_174 : i32
      %dma_wait3A_176 = arith.constant 0 : i32
      %dma_wait3A_177 = tpu.memref_slice %arg6[%add3A_175, %dma_wait3A_176] : memref<112x128xi32, #tpu.memory_space<vmem>> -> memref<1x128xi32, #tpu.memory_space<vmem>>
      %dma_wait3A_178 = tpu.memref_squeeze %dma_wait3A_177 : memref<1x128xi32, #tpu.memory_space<vmem>> -> memref<128xi32, #tpu.memory_space<vmem>>
      %dma_wait3A_179 = arith.constant 0 : i32
      %dma_wait3A_180 = arith.constant 0 : i32
      %dma_wait3A_181 = tpu.memref_slice %arg8[%dma_wait3A_179, %dma_wait3A_180] : memref<10240x8xf32, #tpu.memory_space<vmem_shared>> -> memref<10240x8xf32, #tpu.memory_space<vmem_shared>>
      tpu.wait_indirect_dma semaphore(%arg9 : memref<!tpu.dma_semaphore, #tpu.memory_space<semaphore_mem>>) src(%arg7 : memref<128x8xf32, #tpu.memory_space<vmem>>) dst(%dma_wait3A_181 : memref<10240x8xf32, #tpu.memory_space<vmem_shared>>)
      %mul3A_182 = arith.constant 8 : i32
      %mul3A_183 = arith.muli %while3A_43, %mul3A_182 : i32
      %add3A_184 = arith.constant 6 : i32
      %add3A_185 = arith.addi %mul3A_183, %add3A_184 : i32
      %dma_wait3A_186 = arith.constant 0 : i32
      %dma_wait3A_187 = tpu.memref_slice %arg6[%add3A_185, %dma_wait3A_186] : memref<112x128xi32, #tpu.memory_space<vmem>> -> memref<1x128xi32, #tpu.memory_space<vmem>>
      %dma_wait3A_188 = tpu.memref_squeeze %dma_wait3A_187 : memref<1x128xi32, #tpu.memory_space<vmem>> -> memref<128xi32, #tpu.memory_space<vmem>>
      %dma_wait3A_189 = arith.constant 0 : i32
      %dma_wait3A_190 = arith.constant 0 : i32
      %dma_wait3A_191 = tpu.memref_slice %arg8[%dma_wait3A_189, %dma_wait3A_190] : memref<10240x8xf32, #tpu.memory_space<vmem_shared>> -> memref<10240x8xf32, #tpu.memory_space<vmem_shared>>
      tpu.wait_indirect_dma semaphore(%arg9 : memref<!tpu.dma_semaphore, #tpu.memory_space<semaphore_mem>>) src(%arg7 : memref<128x8xf32, #tpu.memory_space<vmem>>) dst(%dma_wait3A_191 : memref<10240x8xf32, #tpu.memory_space<vmem_shared>>)
      %mul3A_192 = arith.constant 8 : i32
      %mul3A_193 = arith.muli %while3A_43, %mul3A_192 : i32
      %add3A_194 = arith.constant 7 : i32
      %add3A_195 = arith.addi %mul3A_193, %add3A_194 : i32
      %dma_wait3A_196 = arith.constant 0 : i32
      %dma_wait3A_197 = tpu.memref_slice %arg6[%add3A_195, %dma_wait3A_196] : memref<112x128xi32, #tpu.memory_space<vmem>> -> memref<1x128xi32, #tpu.memory_space<vmem>>
      %dma_wait3A_198 = tpu.memref_squeeze %dma_wait3A_197 : memref<1x128xi32, #tpu.memory_space<vmem>> -> memref<128xi32, #tpu.memory_space<vmem>>
      %dma_wait3A_199 = arith.constant 0 : i32
      %dma_wait3A_200 = arith.constant 0 : i32
      %dma_wait3A_201 = tpu.memref_slice %arg8[%dma_wait3A_199, %dma_wait3A_200] : memref<10240x8xf32, #tpu.memory_space<vmem_shared>> -> memref<10240x8xf32, #tpu.memory_space<vmem_shared>>
      tpu.wait_indirect_dma semaphore(%arg9 : memref<!tpu.dma_semaphore, #tpu.memory_space<semaphore_mem>>) src(%arg7 : memref<128x8xf32, #tpu.memory_space<vmem>>) dst(%dma_wait3A_201 : memref<10240x8xf32, #tpu.memory_space<vmem_shared>>)
    }
    %while3A_39 = arith.constant 1 : i32
    scf.for %while3A_43 = %while3A_37 to %while3A_33 step %while3A_39  : i32 {
      %mul3A_44 = arith.constant 8 : i32
      %mul3A_45 = arith.muli %while3A_43, %mul3A_44 : i32
      %add3A_46 = arith.constant 0 : i32
      %add3A_47 = arith.addi %mul3A_45, %add3A_46 : i32
      %dma_start3A = arith.constant 0 : i32
      %dma_start3A_48 = tpu.memref_slice %arg6[%add3A_47, %dma_start3A] : memref<112x128xi32, #tpu.memory_space<vmem>> -> memref<1x128xi32, #tpu.memory_space<vmem>>
      %dma_start3A_49 = tpu.memref_squeeze %dma_start3A_48 : memref<1x128xi32, #tpu.memory_space<vmem>> -> memref<128xi32, #tpu.memory_space<vmem>>
      %dma_start3A_50 = arith.constant 0 : i32
      %dma_start3A_51 = arith.constant 0 : i32
      %dma_start3A_52 = tpu.memref_slice %arg8[%dma_start3A_50, %dma_start3A_51] : memref<10240x8xf32, #tpu.memory_space<vmem_shared>> -> memref<10240x8xf32, #tpu.memory_space<vmem_shared>>
      tpu.enqueue_indirect_dma source(%arg7 : memref<128x8xf32, #tpu.memory_space<vmem>>) target(%dma_start3A_52 : memref<10240x8xf32, #tpu.memory_space<vmem_shared>>) offsets(%dma_start3A_49 : memref<128xi32, #tpu.memory_space<vmem>>) semaphore(%arg9 : memref<!tpu.dma_semaphore, #tpu.memory_space<semaphore_mem>>) {add = true}
      %mul3A_53 = arith.constant 8 : i32
      %mul3A_54 = arith.muli %while3A_43, %mul3A_53 : i32
      %add3A_55 = arith.constant 1 : i32
      %add3A_56 = arith.addi %mul3A_54, %add3A_55 : i32
      %dma_start3A_57 = arith.constant 0 : i32
      %dma_start3A_58 = tpu.memref_slice %arg6[%add3A_56, %dma_start3A_57] : memref<112x128xi32, #tpu.memory_space<vmem>> -> memref<1x128xi32, #tpu.memory_space<vmem>>
      %dma_start3A_59 = tpu.memref_squeeze %dma_start3A_58 : memref<1x128xi32, #tpu.memory_space<vmem>> -> memref<128xi32, #tpu.memory_space<vmem>>
      %dma_start3A_60 = arith.constant 0 : i32
      %dma_start3A_61 = arith.constant 0 : i32
      %dma_start3A_62 = tpu.memref_slice %arg8[%dma_start3A_60, %dma_start3A_61] : memref<10240x8xf32, #tpu.memory_space<vmem_shared>> -> memref<10240x8xf32, #tpu.memory_space<vmem_shared>>
      tpu.enqueue_indirect_dma source(%arg7 : memref<128x8xf32, #tpu.memory_space<vmem>>) target(%dma_start3A_62 : memref<10240x8xf32, #tpu.memory_space<vmem_shared>>) offsets(%dma_start3A_59 : memref<128xi32, #tpu.memory_space<vmem>>) semaphore(%arg9 : memref<!tpu.dma_semaphore, #tpu.memory_space<semaphore_mem>>) {add = true}
      %mul3A_63 = arith.constant 8 : i32
      %mul3A_64 = arith.muli %while3A_43, %mul3A_63 : i32
      %add3A_65 = arith.constant 2 : i32
      %add3A_66 = arith.addi %mul3A_64, %add3A_65 : i32
      %dma_start3A_67 = arith.constant 0 : i32
      %dma_start3A_68 = tpu.memref_slice %arg6[%add3A_66, %dma_start3A_67] : memref<112x128xi32, #tpu.memory_space<vmem>> -> memref<1x128xi32, #tpu.memory_space<vmem>>
      %dma_start3A_69 = tpu.memref_squeeze %dma_start3A_68 : memref<1x128xi32, #tpu.memory_space<vmem>> -> memref<128xi32, #tpu.memory_space<vmem>>
      %dma_start3A_70 = arith.constant 0 : i32
      %dma_start3A_71 = arith.constant 0 : i32
      %dma_start3A_72 = tpu.memref_slice %arg8[%dma_start3A_70, %dma_start3A_71] : memref<10240x8xf32, #tpu.memory_space<vmem_shared>> -> memref<10240x8xf32, #tpu.memory_space<vmem_shared>>
      tpu.enqueue_indirect_dma source(%arg7 : memref<128x8xf32, #tpu.memory_space<vmem>>) target(%dma_start3A_72 : memref<10240x8xf32, #tpu.memory_space<vmem_shared>>) offsets(%dma_start3A_69 : memref<128xi32, #tpu.memory_space<vmem>>) semaphore(%arg9 : memref<!tpu.dma_semaphore, #tpu.memory_space<semaphore_mem>>) {add = true}
      %mul3A_73 = arith.constant 8 : i32
      %mul3A_74 = arith.muli %while3A_43, %mul3A_73 : i32
      %add3A_75 = arith.constant 3 : i32
      %add3A_76 = arith.addi %mul3A_74, %add3A_75 : i32
      %dma_start3A_77 = arith.constant 0 : i32
      %dma_start3A_78 = tpu.memref_slice %arg6[%add3A_76, %dma_start3A_77] : memref<112x128xi32, #tpu.memory_space<vmem>> -> memref<1x128xi32, #tpu.memory_space<vmem>>
      %dma_start3A_79 = tpu.memref_squeeze %dma_start3A_78 : memref<1x128xi32, #tpu.memory_space<vmem>> -> memref<128xi32, #tpu.memory_space<vmem>>
      %dma_start3A_80 = arith.constant 0 : i32
      %dma_start3A_81 = arith.constant 0 : i32
      %dma_start3A_82 = tpu.memref_slice %arg8[%dma_start3A_80, %dma_start3A_81] : memref<10240x8xf32, #tpu.memory_space<vmem_shared>> -> memref<10240x8xf32, #tpu.memory_space<vmem_shared>>
      tpu.enqueue_indirect_dma source(%arg7 : memref<128x8xf32, #tpu.memory_space<vmem>>) target(%dma_start3A_82 : memref<10240x8xf32, #tpu.memory_space<vmem_shared>>) offsets(%dma_start3A_79 : memref<128xi32, #tpu.memory_space<vmem>>) semaphore(%arg9 : memref<!tpu.dma_semaphore, #tpu.memory_space<semaphore_mem>>) {add = true}
      %mul3A_83 = arith.constant 8 : i32
      %mul3A_84 = arith.muli %while3A_43, %mul3A_83 : i32
      %add3A_85 = arith.constant 4 : i32
      %add3A_86 = arith.addi %mul3A_84, %add3A_85 : i32
      %dma_start3A_87 = arith.constant 0 : i32
      %dma_start3A_88 = tpu.memref_slice %arg6[%add3A_86, %dma_start3A_87] : memref<112x128xi32, #tpu.memory_space<vmem>> -> memref<1x128xi32, #tpu.memory_space<vmem>>
      %dma_start3A_89 = tpu.memref_squeeze %dma_start3A_88 : memref<1x128xi32, #tpu.memory_space<vmem>> -> memref<128xi32, #tpu.memory_space<vmem>>
      %dma_start3A_90 = arith.constant 0 : i32
      %dma_start3A_91 = arith.constant 0 : i32
      %dma_start3A_92 = tpu.memref_slice %arg8[%dma_start3A_90, %dma_start3A_91] : memref<10240x8xf32, #tpu.memory_space<vmem_shared>> -> memref<10240x8xf32, #tpu.memory_space<vmem_shared>>
      tpu.enqueue_indirect_dma source(%arg7 : memref<128x8xf32, #tpu.memory_space<vmem>>) target(%dma_start3A_92 : memref<10240x8xf32, #tpu.memory_space<vmem_shared>>) offsets(%dma_start3A_89 : memref<128xi32, #tpu.memory_space<vmem>>) semaphore(%arg9 : memref<!tpu.dma_semaphore, #tpu.memory_space<semaphore_mem>>) {add = true}
      %mul3A_93 = arith.constant 8 : i32
      %mul3A_94 = arith.muli %while3A_43, %mul3A_93 : i32
      %add3A_95 = arith.constant 5 : i32
      %add3A_96 = arith.addi %mul3A_94, %add3A_95 : i32
      %dma_start3A_97 = arith.constant 0 : i32
      %dma_start3A_98 = tpu.memref_slice %arg6[%add3A_96, %dma_start3A_97] : memref<112x128xi32, #tpu.memory_space<vmem>> -> memref<1x128xi32, #tpu.memory_space<vmem>>
      %dma_start3A_99 = tpu.memref_squeeze %dma_start3A_98 : memref<1x128xi32, #tpu.memory_space<vmem>> -> memref<128xi32, #tpu.memory_space<vmem>>
      %dma_start3A_100 = arith.constant 0 : i32
      %dma_start3A_101 = arith.constant 0 : i32
      %dma_start3A_102 = tpu.memref_slice %arg8[%dma_start3A_100, %dma_start3A_101] : memref<10240x8xf32, #tpu.memory_space<vmem_shared>> -> memref<10240x8xf32, #tpu.memory_space<vmem_shared>>
      tpu.enqueue_indirect_dma source(%arg7 : memref<128x8xf32, #tpu.memory_space<vmem>>) target(%dma_start3A_102 : memref<10240x8xf32, #tpu.memory_space<vmem_shared>>) offsets(%dma_start3A_99 : memref<128xi32, #tpu.memory_space<vmem>>) semaphore(%arg9 : memref<!tpu.dma_semaphore, #tpu.memory_space<semaphore_mem>>) {add = true}
      %mul3A_103 = arith.constant 8 : i32
      %mul3A_104 = arith.muli %while3A_43, %mul3A_103 : i32
      %add3A_105 = arith.constant 6 : i32
      %add3A_106 = arith.addi %mul3A_104, %add3A_105 : i32
      %dma_start3A_107 = arith.constant 0 : i32
      %dma_start3A_108 = tpu.memref_slice %arg6[%add3A_106, %dma_start3A_107] : memref<112x128xi32, #tpu.memory_space<vmem>> -> memref<1x128xi32, #tpu.memory_space<vmem>>
      %dma_start3A_109 = tpu.memref_squeeze %dma_start3A_108 : memref<1x128xi32, #tpu.memory_space<vmem>> -> memref<128xi32, #tpu.memory_space<vmem>>
      %dma_start3A_110 = arith.constant 0 : i32
      %dma_start3A_111 = arith.constant 0 : i32
      %dma_start3A_112 = tpu.memref_slice %arg8[%dma_start3A_110, %dma_start3A_111] : memref<10240x8xf32, #tpu.memory_space<vmem_shared>> -> memref<10240x8xf32, #tpu.memory_space<vmem_shared>>
      tpu.enqueue_indirect_dma source(%arg7 : memref<128x8xf32, #tpu.memory_space<vmem>>) target(%dma_start3A_112 : memref<10240x8xf32, #tpu.memory_space<vmem_shared>>) offsets(%dma_start3A_109 : memref<128xi32, #tpu.memory_space<vmem>>) semaphore(%arg9 : memref<!tpu.dma_semaphore, #tpu.memory_space<semaphore_mem>>) {add = true}
      %mul3A_113 = arith.constant 8 : i32
      %mul3A_114 = arith.muli %while3A_43, %mul3A_113 : i32
      %add3A_115 = arith.constant 7 : i32
      %add3A_116 = arith.addi %mul3A_114, %add3A_115 : i32
      %dma_start3A_117 = arith.constant 0 : i32
      %dma_start3A_118 = tpu.memref_slice %arg6[%add3A_116, %dma_start3A_117] : memref<112x128xi32, #tpu.memory_space<vmem>> -> memref<1x128xi32, #tpu.memory_space<vmem>>
      %dma_start3A_119 = tpu.memref_squeeze %dma_start3A_118 : memref<1x128xi32, #tpu.memory_space<vmem>> -> memref<128xi32, #tpu.memory_space<vmem>>
      %dma_start3A_120 = arith.constant 0 : i32
      %dma_start3A_121 = arith.constant 0 : i32
      %dma_start3A_122 = tpu.memref_slice %arg8[%dma_start3A_120, %dma_start3A_121] : memref<10240x8xf32, #tpu.memory_space<vmem_shared>> -> memref<10240x8xf32, #tpu.memory_space<vmem_shared>>
      tpu.enqueue_indirect_dma source(%arg7 : memref<128x8xf32, #tpu.memory_space<vmem>>) target(%dma_start3A_122 : memref<10240x8xf32, #tpu.memory_space<vmem_shared>>) offsets(%dma_start3A_119 : memref<128xi32, #tpu.memory_space<vmem>>) semaphore(%arg9 : memref<!tpu.dma_semaphore, #tpu.memory_space<semaphore_mem>>) {add = true}
      %mul3A_123 = arith.constant 8 : i32
      %mul3A_124 = arith.muli %while3A_43, %mul3A_123 : i32
      %add3A_125 = arith.constant 0 : i32
      %add3A_126 = arith.addi %mul3A_124, %add3A_125 : i32
      %dma_wait3A = arith.constant 0 : i32
      %dma_wait3A_127 = tpu.memref_slice %arg6[%add3A_126, %dma_wait3A] : memref<112x128xi32, #tpu.memory_space<vmem>> -> memref<1x128xi32, #tpu.memory_space<vmem>>
      %dma_wait3A_128 = tpu.memref_squeeze %dma_wait3A_127 : memref<1x128xi32, #tpu.memory_space<vmem>> -> memref<128xi32, #tpu.memory_space<vmem>>
      %dma_wait3A_129 = arith.constant 0 : i32
      %dma_wait3A_130 = arith.constant 0 : i32
      %dma_wait3A_131 = tpu.memref_slice %arg8[%dma_wait3A_129, %dma_wait3A_130] : memref<10240x8xf32, #tpu.memory_space<vmem_shared>> -> memref<10240x8xf32, #tpu.memory_space<vmem_shared>>
      tpu.wait_indirect_dma semaphore(%arg9 : memref<!tpu.dma_semaphore, #tpu.memory_space<semaphore_mem>>) src(%arg7 : memref<128x8xf32, #tpu.memory_space<vmem>>) dst(%dma_wait3A_131 : memref<10240x8xf32, #tpu.memory_space<vmem_shared>>)
      %mul3A_132 = arith.constant 8 : i32
      %mul3A_133 = arith.muli %while3A_43, %mul3A_132 : i32
      %add3A_134 = arith.constant 1 : i32
      %add3A_135 = arith.addi %mul3A_133, %add3A_134 : i32
      %dma_wait3A_136 = arith.constant 0 : i32
      %dma_wait3A_137 = tpu.memref_slice %arg6[%add3A_135, %dma_wait3A_136] : memref<112x128xi32, #tpu.memory_space<vmem>> -> memref<1x128xi32, #tpu.memory_space<vmem>>
      %dma_wait3A_138 = tpu.memref_squeeze %dma_wait3A_137 : memref<1x128xi32, #tpu.memory_space<vmem>> -> memref<128xi32, #tpu.memory_space<vmem>>
      %dma_wait3A_139 = arith.constant 0 : i32
      %dma_wait3A_140 = arith.constant 0 : i32
      %dma_wait3A_141 = tpu.memref_slice %arg8[%dma_wait3A_139, %dma_wait3A_140] : memref<10240x8xf32, #tpu.memory_space<vmem_shared>> -> memref<10240x8xf32, #tpu.memory_space<vmem_shared>>
      tpu.wait_indirect_dma semaphore(%arg9 : memref<!tpu.dma_semaphore, #tpu.memory_space<semaphore_mem>>) src(%arg7 : memref<128x8xf32, #tpu.memory_space<vmem>>) dst(%dma_wait3A_141 : memref<10240x8xf32, #tpu.memory_space<vmem_shared>>)
      %mul3A_142 = arith.constant 8 : i32
      %mul3A_143 = arith.muli %while3A_43, %mul3A_142 : i32
      %add3A_144 = arith.constant 2 : i32
      %add3A_145 = arith.addi %mul3A_143, %add3A_144 : i32
      %dma_wait3A_146 = arith.constant 0 : i32
      %dma_wait3A_147 = tpu.memref_slice %arg6[%add3A_145, %dma_wait3A_146] : memref<112x128xi32, #tpu.memory_space<vmem>> -> memref<1x128xi32, #tpu.memory_space<vmem>>
      %dma_wait3A_148 = tpu.memref_squeeze %dma_wait3A_147 : memref<1x128xi32, #tpu.memory_space<vmem>> -> memref<128xi32, #tpu.memory_space<vmem>>
      %dma_wait3A_149 = arith.constant 0 : i32
      %dma_wait3A_150 = arith.constant 0 : i32
      %dma_wait3A_151 = tpu.memref_slice %arg8[%dma_wait3A_149, %dma_wait3A_150] : memref<10240x8xf32, #tpu.memory_space<vmem_shared>> -> memref<10240x8xf32, #tpu.memory_space<vmem_shared>>
      tpu.wait_indirect_dma semaphore(%arg9 : memref<!tpu.dma_semaphore, #tpu.memory_space<semaphore_mem>>) src(%arg7 : memref<128x8xf32, #tpu.memory_space<vmem>>) dst(%dma_wait3A_151 : memref<10240x8xf32, #tpu.memory_space<vmem_shared>>)
      %mul3A_152 = arith.constant 8 : i32
      %mul3A_153 = arith.muli %while3A_43, %mul3A_152 : i32
      %add3A_154 = arith.constant 3 : i32
      %add3A_155 = arith.addi %mul3A_153, %add3A_154 : i32
      %dma_wait3A_156 = arith.constant 0 : i32
      %dma_wait3A_157 = tpu.memref_slice %arg6[%add3A_155, %dma_wait3A_156] : memref<112x128xi32, #tpu.memory_space<vmem>> -> memref<1x128xi32, #tpu.memory_space<vmem>>
      %dma_wait3A_158 = tpu.memref_squeeze %dma_wait3A_157 : memref<1x128xi32, #tpu.memory_space<vmem>> -> memref<128xi32, #tpu.memory_space<vmem>>
      %dma_wait3A_159 = arith.constant 0 : i32
      %dma_wait3A_160 = arith.constant 0 : i32
      %dma_wait3A_161 = tpu.memref_slice %arg8[%dma_wait3A_159, %dma_wait3A_160] : memref<10240x8xf32, #tpu.memory_space<vmem_shared>> -> memref<10240x8xf32, #tpu.memory_space<vmem_shared>>
      tpu.wait_indirect_dma semaphore(%arg9 : memref<!tpu.dma_semaphore, #tpu.memory_space<semaphore_mem>>) src(%arg7 : memref<128x8xf32, #tpu.memory_space<vmem>>) dst(%dma_wait3A_161 : memref<10240x8xf32, #tpu.memory_space<vmem_shared>>)
      %mul3A_162 = arith.constant 8 : i32
      %mul3A_163 = arith.muli %while3A_43, %mul3A_162 : i32
      %add3A_164 = arith.constant 4 : i32
      %add3A_165 = arith.addi %mul3A_163, %add3A_164 : i32
      %dma_wait3A_166 = arith.constant 0 : i32
      %dma_wait3A_167 = tpu.memref_slice %arg6[%add3A_165, %dma_wait3A_166] : memref<112x128xi32, #tpu.memory_space<vmem>> -> memref<1x128xi32, #tpu.memory_space<vmem>>
      %dma_wait3A_168 = tpu.memref_squeeze %dma_wait3A_167 : memref<1x128xi32, #tpu.memory_space<vmem>> -> memref<128xi32, #tpu.memory_space<vmem>>
      %dma_wait3A_169 = arith.constant 0 : i32
      %dma_wait3A_170 = arith.constant 0 : i32
      %dma_wait3A_171 = tpu.memref_slice %arg8[%dma_wait3A_169, %dma_wait3A_170] : memref<10240x8xf32, #tpu.memory_space<vmem_shared>> -> memref<10240x8xf32, #tpu.memory_space<vmem_shared>>
      tpu.wait_indirect_dma semaphore(%arg9 : memref<!tpu.dma_semaphore, #tpu.memory_space<semaphore_mem>>) src(%arg7 : memref<128x8xf32, #tpu.memory_space<vmem>>) dst(%dma_wait3A_171 : memref<10240x8xf32, #tpu.memory_space<vmem_shared>>)
      %mul3A_172 = arith.constant 8 : i32
      %mul3A_173 = arith.muli %while3A_43, %mul3A_172 : i32
      %add3A_174 = arith.constant 5 : i32
      %add3A_175 = arith.addi %mul3A_173, %add3A_174 : i32
      %dma_wait3A_176 = arith.constant 0 : i32
      %dma_wait3A_177 = tpu.memref_slice %arg6[%add3A_175, %dma_wait3A_176] : memref<112x128xi32, #tpu.memory_space<vmem>> -> memref<1x128xi32, #tpu.memory_space<vmem>>
      %dma_wait3A_178 = tpu.memref_squeeze %dma_wait3A_177 : memref<1x128xi32, #tpu.memory_space<vmem>> -> memref<128xi32, #tpu.memory_space<vmem>>
      %dma_wait3A_179 = arith.constant 0 : i32
      %dma_wait3A_180 = arith.constant 0 : i32
      %dma_wait3A_181 = tpu.memref_slice %arg8[%dma_wait3A_179, %dma_wait3A_180] : memref<10240x8xf32, #tpu.memory_space<vmem_shared>> -> memref<10240x8xf32, #tpu.memory_space<vmem_shared>>
      tpu.wait_indirect_dma semaphore(%arg9 : memref<!tpu.dma_semaphore, #tpu.memory_space<semaphore_mem>>) src(%arg7 : memref<128x8xf32, #tpu.memory_space<vmem>>) dst(%dma_wait3A_181 : memref<10240x8xf32, #tpu.memory_space<vmem_shared>>)
      %mul3A_182 = arith.constant 8 : i32
      %mul3A_183 = arith.muli %while3A_43, %mul3A_182 : i32
      %add3A_184 = arith.constant 6 : i32
      %add3A_185 = arith.addi %mul3A_183, %add3A_184 : i32
      %dma_wait3A_186 = arith.constant 0 : i32
      %dma_wait3A_187 = tpu.memref_slice %arg6[%add3A_185, %dma_wait3A_186] : memref<112x128xi32, #tpu.memory_space<vmem>> -> memref<1x128xi32, #tpu.memory_space<vmem>>
      %dma_wait3A_188 = tpu.memref_squeeze %dma_wait3A_187 : memref<1x128xi32, #tpu.memory_space<vmem>> -> memref<128xi32, #tpu.memory_space<vmem>>
      %dma_wait3A_189 = arith.constant 0 : i32
      %dma_wait3A_190 = arith.constant 0 : i32
      %dma_wait3A_191 = tpu.memref_slice %arg8[%dma_wait3A_189, %dma_wait3A_190] : memref<10240x8xf32, #tpu.memory_space<vmem_shared>> -> memref<10240x8xf32, #tpu.memory_space<vmem_shared>>
      tpu.wait_indirect_dma semaphore(%arg9 : memref<!tpu.dma_semaphore, #tpu.memory_space<semaphore_mem>>) src(%arg7 : memref<128x8xf32, #tpu.memory_space<vmem>>) dst(%dma_wait3A_191 : memref<10240x8xf32, #tpu.memory_space<vmem_shared>>)
      %mul3A_192 = arith.constant 8 : i32
      %mul3A_193 = arith.muli %while3A_43, %mul3A_192 : i32
      %add3A_194 = arith.constant 7 : i32
      %add3A_195 = arith.addi %mul3A_193, %add3A_194 : i32
      %dma_wait3A_196 = arith.constant 0 : i32
      %dma_wait3A_197 = tpu.memref_slice %arg6[%add3A_195, %dma_wait3A_196] : memref<112x128xi32, #tpu.memory_space<vmem>> -> memref<1x128xi32, #tpu.memory_space<vmem>>
      %dma_wait3A_198 = tpu.memref_squeeze %dma_wait3A_197 : memref<1x128xi32, #tpu.memory_space<vmem>> -> memref<128xi32, #tpu.memory_space<vmem>>
      %dma_wait3A_199 = arith.constant 0 : i32
      %dma_wait3A_200 = arith.constant 0 : i32
      %dma_wait3A_201 = tpu.memref_slice %arg8[%dma_wait3A_199, %dma_wait3A_200] : memref<10240x8xf32, #tpu.memory_space<vmem_shared>> -> memref<10240x8xf32, #tpu.memory_space<vmem_shared>>
      tpu.wait_indirect_dma semaphore(%arg9 : memref<!tpu.dma_semaphore, #tpu.memory_space<semaphore_mem>>) src(%arg7 : memref<128x8xf32, #tpu.memory_space<vmem>>) dst(%dma_wait3A_201 : memref<10240x8xf32, #tpu.memory_space<vmem_shared>>)
    }
    %barrier3A_40 = arith.constant 0 : index
    tpu.barrier barrier_id(%barrier3A_40)
    %mul3A_41 = arith.constant 640 : i32
    %mul3A_42 = arith.muli %arg1, %mul3A_41 : i32
    "tpu.region"() ({
      %run_scoped3A = tpu.sem_alloc : memref<!tpu.dma_semaphore, #tpu.memory_space<semaphore_mem>>
      %dma_start3A = arith.constant 0 : i32
      %dma_start3A_43 = arith.constant 0 : i32
      %dma_start3A_44 = tpu.memref_slice %arg5[%arg0, %dma_start3A, %dma_start3A_43] : memref<2x10240x8xf32, #tpu.memory_space<hbm>> -> memref<1x10240x8xf32, #tpu.memory_space<hbm>>
      %dma_start3A_45 = tpu.memref_squeeze %dma_start3A_44 : memref<1x10240x8xf32, #tpu.memory_space<hbm>> -> memref<10240x8xf32, #tpu.memory_space<hbm>>
      %dma_start3A_46 = arith.constant 0 : i32
      %dma_start3A_47 = tpu.memref_slice %dma_start3A_45[%mul3A_42, %dma_start3A_46] : memref<10240x8xf32, #tpu.memory_space<hbm>> -> memref<640x8xf32, #tpu.memory_space<hbm>>
      %dma_start3A_48 = arith.constant 0 : i32
      %dma_start3A_49 = tpu.memref_slice %arg8[%mul3A_42, %dma_start3A_48] : memref<10240x8xf32, #tpu.memory_space<vmem_shared>> -> memref<640x8xf32, #tpu.memory_space<vmem_shared>>
      tpu.enqueue_dma source(%dma_start3A_49 : memref<640x8xf32, #tpu.memory_space<vmem_shared>>) target(%dma_start3A_47 : memref<640x8xf32, #tpu.memory_space<hbm>>) target_semaphore(%run_scoped3A : memref<!tpu.dma_semaphore, #tpu.memory_space<semaphore_mem>>)
      %dma_wait3A = arith.constant 0 : i32
      %dma_wait3A_50 = arith.constant 0 : i32
      %dma_wait3A_51 = tpu.memref_slice %arg5[%arg0, %dma_wait3A, %dma_wait3A_50] : memref<2x10240x8xf32, #tpu.memory_space<hbm>> -> memref<1x10240x8xf32, #tpu.memory_space<hbm>>
      %dma_wait3A_52 = tpu.memref_squeeze %dma_wait3A_51 : memref<1x10240x8xf32, #tpu.memory_space<hbm>> -> memref<10240x8xf32, #tpu.memory_space<hbm>>
      %dma_wait3A_53 = arith.constant 0 : i32
      %dma_wait3A_54 = tpu.memref_slice %dma_wait3A_52[%mul3A_42, %dma_wait3A_53] : memref<10240x8xf32, #tpu.memory_space<hbm>> -> memref<640x8xf32, #tpu.memory_space<hbm>>
      %dma_wait3A_55 = arith.constant 0 : i32
      %dma_wait3A_56 = tpu.memref_slice %arg8[%mul3A_42, %dma_wait3A_55] : memref<10240x8xf32, #tpu.memory_space<vmem_shared>> -> memref<640x8xf32, #tpu.memory_space<vmem_shared>>
      tpu.wait_dma2 semaphore(%run_scoped3A : memref<!tpu.dma_semaphore, #tpu.memory_space<semaphore_mem>>) src(%dma_wait3A_56 : memref<640x8xf32, #tpu.memory_space<vmem_shared>>) dst(%dma_wait3A_54 : memref<640x8xf32, #tpu.memory_space<hbm>>)
      tpu.yield
    }) : () -> ()
    return
  }
}

#map = affine_map<(d0, d1) -> (0, 0)>
#map1 = affine_map<(d0, d1) -> (0, 0, 0)>
module attributes {stable_mosaic.version = 14 : i64} {
  func.func @_prop_body(%arg0: i32, %arg1: i32, %arg2: memref<10016x8xf32, #tpu.memory_space<hbm>>, %arg3: memref<2x2560x128xi32, #tpu.memory_space<hbm>>, %arg4: memref<640x8xf32, #tpu.memory_space<hbm>>, %arg5: memref<2x10240x8xf32, #tpu.memory_space<hbm>>, %arg6: memref<112x128xi32, #tpu.memory_space<vmem>>, %arg7: memref<112x128xi32, #tpu.memory_space<vmem>>, %arg8: memref<8x128x8xf32, #tpu.memory_space<vmem>>, %arg9: memref<10240x8xf32, #tpu.memory_space<vmem_shared>>, %arg10: memref<8x!tpu.dma_semaphore, #tpu.memory_space<semaphore_mem>>, %arg11: memref<8x!tpu.dma_semaphore, #tpu.memory_space<semaphore_mem>>) attributes {dimension_semantics = [#tpu.dimension_semantics<core_parallel>, #tpu.dimension_semantics<subcore_parallel>], iteration_bounds = array<i64: 2, 16>, scalar_prefetch = 0 : i64, scratch_operands = 6 : i64, tpu.core_type = #tpu.core_type<sc_vector_subcore>, window_params = [{transform_indices = #map}, {transform_indices = #map1}, {transform_indices = #map}, {transform_indices = #map1}]} {
    %eq3A = arith.constant 0 : i32
    %eq3A_0 = arith.cmpi eq, %arg0, %eq3A : i32
    %mul3A = arith.constant 112 : i32
    %mul3A_1 = arith.muli %arg1, %mul3A : i32
    %mul3A_2 = arith.constant 48 : i32
    %mul3A_3 = arith.muli %arg1, %mul3A_2 : i32
    %add3A = arith.constant 1792 : i32
    %add3A_4 = arith.addi %add3A, %mul3A_3 : i32
    %select_n3A = arith.select %eq3A_0, %mul3A_1, %add3A_4 : i32
    %select_n3A_5 = arith.constant 48 : i32
    %select_n3A_6 = arith.constant 112 : i32
    %select_n3A_7 = arith.select %eq3A_0, %select_n3A_6, %select_n3A_5 : i32
    %mul3A_8 = arith.constant 640 : i32
    %mul3A_9 = arith.muli %arg1, %mul3A_8 : i32
    "tpu.region"() ({
      %run_scoped3A = tpu.sem_alloc : memref<!tpu.dma_semaphore, #tpu.memory_space<semaphore_mem>>
      %dma_start3A_313 = arith.constant 0 : i32
      %dma_start3A_314 = tpu.memref_slice %arg9[%mul3A_9, %dma_start3A_313] : memref<10240x8xf32, #tpu.memory_space<vmem_shared>> -> memref<640x8xf32, #tpu.memory_space<vmem_shared>>
      tpu.enqueue_dma source(%arg4 : memref<640x8xf32, #tpu.memory_space<hbm>>) target(%dma_start3A_314 : memref<640x8xf32, #tpu.memory_space<vmem_shared>>) target_semaphore(%run_scoped3A : memref<!tpu.dma_semaphore, #tpu.memory_space<semaphore_mem>>)
      %dma_wait3A_315 = arith.constant 0 : i32
      %dma_wait3A_316 = tpu.memref_slice %arg9[%mul3A_9, %dma_wait3A_315] : memref<10240x8xf32, #tpu.memory_space<vmem_shared>> -> memref<640x8xf32, #tpu.memory_space<vmem_shared>>
      tpu.wait_dma2 semaphore(%run_scoped3A : memref<!tpu.dma_semaphore, #tpu.memory_space<semaphore_mem>>) src(%arg4 : memref<640x8xf32, #tpu.memory_space<hbm>>) dst(%dma_wait3A_316 : memref<640x8xf32, #tpu.memory_space<vmem_shared>>)
      tpu.yield
    }) : () -> ()
    %convert_element_type3A = arith.extui %eq3A_0 : i1 to i32
    %cond3A = arith.constant 0 : i32
    %cond3A_10 = arith.cmpi ne, %convert_element_type3A, %cond3A : i32
    scf.if %cond3A_10 {
      %run_scoped3A = arith.constant 0 : i32
      "tpu.region"() ({
        %run_scoped3A_313 = tpu.sem_alloc : memref<!tpu.dma_semaphore, #tpu.memory_space<semaphore_mem>>
        %dma_start3A_314 = arith.constant 0 : i32
        %dma_start3A_315 = arith.constant 0 : i32
        %dma_start3A_316 = tpu.memref_slice %arg6[%dma_start3A_314, %dma_start3A_315] : memref<112x128xi32, #tpu.memory_space<vmem>> -> memref<112x128xi32, #tpu.memory_space<vmem>>
        %dma_start3A_317 = arith.constant 0 : i32
        %dma_start3A_318 = arith.constant 0 : i32
        %dma_start3A_319 = tpu.memref_slice %arg3[%run_scoped3A, %dma_start3A_317, %dma_start3A_318] : memref<2x2560x128xi32, #tpu.memory_space<hbm>> -> memref<1x2560x128xi32, #tpu.memory_space<hbm>>
        %dma_start3A_320 = tpu.memref_squeeze %dma_start3A_319 : memref<1x2560x128xi32, #tpu.memory_space<hbm>> -> memref<2560x128xi32, #tpu.memory_space<hbm>>
        %dma_start3A_321 = arith.constant 0 : i32
        %dma_start3A_322 = tpu.memref_slice %dma_start3A_320[%select_n3A, %dma_start3A_321] : memref<2560x128xi32, #tpu.memory_space<hbm>> -> memref<112x128xi32, #tpu.memory_space<hbm>>
        %dma_start3A_323 = arith.constant 0 : i32
        %dma_start3A_324 = arith.constant 0 : i32
        %dma_start3A_325 = tpu.memref_slice %arg6[%dma_start3A_323, %dma_start3A_324] : memref<112x128xi32, #tpu.memory_space<vmem>> -> memref<112x128xi32, #tpu.memory_space<vmem>>
        %dma_start3A_326 = arith.constant 0 : i32
        %dma_start3A_327 = arith.constant 0 : i32
        %dma_start3A_328 = tpu.memref_slice %arg3[%run_scoped3A, %dma_start3A_326, %dma_start3A_327] : memref<2x2560x128xi32, #tpu.memory_space<hbm>> -> memref<1x2560x128xi32, #tpu.memory_space<hbm>>
        %dma_start3A_329 = tpu.memref_squeeze %dma_start3A_328 : memref<1x2560x128xi32, #tpu.memory_space<hbm>> -> memref<2560x128xi32, #tpu.memory_space<hbm>>
        %dma_start3A_330 = arith.constant 0 : i32
        %dma_start3A_331 = tpu.memref_slice %dma_start3A_329[%select_n3A, %dma_start3A_330] : memref<2560x128xi32, #tpu.memory_space<hbm>> -> memref<112x128xi32, #tpu.memory_space<hbm>>
        tpu.enqueue_dma source(%dma_start3A_331 : memref<112x128xi32, #tpu.memory_space<hbm>>) target(%dma_start3A_325 : memref<112x128xi32, #tpu.memory_space<vmem>>) target_semaphore(%run_scoped3A_313 : memref<!tpu.dma_semaphore, #tpu.memory_space<semaphore_mem>>)
        %dma_wait3A_332 = arith.constant 0 : i32
        %dma_wait3A_333 = arith.constant 0 : i32
        %dma_wait3A_334 = tpu.memref_slice %arg6[%dma_wait3A_332, %dma_wait3A_333] : memref<112x128xi32, #tpu.memory_space<vmem>> -> memref<112x128xi32, #tpu.memory_space<vmem>>
        %dma_wait3A_335 = arith.constant 0 : i32
        %dma_wait3A_336 = arith.constant 0 : i32
        %dma_wait3A_337 = tpu.memref_slice %arg3[%run_scoped3A, %dma_wait3A_335, %dma_wait3A_336] : memref<2x2560x128xi32, #tpu.memory_space<hbm>> -> memref<1x2560x128xi32, #tpu.memory_space<hbm>>
        %dma_wait3A_338 = tpu.memref_squeeze %dma_wait3A_337 : memref<1x2560x128xi32, #tpu.memory_space<hbm>> -> memref<2560x128xi32, #tpu.memory_space<hbm>>
        %dma_wait3A_339 = arith.constant 0 : i32
        %dma_wait3A_340 = tpu.memref_slice %dma_wait3A_338[%select_n3A, %dma_wait3A_339] : memref<2560x128xi32, #tpu.memory_space<hbm>> -> memref<112x128xi32, #tpu.memory_space<hbm>>
        %dma_wait3A_341 = arith.constant 0 : i32
        %dma_wait3A_342 = arith.constant 0 : i32
        %dma_wait3A_343 = tpu.memref_slice %arg6[%dma_wait3A_341, %dma_wait3A_342] : memref<112x128xi32, #tpu.memory_space<vmem>> -> memref<112x128xi32, #tpu.memory_space<vmem>>
        %dma_wait3A_344 = arith.constant 0 : i32
        %dma_wait3A_345 = arith.constant 0 : i32
        %dma_wait3A_346 = tpu.memref_slice %arg3[%run_scoped3A, %dma_wait3A_344, %dma_wait3A_345] : memref<2x2560x128xi32, #tpu.memory_space<hbm>> -> memref<1x2560x128xi32, #tpu.memory_space<hbm>>
        %dma_wait3A_347 = tpu.memref_squeeze %dma_wait3A_346 : memref<1x2560x128xi32, #tpu.memory_space<hbm>> -> memref<2560x128xi32, #tpu.memory_space<hbm>>
        %dma_wait3A_348 = arith.constant 0 : i32
        %dma_wait3A_349 = tpu.memref_slice %dma_wait3A_347[%select_n3A, %dma_wait3A_348] : memref<2560x128xi32, #tpu.memory_space<hbm>> -> memref<112x128xi32, #tpu.memory_space<hbm>>
        tpu.wait_dma2 semaphore(%run_scoped3A_313 : memref<!tpu.dma_semaphore, #tpu.memory_space<semaphore_mem>>) src(%dma_wait3A_349 : memref<112x128xi32, #tpu.memory_space<hbm>>) dst(%dma_wait3A_343 : memref<112x128xi32, #tpu.memory_space<vmem>>)
        tpu.yield
      }) : () -> ()
    } else {
    }
    %not3A = arith.constant true
    %not3A_11 = arith.xori %eq3A_0, %not3A : i1
    %convert_element_type3A_12 = arith.extui %not3A_11 : i1 to i32
    %cond3A_13 = arith.constant 0 : i32
    %cond3A_14 = arith.cmpi ne, %convert_element_type3A_12, %cond3A_13 : i32
    scf.if %cond3A_14 {
      %run_scoped3A = arith.constant 0 : i32
      "tpu.region"() ({
        %run_scoped3A_313 = tpu.sem_alloc : memref<!tpu.dma_semaphore, #tpu.memory_space<semaphore_mem>>
        %dma_start3A_314 = arith.constant 0 : i32
        %dma_start3A_315 = arith.constant 0 : i32
        %dma_start3A_316 = tpu.memref_slice %arg6[%dma_start3A_314, %dma_start3A_315] : memref<112x128xi32, #tpu.memory_space<vmem>> -> memref<48x128xi32, #tpu.memory_space<vmem>>
        %dma_start3A_317 = arith.constant 0 : i32
        %dma_start3A_318 = arith.constant 0 : i32
        %dma_start3A_319 = tpu.memref_slice %arg3[%run_scoped3A, %dma_start3A_317, %dma_start3A_318] : memref<2x2560x128xi32, #tpu.memory_space<hbm>> -> memref<1x2560x128xi32, #tpu.memory_space<hbm>>
        %dma_start3A_320 = tpu.memref_squeeze %dma_start3A_319 : memref<1x2560x128xi32, #tpu.memory_space<hbm>> -> memref<2560x128xi32, #tpu.memory_space<hbm>>
        %dma_start3A_321 = arith.constant 0 : i32
        %dma_start3A_322 = tpu.memref_slice %dma_start3A_320[%select_n3A, %dma_start3A_321] : memref<2560x128xi32, #tpu.memory_space<hbm>> -> memref<48x128xi32, #tpu.memory_space<hbm>>
        %dma_start3A_323 = arith.constant 0 : i32
        %dma_start3A_324 = arith.constant 0 : i32
        %dma_start3A_325 = tpu.memref_slice %arg6[%dma_start3A_323, %dma_start3A_324] : memref<112x128xi32, #tpu.memory_space<vmem>> -> memref<48x128xi32, #tpu.memory_space<vmem>>
        %dma_start3A_326 = arith.constant 0 : i32
        %dma_start3A_327 = arith.constant 0 : i32
        %dma_start3A_328 = tpu.memref_slice %arg3[%run_scoped3A, %dma_start3A_326, %dma_start3A_327] : memref<2x2560x128xi32, #tpu.memory_space<hbm>> -> memref<1x2560x128xi32, #tpu.memory_space<hbm>>
        %dma_start3A_329 = tpu.memref_squeeze %dma_start3A_328 : memref<1x2560x128xi32, #tpu.memory_space<hbm>> -> memref<2560x128xi32, #tpu.memory_space<hbm>>
        %dma_start3A_330 = arith.constant 0 : i32
        %dma_start3A_331 = tpu.memref_slice %dma_start3A_329[%select_n3A, %dma_start3A_330] : memref<2560x128xi32, #tpu.memory_space<hbm>> -> memref<48x128xi32, #tpu.memory_space<hbm>>
        tpu.enqueue_dma source(%dma_start3A_331 : memref<48x128xi32, #tpu.memory_space<hbm>>) target(%dma_start3A_325 : memref<48x128xi32, #tpu.memory_space<vmem>>) target_semaphore(%run_scoped3A_313 : memref<!tpu.dma_semaphore, #tpu.memory_space<semaphore_mem>>)
        %dma_wait3A_332 = arith.constant 0 : i32
        %dma_wait3A_333 = arith.constant 0 : i32
        %dma_wait3A_334 = tpu.memref_slice %arg6[%dma_wait3A_332, %dma_wait3A_333] : memref<112x128xi32, #tpu.memory_space<vmem>> -> memref<48x128xi32, #tpu.memory_space<vmem>>
        %dma_wait3A_335 = arith.constant 0 : i32
        %dma_wait3A_336 = arith.constant 0 : i32
        %dma_wait3A_337 = tpu.memref_slice %arg3[%run_scoped3A, %dma_wait3A_335, %dma_wait3A_336] : memref<2x2560x128xi32, #tpu.memory_space<hbm>> -> memref<1x2560x128xi32, #tpu.memory_space<hbm>>
        %dma_wait3A_338 = tpu.memref_squeeze %dma_wait3A_337 : memref<1x2560x128xi32, #tpu.memory_space<hbm>> -> memref<2560x128xi32, #tpu.memory_space<hbm>>
        %dma_wait3A_339 = arith.constant 0 : i32
        %dma_wait3A_340 = tpu.memref_slice %dma_wait3A_338[%select_n3A, %dma_wait3A_339] : memref<2560x128xi32, #tpu.memory_space<hbm>> -> memref<48x128xi32, #tpu.memory_space<hbm>>
        %dma_wait3A_341 = arith.constant 0 : i32
        %dma_wait3A_342 = arith.constant 0 : i32
        %dma_wait3A_343 = tpu.memref_slice %arg6[%dma_wait3A_341, %dma_wait3A_342] : memref<112x128xi32, #tpu.memory_space<vmem>> -> memref<48x128xi32, #tpu.memory_space<vmem>>
        %dma_wait3A_344 = arith.constant 0 : i32
        %dma_wait3A_345 = arith.constant 0 : i32
        %dma_wait3A_346 = tpu.memref_slice %arg3[%run_scoped3A, %dma_wait3A_344, %dma_wait3A_345] : memref<2x2560x128xi32, #tpu.memory_space<hbm>> -> memref<1x2560x128xi32, #tpu.memory_space<hbm>>
        %dma_wait3A_347 = tpu.memref_squeeze %dma_wait3A_346 : memref<1x2560x128xi32, #tpu.memory_space<hbm>> -> memref<2560x128xi32, #tpu.memory_space<hbm>>
        %dma_wait3A_348 = arith.constant 0 : i32
        %dma_wait3A_349 = tpu.memref_slice %dma_wait3A_347[%select_n3A, %dma_wait3A_348] : memref<2560x128xi32, #tpu.memory_space<hbm>> -> memref<48x128xi32, #tpu.memory_space<hbm>>
        tpu.wait_dma2 semaphore(%run_scoped3A_313 : memref<!tpu.dma_semaphore, #tpu.memory_space<semaphore_mem>>) src(%dma_wait3A_349 : memref<48x128xi32, #tpu.memory_space<hbm>>) dst(%dma_wait3A_343 : memref<48x128xi32, #tpu.memory_space<vmem>>)
        tpu.yield
      }) : () -> ()
    } else {
    }
    %convert_element_type3A_15 = arith.extui %eq3A_0 : i1 to i32
    %cond3A_16 = arith.constant 0 : i32
    %cond3A_17 = arith.cmpi ne, %convert_element_type3A_15, %cond3A_16 : i32
    scf.if %cond3A_17 {
      %run_scoped3A = arith.constant 1 : i32
      "tpu.region"() ({
        %run_scoped3A_313 = tpu.sem_alloc : memref<!tpu.dma_semaphore, #tpu.memory_space<semaphore_mem>>
        %dma_start3A_314 = arith.constant 0 : i32
        %dma_start3A_315 = arith.constant 0 : i32
        %dma_start3A_316 = tpu.memref_slice %arg7[%dma_start3A_314, %dma_start3A_315] : memref<112x128xi32, #tpu.memory_space<vmem>> -> memref<112x128xi32, #tpu.memory_space<vmem>>
        %dma_start3A_317 = arith.constant 0 : i32
        %dma_start3A_318 = arith.constant 0 : i32
        %dma_start3A_319 = tpu.memref_slice %arg3[%run_scoped3A, %dma_start3A_317, %dma_start3A_318] : memref<2x2560x128xi32, #tpu.memory_space<hbm>> -> memref<1x2560x128xi32, #tpu.memory_space<hbm>>
        %dma_start3A_320 = tpu.memref_squeeze %dma_start3A_319 : memref<1x2560x128xi32, #tpu.memory_space<hbm>> -> memref<2560x128xi32, #tpu.memory_space<hbm>>
        %dma_start3A_321 = arith.constant 0 : i32
        %dma_start3A_322 = tpu.memref_slice %dma_start3A_320[%select_n3A, %dma_start3A_321] : memref<2560x128xi32, #tpu.memory_space<hbm>> -> memref<112x128xi32, #tpu.memory_space<hbm>>
        %dma_start3A_323 = arith.constant 0 : i32
        %dma_start3A_324 = arith.constant 0 : i32
        %dma_start3A_325 = tpu.memref_slice %arg7[%dma_start3A_323, %dma_start3A_324] : memref<112x128xi32, #tpu.memory_space<vmem>> -> memref<112x128xi32, #tpu.memory_space<vmem>>
        %dma_start3A_326 = arith.constant 0 : i32
        %dma_start3A_327 = arith.constant 0 : i32
        %dma_start3A_328 = tpu.memref_slice %arg3[%run_scoped3A, %dma_start3A_326, %dma_start3A_327] : memref<2x2560x128xi32, #tpu.memory_space<hbm>> -> memref<1x2560x128xi32, #tpu.memory_space<hbm>>
        %dma_start3A_329 = tpu.memref_squeeze %dma_start3A_328 : memref<1x2560x128xi32, #tpu.memory_space<hbm>> -> memref<2560x128xi32, #tpu.memory_space<hbm>>
        %dma_start3A_330 = arith.constant 0 : i32
        %dma_start3A_331 = tpu.memref_slice %dma_start3A_329[%select_n3A, %dma_start3A_330] : memref<2560x128xi32, #tpu.memory_space<hbm>> -> memref<112x128xi32, #tpu.memory_space<hbm>>
        tpu.enqueue_dma source(%dma_start3A_331 : memref<112x128xi32, #tpu.memory_space<hbm>>) target(%dma_start3A_325 : memref<112x128xi32, #tpu.memory_space<vmem>>) target_semaphore(%run_scoped3A_313 : memref<!tpu.dma_semaphore, #tpu.memory_space<semaphore_mem>>)
        %dma_wait3A_332 = arith.constant 0 : i32
        %dma_wait3A_333 = arith.constant 0 : i32
        %dma_wait3A_334 = tpu.memref_slice %arg7[%dma_wait3A_332, %dma_wait3A_333] : memref<112x128xi32, #tpu.memory_space<vmem>> -> memref<112x128xi32, #tpu.memory_space<vmem>>
        %dma_wait3A_335 = arith.constant 0 : i32
        %dma_wait3A_336 = arith.constant 0 : i32
        %dma_wait3A_337 = tpu.memref_slice %arg3[%run_scoped3A, %dma_wait3A_335, %dma_wait3A_336] : memref<2x2560x128xi32, #tpu.memory_space<hbm>> -> memref<1x2560x128xi32, #tpu.memory_space<hbm>>
        %dma_wait3A_338 = tpu.memref_squeeze %dma_wait3A_337 : memref<1x2560x128xi32, #tpu.memory_space<hbm>> -> memref<2560x128xi32, #tpu.memory_space<hbm>>
        %dma_wait3A_339 = arith.constant 0 : i32
        %dma_wait3A_340 = tpu.memref_slice %dma_wait3A_338[%select_n3A, %dma_wait3A_339] : memref<2560x128xi32, #tpu.memory_space<hbm>> -> memref<112x128xi32, #tpu.memory_space<hbm>>
        %dma_wait3A_341 = arith.constant 0 : i32
        %dma_wait3A_342 = arith.constant 0 : i32
        %dma_wait3A_343 = tpu.memref_slice %arg7[%dma_wait3A_341, %dma_wait3A_342] : memref<112x128xi32, #tpu.memory_space<vmem>> -> memref<112x128xi32, #tpu.memory_space<vmem>>
        %dma_wait3A_344 = arith.constant 0 : i32
        %dma_wait3A_345 = arith.constant 0 : i32
        %dma_wait3A_346 = tpu.memref_slice %arg3[%run_scoped3A, %dma_wait3A_344, %dma_wait3A_345] : memref<2x2560x128xi32, #tpu.memory_space<hbm>> -> memref<1x2560x128xi32, #tpu.memory_space<hbm>>
        %dma_wait3A_347 = tpu.memref_squeeze %dma_wait3A_346 : memref<1x2560x128xi32, #tpu.memory_space<hbm>> -> memref<2560x128xi32, #tpu.memory_space<hbm>>
        %dma_wait3A_348 = arith.constant 0 : i32
        %dma_wait3A_349 = tpu.memref_slice %dma_wait3A_347[%select_n3A, %dma_wait3A_348] : memref<2560x128xi32, #tpu.memory_space<hbm>> -> memref<112x128xi32, #tpu.memory_space<hbm>>
        tpu.wait_dma2 semaphore(%run_scoped3A_313 : memref<!tpu.dma_semaphore, #tpu.memory_space<semaphore_mem>>) src(%dma_wait3A_349 : memref<112x128xi32, #tpu.memory_space<hbm>>) dst(%dma_wait3A_343 : memref<112x128xi32, #tpu.memory_space<vmem>>)
        tpu.yield
      }) : () -> ()
    } else {
    }
    %not3A_18 = arith.constant true
    %not3A_19 = arith.xori %eq3A_0, %not3A_18 : i1
    %convert_element_type3A_20 = arith.extui %not3A_19 : i1 to i32
    %cond3A_21 = arith.constant 0 : i32
    %cond3A_22 = arith.cmpi ne, %convert_element_type3A_20, %cond3A_21 : i32
    scf.if %cond3A_22 {
      %run_scoped3A = arith.constant 1 : i32
      "tpu.region"() ({
        %run_scoped3A_313 = tpu.sem_alloc : memref<!tpu.dma_semaphore, #tpu.memory_space<semaphore_mem>>
        %dma_start3A_314 = arith.constant 0 : i32
        %dma_start3A_315 = arith.constant 0 : i32
        %dma_start3A_316 = tpu.memref_slice %arg7[%dma_start3A_314, %dma_start3A_315] : memref<112x128xi32, #tpu.memory_space<vmem>> -> memref<48x128xi32, #tpu.memory_space<vmem>>
        %dma_start3A_317 = arith.constant 0 : i32
        %dma_start3A_318 = arith.constant 0 : i32
        %dma_start3A_319 = tpu.memref_slice %arg3[%run_scoped3A, %dma_start3A_317, %dma_start3A_318] : memref<2x2560x128xi32, #tpu.memory_space<hbm>> -> memref<1x2560x128xi32, #tpu.memory_space<hbm>>
        %dma_start3A_320 = tpu.memref_squeeze %dma_start3A_319 : memref<1x2560x128xi32, #tpu.memory_space<hbm>> -> memref<2560x128xi32, #tpu.memory_space<hbm>>
        %dma_start3A_321 = arith.constant 0 : i32
        %dma_start3A_322 = tpu.memref_slice %dma_start3A_320[%select_n3A, %dma_start3A_321] : memref<2560x128xi32, #tpu.memory_space<hbm>> -> memref<48x128xi32, #tpu.memory_space<hbm>>
        %dma_start3A_323 = arith.constant 0 : i32
        %dma_start3A_324 = arith.constant 0 : i32
        %dma_start3A_325 = tpu.memref_slice %arg7[%dma_start3A_323, %dma_start3A_324] : memref<112x128xi32, #tpu.memory_space<vmem>> -> memref<48x128xi32, #tpu.memory_space<vmem>>
        %dma_start3A_326 = arith.constant 0 : i32
        %dma_start3A_327 = arith.constant 0 : i32
        %dma_start3A_328 = tpu.memref_slice %arg3[%run_scoped3A, %dma_start3A_326, %dma_start3A_327] : memref<2x2560x128xi32, #tpu.memory_space<hbm>> -> memref<1x2560x128xi32, #tpu.memory_space<hbm>>
        %dma_start3A_329 = tpu.memref_squeeze %dma_start3A_328 : memref<1x2560x128xi32, #tpu.memory_space<hbm>> -> memref<2560x128xi32, #tpu.memory_space<hbm>>
        %dma_start3A_330 = arith.constant 0 : i32
        %dma_start3A_331 = tpu.memref_slice %dma_start3A_329[%select_n3A, %dma_start3A_330] : memref<2560x128xi32, #tpu.memory_space<hbm>> -> memref<48x128xi32, #tpu.memory_space<hbm>>
        tpu.enqueue_dma source(%dma_start3A_331 : memref<48x128xi32, #tpu.memory_space<hbm>>) target(%dma_start3A_325 : memref<48x128xi32, #tpu.memory_space<vmem>>) target_semaphore(%run_scoped3A_313 : memref<!tpu.dma_semaphore, #tpu.memory_space<semaphore_mem>>)
        %dma_wait3A_332 = arith.constant 0 : i32
        %dma_wait3A_333 = arith.constant 0 : i32
        %dma_wait3A_334 = tpu.memref_slice %arg7[%dma_wait3A_332, %dma_wait3A_333] : memref<112x128xi32, #tpu.memory_space<vmem>> -> memref<48x128xi32, #tpu.memory_space<vmem>>
        %dma_wait3A_335 = arith.constant 0 : i32
        %dma_wait3A_336 = arith.constant 0 : i32
        %dma_wait3A_337 = tpu.memref_slice %arg3[%run_scoped3A, %dma_wait3A_335, %dma_wait3A_336] : memref<2x2560x128xi32, #tpu.memory_space<hbm>> -> memref<1x2560x128xi32, #tpu.memory_space<hbm>>
        %dma_wait3A_338 = tpu.memref_squeeze %dma_wait3A_337 : memref<1x2560x128xi32, #tpu.memory_space<hbm>> -> memref<2560x128xi32, #tpu.memory_space<hbm>>
        %dma_wait3A_339 = arith.constant 0 : i32
        %dma_wait3A_340 = tpu.memref_slice %dma_wait3A_338[%select_n3A, %dma_wait3A_339] : memref<2560x128xi32, #tpu.memory_space<hbm>> -> memref<48x128xi32, #tpu.memory_space<hbm>>
        %dma_wait3A_341 = arith.constant 0 : i32
        %dma_wait3A_342 = arith.constant 0 : i32
        %dma_wait3A_343 = tpu.memref_slice %arg7[%dma_wait3A_341, %dma_wait3A_342] : memref<112x128xi32, #tpu.memory_space<vmem>> -> memref<48x128xi32, #tpu.memory_space<vmem>>
        %dma_wait3A_344 = arith.constant 0 : i32
        %dma_wait3A_345 = arith.constant 0 : i32
        %dma_wait3A_346 = tpu.memref_slice %arg3[%run_scoped3A, %dma_wait3A_344, %dma_wait3A_345] : memref<2x2560x128xi32, #tpu.memory_space<hbm>> -> memref<1x2560x128xi32, #tpu.memory_space<hbm>>
        %dma_wait3A_347 = tpu.memref_squeeze %dma_wait3A_346 : memref<1x2560x128xi32, #tpu.memory_space<hbm>> -> memref<2560x128xi32, #tpu.memory_space<hbm>>
        %dma_wait3A_348 = arith.constant 0 : i32
        %dma_wait3A_349 = tpu.memref_slice %dma_wait3A_347[%select_n3A, %dma_wait3A_348] : memref<2560x128xi32, #tpu.memory_space<hbm>> -> memref<48x128xi32, #tpu.memory_space<hbm>>
        tpu.wait_dma2 semaphore(%run_scoped3A_313 : memref<!tpu.dma_semaphore, #tpu.memory_space<semaphore_mem>>) src(%dma_wait3A_349 : memref<48x128xi32, #tpu.memory_space<hbm>>) dst(%dma_wait3A_343 : memref<48x128xi32, #tpu.memory_space<vmem>>)
        tpu.yield
      }) : () -> ()
    } else {
    }
    %barrier3A = arith.constant 0 : index
    tpu.barrier barrier_id(%barrier3A)
    %dma_start3A = arith.constant 0 : i32
    %dma_start3A_23 = arith.constant 0 : i32
    %dma_start3A_24 = arith.constant 0 : i32
    %dma_start3A_25 = arith.constant 0 : i32
    %dma_start3A_26 = arith.constant 0 : i32
    %dma_start3A_27 = tpu.memref_slice %arg8[%dma_start3A_23, %dma_start3A_25, %dma_start3A_26] : memref<8x128x8xf32, #tpu.memory_space<vmem>> -> memref<1x128x8xf32, #tpu.memory_space<vmem>>
    %dma_start3A_28 = tpu.memref_squeeze %dma_start3A_27 : memref<1x128x8xf32, #tpu.memory_space<vmem>> -> memref<128x8xf32, #tpu.memory_space<vmem>>
    %dma_start3A_29 = arith.constant 0 : i32
    %dma_start3A_30 = tpu.memref_slice %arg6[%dma_start3A, %dma_start3A_29] : memref<112x128xi32, #tpu.memory_space<vmem>> -> memref<1x128xi32, #tpu.memory_space<vmem>>
    %dma_start3A_31 = tpu.memref_squeeze %dma_start3A_30 : memref<1x128xi32, #tpu.memory_space<vmem>> -> memref<128xi32, #tpu.memory_space<vmem>>
    %dma_start3A_32 = arith.constant 0 : i32
    %dma_start3A_33 = arith.constant 0 : i32
    %dma_start3A_34 = tpu.memref_slice %arg2[%dma_start3A_32, %dma_start3A_33] : memref<10016x8xf32, #tpu.memory_space<hbm>> -> memref<10016x8xf32, #tpu.memory_space<hbm>>
    %dma_start3A_35 = tpu.memref_slice %arg10[%dma_start3A_24] : memref<8x!tpu.dma_semaphore, #tpu.memory_space<semaphore_mem>> -> memref<1x!tpu.dma_semaphore, #tpu.memory_space<semaphore_mem>>
    %dma_start3A_36 = tpu.memref_squeeze %dma_start3A_35 : memref<1x!tpu.dma_semaphore, #tpu.memory_space<semaphore_mem>> -> memref<!tpu.dma_semaphore, #tpu.memory_space<semaphore_mem>>
    tpu.enqueue_indirect_dma source(%dma_start3A_34 : memref<10016x8xf32, #tpu.memory_space<hbm>>) target(%dma_start3A_28 : memref<128x8xf32, #tpu.memory_space<vmem>>) offsets(%dma_start3A_31 : memref<128xi32, #tpu.memory_space<vmem>>) semaphore(%dma_start3A_36 : memref<!tpu.dma_semaphore, #tpu.memory_space<semaphore_mem>>)
    %dma_start3A_37 = arith.constant 1 : i32
    %dma_start3A_38 = arith.constant 1 : i32
    %dma_start3A_39 = arith.constant 1 : i32
    %dma_start3A_40 = arith.constant 0 : i32
    %dma_start3A_41 = arith.constant 0 : i32
    %dma_start3A_42 = tpu.memref_slice %arg8[%dma_start3A_38, %dma_start3A_40, %dma_start3A_41] : memref<8x128x8xf32, #tpu.memory_space<vmem>> -> memref<1x128x8xf32, #tpu.memory_space<vmem>>
    %dma_start3A_43 = tpu.memref_squeeze %dma_start3A_42 : memref<1x128x8xf32, #tpu.memory_space<vmem>> -> memref<128x8xf32, #tpu.memory_space<vmem>>
    %dma_start3A_44 = arith.constant 0 : i32
    %dma_start3A_45 = tpu.memref_slice %arg6[%dma_start3A_37, %dma_start3A_44] : memref<112x128xi32, #tpu.memory_space<vmem>> -> memref<1x128xi32, #tpu.memory_space<vmem>>
    %dma_start3A_46 = tpu.memref_squeeze %dma_start3A_45 : memref<1x128xi32, #tpu.memory_space<vmem>> -> memref<128xi32, #tpu.memory_space<vmem>>
    %dma_start3A_47 = arith.constant 0 : i32
    %dma_start3A_48 = arith.constant 0 : i32
    %dma_start3A_49 = tpu.memref_slice %arg2[%dma_start3A_47, %dma_start3A_48] : memref<10016x8xf32, #tpu.memory_space<hbm>> -> memref<10016x8xf32, #tpu.memory_space<hbm>>
    %dma_start3A_50 = tpu.memref_slice %arg10[%dma_start3A_39] : memref<8x!tpu.dma_semaphore, #tpu.memory_space<semaphore_mem>> -> memref<1x!tpu.dma_semaphore, #tpu.memory_space<semaphore_mem>>
    %dma_start3A_51 = tpu.memref_squeeze %dma_start3A_50 : memref<1x!tpu.dma_semaphore, #tpu.memory_space<semaphore_mem>> -> memref<!tpu.dma_semaphore, #tpu.memory_space<semaphore_mem>>
    tpu.enqueue_indirect_dma source(%dma_start3A_49 : memref<10016x8xf32, #tpu.memory_space<hbm>>) target(%dma_start3A_43 : memref<128x8xf32, #tpu.memory_space<vmem>>) offsets(%dma_start3A_46 : memref<128xi32, #tpu.memory_space<vmem>>) semaphore(%dma_start3A_51 : memref<!tpu.dma_semaphore, #tpu.memory_space<semaphore_mem>>)
    %dma_start3A_52 = arith.constant 2 : i32
    %dma_start3A_53 = arith.constant 2 : i32
    %dma_start3A_54 = arith.constant 2 : i32
    %dma_start3A_55 = arith.constant 0 : i32
    %dma_start3A_56 = arith.constant 0 : i32
    %dma_start3A_57 = tpu.memref_slice %arg8[%dma_start3A_53, %dma_start3A_55, %dma_start3A_56] : memref<8x128x8xf32, #tpu.memory_space<vmem>> -> memref<1x128x8xf32, #tpu.memory_space<vmem>>
    %dma_start3A_58 = tpu.memref_squeeze %dma_start3A_57 : memref<1x128x8xf32, #tpu.memory_space<vmem>> -> memref<128x8xf32, #tpu.memory_space<vmem>>
    %dma_start3A_59 = arith.constant 0 : i32
    %dma_start3A_60 = tpu.memref_slice %arg6[%dma_start3A_52, %dma_start3A_59] : memref<112x128xi32, #tpu.memory_space<vmem>> -> memref<1x128xi32, #tpu.memory_space<vmem>>
    %dma_start3A_61 = tpu.memref_squeeze %dma_start3A_60 : memref<1x128xi32, #tpu.memory_space<vmem>> -> memref<128xi32, #tpu.memory_space<vmem>>
    %dma_start3A_62 = arith.constant 0 : i32
    %dma_start3A_63 = arith.constant 0 : i32
    %dma_start3A_64 = tpu.memref_slice %arg2[%dma_start3A_62, %dma_start3A_63] : memref<10016x8xf32, #tpu.memory_space<hbm>> -> memref<10016x8xf32, #tpu.memory_space<hbm>>
    %dma_start3A_65 = tpu.memref_slice %arg10[%dma_start3A_54] : memref<8x!tpu.dma_semaphore, #tpu.memory_space<semaphore_mem>> -> memref<1x!tpu.dma_semaphore, #tpu.memory_space<semaphore_mem>>
    %dma_start3A_66 = tpu.memref_squeeze %dma_start3A_65 : memref<1x!tpu.dma_semaphore, #tpu.memory_space<semaphore_mem>> -> memref<!tpu.dma_semaphore, #tpu.memory_space<semaphore_mem>>
    tpu.enqueue_indirect_dma source(%dma_start3A_64 : memref<10016x8xf32, #tpu.memory_space<hbm>>) target(%dma_start3A_58 : memref<128x8xf32, #tpu.memory_space<vmem>>) offsets(%dma_start3A_61 : memref<128xi32, #tpu.memory_space<vmem>>) semaphore(%dma_start3A_66 : memref<!tpu.dma_semaphore, #tpu.memory_space<semaphore_mem>>)
    %dma_start3A_67 = arith.constant 3 : i32
    %dma_start3A_68 = arith.constant 3 : i32
    %dma_start3A_69 = arith.constant 3 : i32
    %dma_start3A_70 = arith.constant 0 : i32
    %dma_start3A_71 = arith.constant 0 : i32
    %dma_start3A_72 = tpu.memref_slice %arg8[%dma_start3A_68, %dma_start3A_70, %dma_start3A_71] : memref<8x128x8xf32, #tpu.memory_space<vmem>> -> memref<1x128x8xf32, #tpu.memory_space<vmem>>
    %dma_start3A_73 = tpu.memref_squeeze %dma_start3A_72 : memref<1x128x8xf32, #tpu.memory_space<vmem>> -> memref<128x8xf32, #tpu.memory_space<vmem>>
    %dma_start3A_74 = arith.constant 0 : i32
    %dma_start3A_75 = tpu.memref_slice %arg6[%dma_start3A_67, %dma_start3A_74] : memref<112x128xi32, #tpu.memory_space<vmem>> -> memref<1x128xi32, #tpu.memory_space<vmem>>
    %dma_start3A_76 = tpu.memref_squeeze %dma_start3A_75 : memref<1x128xi32, #tpu.memory_space<vmem>> -> memref<128xi32, #tpu.memory_space<vmem>>
    %dma_start3A_77 = arith.constant 0 : i32
    %dma_start3A_78 = arith.constant 0 : i32
    %dma_start3A_79 = tpu.memref_slice %arg2[%dma_start3A_77, %dma_start3A_78] : memref<10016x8xf32, #tpu.memory_space<hbm>> -> memref<10016x8xf32, #tpu.memory_space<hbm>>
    %dma_start3A_80 = tpu.memref_slice %arg10[%dma_start3A_69] : memref<8x!tpu.dma_semaphore, #tpu.memory_space<semaphore_mem>> -> memref<1x!tpu.dma_semaphore, #tpu.memory_space<semaphore_mem>>
    %dma_start3A_81 = tpu.memref_squeeze %dma_start3A_80 : memref<1x!tpu.dma_semaphore, #tpu.memory_space<semaphore_mem>> -> memref<!tpu.dma_semaphore, #tpu.memory_space<semaphore_mem>>
    tpu.enqueue_indirect_dma source(%dma_start3A_79 : memref<10016x8xf32, #tpu.memory_space<hbm>>) target(%dma_start3A_73 : memref<128x8xf32, #tpu.memory_space<vmem>>) offsets(%dma_start3A_76 : memref<128xi32, #tpu.memory_space<vmem>>) semaphore(%dma_start3A_81 : memref<!tpu.dma_semaphore, #tpu.memory_space<semaphore_mem>>)
    %dma_start3A_82 = arith.constant 4 : i32
    %dma_start3A_83 = arith.constant 4 : i32
    %dma_start3A_84 = arith.constant 4 : i32
    %dma_start3A_85 = arith.constant 0 : i32
    %dma_start3A_86 = arith.constant 0 : i32
    %dma_start3A_87 = tpu.memref_slice %arg8[%dma_start3A_83, %dma_start3A_85, %dma_start3A_86] : memref<8x128x8xf32, #tpu.memory_space<vmem>> -> memref<1x128x8xf32, #tpu.memory_space<vmem>>
    %dma_start3A_88 = tpu.memref_squeeze %dma_start3A_87 : memref<1x128x8xf32, #tpu.memory_space<vmem>> -> memref<128x8xf32, #tpu.memory_space<vmem>>
    %dma_start3A_89 = arith.constant 0 : i32
    %dma_start3A_90 = tpu.memref_slice %arg6[%dma_start3A_82, %dma_start3A_89] : memref<112x128xi32, #tpu.memory_space<vmem>> -> memref<1x128xi32, #tpu.memory_space<vmem>>
    %dma_start3A_91 = tpu.memref_squeeze %dma_start3A_90 : memref<1x128xi32, #tpu.memory_space<vmem>> -> memref<128xi32, #tpu.memory_space<vmem>>
    %dma_start3A_92 = arith.constant 0 : i32
    %dma_start3A_93 = arith.constant 0 : i32
    %dma_start3A_94 = tpu.memref_slice %arg2[%dma_start3A_92, %dma_start3A_93] : memref<10016x8xf32, #tpu.memory_space<hbm>> -> memref<10016x8xf32, #tpu.memory_space<hbm>>
    %dma_start3A_95 = tpu.memref_slice %arg10[%dma_start3A_84] : memref<8x!tpu.dma_semaphore, #tpu.memory_space<semaphore_mem>> -> memref<1x!tpu.dma_semaphore, #tpu.memory_space<semaphore_mem>>
    %dma_start3A_96 = tpu.memref_squeeze %dma_start3A_95 : memref<1x!tpu.dma_semaphore, #tpu.memory_space<semaphore_mem>> -> memref<!tpu.dma_semaphore, #tpu.memory_space<semaphore_mem>>
    tpu.enqueue_indirect_dma source(%dma_start3A_94 : memref<10016x8xf32, #tpu.memory_space<hbm>>) target(%dma_start3A_88 : memref<128x8xf32, #tpu.memory_space<vmem>>) offsets(%dma_start3A_91 : memref<128xi32, #tpu.memory_space<vmem>>) semaphore(%dma_start3A_96 : memref<!tpu.dma_semaphore, #tpu.memory_space<semaphore_mem>>)
    %dma_start3A_97 = arith.constant 5 : i32
    %dma_start3A_98 = arith.constant 5 : i32
    %dma_start3A_99 = arith.constant 5 : i32
    %dma_start3A_100 = arith.constant 0 : i32
    %dma_start3A_101 = arith.constant 0 : i32
    %dma_start3A_102 = tpu.memref_slice %arg8[%dma_start3A_98, %dma_start3A_100, %dma_start3A_101] : memref<8x128x8xf32, #tpu.memory_space<vmem>> -> memref<1x128x8xf32, #tpu.memory_space<vmem>>
    %dma_start3A_103 = tpu.memref_squeeze %dma_start3A_102 : memref<1x128x8xf32, #tpu.memory_space<vmem>> -> memref<128x8xf32, #tpu.memory_space<vmem>>
    %dma_start3A_104 = arith.constant 0 : i32
    %dma_start3A_105 = tpu.memref_slice %arg6[%dma_start3A_97, %dma_start3A_104] : memref<112x128xi32, #tpu.memory_space<vmem>> -> memref<1x128xi32, #tpu.memory_space<vmem>>
    %dma_start3A_106 = tpu.memref_squeeze %dma_start3A_105 : memref<1x128xi32, #tpu.memory_space<vmem>> -> memref<128xi32, #tpu.memory_space<vmem>>
    %dma_start3A_107 = arith.constant 0 : i32
    %dma_start3A_108 = arith.constant 0 : i32
    %dma_start3A_109 = tpu.memref_slice %arg2[%dma_start3A_107, %dma_start3A_108] : memref<10016x8xf32, #tpu.memory_space<hbm>> -> memref<10016x8xf32, #tpu.memory_space<hbm>>
    %dma_start3A_110 = tpu.memref_slice %arg10[%dma_start3A_99] : memref<8x!tpu.dma_semaphore, #tpu.memory_space<semaphore_mem>> -> memref<1x!tpu.dma_semaphore, #tpu.memory_space<semaphore_mem>>
    %dma_start3A_111 = tpu.memref_squeeze %dma_start3A_110 : memref<1x!tpu.dma_semaphore, #tpu.memory_space<semaphore_mem>> -> memref<!tpu.dma_semaphore, #tpu.memory_space<semaphore_mem>>
    tpu.enqueue_indirect_dma source(%dma_start3A_109 : memref<10016x8xf32, #tpu.memory_space<hbm>>) target(%dma_start3A_103 : memref<128x8xf32, #tpu.memory_space<vmem>>) offsets(%dma_start3A_106 : memref<128xi32, #tpu.memory_space<vmem>>) semaphore(%dma_start3A_111 : memref<!tpu.dma_semaphore, #tpu.memory_space<semaphore_mem>>)
    %dma_start3A_112 = arith.constant 6 : i32
    %dma_start3A_113 = arith.constant 6 : i32
    %dma_start3A_114 = arith.constant 6 : i32
    %dma_start3A_115 = arith.constant 0 : i32
    %dma_start3A_116 = arith.constant 0 : i32
    %dma_start3A_117 = tpu.memref_slice %arg8[%dma_start3A_113, %dma_start3A_115, %dma_start3A_116] : memref<8x128x8xf32, #tpu.memory_space<vmem>> -> memref<1x128x8xf32, #tpu.memory_space<vmem>>
    %dma_start3A_118 = tpu.memref_squeeze %dma_start3A_117 : memref<1x128x8xf32, #tpu.memory_space<vmem>> -> memref<128x8xf32, #tpu.memory_space<vmem>>
    %dma_start3A_119 = arith.constant 0 : i32
    %dma_start3A_120 = tpu.memref_slice %arg6[%dma_start3A_112, %dma_start3A_119] : memref<112x128xi32, #tpu.memory_space<vmem>> -> memref<1x128xi32, #tpu.memory_space<vmem>>
    %dma_start3A_121 = tpu.memref_squeeze %dma_start3A_120 : memref<1x128xi32, #tpu.memory_space<vmem>> -> memref<128xi32, #tpu.memory_space<vmem>>
    %dma_start3A_122 = arith.constant 0 : i32
    %dma_start3A_123 = arith.constant 0 : i32
    %dma_start3A_124 = tpu.memref_slice %arg2[%dma_start3A_122, %dma_start3A_123] : memref<10016x8xf32, #tpu.memory_space<hbm>> -> memref<10016x8xf32, #tpu.memory_space<hbm>>
    %dma_start3A_125 = tpu.memref_slice %arg10[%dma_start3A_114] : memref<8x!tpu.dma_semaphore, #tpu.memory_space<semaphore_mem>> -> memref<1x!tpu.dma_semaphore, #tpu.memory_space<semaphore_mem>>
    %dma_start3A_126 = tpu.memref_squeeze %dma_start3A_125 : memref<1x!tpu.dma_semaphore, #tpu.memory_space<semaphore_mem>> -> memref<!tpu.dma_semaphore, #tpu.memory_space<semaphore_mem>>
    tpu.enqueue_indirect_dma source(%dma_start3A_124 : memref<10016x8xf32, #tpu.memory_space<hbm>>) target(%dma_start3A_118 : memref<128x8xf32, #tpu.memory_space<vmem>>) offsets(%dma_start3A_121 : memref<128xi32, #tpu.memory_space<vmem>>) semaphore(%dma_start3A_126 : memref<!tpu.dma_semaphore, #tpu.memory_space<semaphore_mem>>)
    %dma_start3A_127 = arith.constant 7 : i32
    %dma_start3A_128 = arith.constant 7 : i32
    %dma_start3A_129 = arith.constant 7 : i32
    %dma_start3A_130 = arith.constant 0 : i32
    %dma_start3A_131 = arith.constant 0 : i32
    %dma_start3A_132 = tpu.memref_slice %arg8[%dma_start3A_128, %dma_start3A_130, %dma_start3A_131] : memref<8x128x8xf32, #tpu.memory_space<vmem>> -> memref<1x128x8xf32, #tpu.memory_space<vmem>>
    %dma_start3A_133 = tpu.memref_squeeze %dma_start3A_132 : memref<1x128x8xf32, #tpu.memory_space<vmem>> -> memref<128x8xf32, #tpu.memory_space<vmem>>
    %dma_start3A_134 = arith.constant 0 : i32
    %dma_start3A_135 = tpu.memref_slice %arg6[%dma_start3A_127, %dma_start3A_134] : memref<112x128xi32, #tpu.memory_space<vmem>> -> memref<1x128xi32, #tpu.memory_space<vmem>>
    %dma_start3A_136 = tpu.memref_squeeze %dma_start3A_135 : memref<1x128xi32, #tpu.memory_space<vmem>> -> memref<128xi32, #tpu.memory_space<vmem>>
    %dma_start3A_137 = arith.constant 0 : i32
    %dma_start3A_138 = arith.constant 0 : i32
    %dma_start3A_139 = tpu.memref_slice %arg2[%dma_start3A_137, %dma_start3A_138] : memref<10016x8xf32, #tpu.memory_space<hbm>> -> memref<10016x8xf32, #tpu.memory_space<hbm>>
    %dma_start3A_140 = tpu.memref_slice %arg10[%dma_start3A_129] : memref<8x!tpu.dma_semaphore, #tpu.memory_space<semaphore_mem>> -> memref<1x!tpu.dma_semaphore, #tpu.memory_space<semaphore_mem>>
    %dma_start3A_141 = tpu.memref_squeeze %dma_start3A_140 : memref<1x!tpu.dma_semaphore, #tpu.memory_space<semaphore_mem>> -> memref<!tpu.dma_semaphore, #tpu.memory_space<semaphore_mem>>
    tpu.enqueue_indirect_dma source(%dma_start3A_139 : memref<10016x8xf32, #tpu.memory_space<hbm>>) target(%dma_start3A_133 : memref<128x8xf32, #tpu.memory_space<vmem>>) offsets(%dma_start3A_136 : memref<128xi32, #tpu.memory_space<vmem>>) semaphore(%dma_start3A_141 : memref<!tpu.dma_semaphore, #tpu.memory_space<semaphore_mem>>)
    %jit3A = arith.constant 8 : i32
    %div3A = arith.divsi %select_n3A_7, %jit3A : i32
    %sign3A = arith.constant 0 : i32
    %sign3A_142 = arith.cmpi sgt, %select_n3A_7, %sign3A : i32
    %sign3A_143 = arith.extui %sign3A_142 : i1 to i32
    %sign3A_144 = arith.constant 0 : i32
    %sign3A_145 = arith.cmpi slt, %select_n3A_7, %sign3A_144 : i32
    %sign3A_146 = arith.extui %sign3A_145 : i1 to i32
    %sign3A_147 = arith.subi %sign3A_143, %sign3A_146 : i32
    %sign3A_148 = arith.constant 0 : i32
    %sign3A_149 = arith.cmpi sgt, %jit3A, %sign3A_148 : i32
    %sign3A_150 = arith.extui %sign3A_149 : i1 to i32
    %sign3A_151 = arith.constant 0 : i32
    %sign3A_152 = arith.cmpi slt, %jit3A, %sign3A_151 : i32
    %sign3A_153 = arith.extui %sign3A_152 : i1 to i32
    %sign3A_154 = arith.subi %sign3A_150, %sign3A_153 : i32
    %ne3A = arith.cmpi ne, %sign3A_147, %sign3A_154 : i32
    %rem3A = arith.remsi %select_n3A_7, %jit3A : i32
    %ne3A_155 = arith.constant 0 : i32
    %ne3A_156 = arith.cmpi ne, %rem3A, %ne3A_155 : i32
    %and3A = arith.andi %ne3A, %ne3A_156 : i1
    %sub3A = arith.constant 1 : i32
    %sub3A_157 = arith.subi %div3A, %sub3A : i32
    %select_n3A_158 = arith.select %and3A, %sub3A_157, %div3A : i32
    %while3A = arith.constant 0 : i32
    %while3A_159 = arith.subi %select_n3A_158, %while3A : i32
    %while3A_160 = arith.addi %while3A, %while3A_159 : i32
    %while3A_161 = arith.constant 1 : i32
    %while3A_162 = arith.divsi %while3A_159, %while3A_161 : i32
    %while3A_163 = arith.muli %while3A_162, %while3A_161 : i32
    %while3A_164 = arith.addi %while3A, %while3A_163 : i32
    %while3A_165 = arith.constant 1 : i32
    scf.for %while3A_313 = %while3A to %while3A_164 step %while3A_165  : i32 {
      %mul3A_314 = arith.constant 8 : i32
      %mul3A_315 = arith.muli %while3A_313, %mul3A_314 : i32
      %add3A_316 = arith.constant 0 : i32
      %add3A_317 = arith.addi %mul3A_315, %add3A_316 : i32
      %dma_wait3A_318 = arith.constant 0 : i32
      %dma_wait3A_319 = arith.constant 0 : i32
      %dma_wait3A_320 = arith.constant 0 : i32
      %dma_wait3A_321 = arith.constant 0 : i32
      %dma_wait3A_322 = tpu.memref_slice %arg8[%dma_wait3A_318, %dma_wait3A_320, %dma_wait3A_321] : memref<8x128x8xf32, #tpu.memory_space<vmem>> -> memref<1x128x8xf32, #tpu.memory_space<vmem>>
      %dma_wait3A_323 = tpu.memref_squeeze %dma_wait3A_322 : memref<1x128x8xf32, #tpu.memory_space<vmem>> -> memref<128x8xf32, #tpu.memory_space<vmem>>
      %dma_wait3A_324 = arith.constant 0 : i32
      %dma_wait3A_325 = tpu.memref_slice %arg6[%add3A_317, %dma_wait3A_324] : memref<112x128xi32, #tpu.memory_space<vmem>> -> memref<1x128xi32, #tpu.memory_space<vmem>>
      %dma_wait3A_326 = tpu.memref_squeeze %dma_wait3A_325 : memref<1x128xi32, #tpu.memory_space<vmem>> -> memref<128xi32, #tpu.memory_space<vmem>>
      %dma_wait3A_327 = arith.constant 0 : i32
      %dma_wait3A_328 = arith.constant 0 : i32
      %dma_wait3A_329 = tpu.memref_slice %arg2[%dma_wait3A_327, %dma_wait3A_328] : memref<10016x8xf32, #tpu.memory_space<hbm>> -> memref<10016x8xf32, #tpu.memory_space<hbm>>
      %dma_wait3A_330 = tpu.memref_slice %arg10[%dma_wait3A_319] : memref<8x!tpu.dma_semaphore, #tpu.memory_space<semaphore_mem>> -> memref<1x!tpu.dma_semaphore, #tpu.memory_space<semaphore_mem>>
      %dma_wait3A_331 = tpu.memref_squeeze %dma_wait3A_330 : memref<1x!tpu.dma_semaphore, #tpu.memory_space<semaphore_mem>> -> memref<!tpu.dma_semaphore, #tpu.memory_space<semaphore_mem>>
      tpu.wait_indirect_dma semaphore(%dma_wait3A_331 : memref<!tpu.dma_semaphore, #tpu.memory_space<semaphore_mem>>) src(%dma_wait3A_329 : memref<10016x8xf32, #tpu.memory_space<hbm>>) dst(%dma_wait3A_323 : memref<128x8xf32, #tpu.memory_space<vmem>>)
      %dma_start3A_332 = arith.constant 0 : i32
      %dma_start3A_333 = arith.constant 0 : i32
      %dma_start3A_334 = arith.constant 0 : i32
      %dma_start3A_335 = arith.constant 0 : i32
      %dma_start3A_336 = tpu.memref_slice %arg8[%dma_start3A_332, %dma_start3A_334, %dma_start3A_335] : memref<8x128x8xf32, #tpu.memory_space<vmem>> -> memref<1x128x8xf32, #tpu.memory_space<vmem>>
      %dma_start3A_337 = tpu.memref_squeeze %dma_start3A_336 : memref<1x128x8xf32, #tpu.memory_space<vmem>> -> memref<128x8xf32, #tpu.memory_space<vmem>>
      %dma_start3A_338 = arith.constant 0 : i32
      %dma_start3A_339 = tpu.memref_slice %arg7[%add3A_317, %dma_start3A_338] : memref<112x128xi32, #tpu.memory_space<vmem>> -> memref<1x128xi32, #tpu.memory_space<vmem>>
      %dma_start3A_340 = tpu.memref_squeeze %dma_start3A_339 : memref<1x128xi32, #tpu.memory_space<vmem>> -> memref<128xi32, #tpu.memory_space<vmem>>
      %dma_start3A_341 = arith.constant 0 : i32
      %dma_start3A_342 = arith.constant 0 : i32
      %dma_start3A_343 = tpu.memref_slice %arg9[%dma_start3A_341, %dma_start3A_342] : memref<10240x8xf32, #tpu.memory_space<vmem_shared>> -> memref<10240x8xf32, #tpu.memory_space<vmem_shared>>
      %dma_start3A_344 = tpu.memref_slice %arg11[%dma_start3A_333] : memref<8x!tpu.dma_semaphore, #tpu.memory_space<semaphore_mem>> -> memref<1x!tpu.dma_semaphore, #tpu.memory_space<semaphore_mem>>
      %dma_start3A_345 = tpu.memref_squeeze %dma_start3A_344 : memref<1x!tpu.dma_semaphore, #tpu.memory_space<semaphore_mem>> -> memref<!tpu.dma_semaphore, #tpu.memory_space<semaphore_mem>>
      tpu.enqueue_indirect_dma source(%dma_start3A_337 : memref<128x8xf32, #tpu.memory_space<vmem>>) target(%dma_start3A_343 : memref<10240x8xf32, #tpu.memory_space<vmem_shared>>) offsets(%dma_start3A_340 : memref<128xi32, #tpu.memory_space<vmem>>) semaphore(%dma_start3A_345 : memref<!tpu.dma_semaphore, #tpu.memory_space<semaphore_mem>>) {add = true}
      %add3A_346 = arith.constant 8 : i32
      %add3A_347 = arith.addi %add3A_317, %add3A_346 : i32
      %lt3A = arith.cmpi slt, %add3A_347, %select_n3A_7 : i32
      %convert_element_type3A_348 = arith.extui %lt3A : i1 to i32
      %cond3A_349 = arith.constant 0 : i32
      %cond3A_350 = arith.cmpi ne, %convert_element_type3A_348, %cond3A_349 : i32
      scf.if %cond3A_350 {
        %dma_wait3A_617 = arith.constant 0 : i32
        %dma_wait3A_618 = arith.constant 0 : i32
        %dma_wait3A_619 = arith.constant 0 : i32
        %dma_wait3A_620 = arith.constant 0 : i32
        %dma_wait3A_621 = tpu.memref_slice %arg8[%dma_wait3A_617, %dma_wait3A_619, %dma_wait3A_620] : memref<8x128x8xf32, #tpu.memory_space<vmem>> -> memref<1x128x8xf32, #tpu.memory_space<vmem>>
        %dma_wait3A_622 = tpu.memref_squeeze %dma_wait3A_621 : memref<1x128x8xf32, #tpu.memory_space<vmem>> -> memref<128x8xf32, #tpu.memory_space<vmem>>
        %dma_wait3A_623 = arith.constant 0 : i32
        %dma_wait3A_624 = tpu.memref_slice %arg7[%add3A_317, %dma_wait3A_623] : memref<112x128xi32, #tpu.memory_space<vmem>> -> memref<1x128xi32, #tpu.memory_space<vmem>>
        %dma_wait3A_625 = tpu.memref_squeeze %dma_wait3A_624 : memref<1x128xi32, #tpu.memory_space<vmem>> -> memref<128xi32, #tpu.memory_space<vmem>>
        %dma_wait3A_626 = arith.constant 0 : i32
        %dma_wait3A_627 = arith.constant 0 : i32
        %dma_wait3A_628 = tpu.memref_slice %arg9[%dma_wait3A_626, %dma_wait3A_627] : memref<10240x8xf32, #tpu.memory_space<vmem_shared>> -> memref<10240x8xf32, #tpu.memory_space<vmem_shared>>
        %dma_wait3A_629 = tpu.memref_slice %arg11[%dma_wait3A_618] : memref<8x!tpu.dma_semaphore, #tpu.memory_space<semaphore_mem>> -> memref<1x!tpu.dma_semaphore, #tpu.memory_space<semaphore_mem>>
        %dma_wait3A_630 = tpu.memref_squeeze %dma_wait3A_629 : memref<1x!tpu.dma_semaphore, #tpu.memory_space<semaphore_mem>> -> memref<!tpu.dma_semaphore, #tpu.memory_space<semaphore_mem>>
        tpu.wait_indirect_dma semaphore(%dma_wait3A_630 : memref<!tpu.dma_semaphore, #tpu.memory_space<semaphore_mem>>) src(%dma_wait3A_622 : memref<128x8xf32, #tpu.memory_space<vmem>>) dst(%dma_wait3A_628 : memref<10240x8xf32, #tpu.memory_space<vmem_shared>>)
        %dma_start3A_631 = arith.constant 0 : i32
        %dma_start3A_632 = arith.constant 0 : i32
        %dma_start3A_633 = arith.constant 0 : i32
        %dma_start3A_634 = arith.constant 0 : i32
        %dma_start3A_635 = tpu.memref_slice %arg8[%dma_start3A_631, %dma_start3A_633, %dma_start3A_634] : memref<8x128x8xf32, #tpu.memory_space<vmem>> -> memref<1x128x8xf32, #tpu.memory_space<vmem>>
        %dma_start3A_636 = tpu.memref_squeeze %dma_start3A_635 : memref<1x128x8xf32, #tpu.memory_space<vmem>> -> memref<128x8xf32, #tpu.memory_space<vmem>>
        %dma_start3A_637 = arith.constant 0 : i32
        %dma_start3A_638 = tpu.memref_slice %arg6[%add3A_347, %dma_start3A_637] : memref<112x128xi32, #tpu.memory_space<vmem>> -> memref<1x128xi32, #tpu.memory_space<vmem>>
        %dma_start3A_639 = tpu.memref_squeeze %dma_start3A_638 : memref<1x128xi32, #tpu.memory_space<vmem>> -> memref<128xi32, #tpu.memory_space<vmem>>
        %dma_start3A_640 = arith.constant 0 : i32
        %dma_start3A_641 = arith.constant 0 : i32
        %dma_start3A_642 = tpu.memref_slice %arg2[%dma_start3A_640, %dma_start3A_641] : memref<10016x8xf32, #tpu.memory_space<hbm>> -> memref<10016x8xf32, #tpu.memory_space<hbm>>
        %dma_start3A_643 = tpu.memref_slice %arg10[%dma_start3A_632] : memref<8x!tpu.dma_semaphore, #tpu.memory_space<semaphore_mem>> -> memref<1x!tpu.dma_semaphore, #tpu.memory_space<semaphore_mem>>
        %dma_start3A_644 = tpu.memref_squeeze %dma_start3A_643 : memref<1x!tpu.dma_semaphore, #tpu.memory_space<semaphore_mem>> -> memref<!tpu.dma_semaphore, #tpu.memory_space<semaphore_mem>>
        tpu.enqueue_indirect_dma source(%dma_start3A_642 : memref<10016x8xf32, #tpu.memory_space<hbm>>) target(%dma_start3A_636 : memref<128x8xf32, #tpu.memory_space<vmem>>) offsets(%dma_start3A_639 : memref<128xi32, #tpu.memory_space<vmem>>) semaphore(%dma_start3A_644 : memref<!tpu.dma_semaphore, #tpu.memory_space<semaphore_mem>>)
      } else {
      }
      %mul3A_351 = arith.constant 8 : i32
      %mul3A_352 = arith.muli %while3A_313, %mul3A_351 : i32
      %add3A_353 = arith.constant 1 : i32
      %add3A_354 = arith.addi %mul3A_352, %add3A_353 : i32
      %dma_wait3A_355 = arith.constant 1 : i32
      %dma_wait3A_356 = arith.constant 1 : i32
      %dma_wait3A_357 = arith.constant 0 : i32
      %dma_wait3A_358 = arith.constant 0 : i32
      %dma_wait3A_359 = tpu.memref_slice %arg8[%dma_wait3A_355, %dma_wait3A_357, %dma_wait3A_358] : memref<8x128x8xf32, #tpu.memory_space<vmem>> -> memref<1x128x8xf32, #tpu.memory_space<vmem>>
      %dma_wait3A_360 = tpu.memref_squeeze %dma_wait3A_359 : memref<1x128x8xf32, #tpu.memory_space<vmem>> -> memref<128x8xf32, #tpu.memory_space<vmem>>
      %dma_wait3A_361 = arith.constant 0 : i32
      %dma_wait3A_362 = tpu.memref_slice %arg6[%add3A_354, %dma_wait3A_361] : memref<112x128xi32, #tpu.memory_space<vmem>> -> memref<1x128xi32, #tpu.memory_space<vmem>>
      %dma_wait3A_363 = tpu.memref_squeeze %dma_wait3A_362 : memref<1x128xi32, #tpu.memory_space<vmem>> -> memref<128xi32, #tpu.memory_space<vmem>>
      %dma_wait3A_364 = arith.constant 0 : i32
      %dma_wait3A_365 = arith.constant 0 : i32
      %dma_wait3A_366 = tpu.memref_slice %arg2[%dma_wait3A_364, %dma_wait3A_365] : memref<10016x8xf32, #tpu.memory_space<hbm>> -> memref<10016x8xf32, #tpu.memory_space<hbm>>
      %dma_wait3A_367 = tpu.memref_slice %arg10[%dma_wait3A_356] : memref<8x!tpu.dma_semaphore, #tpu.memory_space<semaphore_mem>> -> memref<1x!tpu.dma_semaphore, #tpu.memory_space<semaphore_mem>>
      %dma_wait3A_368 = tpu.memref_squeeze %dma_wait3A_367 : memref<1x!tpu.dma_semaphore, #tpu.memory_space<semaphore_mem>> -> memref<!tpu.dma_semaphore, #tpu.memory_space<semaphore_mem>>
      tpu.wait_indirect_dma semaphore(%dma_wait3A_368 : memref<!tpu.dma_semaphore, #tpu.memory_space<semaphore_mem>>) src(%dma_wait3A_366 : memref<10016x8xf32, #tpu.memory_space<hbm>>) dst(%dma_wait3A_360 : memref<128x8xf32, #tpu.memory_space<vmem>>)
      %dma_start3A_369 = arith.constant 1 : i32
      %dma_start3A_370 = arith.constant 1 : i32
      %dma_start3A_371 = arith.constant 0 : i32
      %dma_start3A_372 = arith.constant 0 : i32
      %dma_start3A_373 = tpu.memref_slice %arg8[%dma_start3A_369, %dma_start3A_371, %dma_start3A_372] : memref<8x128x8xf32, #tpu.memory_space<vmem>> -> memref<1x128x8xf32, #tpu.memory_space<vmem>>
      %dma_start3A_374 = tpu.memref_squeeze %dma_start3A_373 : memref<1x128x8xf32, #tpu.memory_space<vmem>> -> memref<128x8xf32, #tpu.memory_space<vmem>>
      %dma_start3A_375 = arith.constant 0 : i32
      %dma_start3A_376 = tpu.memref_slice %arg7[%add3A_354, %dma_start3A_375] : memref<112x128xi32, #tpu.memory_space<vmem>> -> memref<1x128xi32, #tpu.memory_space<vmem>>
      %dma_start3A_377 = tpu.memref_squeeze %dma_start3A_376 : memref<1x128xi32, #tpu.memory_space<vmem>> -> memref<128xi32, #tpu.memory_space<vmem>>
      %dma_start3A_378 = arith.constant 0 : i32
      %dma_start3A_379 = arith.constant 0 : i32
      %dma_start3A_380 = tpu.memref_slice %arg9[%dma_start3A_378, %dma_start3A_379] : memref<10240x8xf32, #tpu.memory_space<vmem_shared>> -> memref<10240x8xf32, #tpu.memory_space<vmem_shared>>
      %dma_start3A_381 = tpu.memref_slice %arg11[%dma_start3A_370] : memref<8x!tpu.dma_semaphore, #tpu.memory_space<semaphore_mem>> -> memref<1x!tpu.dma_semaphore, #tpu.memory_space<semaphore_mem>>
      %dma_start3A_382 = tpu.memref_squeeze %dma_start3A_381 : memref<1x!tpu.dma_semaphore, #tpu.memory_space<semaphore_mem>> -> memref<!tpu.dma_semaphore, #tpu.memory_space<semaphore_mem>>
      tpu.enqueue_indirect_dma source(%dma_start3A_374 : memref<128x8xf32, #tpu.memory_space<vmem>>) target(%dma_start3A_380 : memref<10240x8xf32, #tpu.memory_space<vmem_shared>>) offsets(%dma_start3A_377 : memref<128xi32, #tpu.memory_space<vmem>>) semaphore(%dma_start3A_382 : memref<!tpu.dma_semaphore, #tpu.memory_space<semaphore_mem>>) {add = true}
      %add3A_383 = arith.constant 8 : i32
      %add3A_384 = arith.addi %add3A_354, %add3A_383 : i32
      %lt3A_385 = arith.cmpi slt, %add3A_384, %select_n3A_7 : i32
      %convert_element_type3A_386 = arith.extui %lt3A_385 : i1 to i32
      %cond3A_387 = arith.constant 0 : i32
      %cond3A_388 = arith.cmpi ne, %convert_element_type3A_386, %cond3A_387 : i32
      scf.if %cond3A_388 {
        %dma_wait3A_617 = arith.constant 1 : i32
        %dma_wait3A_618 = arith.constant 1 : i32
        %dma_wait3A_619 = arith.constant 0 : i32
        %dma_wait3A_620 = arith.constant 0 : i32
        %dma_wait3A_621 = tpu.memref_slice %arg8[%dma_wait3A_617, %dma_wait3A_619, %dma_wait3A_620] : memref<8x128x8xf32, #tpu.memory_space<vmem>> -> memref<1x128x8xf32, #tpu.memory_space<vmem>>
        %dma_wait3A_622 = tpu.memref_squeeze %dma_wait3A_621 : memref<1x128x8xf32, #tpu.memory_space<vmem>> -> memref<128x8xf32, #tpu.memory_space<vmem>>
        %dma_wait3A_623 = arith.constant 0 : i32
        %dma_wait3A_624 = tpu.memref_slice %arg7[%add3A_354, %dma_wait3A_623] : memref<112x128xi32, #tpu.memory_space<vmem>> -> memref<1x128xi32, #tpu.memory_space<vmem>>
        %dma_wait3A_625 = tpu.memref_squeeze %dma_wait3A_624 : memref<1x128xi32, #tpu.memory_space<vmem>> -> memref<128xi32, #tpu.memory_space<vmem>>
        %dma_wait3A_626 = arith.constant 0 : i32
        %dma_wait3A_627 = arith.constant 0 : i32
        %dma_wait3A_628 = tpu.memref_slice %arg9[%dma_wait3A_626, %dma_wait3A_627] : memref<10240x8xf32, #tpu.memory_space<vmem_shared>> -> memref<10240x8xf32, #tpu.memory_space<vmem_shared>>
        %dma_wait3A_629 = tpu.memref_slice %arg11[%dma_wait3A_618] : memref<8x!tpu.dma_semaphore, #tpu.memory_space<semaphore_mem>> -> memref<1x!tpu.dma_semaphore, #tpu.memory_space<semaphore_mem>>
        %dma_wait3A_630 = tpu.memref_squeeze %dma_wait3A_629 : memref<1x!tpu.dma_semaphore, #tpu.memory_space<semaphore_mem>> -> memref<!tpu.dma_semaphore, #tpu.memory_space<semaphore_mem>>
        tpu.wait_indirect_dma semaphore(%dma_wait3A_630 : memref<!tpu.dma_semaphore, #tpu.memory_space<semaphore_mem>>) src(%dma_wait3A_622 : memref<128x8xf32, #tpu.memory_space<vmem>>) dst(%dma_wait3A_628 : memref<10240x8xf32, #tpu.memory_space<vmem_shared>>)
        %dma_start3A_631 = arith.constant 1 : i32
        %dma_start3A_632 = arith.constant 1 : i32
        %dma_start3A_633 = arith.constant 0 : i32
        %dma_start3A_634 = arith.constant 0 : i32
        %dma_start3A_635 = tpu.memref_slice %arg8[%dma_start3A_631, %dma_start3A_633, %dma_start3A_634] : memref<8x128x8xf32, #tpu.memory_space<vmem>> -> memref<1x128x8xf32, #tpu.memory_space<vmem>>
        %dma_start3A_636 = tpu.memref_squeeze %dma_start3A_635 : memref<1x128x8xf32, #tpu.memory_space<vmem>> -> memref<128x8xf32, #tpu.memory_space<vmem>>
        %dma_start3A_637 = arith.constant 0 : i32
        %dma_start3A_638 = tpu.memref_slice %arg6[%add3A_384, %dma_start3A_637] : memref<112x128xi32, #tpu.memory_space<vmem>> -> memref<1x128xi32, #tpu.memory_space<vmem>>
        %dma_start3A_639 = tpu.memref_squeeze %dma_start3A_638 : memref<1x128xi32, #tpu.memory_space<vmem>> -> memref<128xi32, #tpu.memory_space<vmem>>
        %dma_start3A_640 = arith.constant 0 : i32
        %dma_start3A_641 = arith.constant 0 : i32
        %dma_start3A_642 = tpu.memref_slice %arg2[%dma_start3A_640, %dma_start3A_641] : memref<10016x8xf32, #tpu.memory_space<hbm>> -> memref<10016x8xf32, #tpu.memory_space<hbm>>
        %dma_start3A_643 = tpu.memref_slice %arg10[%dma_start3A_632] : memref<8x!tpu.dma_semaphore, #tpu.memory_space<semaphore_mem>> -> memref<1x!tpu.dma_semaphore, #tpu.memory_space<semaphore_mem>>
        %dma_start3A_644 = tpu.memref_squeeze %dma_start3A_643 : memref<1x!tpu.dma_semaphore, #tpu.memory_space<semaphore_mem>> -> memref<!tpu.dma_semaphore, #tpu.memory_space<semaphore_mem>>
        tpu.enqueue_indirect_dma source(%dma_start3A_642 : memref<10016x8xf32, #tpu.memory_space<hbm>>) target(%dma_start3A_636 : memref<128x8xf32, #tpu.memory_space<vmem>>) offsets(%dma_start3A_639 : memref<128xi32, #tpu.memory_space<vmem>>) semaphore(%dma_start3A_644 : memref<!tpu.dma_semaphore, #tpu.memory_space<semaphore_mem>>)
      } else {
      }
      %mul3A_389 = arith.constant 8 : i32
      %mul3A_390 = arith.muli %while3A_313, %mul3A_389 : i32
      %add3A_391 = arith.constant 2 : i32
      %add3A_392 = arith.addi %mul3A_390, %add3A_391 : i32
      %dma_wait3A_393 = arith.constant 2 : i32
      %dma_wait3A_394 = arith.constant 2 : i32
      %dma_wait3A_395 = arith.constant 0 : i32
      %dma_wait3A_396 = arith.constant 0 : i32
      %dma_wait3A_397 = tpu.memref_slice %arg8[%dma_wait3A_393, %dma_wait3A_395, %dma_wait3A_396] : memref<8x128x8xf32, #tpu.memory_space<vmem>> -> memref<1x128x8xf32, #tpu.memory_space<vmem>>
      %dma_wait3A_398 = tpu.memref_squeeze %dma_wait3A_397 : memref<1x128x8xf32, #tpu.memory_space<vmem>> -> memref<128x8xf32, #tpu.memory_space<vmem>>
      %dma_wait3A_399 = arith.constant 0 : i32
      %dma_wait3A_400 = tpu.memref_slice %arg6[%add3A_392, %dma_wait3A_399] : memref<112x128xi32, #tpu.memory_space<vmem>> -> memref<1x128xi32, #tpu.memory_space<vmem>>
      %dma_wait3A_401 = tpu.memref_squeeze %dma_wait3A_400 : memref<1x128xi32, #tpu.memory_space<vmem>> -> memref<128xi32, #tpu.memory_space<vmem>>
      %dma_wait3A_402 = arith.constant 0 : i32
      %dma_wait3A_403 = arith.constant 0 : i32
      %dma_wait3A_404 = tpu.memref_slice %arg2[%dma_wait3A_402, %dma_wait3A_403] : memref<10016x8xf32, #tpu.memory_space<hbm>> -> memref<10016x8xf32, #tpu.memory_space<hbm>>
      %dma_wait3A_405 = tpu.memref_slice %arg10[%dma_wait3A_394] : memref<8x!tpu.dma_semaphore, #tpu.memory_space<semaphore_mem>> -> memref<1x!tpu.dma_semaphore, #tpu.memory_space<semaphore_mem>>
      %dma_wait3A_406 = tpu.memref_squeeze %dma_wait3A_405 : memref<1x!tpu.dma_semaphore, #tpu.memory_space<semaphore_mem>> -> memref<!tpu.dma_semaphore, #tpu.memory_space<semaphore_mem>>
      tpu.wait_indirect_dma semaphore(%dma_wait3A_406 : memref<!tpu.dma_semaphore, #tpu.memory_space<semaphore_mem>>) src(%dma_wait3A_404 : memref<10016x8xf32, #tpu.memory_space<hbm>>) dst(%dma_wait3A_398 : memref<128x8xf32, #tpu.memory_space<vmem>>)
      %dma_start3A_407 = arith.constant 2 : i32
      %dma_start3A_408 = arith.constant 2 : i32
      %dma_start3A_409 = arith.constant 0 : i32
      %dma_start3A_410 = arith.constant 0 : i32
      %dma_start3A_411 = tpu.memref_slice %arg8[%dma_start3A_407, %dma_start3A_409, %dma_start3A_410] : memref<8x128x8xf32, #tpu.memory_space<vmem>> -> memref<1x128x8xf32, #tpu.memory_space<vmem>>
      %dma_start3A_412 = tpu.memref_squeeze %dma_start3A_411 : memref<1x128x8xf32, #tpu.memory_space<vmem>> -> memref<128x8xf32, #tpu.memory_space<vmem>>
      %dma_start3A_413 = arith.constant 0 : i32
      %dma_start3A_414 = tpu.memref_slice %arg7[%add3A_392, %dma_start3A_413] : memref<112x128xi32, #tpu.memory_space<vmem>> -> memref<1x128xi32, #tpu.memory_space<vmem>>
      %dma_start3A_415 = tpu.memref_squeeze %dma_start3A_414 : memref<1x128xi32, #tpu.memory_space<vmem>> -> memref<128xi32, #tpu.memory_space<vmem>>
      %dma_start3A_416 = arith.constant 0 : i32
      %dma_start3A_417 = arith.constant 0 : i32
      %dma_start3A_418 = tpu.memref_slice %arg9[%dma_start3A_416, %dma_start3A_417] : memref<10240x8xf32, #tpu.memory_space<vmem_shared>> -> memref<10240x8xf32, #tpu.memory_space<vmem_shared>>
      %dma_start3A_419 = tpu.memref_slice %arg11[%dma_start3A_408] : memref<8x!tpu.dma_semaphore, #tpu.memory_space<semaphore_mem>> -> memref<1x!tpu.dma_semaphore, #tpu.memory_space<semaphore_mem>>
      %dma_start3A_420 = tpu.memref_squeeze %dma_start3A_419 : memref<1x!tpu.dma_semaphore, #tpu.memory_space<semaphore_mem>> -> memref<!tpu.dma_semaphore, #tpu.memory_space<semaphore_mem>>
      tpu.enqueue_indirect_dma source(%dma_start3A_412 : memref<128x8xf32, #tpu.memory_space<vmem>>) target(%dma_start3A_418 : memref<10240x8xf32, #tpu.memory_space<vmem_shared>>) offsets(%dma_start3A_415 : memref<128xi32, #tpu.memory_space<vmem>>) semaphore(%dma_start3A_420 : memref<!tpu.dma_semaphore, #tpu.memory_space<semaphore_mem>>) {add = true}
      %add3A_421 = arith.constant 8 : i32
      %add3A_422 = arith.addi %add3A_392, %add3A_421 : i32
      %lt3A_423 = arith.cmpi slt, %add3A_422, %select_n3A_7 : i32
      %convert_element_type3A_424 = arith.extui %lt3A_423 : i1 to i32
      %cond3A_425 = arith.constant 0 : i32
      %cond3A_426 = arith.cmpi ne, %convert_element_type3A_424, %cond3A_425 : i32
      scf.if %cond3A_426 {
        %dma_wait3A_617 = arith.constant 2 : i32
        %dma_wait3A_618 = arith.constant 2 : i32
        %dma_wait3A_619 = arith.constant 0 : i32
        %dma_wait3A_620 = arith.constant 0 : i32
        %dma_wait3A_621 = tpu.memref_slice %arg8[%dma_wait3A_617, %dma_wait3A_619, %dma_wait3A_620] : memref<8x128x8xf32, #tpu.memory_space<vmem>> -> memref<1x128x8xf32, #tpu.memory_space<vmem>>
        %dma_wait3A_622 = tpu.memref_squeeze %dma_wait3A_621 : memref<1x128x8xf32, #tpu.memory_space<vmem>> -> memref<128x8xf32, #tpu.memory_space<vmem>>
        %dma_wait3A_623 = arith.constant 0 : i32
        %dma_wait3A_624 = tpu.memref_slice %arg7[%add3A_392, %dma_wait3A_623] : memref<112x128xi32, #tpu.memory_space<vmem>> -> memref<1x128xi32, #tpu.memory_space<vmem>>
        %dma_wait3A_625 = tpu.memref_squeeze %dma_wait3A_624 : memref<1x128xi32, #tpu.memory_space<vmem>> -> memref<128xi32, #tpu.memory_space<vmem>>
        %dma_wait3A_626 = arith.constant 0 : i32
        %dma_wait3A_627 = arith.constant 0 : i32
        %dma_wait3A_628 = tpu.memref_slice %arg9[%dma_wait3A_626, %dma_wait3A_627] : memref<10240x8xf32, #tpu.memory_space<vmem_shared>> -> memref<10240x8xf32, #tpu.memory_space<vmem_shared>>
        %dma_wait3A_629 = tpu.memref_slice %arg11[%dma_wait3A_618] : memref<8x!tpu.dma_semaphore, #tpu.memory_space<semaphore_mem>> -> memref<1x!tpu.dma_semaphore, #tpu.memory_space<semaphore_mem>>
        %dma_wait3A_630 = tpu.memref_squeeze %dma_wait3A_629 : memref<1x!tpu.dma_semaphore, #tpu.memory_space<semaphore_mem>> -> memref<!tpu.dma_semaphore, #tpu.memory_space<semaphore_mem>>
        tpu.wait_indirect_dma semaphore(%dma_wait3A_630 : memref<!tpu.dma_semaphore, #tpu.memory_space<semaphore_mem>>) src(%dma_wait3A_622 : memref<128x8xf32, #tpu.memory_space<vmem>>) dst(%dma_wait3A_628 : memref<10240x8xf32, #tpu.memory_space<vmem_shared>>)
        %dma_start3A_631 = arith.constant 2 : i32
        %dma_start3A_632 = arith.constant 2 : i32
        %dma_start3A_633 = arith.constant 0 : i32
        %dma_start3A_634 = arith.constant 0 : i32
        %dma_start3A_635 = tpu.memref_slice %arg8[%dma_start3A_631, %dma_start3A_633, %dma_start3A_634] : memref<8x128x8xf32, #tpu.memory_space<vmem>> -> memref<1x128x8xf32, #tpu.memory_space<vmem>>
        %dma_start3A_636 = tpu.memref_squeeze %dma_start3A_635 : memref<1x128x8xf32, #tpu.memory_space<vmem>> -> memref<128x8xf32, #tpu.memory_space<vmem>>
        %dma_start3A_637 = arith.constant 0 : i32
        %dma_start3A_638 = tpu.memref_slice %arg6[%add3A_422, %dma_start3A_637] : memref<112x128xi32, #tpu.memory_space<vmem>> -> memref<1x128xi32, #tpu.memory_space<vmem>>
        %dma_start3A_639 = tpu.memref_squeeze %dma_start3A_638 : memref<1x128xi32, #tpu.memory_space<vmem>> -> memref<128xi32, #tpu.memory_space<vmem>>
        %dma_start3A_640 = arith.constant 0 : i32
        %dma_start3A_641 = arith.constant 0 : i32
        %dma_start3A_642 = tpu.memref_slice %arg2[%dma_start3A_640, %dma_start3A_641] : memref<10016x8xf32, #tpu.memory_space<hbm>> -> memref<10016x8xf32, #tpu.memory_space<hbm>>
        %dma_start3A_643 = tpu.memref_slice %arg10[%dma_start3A_632] : memref<8x!tpu.dma_semaphore, #tpu.memory_space<semaphore_mem>> -> memref<1x!tpu.dma_semaphore, #tpu.memory_space<semaphore_mem>>
        %dma_start3A_644 = tpu.memref_squeeze %dma_start3A_643 : memref<1x!tpu.dma_semaphore, #tpu.memory_space<semaphore_mem>> -> memref<!tpu.dma_semaphore, #tpu.memory_space<semaphore_mem>>
        tpu.enqueue_indirect_dma source(%dma_start3A_642 : memref<10016x8xf32, #tpu.memory_space<hbm>>) target(%dma_start3A_636 : memref<128x8xf32, #tpu.memory_space<vmem>>) offsets(%dma_start3A_639 : memref<128xi32, #tpu.memory_space<vmem>>) semaphore(%dma_start3A_644 : memref<!tpu.dma_semaphore, #tpu.memory_space<semaphore_mem>>)
      } else {
      }
      %mul3A_427 = arith.constant 8 : i32
      %mul3A_428 = arith.muli %while3A_313, %mul3A_427 : i32
      %add3A_429 = arith.constant 3 : i32
      %add3A_430 = arith.addi %mul3A_428, %add3A_429 : i32
      %dma_wait3A_431 = arith.constant 3 : i32
      %dma_wait3A_432 = arith.constant 3 : i32
      %dma_wait3A_433 = arith.constant 0 : i32
      %dma_wait3A_434 = arith.constant 0 : i32
      %dma_wait3A_435 = tpu.memref_slice %arg8[%dma_wait3A_431, %dma_wait3A_433, %dma_wait3A_434] : memref<8x128x8xf32, #tpu.memory_space<vmem>> -> memref<1x128x8xf32, #tpu.memory_space<vmem>>
      %dma_wait3A_436 = tpu.memref_squeeze %dma_wait3A_435 : memref<1x128x8xf32, #tpu.memory_space<vmem>> -> memref<128x8xf32, #tpu.memory_space<vmem>>
      %dma_wait3A_437 = arith.constant 0 : i32
      %dma_wait3A_438 = tpu.memref_slice %arg6[%add3A_430, %dma_wait3A_437] : memref<112x128xi32, #tpu.memory_space<vmem>> -> memref<1x128xi32, #tpu.memory_space<vmem>>
      %dma_wait3A_439 = tpu.memref_squeeze %dma_wait3A_438 : memref<1x128xi32, #tpu.memory_space<vmem>> -> memref<128xi32, #tpu.memory_space<vmem>>
      %dma_wait3A_440 = arith.constant 0 : i32
      %dma_wait3A_441 = arith.constant 0 : i32
      %dma_wait3A_442 = tpu.memref_slice %arg2[%dma_wait3A_440, %dma_wait3A_441] : memref<10016x8xf32, #tpu.memory_space<hbm>> -> memref<10016x8xf32, #tpu.memory_space<hbm>>
      %dma_wait3A_443 = tpu.memref_slice %arg10[%dma_wait3A_432] : memref<8x!tpu.dma_semaphore, #tpu.memory_space<semaphore_mem>> -> memref<1x!tpu.dma_semaphore, #tpu.memory_space<semaphore_mem>>
      %dma_wait3A_444 = tpu.memref_squeeze %dma_wait3A_443 : memref<1x!tpu.dma_semaphore, #tpu.memory_space<semaphore_mem>> -> memref<!tpu.dma_semaphore, #tpu.memory_space<semaphore_mem>>
      tpu.wait_indirect_dma semaphore(%dma_wait3A_444 : memref<!tpu.dma_semaphore, #tpu.memory_space<semaphore_mem>>) src(%dma_wait3A_442 : memref<10016x8xf32, #tpu.memory_space<hbm>>) dst(%dma_wait3A_436 : memref<128x8xf32, #tpu.memory_space<vmem>>)
      %dma_start3A_445 = arith.constant 3 : i32
      %dma_start3A_446 = arith.constant 3 : i32
      %dma_start3A_447 = arith.constant 0 : i32
      %dma_start3A_448 = arith.constant 0 : i32
      %dma_start3A_449 = tpu.memref_slice %arg8[%dma_start3A_445, %dma_start3A_447, %dma_start3A_448] : memref<8x128x8xf32, #tpu.memory_space<vmem>> -> memref<1x128x8xf32, #tpu.memory_space<vmem>>
      %dma_start3A_450 = tpu.memref_squeeze %dma_start3A_449 : memref<1x128x8xf32, #tpu.memory_space<vmem>> -> memref<128x8xf32, #tpu.memory_space<vmem>>
      %dma_start3A_451 = arith.constant 0 : i32
      %dma_start3A_452 = tpu.memref_slice %arg7[%add3A_430, %dma_start3A_451] : memref<112x128xi32, #tpu.memory_space<vmem>> -> memref<1x128xi32, #tpu.memory_space<vmem>>
      %dma_start3A_453 = tpu.memref_squeeze %dma_start3A_452 : memref<1x128xi32, #tpu.memory_space<vmem>> -> memref<128xi32, #tpu.memory_space<vmem>>
      %dma_start3A_454 = arith.constant 0 : i32
      %dma_start3A_455 = arith.constant 0 : i32
      %dma_start3A_456 = tpu.memref_slice %arg9[%dma_start3A_454, %dma_start3A_455] : memref<10240x8xf32, #tpu.memory_space<vmem_shared>> -> memref<10240x8xf32, #tpu.memory_space<vmem_shared>>
      %dma_start3A_457 = tpu.memref_slice %arg11[%dma_start3A_446] : memref<8x!tpu.dma_semaphore, #tpu.memory_space<semaphore_mem>> -> memref<1x!tpu.dma_semaphore, #tpu.memory_space<semaphore_mem>>
      %dma_start3A_458 = tpu.memref_squeeze %dma_start3A_457 : memref<1x!tpu.dma_semaphore, #tpu.memory_space<semaphore_mem>> -> memref<!tpu.dma_semaphore, #tpu.memory_space<semaphore_mem>>
      tpu.enqueue_indirect_dma source(%dma_start3A_450 : memref<128x8xf32, #tpu.memory_space<vmem>>) target(%dma_start3A_456 : memref<10240x8xf32, #tpu.memory_space<vmem_shared>>) offsets(%dma_start3A_453 : memref<128xi32, #tpu.memory_space<vmem>>) semaphore(%dma_start3A_458 : memref<!tpu.dma_semaphore, #tpu.memory_space<semaphore_mem>>) {add = true}
      %add3A_459 = arith.constant 8 : i32
      %add3A_460 = arith.addi %add3A_430, %add3A_459 : i32
      %lt3A_461 = arith.cmpi slt, %add3A_460, %select_n3A_7 : i32
      %convert_element_type3A_462 = arith.extui %lt3A_461 : i1 to i32
      %cond3A_463 = arith.constant 0 : i32
      %cond3A_464 = arith.cmpi ne, %convert_element_type3A_462, %cond3A_463 : i32
      scf.if %cond3A_464 {
        %dma_wait3A_617 = arith.constant 3 : i32
        %dma_wait3A_618 = arith.constant 3 : i32
        %dma_wait3A_619 = arith.constant 0 : i32
        %dma_wait3A_620 = arith.constant 0 : i32
        %dma_wait3A_621 = tpu.memref_slice %arg8[%dma_wait3A_617, %dma_wait3A_619, %dma_wait3A_620] : memref<8x128x8xf32, #tpu.memory_space<vmem>> -> memref<1x128x8xf32, #tpu.memory_space<vmem>>
        %dma_wait3A_622 = tpu.memref_squeeze %dma_wait3A_621 : memref<1x128x8xf32, #tpu.memory_space<vmem>> -> memref<128x8xf32, #tpu.memory_space<vmem>>
        %dma_wait3A_623 = arith.constant 0 : i32
        %dma_wait3A_624 = tpu.memref_slice %arg7[%add3A_430, %dma_wait3A_623] : memref<112x128xi32, #tpu.memory_space<vmem>> -> memref<1x128xi32, #tpu.memory_space<vmem>>
        %dma_wait3A_625 = tpu.memref_squeeze %dma_wait3A_624 : memref<1x128xi32, #tpu.memory_space<vmem>> -> memref<128xi32, #tpu.memory_space<vmem>>
        %dma_wait3A_626 = arith.constant 0 : i32
        %dma_wait3A_627 = arith.constant 0 : i32
        %dma_wait3A_628 = tpu.memref_slice %arg9[%dma_wait3A_626, %dma_wait3A_627] : memref<10240x8xf32, #tpu.memory_space<vmem_shared>> -> memref<10240x8xf32, #tpu.memory_space<vmem_shared>>
        %dma_wait3A_629 = tpu.memref_slice %arg11[%dma_wait3A_618] : memref<8x!tpu.dma_semaphore, #tpu.memory_space<semaphore_mem>> -> memref<1x!tpu.dma_semaphore, #tpu.memory_space<semaphore_mem>>
        %dma_wait3A_630 = tpu.memref_squeeze %dma_wait3A_629 : memref<1x!tpu.dma_semaphore, #tpu.memory_space<semaphore_mem>> -> memref<!tpu.dma_semaphore, #tpu.memory_space<semaphore_mem>>
        tpu.wait_indirect_dma semaphore(%dma_wait3A_630 : memref<!tpu.dma_semaphore, #tpu.memory_space<semaphore_mem>>) src(%dma_wait3A_622 : memref<128x8xf32, #tpu.memory_space<vmem>>) dst(%dma_wait3A_628 : memref<10240x8xf32, #tpu.memory_space<vmem_shared>>)
        %dma_start3A_631 = arith.constant 3 : i32
        %dma_start3A_632 = arith.constant 3 : i32
        %dma_start3A_633 = arith.constant 0 : i32
        %dma_start3A_634 = arith.constant 0 : i32
        %dma_start3A_635 = tpu.memref_slice %arg8[%dma_start3A_631, %dma_start3A_633, %dma_start3A_634] : memref<8x128x8xf32, #tpu.memory_space<vmem>> -> memref<1x128x8xf32, #tpu.memory_space<vmem>>
        %dma_start3A_636 = tpu.memref_squeeze %dma_start3A_635 : memref<1x128x8xf32, #tpu.memory_space<vmem>> -> memref<128x8xf32, #tpu.memory_space<vmem>>
        %dma_start3A_637 = arith.constant 0 : i32
        %dma_start3A_638 = tpu.memref_slice %arg6[%add3A_460, %dma_start3A_637] : memref<112x128xi32, #tpu.memory_space<vmem>> -> memref<1x128xi32, #tpu.memory_space<vmem>>
        %dma_start3A_639 = tpu.memref_squeeze %dma_start3A_638 : memref<1x128xi32, #tpu.memory_space<vmem>> -> memref<128xi32, #tpu.memory_space<vmem>>
        %dma_start3A_640 = arith.constant 0 : i32
        %dma_start3A_641 = arith.constant 0 : i32
        %dma_start3A_642 = tpu.memref_slice %arg2[%dma_start3A_640, %dma_start3A_641] : memref<10016x8xf32, #tpu.memory_space<hbm>> -> memref<10016x8xf32, #tpu.memory_space<hbm>>
        %dma_start3A_643 = tpu.memref_slice %arg10[%dma_start3A_632] : memref<8x!tpu.dma_semaphore, #tpu.memory_space<semaphore_mem>> -> memref<1x!tpu.dma_semaphore, #tpu.memory_space<semaphore_mem>>
        %dma_start3A_644 = tpu.memref_squeeze %dma_start3A_643 : memref<1x!tpu.dma_semaphore, #tpu.memory_space<semaphore_mem>> -> memref<!tpu.dma_semaphore, #tpu.memory_space<semaphore_mem>>
        tpu.enqueue_indirect_dma source(%dma_start3A_642 : memref<10016x8xf32, #tpu.memory_space<hbm>>) target(%dma_start3A_636 : memref<128x8xf32, #tpu.memory_space<vmem>>) offsets(%dma_start3A_639 : memref<128xi32, #tpu.memory_space<vmem>>) semaphore(%dma_start3A_644 : memref<!tpu.dma_semaphore, #tpu.memory_space<semaphore_mem>>)
      } else {
      }
      %mul3A_465 = arith.constant 8 : i32
      %mul3A_466 = arith.muli %while3A_313, %mul3A_465 : i32
      %add3A_467 = arith.constant 4 : i32
      %add3A_468 = arith.addi %mul3A_466, %add3A_467 : i32
      %dma_wait3A_469 = arith.constant 4 : i32
      %dma_wait3A_470 = arith.constant 4 : i32
      %dma_wait3A_471 = arith.constant 0 : i32
      %dma_wait3A_472 = arith.constant 0 : i32
      %dma_wait3A_473 = tpu.memref_slice %arg8[%dma_wait3A_469, %dma_wait3A_471, %dma_wait3A_472] : memref<8x128x8xf32, #tpu.memory_space<vmem>> -> memref<1x128x8xf32, #tpu.memory_space<vmem>>
      %dma_wait3A_474 = tpu.memref_squeeze %dma_wait3A_473 : memref<1x128x8xf32, #tpu.memory_space<vmem>> -> memref<128x8xf32, #tpu.memory_space<vmem>>
      %dma_wait3A_475 = arith.constant 0 : i32
      %dma_wait3A_476 = tpu.memref_slice %arg6[%add3A_468, %dma_wait3A_475] : memref<112x128xi32, #tpu.memory_space<vmem>> -> memref<1x128xi32, #tpu.memory_space<vmem>>
      %dma_wait3A_477 = tpu.memref_squeeze %dma_wait3A_476 : memref<1x128xi32, #tpu.memory_space<vmem>> -> memref<128xi32, #tpu.memory_space<vmem>>
      %dma_wait3A_478 = arith.constant 0 : i32
      %dma_wait3A_479 = arith.constant 0 : i32
      %dma_wait3A_480 = tpu.memref_slice %arg2[%dma_wait3A_478, %dma_wait3A_479] : memref<10016x8xf32, #tpu.memory_space<hbm>> -> memref<10016x8xf32, #tpu.memory_space<hbm>>
      %dma_wait3A_481 = tpu.memref_slice %arg10[%dma_wait3A_470] : memref<8x!tpu.dma_semaphore, #tpu.memory_space<semaphore_mem>> -> memref<1x!tpu.dma_semaphore, #tpu.memory_space<semaphore_mem>>
      %dma_wait3A_482 = tpu.memref_squeeze %dma_wait3A_481 : memref<1x!tpu.dma_semaphore, #tpu.memory_space<semaphore_mem>> -> memref<!tpu.dma_semaphore, #tpu.memory_space<semaphore_mem>>
      tpu.wait_indirect_dma semaphore(%dma_wait3A_482 : memref<!tpu.dma_semaphore, #tpu.memory_space<semaphore_mem>>) src(%dma_wait3A_480 : memref<10016x8xf32, #tpu.memory_space<hbm>>) dst(%dma_wait3A_474 : memref<128x8xf32, #tpu.memory_space<vmem>>)
      %dma_start3A_483 = arith.constant 4 : i32
      %dma_start3A_484 = arith.constant 4 : i32
      %dma_start3A_485 = arith.constant 0 : i32
      %dma_start3A_486 = arith.constant 0 : i32
      %dma_start3A_487 = tpu.memref_slice %arg8[%dma_start3A_483, %dma_start3A_485, %dma_start3A_486] : memref<8x128x8xf32, #tpu.memory_space<vmem>> -> memref<1x128x8xf32, #tpu.memory_space<vmem>>
      %dma_start3A_488 = tpu.memref_squeeze %dma_start3A_487 : memref<1x128x8xf32, #tpu.memory_space<vmem>> -> memref<128x8xf32, #tpu.memory_space<vmem>>
      %dma_start3A_489 = arith.constant 0 : i32
      %dma_start3A_490 = tpu.memref_slice %arg7[%add3A_468, %dma_start3A_489] : memref<112x128xi32, #tpu.memory_space<vmem>> -> memref<1x128xi32, #tpu.memory_space<vmem>>
      %dma_start3A_491 = tpu.memref_squeeze %dma_start3A_490 : memref<1x128xi32, #tpu.memory_space<vmem>> -> memref<128xi32, #tpu.memory_space<vmem>>
      %dma_start3A_492 = arith.constant 0 : i32
      %dma_start3A_493 = arith.constant 0 : i32
      %dma_start3A_494 = tpu.memref_slice %arg9[%dma_start3A_492, %dma_start3A_493] : memref<10240x8xf32, #tpu.memory_space<vmem_shared>> -> memref<10240x8xf32, #tpu.memory_space<vmem_shared>>
      %dma_start3A_495 = tpu.memref_slice %arg11[%dma_start3A_484] : memref<8x!tpu.dma_semaphore, #tpu.memory_space<semaphore_mem>> -> memref<1x!tpu.dma_semaphore, #tpu.memory_space<semaphore_mem>>
      %dma_start3A_496 = tpu.memref_squeeze %dma_start3A_495 : memref<1x!tpu.dma_semaphore, #tpu.memory_space<semaphore_mem>> -> memref<!tpu.dma_semaphore, #tpu.memory_space<semaphore_mem>>
      tpu.enqueue_indirect_dma source(%dma_start3A_488 : memref<128x8xf32, #tpu.memory_space<vmem>>) target(%dma_start3A_494 : memref<10240x8xf32, #tpu.memory_space<vmem_shared>>) offsets(%dma_start3A_491 : memref<128xi32, #tpu.memory_space<vmem>>) semaphore(%dma_start3A_496 : memref<!tpu.dma_semaphore, #tpu.memory_space<semaphore_mem>>) {add = true}
      %add3A_497 = arith.constant 8 : i32
      %add3A_498 = arith.addi %add3A_468, %add3A_497 : i32
      %lt3A_499 = arith.cmpi slt, %add3A_498, %select_n3A_7 : i32
      %convert_element_type3A_500 = arith.extui %lt3A_499 : i1 to i32
      %cond3A_501 = arith.constant 0 : i32
      %cond3A_502 = arith.cmpi ne, %convert_element_type3A_500, %cond3A_501 : i32
      scf.if %cond3A_502 {
        %dma_wait3A_617 = arith.constant 4 : i32
        %dma_wait3A_618 = arith.constant 4 : i32
        %dma_wait3A_619 = arith.constant 0 : i32
        %dma_wait3A_620 = arith.constant 0 : i32
        %dma_wait3A_621 = tpu.memref_slice %arg8[%dma_wait3A_617, %dma_wait3A_619, %dma_wait3A_620] : memref<8x128x8xf32, #tpu.memory_space<vmem>> -> memref<1x128x8xf32, #tpu.memory_space<vmem>>
        %dma_wait3A_622 = tpu.memref_squeeze %dma_wait3A_621 : memref<1x128x8xf32, #tpu.memory_space<vmem>> -> memref<128x8xf32, #tpu.memory_space<vmem>>
        %dma_wait3A_623 = arith.constant 0 : i32
        %dma_wait3A_624 = tpu.memref_slice %arg7[%add3A_468, %dma_wait3A_623] : memref<112x128xi32, #tpu.memory_space<vmem>> -> memref<1x128xi32, #tpu.memory_space<vmem>>
        %dma_wait3A_625 = tpu.memref_squeeze %dma_wait3A_624 : memref<1x128xi32, #tpu.memory_space<vmem>> -> memref<128xi32, #tpu.memory_space<vmem>>
        %dma_wait3A_626 = arith.constant 0 : i32
        %dma_wait3A_627 = arith.constant 0 : i32
        %dma_wait3A_628 = tpu.memref_slice %arg9[%dma_wait3A_626, %dma_wait3A_627] : memref<10240x8xf32, #tpu.memory_space<vmem_shared>> -> memref<10240x8xf32, #tpu.memory_space<vmem_shared>>
        %dma_wait3A_629 = tpu.memref_slice %arg11[%dma_wait3A_618] : memref<8x!tpu.dma_semaphore, #tpu.memory_space<semaphore_mem>> -> memref<1x!tpu.dma_semaphore, #tpu.memory_space<semaphore_mem>>
        %dma_wait3A_630 = tpu.memref_squeeze %dma_wait3A_629 : memref<1x!tpu.dma_semaphore, #tpu.memory_space<semaphore_mem>> -> memref<!tpu.dma_semaphore, #tpu.memory_space<semaphore_mem>>
        tpu.wait_indirect_dma semaphore(%dma_wait3A_630 : memref<!tpu.dma_semaphore, #tpu.memory_space<semaphore_mem>>) src(%dma_wait3A_622 : memref<128x8xf32, #tpu.memory_space<vmem>>) dst(%dma_wait3A_628 : memref<10240x8xf32, #tpu.memory_space<vmem_shared>>)
        %dma_start3A_631 = arith.constant 4 : i32
        %dma_start3A_632 = arith.constant 4 : i32
        %dma_start3A_633 = arith.constant 0 : i32
        %dma_start3A_634 = arith.constant 0 : i32
        %dma_start3A_635 = tpu.memref_slice %arg8[%dma_start3A_631, %dma_start3A_633, %dma_start3A_634] : memref<8x128x8xf32, #tpu.memory_space<vmem>> -> memref<1x128x8xf32, #tpu.memory_space<vmem>>
        %dma_start3A_636 = tpu.memref_squeeze %dma_start3A_635 : memref<1x128x8xf32, #tpu.memory_space<vmem>> -> memref<128x8xf32, #tpu.memory_space<vmem>>
        %dma_start3A_637 = arith.constant 0 : i32
        %dma_start3A_638 = tpu.memref_slice %arg6[%add3A_498, %dma_start3A_637] : memref<112x128xi32, #tpu.memory_space<vmem>> -> memref<1x128xi32, #tpu.memory_space<vmem>>
        %dma_start3A_639 = tpu.memref_squeeze %dma_start3A_638 : memref<1x128xi32, #tpu.memory_space<vmem>> -> memref<128xi32, #tpu.memory_space<vmem>>
        %dma_start3A_640 = arith.constant 0 : i32
        %dma_start3A_641 = arith.constant 0 : i32
        %dma_start3A_642 = tpu.memref_slice %arg2[%dma_start3A_640, %dma_start3A_641] : memref<10016x8xf32, #tpu.memory_space<hbm>> -> memref<10016x8xf32, #tpu.memory_space<hbm>>
        %dma_start3A_643 = tpu.memref_slice %arg10[%dma_start3A_632] : memref<8x!tpu.dma_semaphore, #tpu.memory_space<semaphore_mem>> -> memref<1x!tpu.dma_semaphore, #tpu.memory_space<semaphore_mem>>
        %dma_start3A_644 = tpu.memref_squeeze %dma_start3A_643 : memref<1x!tpu.dma_semaphore, #tpu.memory_space<semaphore_mem>> -> memref<!tpu.dma_semaphore, #tpu.memory_space<semaphore_mem>>
        tpu.enqueue_indirect_dma source(%dma_start3A_642 : memref<10016x8xf32, #tpu.memory_space<hbm>>) target(%dma_start3A_636 : memref<128x8xf32, #tpu.memory_space<vmem>>) offsets(%dma_start3A_639 : memref<128xi32, #tpu.memory_space<vmem>>) semaphore(%dma_start3A_644 : memref<!tpu.dma_semaphore, #tpu.memory_space<semaphore_mem>>)
      } else {
      }
      %mul3A_503 = arith.constant 8 : i32
      %mul3A_504 = arith.muli %while3A_313, %mul3A_503 : i32
      %add3A_505 = arith.constant 5 : i32
      %add3A_506 = arith.addi %mul3A_504, %add3A_505 : i32
      %dma_wait3A_507 = arith.constant 5 : i32
      %dma_wait3A_508 = arith.constant 5 : i32
      %dma_wait3A_509 = arith.constant 0 : i32
      %dma_wait3A_510 = arith.constant 0 : i32
      %dma_wait3A_511 = tpu.memref_slice %arg8[%dma_wait3A_507, %dma_wait3A_509, %dma_wait3A_510] : memref<8x128x8xf32, #tpu.memory_space<vmem>> -> memref<1x128x8xf32, #tpu.memory_space<vmem>>
      %dma_wait3A_512 = tpu.memref_squeeze %dma_wait3A_511 : memref<1x128x8xf32, #tpu.memory_space<vmem>> -> memref<128x8xf32, #tpu.memory_space<vmem>>
      %dma_wait3A_513 = arith.constant 0 : i32
      %dma_wait3A_514 = tpu.memref_slice %arg6[%add3A_506, %dma_wait3A_513] : memref<112x128xi32, #tpu.memory_space<vmem>> -> memref<1x128xi32, #tpu.memory_space<vmem>>
      %dma_wait3A_515 = tpu.memref_squeeze %dma_wait3A_514 : memref<1x128xi32, #tpu.memory_space<vmem>> -> memref<128xi32, #tpu.memory_space<vmem>>
      %dma_wait3A_516 = arith.constant 0 : i32
      %dma_wait3A_517 = arith.constant 0 : i32
      %dma_wait3A_518 = tpu.memref_slice %arg2[%dma_wait3A_516, %dma_wait3A_517] : memref<10016x8xf32, #tpu.memory_space<hbm>> -> memref<10016x8xf32, #tpu.memory_space<hbm>>
      %dma_wait3A_519 = tpu.memref_slice %arg10[%dma_wait3A_508] : memref<8x!tpu.dma_semaphore, #tpu.memory_space<semaphore_mem>> -> memref<1x!tpu.dma_semaphore, #tpu.memory_space<semaphore_mem>>
      %dma_wait3A_520 = tpu.memref_squeeze %dma_wait3A_519 : memref<1x!tpu.dma_semaphore, #tpu.memory_space<semaphore_mem>> -> memref<!tpu.dma_semaphore, #tpu.memory_space<semaphore_mem>>
      tpu.wait_indirect_dma semaphore(%dma_wait3A_520 : memref<!tpu.dma_semaphore, #tpu.memory_space<semaphore_mem>>) src(%dma_wait3A_518 : memref<10016x8xf32, #tpu.memory_space<hbm>>) dst(%dma_wait3A_512 : memref<128x8xf32, #tpu.memory_space<vmem>>)
      %dma_start3A_521 = arith.constant 5 : i32
      %dma_start3A_522 = arith.constant 5 : i32
      %dma_start3A_523 = arith.constant 0 : i32
      %dma_start3A_524 = arith.constant 0 : i32
      %dma_start3A_525 = tpu.memref_slice %arg8[%dma_start3A_521, %dma_start3A_523, %dma_start3A_524] : memref<8x128x8xf32, #tpu.memory_space<vmem>> -> memref<1x128x8xf32, #tpu.memory_space<vmem>>
      %dma_start3A_526 = tpu.memref_squeeze %dma_start3A_525 : memref<1x128x8xf32, #tpu.memory_space<vmem>> -> memref<128x8xf32, #tpu.memory_space<vmem>>
      %dma_start3A_527 = arith.constant 0 : i32
      %dma_start3A_528 = tpu.memref_slice %arg7[%add3A_506, %dma_start3A_527] : memref<112x128xi32, #tpu.memory_space<vmem>> -> memref<1x128xi32, #tpu.memory_space<vmem>>
      %dma_start3A_529 = tpu.memref_squeeze %dma_start3A_528 : memref<1x128xi32, #tpu.memory_space<vmem>> -> memref<128xi32, #tpu.memory_space<vmem>>
      %dma_start3A_530 = arith.constant 0 : i32
      %dma_start3A_531 = arith.constant 0 : i32
      %dma_start3A_532 = tpu.memref_slice %arg9[%dma_start3A_530, %dma_start3A_531] : memref<10240x8xf32, #tpu.memory_space<vmem_shared>> -> memref<10240x8xf32, #tpu.memory_space<vmem_shared>>
      %dma_start3A_533 = tpu.memref_slice %arg11[%dma_start3A_522] : memref<8x!tpu.dma_semaphore, #tpu.memory_space<semaphore_mem>> -> memref<1x!tpu.dma_semaphore, #tpu.memory_space<semaphore_mem>>
      %dma_start3A_534 = tpu.memref_squeeze %dma_start3A_533 : memref<1x!tpu.dma_semaphore, #tpu.memory_space<semaphore_mem>> -> memref<!tpu.dma_semaphore, #tpu.memory_space<semaphore_mem>>
      tpu.enqueue_indirect_dma source(%dma_start3A_526 : memref<128x8xf32, #tpu.memory_space<vmem>>) target(%dma_start3A_532 : memref<10240x8xf32, #tpu.memory_space<vmem_shared>>) offsets(%dma_start3A_529 : memref<128xi32, #tpu.memory_space<vmem>>) semaphore(%dma_start3A_534 : memref<!tpu.dma_semaphore, #tpu.memory_space<semaphore_mem>>) {add = true}
      %add3A_535 = arith.constant 8 : i32
      %add3A_536 = arith.addi %add3A_506, %add3A_535 : i32
      %lt3A_537 = arith.cmpi slt, %add3A_536, %select_n3A_7 : i32
      %convert_element_type3A_538 = arith.extui %lt3A_537 : i1 to i32
      %cond3A_539 = arith.constant 0 : i32
      %cond3A_540 = arith.cmpi ne, %convert_element_type3A_538, %cond3A_539 : i32
      scf.if %cond3A_540 {
        %dma_wait3A_617 = arith.constant 5 : i32
        %dma_wait3A_618 = arith.constant 5 : i32
        %dma_wait3A_619 = arith.constant 0 : i32
        %dma_wait3A_620 = arith.constant 0 : i32
        %dma_wait3A_621 = tpu.memref_slice %arg8[%dma_wait3A_617, %dma_wait3A_619, %dma_wait3A_620] : memref<8x128x8xf32, #tpu.memory_space<vmem>> -> memref<1x128x8xf32, #tpu.memory_space<vmem>>
        %dma_wait3A_622 = tpu.memref_squeeze %dma_wait3A_621 : memref<1x128x8xf32, #tpu.memory_space<vmem>> -> memref<128x8xf32, #tpu.memory_space<vmem>>
        %dma_wait3A_623 = arith.constant 0 : i32
        %dma_wait3A_624 = tpu.memref_slice %arg7[%add3A_506, %dma_wait3A_623] : memref<112x128xi32, #tpu.memory_space<vmem>> -> memref<1x128xi32, #tpu.memory_space<vmem>>
        %dma_wait3A_625 = tpu.memref_squeeze %dma_wait3A_624 : memref<1x128xi32, #tpu.memory_space<vmem>> -> memref<128xi32, #tpu.memory_space<vmem>>
        %dma_wait3A_626 = arith.constant 0 : i32
        %dma_wait3A_627 = arith.constant 0 : i32
        %dma_wait3A_628 = tpu.memref_slice %arg9[%dma_wait3A_626, %dma_wait3A_627] : memref<10240x8xf32, #tpu.memory_space<vmem_shared>> -> memref<10240x8xf32, #tpu.memory_space<vmem_shared>>
        %dma_wait3A_629 = tpu.memref_slice %arg11[%dma_wait3A_618] : memref<8x!tpu.dma_semaphore, #tpu.memory_space<semaphore_mem>> -> memref<1x!tpu.dma_semaphore, #tpu.memory_space<semaphore_mem>>
        %dma_wait3A_630 = tpu.memref_squeeze %dma_wait3A_629 : memref<1x!tpu.dma_semaphore, #tpu.memory_space<semaphore_mem>> -> memref<!tpu.dma_semaphore, #tpu.memory_space<semaphore_mem>>
        tpu.wait_indirect_dma semaphore(%dma_wait3A_630 : memref<!tpu.dma_semaphore, #tpu.memory_space<semaphore_mem>>) src(%dma_wait3A_622 : memref<128x8xf32, #tpu.memory_space<vmem>>) dst(%dma_wait3A_628 : memref<10240x8xf32, #tpu.memory_space<vmem_shared>>)
        %dma_start3A_631 = arith.constant 5 : i32
        %dma_start3A_632 = arith.constant 5 : i32
        %dma_start3A_633 = arith.constant 0 : i32
        %dma_start3A_634 = arith.constant 0 : i32
        %dma_start3A_635 = tpu.memref_slice %arg8[%dma_start3A_631, %dma_start3A_633, %dma_start3A_634] : memref<8x128x8xf32, #tpu.memory_space<vmem>> -> memref<1x128x8xf32, #tpu.memory_space<vmem>>
        %dma_start3A_636 = tpu.memref_squeeze %dma_start3A_635 : memref<1x128x8xf32, #tpu.memory_space<vmem>> -> memref<128x8xf32, #tpu.memory_space<vmem>>
        %dma_start3A_637 = arith.constant 0 : i32
        %dma_start3A_638 = tpu.memref_slice %arg6[%add3A_536, %dma_start3A_637] : memref<112x128xi32, #tpu.memory_space<vmem>> -> memref<1x128xi32, #tpu.memory_space<vmem>>
        %dma_start3A_639 = tpu.memref_squeeze %dma_start3A_638 : memref<1x128xi32, #tpu.memory_space<vmem>> -> memref<128xi32, #tpu.memory_space<vmem>>
        %dma_start3A_640 = arith.constant 0 : i32
        %dma_start3A_641 = arith.constant 0 : i32
        %dma_start3A_642 = tpu.memref_slice %arg2[%dma_start3A_640, %dma_start3A_641] : memref<10016x8xf32, #tpu.memory_space<hbm>> -> memref<10016x8xf32, #tpu.memory_space<hbm>>
        %dma_start3A_643 = tpu.memref_slice %arg10[%dma_start3A_632] : memref<8x!tpu.dma_semaphore, #tpu.memory_space<semaphore_mem>> -> memref<1x!tpu.dma_semaphore, #tpu.memory_space<semaphore_mem>>
        %dma_start3A_644 = tpu.memref_squeeze %dma_start3A_643 : memref<1x!tpu.dma_semaphore, #tpu.memory_space<semaphore_mem>> -> memref<!tpu.dma_semaphore, #tpu.memory_space<semaphore_mem>>
        tpu.enqueue_indirect_dma source(%dma_start3A_642 : memref<10016x8xf32, #tpu.memory_space<hbm>>) target(%dma_start3A_636 : memref<128x8xf32, #tpu.memory_space<vmem>>) offsets(%dma_start3A_639 : memref<128xi32, #tpu.memory_space<vmem>>) semaphore(%dma_start3A_644 : memref<!tpu.dma_semaphore, #tpu.memory_space<semaphore_mem>>)
      } else {
      }
      %mul3A_541 = arith.constant 8 : i32
      %mul3A_542 = arith.muli %while3A_313, %mul3A_541 : i32
      %add3A_543 = arith.constant 6 : i32
      %add3A_544 = arith.addi %mul3A_542, %add3A_543 : i32
      %dma_wait3A_545 = arith.constant 6 : i32
      %dma_wait3A_546 = arith.constant 6 : i32
      %dma_wait3A_547 = arith.constant 0 : i32
      %dma_wait3A_548 = arith.constant 0 : i32
      %dma_wait3A_549 = tpu.memref_slice %arg8[%dma_wait3A_545, %dma_wait3A_547, %dma_wait3A_548] : memref<8x128x8xf32, #tpu.memory_space<vmem>> -> memref<1x128x8xf32, #tpu.memory_space<vmem>>
      %dma_wait3A_550 = tpu.memref_squeeze %dma_wait3A_549 : memref<1x128x8xf32, #tpu.memory_space<vmem>> -> memref<128x8xf32, #tpu.memory_space<vmem>>
      %dma_wait3A_551 = arith.constant 0 : i32
      %dma_wait3A_552 = tpu.memref_slice %arg6[%add3A_544, %dma_wait3A_551] : memref<112x128xi32, #tpu.memory_space<vmem>> -> memref<1x128xi32, #tpu.memory_space<vmem>>
      %dma_wait3A_553 = tpu.memref_squeeze %dma_wait3A_552 : memref<1x128xi32, #tpu.memory_space<vmem>> -> memref<128xi32, #tpu.memory_space<vmem>>
      %dma_wait3A_554 = arith.constant 0 : i32
      %dma_wait3A_555 = arith.constant 0 : i32
      %dma_wait3A_556 = tpu.memref_slice %arg2[%dma_wait3A_554, %dma_wait3A_555] : memref<10016x8xf32, #tpu.memory_space<hbm>> -> memref<10016x8xf32, #tpu.memory_space<hbm>>
      %dma_wait3A_557 = tpu.memref_slice %arg10[%dma_wait3A_546] : memref<8x!tpu.dma_semaphore, #tpu.memory_space<semaphore_mem>> -> memref<1x!tpu.dma_semaphore, #tpu.memory_space<semaphore_mem>>
      %dma_wait3A_558 = tpu.memref_squeeze %dma_wait3A_557 : memref<1x!tpu.dma_semaphore, #tpu.memory_space<semaphore_mem>> -> memref<!tpu.dma_semaphore, #tpu.memory_space<semaphore_mem>>
      tpu.wait_indirect_dma semaphore(%dma_wait3A_558 : memref<!tpu.dma_semaphore, #tpu.memory_space<semaphore_mem>>) src(%dma_wait3A_556 : memref<10016x8xf32, #tpu.memory_space<hbm>>) dst(%dma_wait3A_550 : memref<128x8xf32, #tpu.memory_space<vmem>>)
      %dma_start3A_559 = arith.constant 6 : i32
      %dma_start3A_560 = arith.constant 6 : i32
      %dma_start3A_561 = arith.constant 0 : i32
      %dma_start3A_562 = arith.constant 0 : i32
      %dma_start3A_563 = tpu.memref_slice %arg8[%dma_start3A_559, %dma_start3A_561, %dma_start3A_562] : memref<8x128x8xf32, #tpu.memory_space<vmem>> -> memref<1x128x8xf32, #tpu.memory_space<vmem>>
      %dma_start3A_564 = tpu.memref_squeeze %dma_start3A_563 : memref<1x128x8xf32, #tpu.memory_space<vmem>> -> memref<128x8xf32, #tpu.memory_space<vmem>>
      %dma_start3A_565 = arith.constant 0 : i32
      %dma_start3A_566 = tpu.memref_slice %arg7[%add3A_544, %dma_start3A_565] : memref<112x128xi32, #tpu.memory_space<vmem>> -> memref<1x128xi32, #tpu.memory_space<vmem>>
      %dma_start3A_567 = tpu.memref_squeeze %dma_start3A_566 : memref<1x128xi32, #tpu.memory_space<vmem>> -> memref<128xi32, #tpu.memory_space<vmem>>
      %dma_start3A_568 = arith.constant 0 : i32
      %dma_start3A_569 = arith.constant 0 : i32
      %dma_start3A_570 = tpu.memref_slice %arg9[%dma_start3A_568, %dma_start3A_569] : memref<10240x8xf32, #tpu.memory_space<vmem_shared>> -> memref<10240x8xf32, #tpu.memory_space<vmem_shared>>
      %dma_start3A_571 = tpu.memref_slice %arg11[%dma_start3A_560] : memref<8x!tpu.dma_semaphore, #tpu.memory_space<semaphore_mem>> -> memref<1x!tpu.dma_semaphore, #tpu.memory_space<semaphore_mem>>
      %dma_start3A_572 = tpu.memref_squeeze %dma_start3A_571 : memref<1x!tpu.dma_semaphore, #tpu.memory_space<semaphore_mem>> -> memref<!tpu.dma_semaphore, #tpu.memory_space<semaphore_mem>>
      tpu.enqueue_indirect_dma source(%dma_start3A_564 : memref<128x8xf32, #tpu.memory_space<vmem>>) target(%dma_start3A_570 : memref<10240x8xf32, #tpu.memory_space<vmem_shared>>) offsets(%dma_start3A_567 : memref<128xi32, #tpu.memory_space<vmem>>) semaphore(%dma_start3A_572 : memref<!tpu.dma_semaphore, #tpu.memory_space<semaphore_mem>>) {add = true}
      %add3A_573 = arith.constant 8 : i32
      %add3A_574 = arith.addi %add3A_544, %add3A_573 : i32
      %lt3A_575 = arith.cmpi slt, %add3A_574, %select_n3A_7 : i32
      %convert_element_type3A_576 = arith.extui %lt3A_575 : i1 to i32
      %cond3A_577 = arith.constant 0 : i32
      %cond3A_578 = arith.cmpi ne, %convert_element_type3A_576, %cond3A_577 : i32
      scf.if %cond3A_578 {
        %dma_wait3A_617 = arith.constant 6 : i32
        %dma_wait3A_618 = arith.constant 6 : i32
        %dma_wait3A_619 = arith.constant 0 : i32
        %dma_wait3A_620 = arith.constant 0 : i32
        %dma_wait3A_621 = tpu.memref_slice %arg8[%dma_wait3A_617, %dma_wait3A_619, %dma_wait3A_620] : memref<8x128x8xf32, #tpu.memory_space<vmem>> -> memref<1x128x8xf32, #tpu.memory_space<vmem>>
        %dma_wait3A_622 = tpu.memref_squeeze %dma_wait3A_621 : memref<1x128x8xf32, #tpu.memory_space<vmem>> -> memref<128x8xf32, #tpu.memory_space<vmem>>
        %dma_wait3A_623 = arith.constant 0 : i32
        %dma_wait3A_624 = tpu.memref_slice %arg7[%add3A_544, %dma_wait3A_623] : memref<112x128xi32, #tpu.memory_space<vmem>> -> memref<1x128xi32, #tpu.memory_space<vmem>>
        %dma_wait3A_625 = tpu.memref_squeeze %dma_wait3A_624 : memref<1x128xi32, #tpu.memory_space<vmem>> -> memref<128xi32, #tpu.memory_space<vmem>>
        %dma_wait3A_626 = arith.constant 0 : i32
        %dma_wait3A_627 = arith.constant 0 : i32
        %dma_wait3A_628 = tpu.memref_slice %arg9[%dma_wait3A_626, %dma_wait3A_627] : memref<10240x8xf32, #tpu.memory_space<vmem_shared>> -> memref<10240x8xf32, #tpu.memory_space<vmem_shared>>
        %dma_wait3A_629 = tpu.memref_slice %arg11[%dma_wait3A_618] : memref<8x!tpu.dma_semaphore, #tpu.memory_space<semaphore_mem>> -> memref<1x!tpu.dma_semaphore, #tpu.memory_space<semaphore_mem>>
        %dma_wait3A_630 = tpu.memref_squeeze %dma_wait3A_629 : memref<1x!tpu.dma_semaphore, #tpu.memory_space<semaphore_mem>> -> memref<!tpu.dma_semaphore, #tpu.memory_space<semaphore_mem>>
        tpu.wait_indirect_dma semaphore(%dma_wait3A_630 : memref<!tpu.dma_semaphore, #tpu.memory_space<semaphore_mem>>) src(%dma_wait3A_622 : memref<128x8xf32, #tpu.memory_space<vmem>>) dst(%dma_wait3A_628 : memref<10240x8xf32, #tpu.memory_space<vmem_shared>>)
        %dma_start3A_631 = arith.constant 6 : i32
        %dma_start3A_632 = arith.constant 6 : i32
        %dma_start3A_633 = arith.constant 0 : i32
        %dma_start3A_634 = arith.constant 0 : i32
        %dma_start3A_635 = tpu.memref_slice %arg8[%dma_start3A_631, %dma_start3A_633, %dma_start3A_634] : memref<8x128x8xf32, #tpu.memory_space<vmem>> -> memref<1x128x8xf32, #tpu.memory_space<vmem>>
        %dma_start3A_636 = tpu.memref_squeeze %dma_start3A_635 : memref<1x128x8xf32, #tpu.memory_space<vmem>> -> memref<128x8xf32, #tpu.memory_space<vmem>>
        %dma_start3A_637 = arith.constant 0 : i32
        %dma_start3A_638 = tpu.memref_slice %arg6[%add3A_574, %dma_start3A_637] : memref<112x128xi32, #tpu.memory_space<vmem>> -> memref<1x128xi32, #tpu.memory_space<vmem>>
        %dma_start3A_639 = tpu.memref_squeeze %dma_start3A_638 : memref<1x128xi32, #tpu.memory_space<vmem>> -> memref<128xi32, #tpu.memory_space<vmem>>
        %dma_start3A_640 = arith.constant 0 : i32
        %dma_start3A_641 = arith.constant 0 : i32
        %dma_start3A_642 = tpu.memref_slice %arg2[%dma_start3A_640, %dma_start3A_641] : memref<10016x8xf32, #tpu.memory_space<hbm>> -> memref<10016x8xf32, #tpu.memory_space<hbm>>
        %dma_start3A_643 = tpu.memref_slice %arg10[%dma_start3A_632] : memref<8x!tpu.dma_semaphore, #tpu.memory_space<semaphore_mem>> -> memref<1x!tpu.dma_semaphore, #tpu.memory_space<semaphore_mem>>
        %dma_start3A_644 = tpu.memref_squeeze %dma_start3A_643 : memref<1x!tpu.dma_semaphore, #tpu.memory_space<semaphore_mem>> -> memref<!tpu.dma_semaphore, #tpu.memory_space<semaphore_mem>>
        tpu.enqueue_indirect_dma source(%dma_start3A_642 : memref<10016x8xf32, #tpu.memory_space<hbm>>) target(%dma_start3A_636 : memref<128x8xf32, #tpu.memory_space<vmem>>) offsets(%dma_start3A_639 : memref<128xi32, #tpu.memory_space<vmem>>) semaphore(%dma_start3A_644 : memref<!tpu.dma_semaphore, #tpu.memory_space<semaphore_mem>>)
      } else {
      }
      %mul3A_579 = arith.constant 8 : i32
      %mul3A_580 = arith.muli %while3A_313, %mul3A_579 : i32
      %add3A_581 = arith.constant 7 : i32
      %add3A_582 = arith.addi %mul3A_580, %add3A_581 : i32
      %dma_wait3A_583 = arith.constant 7 : i32
      %dma_wait3A_584 = arith.constant 7 : i32
      %dma_wait3A_585 = arith.constant 0 : i32
      %dma_wait3A_586 = arith.constant 0 : i32
      %dma_wait3A_587 = tpu.memref_slice %arg8[%dma_wait3A_583, %dma_wait3A_585, %dma_wait3A_586] : memref<8x128x8xf32, #tpu.memory_space<vmem>> -> memref<1x128x8xf32, #tpu.memory_space<vmem>>
      %dma_wait3A_588 = tpu.memref_squeeze %dma_wait3A_587 : memref<1x128x8xf32, #tpu.memory_space<vmem>> -> memref<128x8xf32, #tpu.memory_space<vmem>>
      %dma_wait3A_589 = arith.constant 0 : i32
      %dma_wait3A_590 = tpu.memref_slice %arg6[%add3A_582, %dma_wait3A_589] : memref<112x128xi32, #tpu.memory_space<vmem>> -> memref<1x128xi32, #tpu.memory_space<vmem>>
      %dma_wait3A_591 = tpu.memref_squeeze %dma_wait3A_590 : memref<1x128xi32, #tpu.memory_space<vmem>> -> memref<128xi32, #tpu.memory_space<vmem>>
      %dma_wait3A_592 = arith.constant 0 : i32
      %dma_wait3A_593 = arith.constant 0 : i32
      %dma_wait3A_594 = tpu.memref_slice %arg2[%dma_wait3A_592, %dma_wait3A_593] : memref<10016x8xf32, #tpu.memory_space<hbm>> -> memref<10016x8xf32, #tpu.memory_space<hbm>>
      %dma_wait3A_595 = tpu.memref_slice %arg10[%dma_wait3A_584] : memref<8x!tpu.dma_semaphore, #tpu.memory_space<semaphore_mem>> -> memref<1x!tpu.dma_semaphore, #tpu.memory_space<semaphore_mem>>
      %dma_wait3A_596 = tpu.memref_squeeze %dma_wait3A_595 : memref<1x!tpu.dma_semaphore, #tpu.memory_space<semaphore_mem>> -> memref<!tpu.dma_semaphore, #tpu.memory_space<semaphore_mem>>
      tpu.wait_indirect_dma semaphore(%dma_wait3A_596 : memref<!tpu.dma_semaphore, #tpu.memory_space<semaphore_mem>>) src(%dma_wait3A_594 : memref<10016x8xf32, #tpu.memory_space<hbm>>) dst(%dma_wait3A_588 : memref<128x8xf32, #tpu.memory_space<vmem>>)
      %dma_start3A_597 = arith.constant 7 : i32
      %dma_start3A_598 = arith.constant 7 : i32
      %dma_start3A_599 = arith.constant 0 : i32
      %dma_start3A_600 = arith.constant 0 : i32
      %dma_start3A_601 = tpu.memref_slice %arg8[%dma_start3A_597, %dma_start3A_599, %dma_start3A_600] : memref<8x128x8xf32, #tpu.memory_space<vmem>> -> memref<1x128x8xf32, #tpu.memory_space<vmem>>
      %dma_start3A_602 = tpu.memref_squeeze %dma_start3A_601 : memref<1x128x8xf32, #tpu.memory_space<vmem>> -> memref<128x8xf32, #tpu.memory_space<vmem>>
      %dma_start3A_603 = arith.constant 0 : i32
      %dma_start3A_604 = tpu.memref_slice %arg7[%add3A_582, %dma_start3A_603] : memref<112x128xi32, #tpu.memory_space<vmem>> -> memref<1x128xi32, #tpu.memory_space<vmem>>
      %dma_start3A_605 = tpu.memref_squeeze %dma_start3A_604 : memref<1x128xi32, #tpu.memory_space<vmem>> -> memref<128xi32, #tpu.memory_space<vmem>>
      %dma_start3A_606 = arith.constant 0 : i32
      %dma_start3A_607 = arith.constant 0 : i32
      %dma_start3A_608 = tpu.memref_slice %arg9[%dma_start3A_606, %dma_start3A_607] : memref<10240x8xf32, #tpu.memory_space<vmem_shared>> -> memref<10240x8xf32, #tpu.memory_space<vmem_shared>>
      %dma_start3A_609 = tpu.memref_slice %arg11[%dma_start3A_598] : memref<8x!tpu.dma_semaphore, #tpu.memory_space<semaphore_mem>> -> memref<1x!tpu.dma_semaphore, #tpu.memory_space<semaphore_mem>>
      %dma_start3A_610 = tpu.memref_squeeze %dma_start3A_609 : memref<1x!tpu.dma_semaphore, #tpu.memory_space<semaphore_mem>> -> memref<!tpu.dma_semaphore, #tpu.memory_space<semaphore_mem>>
      tpu.enqueue_indirect_dma source(%dma_start3A_602 : memref<128x8xf32, #tpu.memory_space<vmem>>) target(%dma_start3A_608 : memref<10240x8xf32, #tpu.memory_space<vmem_shared>>) offsets(%dma_start3A_605 : memref<128xi32, #tpu.memory_space<vmem>>) semaphore(%dma_start3A_610 : memref<!tpu.dma_semaphore, #tpu.memory_space<semaphore_mem>>) {add = true}
      %add3A_611 = arith.constant 8 : i32
      %add3A_612 = arith.addi %add3A_582, %add3A_611 : i32
      %lt3A_613 = arith.cmpi slt, %add3A_612, %select_n3A_7 : i32
      %convert_element_type3A_614 = arith.extui %lt3A_613 : i1 to i32
      %cond3A_615 = arith.constant 0 : i32
      %cond3A_616 = arith.cmpi ne, %convert_element_type3A_614, %cond3A_615 : i32
      scf.if %cond3A_616 {
        %dma_wait3A_617 = arith.constant 7 : i32
        %dma_wait3A_618 = arith.constant 7 : i32
        %dma_wait3A_619 = arith.constant 0 : i32
        %dma_wait3A_620 = arith.constant 0 : i32
        %dma_wait3A_621 = tpu.memref_slice %arg8[%dma_wait3A_617, %dma_wait3A_619, %dma_wait3A_620] : memref<8x128x8xf32, #tpu.memory_space<vmem>> -> memref<1x128x8xf32, #tpu.memory_space<vmem>>
        %dma_wait3A_622 = tpu.memref_squeeze %dma_wait3A_621 : memref<1x128x8xf32, #tpu.memory_space<vmem>> -> memref<128x8xf32, #tpu.memory_space<vmem>>
        %dma_wait3A_623 = arith.constant 0 : i32
        %dma_wait3A_624 = tpu.memref_slice %arg7[%add3A_582, %dma_wait3A_623] : memref<112x128xi32, #tpu.memory_space<vmem>> -> memref<1x128xi32, #tpu.memory_space<vmem>>
        %dma_wait3A_625 = tpu.memref_squeeze %dma_wait3A_624 : memref<1x128xi32, #tpu.memory_space<vmem>> -> memref<128xi32, #tpu.memory_space<vmem>>
        %dma_wait3A_626 = arith.constant 0 : i32
        %dma_wait3A_627 = arith.constant 0 : i32
        %dma_wait3A_628 = tpu.memref_slice %arg9[%dma_wait3A_626, %dma_wait3A_627] : memref<10240x8xf32, #tpu.memory_space<vmem_shared>> -> memref<10240x8xf32, #tpu.memory_space<vmem_shared>>
        %dma_wait3A_629 = tpu.memref_slice %arg11[%dma_wait3A_618] : memref<8x!tpu.dma_semaphore, #tpu.memory_space<semaphore_mem>> -> memref<1x!tpu.dma_semaphore, #tpu.memory_space<semaphore_mem>>
        %dma_wait3A_630 = tpu.memref_squeeze %dma_wait3A_629 : memref<1x!tpu.dma_semaphore, #tpu.memory_space<semaphore_mem>> -> memref<!tpu.dma_semaphore, #tpu.memory_space<semaphore_mem>>
        tpu.wait_indirect_dma semaphore(%dma_wait3A_630 : memref<!tpu.dma_semaphore, #tpu.memory_space<semaphore_mem>>) src(%dma_wait3A_622 : memref<128x8xf32, #tpu.memory_space<vmem>>) dst(%dma_wait3A_628 : memref<10240x8xf32, #tpu.memory_space<vmem_shared>>)
        %dma_start3A_631 = arith.constant 7 : i32
        %dma_start3A_632 = arith.constant 7 : i32
        %dma_start3A_633 = arith.constant 0 : i32
        %dma_start3A_634 = arith.constant 0 : i32
        %dma_start3A_635 = tpu.memref_slice %arg8[%dma_start3A_631, %dma_start3A_633, %dma_start3A_634] : memref<8x128x8xf32, #tpu.memory_space<vmem>> -> memref<1x128x8xf32, #tpu.memory_space<vmem>>
        %dma_start3A_636 = tpu.memref_squeeze %dma_start3A_635 : memref<1x128x8xf32, #tpu.memory_space<vmem>> -> memref<128x8xf32, #tpu.memory_space<vmem>>
        %dma_start3A_637 = arith.constant 0 : i32
        %dma_start3A_638 = tpu.memref_slice %arg6[%add3A_612, %dma_start3A_637] : memref<112x128xi32, #tpu.memory_space<vmem>> -> memref<1x128xi32, #tpu.memory_space<vmem>>
        %dma_start3A_639 = tpu.memref_squeeze %dma_start3A_638 : memref<1x128xi32, #tpu.memory_space<vmem>> -> memref<128xi32, #tpu.memory_space<vmem>>
        %dma_start3A_640 = arith.constant 0 : i32
        %dma_start3A_641 = arith.constant 0 : i32
        %dma_start3A_642 = tpu.memref_slice %arg2[%dma_start3A_640, %dma_start3A_641] : memref<10016x8xf32, #tpu.memory_space<hbm>> -> memref<10016x8xf32, #tpu.memory_space<hbm>>
        %dma_start3A_643 = tpu.memref_slice %arg10[%dma_start3A_632] : memref<8x!tpu.dma_semaphore, #tpu.memory_space<semaphore_mem>> -> memref<1x!tpu.dma_semaphore, #tpu.memory_space<semaphore_mem>>
        %dma_start3A_644 = tpu.memref_squeeze %dma_start3A_643 : memref<1x!tpu.dma_semaphore, #tpu.memory_space<semaphore_mem>> -> memref<!tpu.dma_semaphore, #tpu.memory_space<semaphore_mem>>
        tpu.enqueue_indirect_dma source(%dma_start3A_642 : memref<10016x8xf32, #tpu.memory_space<hbm>>) target(%dma_start3A_636 : memref<128x8xf32, #tpu.memory_space<vmem>>) offsets(%dma_start3A_639 : memref<128xi32, #tpu.memory_space<vmem>>) semaphore(%dma_start3A_644 : memref<!tpu.dma_semaphore, #tpu.memory_space<semaphore_mem>>)
      } else {
      }
    }
    %while3A_166 = arith.constant 1 : i32
    scf.for %while3A_313 = %while3A_164 to %while3A_160 step %while3A_166  : i32 {
      %mul3A_314 = arith.constant 8 : i32
      %mul3A_315 = arith.muli %while3A_313, %mul3A_314 : i32
      %add3A_316 = arith.constant 0 : i32
      %add3A_317 = arith.addi %mul3A_315, %add3A_316 : i32
      %dma_wait3A_318 = arith.constant 0 : i32
      %dma_wait3A_319 = arith.constant 0 : i32
      %dma_wait3A_320 = arith.constant 0 : i32
      %dma_wait3A_321 = arith.constant 0 : i32
      %dma_wait3A_322 = tpu.memref_slice %arg8[%dma_wait3A_318, %dma_wait3A_320, %dma_wait3A_321] : memref<8x128x8xf32, #tpu.memory_space<vmem>> -> memref<1x128x8xf32, #tpu.memory_space<vmem>>
      %dma_wait3A_323 = tpu.memref_squeeze %dma_wait3A_322 : memref<1x128x8xf32, #tpu.memory_space<vmem>> -> memref<128x8xf32, #tpu.memory_space<vmem>>
      %dma_wait3A_324 = arith.constant 0 : i32
      %dma_wait3A_325 = tpu.memref_slice %arg6[%add3A_317, %dma_wait3A_324] : memref<112x128xi32, #tpu.memory_space<vmem>> -> memref<1x128xi32, #tpu.memory_space<vmem>>
      %dma_wait3A_326 = tpu.memref_squeeze %dma_wait3A_325 : memref<1x128xi32, #tpu.memory_space<vmem>> -> memref<128xi32, #tpu.memory_space<vmem>>
      %dma_wait3A_327 = arith.constant 0 : i32
      %dma_wait3A_328 = arith.constant 0 : i32
      %dma_wait3A_329 = tpu.memref_slice %arg2[%dma_wait3A_327, %dma_wait3A_328] : memref<10016x8xf32, #tpu.memory_space<hbm>> -> memref<10016x8xf32, #tpu.memory_space<hbm>>
      %dma_wait3A_330 = tpu.memref_slice %arg10[%dma_wait3A_319] : memref<8x!tpu.dma_semaphore, #tpu.memory_space<semaphore_mem>> -> memref<1x!tpu.dma_semaphore, #tpu.memory_space<semaphore_mem>>
      %dma_wait3A_331 = tpu.memref_squeeze %dma_wait3A_330 : memref<1x!tpu.dma_semaphore, #tpu.memory_space<semaphore_mem>> -> memref<!tpu.dma_semaphore, #tpu.memory_space<semaphore_mem>>
      tpu.wait_indirect_dma semaphore(%dma_wait3A_331 : memref<!tpu.dma_semaphore, #tpu.memory_space<semaphore_mem>>) src(%dma_wait3A_329 : memref<10016x8xf32, #tpu.memory_space<hbm>>) dst(%dma_wait3A_323 : memref<128x8xf32, #tpu.memory_space<vmem>>)
      %dma_start3A_332 = arith.constant 0 : i32
      %dma_start3A_333 = arith.constant 0 : i32
      %dma_start3A_334 = arith.constant 0 : i32
      %dma_start3A_335 = arith.constant 0 : i32
      %dma_start3A_336 = tpu.memref_slice %arg8[%dma_start3A_332, %dma_start3A_334, %dma_start3A_335] : memref<8x128x8xf32, #tpu.memory_space<vmem>> -> memref<1x128x8xf32, #tpu.memory_space<vmem>>
      %dma_start3A_337 = tpu.memref_squeeze %dma_start3A_336 : memref<1x128x8xf32, #tpu.memory_space<vmem>> -> memref<128x8xf32, #tpu.memory_space<vmem>>
      %dma_start3A_338 = arith.constant 0 : i32
      %dma_start3A_339 = tpu.memref_slice %arg7[%add3A_317, %dma_start3A_338] : memref<112x128xi32, #tpu.memory_space<vmem>> -> memref<1x128xi32, #tpu.memory_space<vmem>>
      %dma_start3A_340 = tpu.memref_squeeze %dma_start3A_339 : memref<1x128xi32, #tpu.memory_space<vmem>> -> memref<128xi32, #tpu.memory_space<vmem>>
      %dma_start3A_341 = arith.constant 0 : i32
      %dma_start3A_342 = arith.constant 0 : i32
      %dma_start3A_343 = tpu.memref_slice %arg9[%dma_start3A_341, %dma_start3A_342] : memref<10240x8xf32, #tpu.memory_space<vmem_shared>> -> memref<10240x8xf32, #tpu.memory_space<vmem_shared>>
      %dma_start3A_344 = tpu.memref_slice %arg11[%dma_start3A_333] : memref<8x!tpu.dma_semaphore, #tpu.memory_space<semaphore_mem>> -> memref<1x!tpu.dma_semaphore, #tpu.memory_space<semaphore_mem>>
      %dma_start3A_345 = tpu.memref_squeeze %dma_start3A_344 : memref<1x!tpu.dma_semaphore, #tpu.memory_space<semaphore_mem>> -> memref<!tpu.dma_semaphore, #tpu.memory_space<semaphore_mem>>
      tpu.enqueue_indirect_dma source(%dma_start3A_337 : memref<128x8xf32, #tpu.memory_space<vmem>>) target(%dma_start3A_343 : memref<10240x8xf32, #tpu.memory_space<vmem_shared>>) offsets(%dma_start3A_340 : memref<128xi32, #tpu.memory_space<vmem>>) semaphore(%dma_start3A_345 : memref<!tpu.dma_semaphore, #tpu.memory_space<semaphore_mem>>) {add = true}
      %add3A_346 = arith.constant 8 : i32
      %add3A_347 = arith.addi %add3A_317, %add3A_346 : i32
      %lt3A = arith.cmpi slt, %add3A_347, %select_n3A_7 : i32
      %convert_element_type3A_348 = arith.extui %lt3A : i1 to i32
      %cond3A_349 = arith.constant 0 : i32
      %cond3A_350 = arith.cmpi ne, %convert_element_type3A_348, %cond3A_349 : i32
      scf.if %cond3A_350 {
        %dma_wait3A_617 = arith.constant 0 : i32
        %dma_wait3A_618 = arith.constant 0 : i32
        %dma_wait3A_619 = arith.constant 0 : i32
        %dma_wait3A_620 = arith.constant 0 : i32
        %dma_wait3A_621 = tpu.memref_slice %arg8[%dma_wait3A_617, %dma_wait3A_619, %dma_wait3A_620] : memref<8x128x8xf32, #tpu.memory_space<vmem>> -> memref<1x128x8xf32, #tpu.memory_space<vmem>>
        %dma_wait3A_622 = tpu.memref_squeeze %dma_wait3A_621 : memref<1x128x8xf32, #tpu.memory_space<vmem>> -> memref<128x8xf32, #tpu.memory_space<vmem>>
        %dma_wait3A_623 = arith.constant 0 : i32
        %dma_wait3A_624 = tpu.memref_slice %arg7[%add3A_317, %dma_wait3A_623] : memref<112x128xi32, #tpu.memory_space<vmem>> -> memref<1x128xi32, #tpu.memory_space<vmem>>
        %dma_wait3A_625 = tpu.memref_squeeze %dma_wait3A_624 : memref<1x128xi32, #tpu.memory_space<vmem>> -> memref<128xi32, #tpu.memory_space<vmem>>
        %dma_wait3A_626 = arith.constant 0 : i32
        %dma_wait3A_627 = arith.constant 0 : i32
        %dma_wait3A_628 = tpu.memref_slice %arg9[%dma_wait3A_626, %dma_wait3A_627] : memref<10240x8xf32, #tpu.memory_space<vmem_shared>> -> memref<10240x8xf32, #tpu.memory_space<vmem_shared>>
        %dma_wait3A_629 = tpu.memref_slice %arg11[%dma_wait3A_618] : memref<8x!tpu.dma_semaphore, #tpu.memory_space<semaphore_mem>> -> memref<1x!tpu.dma_semaphore, #tpu.memory_space<semaphore_mem>>
        %dma_wait3A_630 = tpu.memref_squeeze %dma_wait3A_629 : memref<1x!tpu.dma_semaphore, #tpu.memory_space<semaphore_mem>> -> memref<!tpu.dma_semaphore, #tpu.memory_space<semaphore_mem>>
        tpu.wait_indirect_dma semaphore(%dma_wait3A_630 : memref<!tpu.dma_semaphore, #tpu.memory_space<semaphore_mem>>) src(%dma_wait3A_622 : memref<128x8xf32, #tpu.memory_space<vmem>>) dst(%dma_wait3A_628 : memref<10240x8xf32, #tpu.memory_space<vmem_shared>>)
        %dma_start3A_631 = arith.constant 0 : i32
        %dma_start3A_632 = arith.constant 0 : i32
        %dma_start3A_633 = arith.constant 0 : i32
        %dma_start3A_634 = arith.constant 0 : i32
        %dma_start3A_635 = tpu.memref_slice %arg8[%dma_start3A_631, %dma_start3A_633, %dma_start3A_634] : memref<8x128x8xf32, #tpu.memory_space<vmem>> -> memref<1x128x8xf32, #tpu.memory_space<vmem>>
        %dma_start3A_636 = tpu.memref_squeeze %dma_start3A_635 : memref<1x128x8xf32, #tpu.memory_space<vmem>> -> memref<128x8xf32, #tpu.memory_space<vmem>>
        %dma_start3A_637 = arith.constant 0 : i32
        %dma_start3A_638 = tpu.memref_slice %arg6[%add3A_347, %dma_start3A_637] : memref<112x128xi32, #tpu.memory_space<vmem>> -> memref<1x128xi32, #tpu.memory_space<vmem>>
        %dma_start3A_639 = tpu.memref_squeeze %dma_start3A_638 : memref<1x128xi32, #tpu.memory_space<vmem>> -> memref<128xi32, #tpu.memory_space<vmem>>
        %dma_start3A_640 = arith.constant 0 : i32
        %dma_start3A_641 = arith.constant 0 : i32
        %dma_start3A_642 = tpu.memref_slice %arg2[%dma_start3A_640, %dma_start3A_641] : memref<10016x8xf32, #tpu.memory_space<hbm>> -> memref<10016x8xf32, #tpu.memory_space<hbm>>
        %dma_start3A_643 = tpu.memref_slice %arg10[%dma_start3A_632] : memref<8x!tpu.dma_semaphore, #tpu.memory_space<semaphore_mem>> -> memref<1x!tpu.dma_semaphore, #tpu.memory_space<semaphore_mem>>
        %dma_start3A_644 = tpu.memref_squeeze %dma_start3A_643 : memref<1x!tpu.dma_semaphore, #tpu.memory_space<semaphore_mem>> -> memref<!tpu.dma_semaphore, #tpu.memory_space<semaphore_mem>>
        tpu.enqueue_indirect_dma source(%dma_start3A_642 : memref<10016x8xf32, #tpu.memory_space<hbm>>) target(%dma_start3A_636 : memref<128x8xf32, #tpu.memory_space<vmem>>) offsets(%dma_start3A_639 : memref<128xi32, #tpu.memory_space<vmem>>) semaphore(%dma_start3A_644 : memref<!tpu.dma_semaphore, #tpu.memory_space<semaphore_mem>>)
      } else {
      }
      %mul3A_351 = arith.constant 8 : i32
      %mul3A_352 = arith.muli %while3A_313, %mul3A_351 : i32
      %add3A_353 = arith.constant 1 : i32
      %add3A_354 = arith.addi %mul3A_352, %add3A_353 : i32
      %dma_wait3A_355 = arith.constant 1 : i32
      %dma_wait3A_356 = arith.constant 1 : i32
      %dma_wait3A_357 = arith.constant 0 : i32
      %dma_wait3A_358 = arith.constant 0 : i32
      %dma_wait3A_359 = tpu.memref_slice %arg8[%dma_wait3A_355, %dma_wait3A_357, %dma_wait3A_358] : memref<8x128x8xf32, #tpu.memory_space<vmem>> -> memref<1x128x8xf32, #tpu.memory_space<vmem>>
      %dma_wait3A_360 = tpu.memref_squeeze %dma_wait3A_359 : memref<1x128x8xf32, #tpu.memory_space<vmem>> -> memref<128x8xf32, #tpu.memory_space<vmem>>
      %dma_wait3A_361 = arith.constant 0 : i32
      %dma_wait3A_362 = tpu.memref_slice %arg6[%add3A_354, %dma_wait3A_361] : memref<112x128xi32, #tpu.memory_space<vmem>> -> memref<1x128xi32, #tpu.memory_space<vmem>>
      %dma_wait3A_363 = tpu.memref_squeeze %dma_wait3A_362 : memref<1x128xi32, #tpu.memory_space<vmem>> -> memref<128xi32, #tpu.memory_space<vmem>>
      %dma_wait3A_364 = arith.constant 0 : i32
      %dma_wait3A_365 = arith.constant 0 : i32
      %dma_wait3A_366 = tpu.memref_slice %arg2[%dma_wait3A_364, %dma_wait3A_365] : memref<10016x8xf32, #tpu.memory_space<hbm>> -> memref<10016x8xf32, #tpu.memory_space<hbm>>
      %dma_wait3A_367 = tpu.memref_slice %arg10[%dma_wait3A_356] : memref<8x!tpu.dma_semaphore, #tpu.memory_space<semaphore_mem>> -> memref<1x!tpu.dma_semaphore, #tpu.memory_space<semaphore_mem>>
      %dma_wait3A_368 = tpu.memref_squeeze %dma_wait3A_367 : memref<1x!tpu.dma_semaphore, #tpu.memory_space<semaphore_mem>> -> memref<!tpu.dma_semaphore, #tpu.memory_space<semaphore_mem>>
      tpu.wait_indirect_dma semaphore(%dma_wait3A_368 : memref<!tpu.dma_semaphore, #tpu.memory_space<semaphore_mem>>) src(%dma_wait3A_366 : memref<10016x8xf32, #tpu.memory_space<hbm>>) dst(%dma_wait3A_360 : memref<128x8xf32, #tpu.memory_space<vmem>>)
      %dma_start3A_369 = arith.constant 1 : i32
      %dma_start3A_370 = arith.constant 1 : i32
      %dma_start3A_371 = arith.constant 0 : i32
      %dma_start3A_372 = arith.constant 0 : i32
      %dma_start3A_373 = tpu.memref_slice %arg8[%dma_start3A_369, %dma_start3A_371, %dma_start3A_372] : memref<8x128x8xf32, #tpu.memory_space<vmem>> -> memref<1x128x8xf32, #tpu.memory_space<vmem>>
      %dma_start3A_374 = tpu.memref_squeeze %dma_start3A_373 : memref<1x128x8xf32, #tpu.memory_space<vmem>> -> memref<128x8xf32, #tpu.memory_space<vmem>>
      %dma_start3A_375 = arith.constant 0 : i32
      %dma_start3A_376 = tpu.memref_slice %arg7[%add3A_354, %dma_start3A_375] : memref<112x128xi32, #tpu.memory_space<vmem>> -> memref<1x128xi32, #tpu.memory_space<vmem>>
      %dma_start3A_377 = tpu.memref_squeeze %dma_start3A_376 : memref<1x128xi32, #tpu.memory_space<vmem>> -> memref<128xi32, #tpu.memory_space<vmem>>
      %dma_start3A_378 = arith.constant 0 : i32
      %dma_start3A_379 = arith.constant 0 : i32
      %dma_start3A_380 = tpu.memref_slice %arg9[%dma_start3A_378, %dma_start3A_379] : memref<10240x8xf32, #tpu.memory_space<vmem_shared>> -> memref<10240x8xf32, #tpu.memory_space<vmem_shared>>
      %dma_start3A_381 = tpu.memref_slice %arg11[%dma_start3A_370] : memref<8x!tpu.dma_semaphore, #tpu.memory_space<semaphore_mem>> -> memref<1x!tpu.dma_semaphore, #tpu.memory_space<semaphore_mem>>
      %dma_start3A_382 = tpu.memref_squeeze %dma_start3A_381 : memref<1x!tpu.dma_semaphore, #tpu.memory_space<semaphore_mem>> -> memref<!tpu.dma_semaphore, #tpu.memory_space<semaphore_mem>>
      tpu.enqueue_indirect_dma source(%dma_start3A_374 : memref<128x8xf32, #tpu.memory_space<vmem>>) target(%dma_start3A_380 : memref<10240x8xf32, #tpu.memory_space<vmem_shared>>) offsets(%dma_start3A_377 : memref<128xi32, #tpu.memory_space<vmem>>) semaphore(%dma_start3A_382 : memref<!tpu.dma_semaphore, #tpu.memory_space<semaphore_mem>>) {add = true}
      %add3A_383 = arith.constant 8 : i32
      %add3A_384 = arith.addi %add3A_354, %add3A_383 : i32
      %lt3A_385 = arith.cmpi slt, %add3A_384, %select_n3A_7 : i32
      %convert_element_type3A_386 = arith.extui %lt3A_385 : i1 to i32
      %cond3A_387 = arith.constant 0 : i32
      %cond3A_388 = arith.cmpi ne, %convert_element_type3A_386, %cond3A_387 : i32
      scf.if %cond3A_388 {
        %dma_wait3A_617 = arith.constant 1 : i32
        %dma_wait3A_618 = arith.constant 1 : i32
        %dma_wait3A_619 = arith.constant 0 : i32
        %dma_wait3A_620 = arith.constant 0 : i32
        %dma_wait3A_621 = tpu.memref_slice %arg8[%dma_wait3A_617, %dma_wait3A_619, %dma_wait3A_620] : memref<8x128x8xf32, #tpu.memory_space<vmem>> -> memref<1x128x8xf32, #tpu.memory_space<vmem>>
        %dma_wait3A_622 = tpu.memref_squeeze %dma_wait3A_621 : memref<1x128x8xf32, #tpu.memory_space<vmem>> -> memref<128x8xf32, #tpu.memory_space<vmem>>
        %dma_wait3A_623 = arith.constant 0 : i32
        %dma_wait3A_624 = tpu.memref_slice %arg7[%add3A_354, %dma_wait3A_623] : memref<112x128xi32, #tpu.memory_space<vmem>> -> memref<1x128xi32, #tpu.memory_space<vmem>>
        %dma_wait3A_625 = tpu.memref_squeeze %dma_wait3A_624 : memref<1x128xi32, #tpu.memory_space<vmem>> -> memref<128xi32, #tpu.memory_space<vmem>>
        %dma_wait3A_626 = arith.constant 0 : i32
        %dma_wait3A_627 = arith.constant 0 : i32
        %dma_wait3A_628 = tpu.memref_slice %arg9[%dma_wait3A_626, %dma_wait3A_627] : memref<10240x8xf32, #tpu.memory_space<vmem_shared>> -> memref<10240x8xf32, #tpu.memory_space<vmem_shared>>
        %dma_wait3A_629 = tpu.memref_slice %arg11[%dma_wait3A_618] : memref<8x!tpu.dma_semaphore, #tpu.memory_space<semaphore_mem>> -> memref<1x!tpu.dma_semaphore, #tpu.memory_space<semaphore_mem>>
        %dma_wait3A_630 = tpu.memref_squeeze %dma_wait3A_629 : memref<1x!tpu.dma_semaphore, #tpu.memory_space<semaphore_mem>> -> memref<!tpu.dma_semaphore, #tpu.memory_space<semaphore_mem>>
        tpu.wait_indirect_dma semaphore(%dma_wait3A_630 : memref<!tpu.dma_semaphore, #tpu.memory_space<semaphore_mem>>) src(%dma_wait3A_622 : memref<128x8xf32, #tpu.memory_space<vmem>>) dst(%dma_wait3A_628 : memref<10240x8xf32, #tpu.memory_space<vmem_shared>>)
        %dma_start3A_631 = arith.constant 1 : i32
        %dma_start3A_632 = arith.constant 1 : i32
        %dma_start3A_633 = arith.constant 0 : i32
        %dma_start3A_634 = arith.constant 0 : i32
        %dma_start3A_635 = tpu.memref_slice %arg8[%dma_start3A_631, %dma_start3A_633, %dma_start3A_634] : memref<8x128x8xf32, #tpu.memory_space<vmem>> -> memref<1x128x8xf32, #tpu.memory_space<vmem>>
        %dma_start3A_636 = tpu.memref_squeeze %dma_start3A_635 : memref<1x128x8xf32, #tpu.memory_space<vmem>> -> memref<128x8xf32, #tpu.memory_space<vmem>>
        %dma_start3A_637 = arith.constant 0 : i32
        %dma_start3A_638 = tpu.memref_slice %arg6[%add3A_384, %dma_start3A_637] : memref<112x128xi32, #tpu.memory_space<vmem>> -> memref<1x128xi32, #tpu.memory_space<vmem>>
        %dma_start3A_639 = tpu.memref_squeeze %dma_start3A_638 : memref<1x128xi32, #tpu.memory_space<vmem>> -> memref<128xi32, #tpu.memory_space<vmem>>
        %dma_start3A_640 = arith.constant 0 : i32
        %dma_start3A_641 = arith.constant 0 : i32
        %dma_start3A_642 = tpu.memref_slice %arg2[%dma_start3A_640, %dma_start3A_641] : memref<10016x8xf32, #tpu.memory_space<hbm>> -> memref<10016x8xf32, #tpu.memory_space<hbm>>
        %dma_start3A_643 = tpu.memref_slice %arg10[%dma_start3A_632] : memref<8x!tpu.dma_semaphore, #tpu.memory_space<semaphore_mem>> -> memref<1x!tpu.dma_semaphore, #tpu.memory_space<semaphore_mem>>
        %dma_start3A_644 = tpu.memref_squeeze %dma_start3A_643 : memref<1x!tpu.dma_semaphore, #tpu.memory_space<semaphore_mem>> -> memref<!tpu.dma_semaphore, #tpu.memory_space<semaphore_mem>>
        tpu.enqueue_indirect_dma source(%dma_start3A_642 : memref<10016x8xf32, #tpu.memory_space<hbm>>) target(%dma_start3A_636 : memref<128x8xf32, #tpu.memory_space<vmem>>) offsets(%dma_start3A_639 : memref<128xi32, #tpu.memory_space<vmem>>) semaphore(%dma_start3A_644 : memref<!tpu.dma_semaphore, #tpu.memory_space<semaphore_mem>>)
      } else {
      }
      %mul3A_389 = arith.constant 8 : i32
      %mul3A_390 = arith.muli %while3A_313, %mul3A_389 : i32
      %add3A_391 = arith.constant 2 : i32
      %add3A_392 = arith.addi %mul3A_390, %add3A_391 : i32
      %dma_wait3A_393 = arith.constant 2 : i32
      %dma_wait3A_394 = arith.constant 2 : i32
      %dma_wait3A_395 = arith.constant 0 : i32
      %dma_wait3A_396 = arith.constant 0 : i32
      %dma_wait3A_397 = tpu.memref_slice %arg8[%dma_wait3A_393, %dma_wait3A_395, %dma_wait3A_396] : memref<8x128x8xf32, #tpu.memory_space<vmem>> -> memref<1x128x8xf32, #tpu.memory_space<vmem>>
      %dma_wait3A_398 = tpu.memref_squeeze %dma_wait3A_397 : memref<1x128x8xf32, #tpu.memory_space<vmem>> -> memref<128x8xf32, #tpu.memory_space<vmem>>
      %dma_wait3A_399 = arith.constant 0 : i32
      %dma_wait3A_400 = tpu.memref_slice %arg6[%add3A_392, %dma_wait3A_399] : memref<112x128xi32, #tpu.memory_space<vmem>> -> memref<1x128xi32, #tpu.memory_space<vmem>>
      %dma_wait3A_401 = tpu.memref_squeeze %dma_wait3A_400 : memref<1x128xi32, #tpu.memory_space<vmem>> -> memref<128xi32, #tpu.memory_space<vmem>>
      %dma_wait3A_402 = arith.constant 0 : i32
      %dma_wait3A_403 = arith.constant 0 : i32
      %dma_wait3A_404 = tpu.memref_slice %arg2[%dma_wait3A_402, %dma_wait3A_403] : memref<10016x8xf32, #tpu.memory_space<hbm>> -> memref<10016x8xf32, #tpu.memory_space<hbm>>
      %dma_wait3A_405 = tpu.memref_slice %arg10[%dma_wait3A_394] : memref<8x!tpu.dma_semaphore, #tpu.memory_space<semaphore_mem>> -> memref<1x!tpu.dma_semaphore, #tpu.memory_space<semaphore_mem>>
      %dma_wait3A_406 = tpu.memref_squeeze %dma_wait3A_405 : memref<1x!tpu.dma_semaphore, #tpu.memory_space<semaphore_mem>> -> memref<!tpu.dma_semaphore, #tpu.memory_space<semaphore_mem>>
      tpu.wait_indirect_dma semaphore(%dma_wait3A_406 : memref<!tpu.dma_semaphore, #tpu.memory_space<semaphore_mem>>) src(%dma_wait3A_404 : memref<10016x8xf32, #tpu.memory_space<hbm>>) dst(%dma_wait3A_398 : memref<128x8xf32, #tpu.memory_space<vmem>>)
      %dma_start3A_407 = arith.constant 2 : i32
      %dma_start3A_408 = arith.constant 2 : i32
      %dma_start3A_409 = arith.constant 0 : i32
      %dma_start3A_410 = arith.constant 0 : i32
      %dma_start3A_411 = tpu.memref_slice %arg8[%dma_start3A_407, %dma_start3A_409, %dma_start3A_410] : memref<8x128x8xf32, #tpu.memory_space<vmem>> -> memref<1x128x8xf32, #tpu.memory_space<vmem>>
      %dma_start3A_412 = tpu.memref_squeeze %dma_start3A_411 : memref<1x128x8xf32, #tpu.memory_space<vmem>> -> memref<128x8xf32, #tpu.memory_space<vmem>>
      %dma_start3A_413 = arith.constant 0 : i32
      %dma_start3A_414 = tpu.memref_slice %arg7[%add3A_392, %dma_start3A_413] : memref<112x128xi32, #tpu.memory_space<vmem>> -> memref<1x128xi32, #tpu.memory_space<vmem>>
      %dma_start3A_415 = tpu.memref_squeeze %dma_start3A_414 : memref<1x128xi32, #tpu.memory_space<vmem>> -> memref<128xi32, #tpu.memory_space<vmem>>
      %dma_start3A_416 = arith.constant 0 : i32
      %dma_start3A_417 = arith.constant 0 : i32
      %dma_start3A_418 = tpu.memref_slice %arg9[%dma_start3A_416, %dma_start3A_417] : memref<10240x8xf32, #tpu.memory_space<vmem_shared>> -> memref<10240x8xf32, #tpu.memory_space<vmem_shared>>
      %dma_start3A_419 = tpu.memref_slice %arg11[%dma_start3A_408] : memref<8x!tpu.dma_semaphore, #tpu.memory_space<semaphore_mem>> -> memref<1x!tpu.dma_semaphore, #tpu.memory_space<semaphore_mem>>
      %dma_start3A_420 = tpu.memref_squeeze %dma_start3A_419 : memref<1x!tpu.dma_semaphore, #tpu.memory_space<semaphore_mem>> -> memref<!tpu.dma_semaphore, #tpu.memory_space<semaphore_mem>>
      tpu.enqueue_indirect_dma source(%dma_start3A_412 : memref<128x8xf32, #tpu.memory_space<vmem>>) target(%dma_start3A_418 : memref<10240x8xf32, #tpu.memory_space<vmem_shared>>) offsets(%dma_start3A_415 : memref<128xi32, #tpu.memory_space<vmem>>) semaphore(%dma_start3A_420 : memref<!tpu.dma_semaphore, #tpu.memory_space<semaphore_mem>>) {add = true}
      %add3A_421 = arith.constant 8 : i32
      %add3A_422 = arith.addi %add3A_392, %add3A_421 : i32
      %lt3A_423 = arith.cmpi slt, %add3A_422, %select_n3A_7 : i32
      %convert_element_type3A_424 = arith.extui %lt3A_423 : i1 to i32
      %cond3A_425 = arith.constant 0 : i32
      %cond3A_426 = arith.cmpi ne, %convert_element_type3A_424, %cond3A_425 : i32
      scf.if %cond3A_426 {
        %dma_wait3A_617 = arith.constant 2 : i32
        %dma_wait3A_618 = arith.constant 2 : i32
        %dma_wait3A_619 = arith.constant 0 : i32
        %dma_wait3A_620 = arith.constant 0 : i32
        %dma_wait3A_621 = tpu.memref_slice %arg8[%dma_wait3A_617, %dma_wait3A_619, %dma_wait3A_620] : memref<8x128x8xf32, #tpu.memory_space<vmem>> -> memref<1x128x8xf32, #tpu.memory_space<vmem>>
        %dma_wait3A_622 = tpu.memref_squeeze %dma_wait3A_621 : memref<1x128x8xf32, #tpu.memory_space<vmem>> -> memref<128x8xf32, #tpu.memory_space<vmem>>
        %dma_wait3A_623 = arith.constant 0 : i32
        %dma_wait3A_624 = tpu.memref_slice %arg7[%add3A_392, %dma_wait3A_623] : memref<112x128xi32, #tpu.memory_space<vmem>> -> memref<1x128xi32, #tpu.memory_space<vmem>>
        %dma_wait3A_625 = tpu.memref_squeeze %dma_wait3A_624 : memref<1x128xi32, #tpu.memory_space<vmem>> -> memref<128xi32, #tpu.memory_space<vmem>>
        %dma_wait3A_626 = arith.constant 0 : i32
        %dma_wait3A_627 = arith.constant 0 : i32
        %dma_wait3A_628 = tpu.memref_slice %arg9[%dma_wait3A_626, %dma_wait3A_627] : memref<10240x8xf32, #tpu.memory_space<vmem_shared>> -> memref<10240x8xf32, #tpu.memory_space<vmem_shared>>
        %dma_wait3A_629 = tpu.memref_slice %arg11[%dma_wait3A_618] : memref<8x!tpu.dma_semaphore, #tpu.memory_space<semaphore_mem>> -> memref<1x!tpu.dma_semaphore, #tpu.memory_space<semaphore_mem>>
        %dma_wait3A_630 = tpu.memref_squeeze %dma_wait3A_629 : memref<1x!tpu.dma_semaphore, #tpu.memory_space<semaphore_mem>> -> memref<!tpu.dma_semaphore, #tpu.memory_space<semaphore_mem>>
        tpu.wait_indirect_dma semaphore(%dma_wait3A_630 : memref<!tpu.dma_semaphore, #tpu.memory_space<semaphore_mem>>) src(%dma_wait3A_622 : memref<128x8xf32, #tpu.memory_space<vmem>>) dst(%dma_wait3A_628 : memref<10240x8xf32, #tpu.memory_space<vmem_shared>>)
        %dma_start3A_631 = arith.constant 2 : i32
        %dma_start3A_632 = arith.constant 2 : i32
        %dma_start3A_633 = arith.constant 0 : i32
        %dma_start3A_634 = arith.constant 0 : i32
        %dma_start3A_635 = tpu.memref_slice %arg8[%dma_start3A_631, %dma_start3A_633, %dma_start3A_634] : memref<8x128x8xf32, #tpu.memory_space<vmem>> -> memref<1x128x8xf32, #tpu.memory_space<vmem>>
        %dma_start3A_636 = tpu.memref_squeeze %dma_start3A_635 : memref<1x128x8xf32, #tpu.memory_space<vmem>> -> memref<128x8xf32, #tpu.memory_space<vmem>>
        %dma_start3A_637 = arith.constant 0 : i32
        %dma_start3A_638 = tpu.memref_slice %arg6[%add3A_422, %dma_start3A_637] : memref<112x128xi32, #tpu.memory_space<vmem>> -> memref<1x128xi32, #tpu.memory_space<vmem>>
        %dma_start3A_639 = tpu.memref_squeeze %dma_start3A_638 : memref<1x128xi32, #tpu.memory_space<vmem>> -> memref<128xi32, #tpu.memory_space<vmem>>
        %dma_start3A_640 = arith.constant 0 : i32
        %dma_start3A_641 = arith.constant 0 : i32
        %dma_start3A_642 = tpu.memref_slice %arg2[%dma_start3A_640, %dma_start3A_641] : memref<10016x8xf32, #tpu.memory_space<hbm>> -> memref<10016x8xf32, #tpu.memory_space<hbm>>
        %dma_start3A_643 = tpu.memref_slice %arg10[%dma_start3A_632] : memref<8x!tpu.dma_semaphore, #tpu.memory_space<semaphore_mem>> -> memref<1x!tpu.dma_semaphore, #tpu.memory_space<semaphore_mem>>
        %dma_start3A_644 = tpu.memref_squeeze %dma_start3A_643 : memref<1x!tpu.dma_semaphore, #tpu.memory_space<semaphore_mem>> -> memref<!tpu.dma_semaphore, #tpu.memory_space<semaphore_mem>>
        tpu.enqueue_indirect_dma source(%dma_start3A_642 : memref<10016x8xf32, #tpu.memory_space<hbm>>) target(%dma_start3A_636 : memref<128x8xf32, #tpu.memory_space<vmem>>) offsets(%dma_start3A_639 : memref<128xi32, #tpu.memory_space<vmem>>) semaphore(%dma_start3A_644 : memref<!tpu.dma_semaphore, #tpu.memory_space<semaphore_mem>>)
      } else {
      }
      %mul3A_427 = arith.constant 8 : i32
      %mul3A_428 = arith.muli %while3A_313, %mul3A_427 : i32
      %add3A_429 = arith.constant 3 : i32
      %add3A_430 = arith.addi %mul3A_428, %add3A_429 : i32
      %dma_wait3A_431 = arith.constant 3 : i32
      %dma_wait3A_432 = arith.constant 3 : i32
      %dma_wait3A_433 = arith.constant 0 : i32
      %dma_wait3A_434 = arith.constant 0 : i32
      %dma_wait3A_435 = tpu.memref_slice %arg8[%dma_wait3A_431, %dma_wait3A_433, %dma_wait3A_434] : memref<8x128x8xf32, #tpu.memory_space<vmem>> -> memref<1x128x8xf32, #tpu.memory_space<vmem>>
      %dma_wait3A_436 = tpu.memref_squeeze %dma_wait3A_435 : memref<1x128x8xf32, #tpu.memory_space<vmem>> -> memref<128x8xf32, #tpu.memory_space<vmem>>
      %dma_wait3A_437 = arith.constant 0 : i32
      %dma_wait3A_438 = tpu.memref_slice %arg6[%add3A_430, %dma_wait3A_437] : memref<112x128xi32, #tpu.memory_space<vmem>> -> memref<1x128xi32, #tpu.memory_space<vmem>>
      %dma_wait3A_439 = tpu.memref_squeeze %dma_wait3A_438 : memref<1x128xi32, #tpu.memory_space<vmem>> -> memref<128xi32, #tpu.memory_space<vmem>>
      %dma_wait3A_440 = arith.constant 0 : i32
      %dma_wait3A_441 = arith.constant 0 : i32
      %dma_wait3A_442 = tpu.memref_slice %arg2[%dma_wait3A_440, %dma_wait3A_441] : memref<10016x8xf32, #tpu.memory_space<hbm>> -> memref<10016x8xf32, #tpu.memory_space<hbm>>
      %dma_wait3A_443 = tpu.memref_slice %arg10[%dma_wait3A_432] : memref<8x!tpu.dma_semaphore, #tpu.memory_space<semaphore_mem>> -> memref<1x!tpu.dma_semaphore, #tpu.memory_space<semaphore_mem>>
      %dma_wait3A_444 = tpu.memref_squeeze %dma_wait3A_443 : memref<1x!tpu.dma_semaphore, #tpu.memory_space<semaphore_mem>> -> memref<!tpu.dma_semaphore, #tpu.memory_space<semaphore_mem>>
      tpu.wait_indirect_dma semaphore(%dma_wait3A_444 : memref<!tpu.dma_semaphore, #tpu.memory_space<semaphore_mem>>) src(%dma_wait3A_442 : memref<10016x8xf32, #tpu.memory_space<hbm>>) dst(%dma_wait3A_436 : memref<128x8xf32, #tpu.memory_space<vmem>>)
      %dma_start3A_445 = arith.constant 3 : i32
      %dma_start3A_446 = arith.constant 3 : i32
      %dma_start3A_447 = arith.constant 0 : i32
      %dma_start3A_448 = arith.constant 0 : i32
      %dma_start3A_449 = tpu.memref_slice %arg8[%dma_start3A_445, %dma_start3A_447, %dma_start3A_448] : memref<8x128x8xf32, #tpu.memory_space<vmem>> -> memref<1x128x8xf32, #tpu.memory_space<vmem>>
      %dma_start3A_450 = tpu.memref_squeeze %dma_start3A_449 : memref<1x128x8xf32, #tpu.memory_space<vmem>> -> memref<128x8xf32, #tpu.memory_space<vmem>>
      %dma_start3A_451 = arith.constant 0 : i32
      %dma_start3A_452 = tpu.memref_slice %arg7[%add3A_430, %dma_start3A_451] : memref<112x128xi32, #tpu.memory_space<vmem>> -> memref<1x128xi32, #tpu.memory_space<vmem>>
      %dma_start3A_453 = tpu.memref_squeeze %dma_start3A_452 : memref<1x128xi32, #tpu.memory_space<vmem>> -> memref<128xi32, #tpu.memory_space<vmem>>
      %dma_start3A_454 = arith.constant 0 : i32
      %dma_start3A_455 = arith.constant 0 : i32
      %dma_start3A_456 = tpu.memref_slice %arg9[%dma_start3A_454, %dma_start3A_455] : memref<10240x8xf32, #tpu.memory_space<vmem_shared>> -> memref<10240x8xf32, #tpu.memory_space<vmem_shared>>
      %dma_start3A_457 = tpu.memref_slice %arg11[%dma_start3A_446] : memref<8x!tpu.dma_semaphore, #tpu.memory_space<semaphore_mem>> -> memref<1x!tpu.dma_semaphore, #tpu.memory_space<semaphore_mem>>
      %dma_start3A_458 = tpu.memref_squeeze %dma_start3A_457 : memref<1x!tpu.dma_semaphore, #tpu.memory_space<semaphore_mem>> -> memref<!tpu.dma_semaphore, #tpu.memory_space<semaphore_mem>>
      tpu.enqueue_indirect_dma source(%dma_start3A_450 : memref<128x8xf32, #tpu.memory_space<vmem>>) target(%dma_start3A_456 : memref<10240x8xf32, #tpu.memory_space<vmem_shared>>) offsets(%dma_start3A_453 : memref<128xi32, #tpu.memory_space<vmem>>) semaphore(%dma_start3A_458 : memref<!tpu.dma_semaphore, #tpu.memory_space<semaphore_mem>>) {add = true}
      %add3A_459 = arith.constant 8 : i32
      %add3A_460 = arith.addi %add3A_430, %add3A_459 : i32
      %lt3A_461 = arith.cmpi slt, %add3A_460, %select_n3A_7 : i32
      %convert_element_type3A_462 = arith.extui %lt3A_461 : i1 to i32
      %cond3A_463 = arith.constant 0 : i32
      %cond3A_464 = arith.cmpi ne, %convert_element_type3A_462, %cond3A_463 : i32
      scf.if %cond3A_464 {
        %dma_wait3A_617 = arith.constant 3 : i32
        %dma_wait3A_618 = arith.constant 3 : i32
        %dma_wait3A_619 = arith.constant 0 : i32
        %dma_wait3A_620 = arith.constant 0 : i32
        %dma_wait3A_621 = tpu.memref_slice %arg8[%dma_wait3A_617, %dma_wait3A_619, %dma_wait3A_620] : memref<8x128x8xf32, #tpu.memory_space<vmem>> -> memref<1x128x8xf32, #tpu.memory_space<vmem>>
        %dma_wait3A_622 = tpu.memref_squeeze %dma_wait3A_621 : memref<1x128x8xf32, #tpu.memory_space<vmem>> -> memref<128x8xf32, #tpu.memory_space<vmem>>
        %dma_wait3A_623 = arith.constant 0 : i32
        %dma_wait3A_624 = tpu.memref_slice %arg7[%add3A_430, %dma_wait3A_623] : memref<112x128xi32, #tpu.memory_space<vmem>> -> memref<1x128xi32, #tpu.memory_space<vmem>>
        %dma_wait3A_625 = tpu.memref_squeeze %dma_wait3A_624 : memref<1x128xi32, #tpu.memory_space<vmem>> -> memref<128xi32, #tpu.memory_space<vmem>>
        %dma_wait3A_626 = arith.constant 0 : i32
        %dma_wait3A_627 = arith.constant 0 : i32
        %dma_wait3A_628 = tpu.memref_slice %arg9[%dma_wait3A_626, %dma_wait3A_627] : memref<10240x8xf32, #tpu.memory_space<vmem_shared>> -> memref<10240x8xf32, #tpu.memory_space<vmem_shared>>
        %dma_wait3A_629 = tpu.memref_slice %arg11[%dma_wait3A_618] : memref<8x!tpu.dma_semaphore, #tpu.memory_space<semaphore_mem>> -> memref<1x!tpu.dma_semaphore, #tpu.memory_space<semaphore_mem>>
        %dma_wait3A_630 = tpu.memref_squeeze %dma_wait3A_629 : memref<1x!tpu.dma_semaphore, #tpu.memory_space<semaphore_mem>> -> memref<!tpu.dma_semaphore, #tpu.memory_space<semaphore_mem>>
        tpu.wait_indirect_dma semaphore(%dma_wait3A_630 : memref<!tpu.dma_semaphore, #tpu.memory_space<semaphore_mem>>) src(%dma_wait3A_622 : memref<128x8xf32, #tpu.memory_space<vmem>>) dst(%dma_wait3A_628 : memref<10240x8xf32, #tpu.memory_space<vmem_shared>>)
        %dma_start3A_631 = arith.constant 3 : i32
        %dma_start3A_632 = arith.constant 3 : i32
        %dma_start3A_633 = arith.constant 0 : i32
        %dma_start3A_634 = arith.constant 0 : i32
        %dma_start3A_635 = tpu.memref_slice %arg8[%dma_start3A_631, %dma_start3A_633, %dma_start3A_634] : memref<8x128x8xf32, #tpu.memory_space<vmem>> -> memref<1x128x8xf32, #tpu.memory_space<vmem>>
        %dma_start3A_636 = tpu.memref_squeeze %dma_start3A_635 : memref<1x128x8xf32, #tpu.memory_space<vmem>> -> memref<128x8xf32, #tpu.memory_space<vmem>>
        %dma_start3A_637 = arith.constant 0 : i32
        %dma_start3A_638 = tpu.memref_slice %arg6[%add3A_460, %dma_start3A_637] : memref<112x128xi32, #tpu.memory_space<vmem>> -> memref<1x128xi32, #tpu.memory_space<vmem>>
        %dma_start3A_639 = tpu.memref_squeeze %dma_start3A_638 : memref<1x128xi32, #tpu.memory_space<vmem>> -> memref<128xi32, #tpu.memory_space<vmem>>
        %dma_start3A_640 = arith.constant 0 : i32
        %dma_start3A_641 = arith.constant 0 : i32
        %dma_start3A_642 = tpu.memref_slice %arg2[%dma_start3A_640, %dma_start3A_641] : memref<10016x8xf32, #tpu.memory_space<hbm>> -> memref<10016x8xf32, #tpu.memory_space<hbm>>
        %dma_start3A_643 = tpu.memref_slice %arg10[%dma_start3A_632] : memref<8x!tpu.dma_semaphore, #tpu.memory_space<semaphore_mem>> -> memref<1x!tpu.dma_semaphore, #tpu.memory_space<semaphore_mem>>
        %dma_start3A_644 = tpu.memref_squeeze %dma_start3A_643 : memref<1x!tpu.dma_semaphore, #tpu.memory_space<semaphore_mem>> -> memref<!tpu.dma_semaphore, #tpu.memory_space<semaphore_mem>>
        tpu.enqueue_indirect_dma source(%dma_start3A_642 : memref<10016x8xf32, #tpu.memory_space<hbm>>) target(%dma_start3A_636 : memref<128x8xf32, #tpu.memory_space<vmem>>) offsets(%dma_start3A_639 : memref<128xi32, #tpu.memory_space<vmem>>) semaphore(%dma_start3A_644 : memref<!tpu.dma_semaphore, #tpu.memory_space<semaphore_mem>>)
      } else {
      }
      %mul3A_465 = arith.constant 8 : i32
      %mul3A_466 = arith.muli %while3A_313, %mul3A_465 : i32
      %add3A_467 = arith.constant 4 : i32
      %add3A_468 = arith.addi %mul3A_466, %add3A_467 : i32
      %dma_wait3A_469 = arith.constant 4 : i32
      %dma_wait3A_470 = arith.constant 4 : i32
      %dma_wait3A_471 = arith.constant 0 : i32
      %dma_wait3A_472 = arith.constant 0 : i32
      %dma_wait3A_473 = tpu.memref_slice %arg8[%dma_wait3A_469, %dma_wait3A_471, %dma_wait3A_472] : memref<8x128x8xf32, #tpu.memory_space<vmem>> -> memref<1x128x8xf32, #tpu.memory_space<vmem>>
      %dma_wait3A_474 = tpu.memref_squeeze %dma_wait3A_473 : memref<1x128x8xf32, #tpu.memory_space<vmem>> -> memref<128x8xf32, #tpu.memory_space<vmem>>
      %dma_wait3A_475 = arith.constant 0 : i32
      %dma_wait3A_476 = tpu.memref_slice %arg6[%add3A_468, %dma_wait3A_475] : memref<112x128xi32, #tpu.memory_space<vmem>> -> memref<1x128xi32, #tpu.memory_space<vmem>>
      %dma_wait3A_477 = tpu.memref_squeeze %dma_wait3A_476 : memref<1x128xi32, #tpu.memory_space<vmem>> -> memref<128xi32, #tpu.memory_space<vmem>>
      %dma_wait3A_478 = arith.constant 0 : i32
      %dma_wait3A_479 = arith.constant 0 : i32
      %dma_wait3A_480 = tpu.memref_slice %arg2[%dma_wait3A_478, %dma_wait3A_479] : memref<10016x8xf32, #tpu.memory_space<hbm>> -> memref<10016x8xf32, #tpu.memory_space<hbm>>
      %dma_wait3A_481 = tpu.memref_slice %arg10[%dma_wait3A_470] : memref<8x!tpu.dma_semaphore, #tpu.memory_space<semaphore_mem>> -> memref<1x!tpu.dma_semaphore, #tpu.memory_space<semaphore_mem>>
      %dma_wait3A_482 = tpu.memref_squeeze %dma_wait3A_481 : memref<1x!tpu.dma_semaphore, #tpu.memory_space<semaphore_mem>> -> memref<!tpu.dma_semaphore, #tpu.memory_space<semaphore_mem>>
      tpu.wait_indirect_dma semaphore(%dma_wait3A_482 : memref<!tpu.dma_semaphore, #tpu.memory_space<semaphore_mem>>) src(%dma_wait3A_480 : memref<10016x8xf32, #tpu.memory_space<hbm>>) dst(%dma_wait3A_474 : memref<128x8xf32, #tpu.memory_space<vmem>>)
      %dma_start3A_483 = arith.constant 4 : i32
      %dma_start3A_484 = arith.constant 4 : i32
      %dma_start3A_485 = arith.constant 0 : i32
      %dma_start3A_486 = arith.constant 0 : i32
      %dma_start3A_487 = tpu.memref_slice %arg8[%dma_start3A_483, %dma_start3A_485, %dma_start3A_486] : memref<8x128x8xf32, #tpu.memory_space<vmem>> -> memref<1x128x8xf32, #tpu.memory_space<vmem>>
      %dma_start3A_488 = tpu.memref_squeeze %dma_start3A_487 : memref<1x128x8xf32, #tpu.memory_space<vmem>> -> memref<128x8xf32, #tpu.memory_space<vmem>>
      %dma_start3A_489 = arith.constant 0 : i32
      %dma_start3A_490 = tpu.memref_slice %arg7[%add3A_468, %dma_start3A_489] : memref<112x128xi32, #tpu.memory_space<vmem>> -> memref<1x128xi32, #tpu.memory_space<vmem>>
      %dma_start3A_491 = tpu.memref_squeeze %dma_start3A_490 : memref<1x128xi32, #tpu.memory_space<vmem>> -> memref<128xi32, #tpu.memory_space<vmem>>
      %dma_start3A_492 = arith.constant 0 : i32
      %dma_start3A_493 = arith.constant 0 : i32
      %dma_start3A_494 = tpu.memref_slice %arg9[%dma_start3A_492, %dma_start3A_493] : memref<10240x8xf32, #tpu.memory_space<vmem_shared>> -> memref<10240x8xf32, #tpu.memory_space<vmem_shared>>
      %dma_start3A_495 = tpu.memref_slice %arg11[%dma_start3A_484] : memref<8x!tpu.dma_semaphore, #tpu.memory_space<semaphore_mem>> -> memref<1x!tpu.dma_semaphore, #tpu.memory_space<semaphore_mem>>
      %dma_start3A_496 = tpu.memref_squeeze %dma_start3A_495 : memref<1x!tpu.dma_semaphore, #tpu.memory_space<semaphore_mem>> -> memref<!tpu.dma_semaphore, #tpu.memory_space<semaphore_mem>>
      tpu.enqueue_indirect_dma source(%dma_start3A_488 : memref<128x8xf32, #tpu.memory_space<vmem>>) target(%dma_start3A_494 : memref<10240x8xf32, #tpu.memory_space<vmem_shared>>) offsets(%dma_start3A_491 : memref<128xi32, #tpu.memory_space<vmem>>) semaphore(%dma_start3A_496 : memref<!tpu.dma_semaphore, #tpu.memory_space<semaphore_mem>>) {add = true}
      %add3A_497 = arith.constant 8 : i32
      %add3A_498 = arith.addi %add3A_468, %add3A_497 : i32
      %lt3A_499 = arith.cmpi slt, %add3A_498, %select_n3A_7 : i32
      %convert_element_type3A_500 = arith.extui %lt3A_499 : i1 to i32
      %cond3A_501 = arith.constant 0 : i32
      %cond3A_502 = arith.cmpi ne, %convert_element_type3A_500, %cond3A_501 : i32
      scf.if %cond3A_502 {
        %dma_wait3A_617 = arith.constant 4 : i32
        %dma_wait3A_618 = arith.constant 4 : i32
        %dma_wait3A_619 = arith.constant 0 : i32
        %dma_wait3A_620 = arith.constant 0 : i32
        %dma_wait3A_621 = tpu.memref_slice %arg8[%dma_wait3A_617, %dma_wait3A_619, %dma_wait3A_620] : memref<8x128x8xf32, #tpu.memory_space<vmem>> -> memref<1x128x8xf32, #tpu.memory_space<vmem>>
        %dma_wait3A_622 = tpu.memref_squeeze %dma_wait3A_621 : memref<1x128x8xf32, #tpu.memory_space<vmem>> -> memref<128x8xf32, #tpu.memory_space<vmem>>
        %dma_wait3A_623 = arith.constant 0 : i32
        %dma_wait3A_624 = tpu.memref_slice %arg7[%add3A_468, %dma_wait3A_623] : memref<112x128xi32, #tpu.memory_space<vmem>> -> memref<1x128xi32, #tpu.memory_space<vmem>>
        %dma_wait3A_625 = tpu.memref_squeeze %dma_wait3A_624 : memref<1x128xi32, #tpu.memory_space<vmem>> -> memref<128xi32, #tpu.memory_space<vmem>>
        %dma_wait3A_626 = arith.constant 0 : i32
        %dma_wait3A_627 = arith.constant 0 : i32
        %dma_wait3A_628 = tpu.memref_slice %arg9[%dma_wait3A_626, %dma_wait3A_627] : memref<10240x8xf32, #tpu.memory_space<vmem_shared>> -> memref<10240x8xf32, #tpu.memory_space<vmem_shared>>
        %dma_wait3A_629 = tpu.memref_slice %arg11[%dma_wait3A_618] : memref<8x!tpu.dma_semaphore, #tpu.memory_space<semaphore_mem>> -> memref<1x!tpu.dma_semaphore, #tpu.memory_space<semaphore_mem>>
        %dma_wait3A_630 = tpu.memref_squeeze %dma_wait3A_629 : memref<1x!tpu.dma_semaphore, #tpu.memory_space<semaphore_mem>> -> memref<!tpu.dma_semaphore, #tpu.memory_space<semaphore_mem>>
        tpu.wait_indirect_dma semaphore(%dma_wait3A_630 : memref<!tpu.dma_semaphore, #tpu.memory_space<semaphore_mem>>) src(%dma_wait3A_622 : memref<128x8xf32, #tpu.memory_space<vmem>>) dst(%dma_wait3A_628 : memref<10240x8xf32, #tpu.memory_space<vmem_shared>>)
        %dma_start3A_631 = arith.constant 4 : i32
        %dma_start3A_632 = arith.constant 4 : i32
        %dma_start3A_633 = arith.constant 0 : i32
        %dma_start3A_634 = arith.constant 0 : i32
        %dma_start3A_635 = tpu.memref_slice %arg8[%dma_start3A_631, %dma_start3A_633, %dma_start3A_634] : memref<8x128x8xf32, #tpu.memory_space<vmem>> -> memref<1x128x8xf32, #tpu.memory_space<vmem>>
        %dma_start3A_636 = tpu.memref_squeeze %dma_start3A_635 : memref<1x128x8xf32, #tpu.memory_space<vmem>> -> memref<128x8xf32, #tpu.memory_space<vmem>>
        %dma_start3A_637 = arith.constant 0 : i32
        %dma_start3A_638 = tpu.memref_slice %arg6[%add3A_498, %dma_start3A_637] : memref<112x128xi32, #tpu.memory_space<vmem>> -> memref<1x128xi32, #tpu.memory_space<vmem>>
        %dma_start3A_639 = tpu.memref_squeeze %dma_start3A_638 : memref<1x128xi32, #tpu.memory_space<vmem>> -> memref<128xi32, #tpu.memory_space<vmem>>
        %dma_start3A_640 = arith.constant 0 : i32
        %dma_start3A_641 = arith.constant 0 : i32
        %dma_start3A_642 = tpu.memref_slice %arg2[%dma_start3A_640, %dma_start3A_641] : memref<10016x8xf32, #tpu.memory_space<hbm>> -> memref<10016x8xf32, #tpu.memory_space<hbm>>
        %dma_start3A_643 = tpu.memref_slice %arg10[%dma_start3A_632] : memref<8x!tpu.dma_semaphore, #tpu.memory_space<semaphore_mem>> -> memref<1x!tpu.dma_semaphore, #tpu.memory_space<semaphore_mem>>
        %dma_start3A_644 = tpu.memref_squeeze %dma_start3A_643 : memref<1x!tpu.dma_semaphore, #tpu.memory_space<semaphore_mem>> -> memref<!tpu.dma_semaphore, #tpu.memory_space<semaphore_mem>>
        tpu.enqueue_indirect_dma source(%dma_start3A_642 : memref<10016x8xf32, #tpu.memory_space<hbm>>) target(%dma_start3A_636 : memref<128x8xf32, #tpu.memory_space<vmem>>) offsets(%dma_start3A_639 : memref<128xi32, #tpu.memory_space<vmem>>) semaphore(%dma_start3A_644 : memref<!tpu.dma_semaphore, #tpu.memory_space<semaphore_mem>>)
      } else {
      }
      %mul3A_503 = arith.constant 8 : i32
      %mul3A_504 = arith.muli %while3A_313, %mul3A_503 : i32
      %add3A_505 = arith.constant 5 : i32
      %add3A_506 = arith.addi %mul3A_504, %add3A_505 : i32
      %dma_wait3A_507 = arith.constant 5 : i32
      %dma_wait3A_508 = arith.constant 5 : i32
      %dma_wait3A_509 = arith.constant 0 : i32
      %dma_wait3A_510 = arith.constant 0 : i32
      %dma_wait3A_511 = tpu.memref_slice %arg8[%dma_wait3A_507, %dma_wait3A_509, %dma_wait3A_510] : memref<8x128x8xf32, #tpu.memory_space<vmem>> -> memref<1x128x8xf32, #tpu.memory_space<vmem>>
      %dma_wait3A_512 = tpu.memref_squeeze %dma_wait3A_511 : memref<1x128x8xf32, #tpu.memory_space<vmem>> -> memref<128x8xf32, #tpu.memory_space<vmem>>
      %dma_wait3A_513 = arith.constant 0 : i32
      %dma_wait3A_514 = tpu.memref_slice %arg6[%add3A_506, %dma_wait3A_513] : memref<112x128xi32, #tpu.memory_space<vmem>> -> memref<1x128xi32, #tpu.memory_space<vmem>>
      %dma_wait3A_515 = tpu.memref_squeeze %dma_wait3A_514 : memref<1x128xi32, #tpu.memory_space<vmem>> -> memref<128xi32, #tpu.memory_space<vmem>>
      %dma_wait3A_516 = arith.constant 0 : i32
      %dma_wait3A_517 = arith.constant 0 : i32
      %dma_wait3A_518 = tpu.memref_slice %arg2[%dma_wait3A_516, %dma_wait3A_517] : memref<10016x8xf32, #tpu.memory_space<hbm>> -> memref<10016x8xf32, #tpu.memory_space<hbm>>
      %dma_wait3A_519 = tpu.memref_slice %arg10[%dma_wait3A_508] : memref<8x!tpu.dma_semaphore, #tpu.memory_space<semaphore_mem>> -> memref<1x!tpu.dma_semaphore, #tpu.memory_space<semaphore_mem>>
      %dma_wait3A_520 = tpu.memref_squeeze %dma_wait3A_519 : memref<1x!tpu.dma_semaphore, #tpu.memory_space<semaphore_mem>> -> memref<!tpu.dma_semaphore, #tpu.memory_space<semaphore_mem>>
      tpu.wait_indirect_dma semaphore(%dma_wait3A_520 : memref<!tpu.dma_semaphore, #tpu.memory_space<semaphore_mem>>) src(%dma_wait3A_518 : memref<10016x8xf32, #tpu.memory_space<hbm>>) dst(%dma_wait3A_512 : memref<128x8xf32, #tpu.memory_space<vmem>>)
      %dma_start3A_521 = arith.constant 5 : i32
      %dma_start3A_522 = arith.constant 5 : i32
      %dma_start3A_523 = arith.constant 0 : i32
      %dma_start3A_524 = arith.constant 0 : i32
      %dma_start3A_525 = tpu.memref_slice %arg8[%dma_start3A_521, %dma_start3A_523, %dma_start3A_524] : memref<8x128x8xf32, #tpu.memory_space<vmem>> -> memref<1x128x8xf32, #tpu.memory_space<vmem>>
      %dma_start3A_526 = tpu.memref_squeeze %dma_start3A_525 : memref<1x128x8xf32, #tpu.memory_space<vmem>> -> memref<128x8xf32, #tpu.memory_space<vmem>>
      %dma_start3A_527 = arith.constant 0 : i32
      %dma_start3A_528 = tpu.memref_slice %arg7[%add3A_506, %dma_start3A_527] : memref<112x128xi32, #tpu.memory_space<vmem>> -> memref<1x128xi32, #tpu.memory_space<vmem>>
      %dma_start3A_529 = tpu.memref_squeeze %dma_start3A_528 : memref<1x128xi32, #tpu.memory_space<vmem>> -> memref<128xi32, #tpu.memory_space<vmem>>
      %dma_start3A_530 = arith.constant 0 : i32
      %dma_start3A_531 = arith.constant 0 : i32
      %dma_start3A_532 = tpu.memref_slice %arg9[%dma_start3A_530, %dma_start3A_531] : memref<10240x8xf32, #tpu.memory_space<vmem_shared>> -> memref<10240x8xf32, #tpu.memory_space<vmem_shared>>
      %dma_start3A_533 = tpu.memref_slice %arg11[%dma_start3A_522] : memref<8x!tpu.dma_semaphore, #tpu.memory_space<semaphore_mem>> -> memref<1x!tpu.dma_semaphore, #tpu.memory_space<semaphore_mem>>
      %dma_start3A_534 = tpu.memref_squeeze %dma_start3A_533 : memref<1x!tpu.dma_semaphore, #tpu.memory_space<semaphore_mem>> -> memref<!tpu.dma_semaphore, #tpu.memory_space<semaphore_mem>>
      tpu.enqueue_indirect_dma source(%dma_start3A_526 : memref<128x8xf32, #tpu.memory_space<vmem>>) target(%dma_start3A_532 : memref<10240x8xf32, #tpu.memory_space<vmem_shared>>) offsets(%dma_start3A_529 : memref<128xi32, #tpu.memory_space<vmem>>) semaphore(%dma_start3A_534 : memref<!tpu.dma_semaphore, #tpu.memory_space<semaphore_mem>>) {add = true}
      %add3A_535 = arith.constant 8 : i32
      %add3A_536 = arith.addi %add3A_506, %add3A_535 : i32
      %lt3A_537 = arith.cmpi slt, %add3A_536, %select_n3A_7 : i32
      %convert_element_type3A_538 = arith.extui %lt3A_537 : i1 to i32
      %cond3A_539 = arith.constant 0 : i32
      %cond3A_540 = arith.cmpi ne, %convert_element_type3A_538, %cond3A_539 : i32
      scf.if %cond3A_540 {
        %dma_wait3A_617 = arith.constant 5 : i32
        %dma_wait3A_618 = arith.constant 5 : i32
        %dma_wait3A_619 = arith.constant 0 : i32
        %dma_wait3A_620 = arith.constant 0 : i32
        %dma_wait3A_621 = tpu.memref_slice %arg8[%dma_wait3A_617, %dma_wait3A_619, %dma_wait3A_620] : memref<8x128x8xf32, #tpu.memory_space<vmem>> -> memref<1x128x8xf32, #tpu.memory_space<vmem>>
        %dma_wait3A_622 = tpu.memref_squeeze %dma_wait3A_621 : memref<1x128x8xf32, #tpu.memory_space<vmem>> -> memref<128x8xf32, #tpu.memory_space<vmem>>
        %dma_wait3A_623 = arith.constant 0 : i32
        %dma_wait3A_624 = tpu.memref_slice %arg7[%add3A_506, %dma_wait3A_623] : memref<112x128xi32, #tpu.memory_space<vmem>> -> memref<1x128xi32, #tpu.memory_space<vmem>>
        %dma_wait3A_625 = tpu.memref_squeeze %dma_wait3A_624 : memref<1x128xi32, #tpu.memory_space<vmem>> -> memref<128xi32, #tpu.memory_space<vmem>>
        %dma_wait3A_626 = arith.constant 0 : i32
        %dma_wait3A_627 = arith.constant 0 : i32
        %dma_wait3A_628 = tpu.memref_slice %arg9[%dma_wait3A_626, %dma_wait3A_627] : memref<10240x8xf32, #tpu.memory_space<vmem_shared>> -> memref<10240x8xf32, #tpu.memory_space<vmem_shared>>
        %dma_wait3A_629 = tpu.memref_slice %arg11[%dma_wait3A_618] : memref<8x!tpu.dma_semaphore, #tpu.memory_space<semaphore_mem>> -> memref<1x!tpu.dma_semaphore, #tpu.memory_space<semaphore_mem>>
        %dma_wait3A_630 = tpu.memref_squeeze %dma_wait3A_629 : memref<1x!tpu.dma_semaphore, #tpu.memory_space<semaphore_mem>> -> memref<!tpu.dma_semaphore, #tpu.memory_space<semaphore_mem>>
        tpu.wait_indirect_dma semaphore(%dma_wait3A_630 : memref<!tpu.dma_semaphore, #tpu.memory_space<semaphore_mem>>) src(%dma_wait3A_622 : memref<128x8xf32, #tpu.memory_space<vmem>>) dst(%dma_wait3A_628 : memref<10240x8xf32, #tpu.memory_space<vmem_shared>>)
        %dma_start3A_631 = arith.constant 5 : i32
        %dma_start3A_632 = arith.constant 5 : i32
        %dma_start3A_633 = arith.constant 0 : i32
        %dma_start3A_634 = arith.constant 0 : i32
        %dma_start3A_635 = tpu.memref_slice %arg8[%dma_start3A_631, %dma_start3A_633, %dma_start3A_634] : memref<8x128x8xf32, #tpu.memory_space<vmem>> -> memref<1x128x8xf32, #tpu.memory_space<vmem>>
        %dma_start3A_636 = tpu.memref_squeeze %dma_start3A_635 : memref<1x128x8xf32, #tpu.memory_space<vmem>> -> memref<128x8xf32, #tpu.memory_space<vmem>>
        %dma_start3A_637 = arith.constant 0 : i32
        %dma_start3A_638 = tpu.memref_slice %arg6[%add3A_536, %dma_start3A_637] : memref<112x128xi32, #tpu.memory_space<vmem>> -> memref<1x128xi32, #tpu.memory_space<vmem>>
        %dma_start3A_639 = tpu.memref_squeeze %dma_start3A_638 : memref<1x128xi32, #tpu.memory_space<vmem>> -> memref<128xi32, #tpu.memory_space<vmem>>
        %dma_start3A_640 = arith.constant 0 : i32
        %dma_start3A_641 = arith.constant 0 : i32
        %dma_start3A_642 = tpu.memref_slice %arg2[%dma_start3A_640, %dma_start3A_641] : memref<10016x8xf32, #tpu.memory_space<hbm>> -> memref<10016x8xf32, #tpu.memory_space<hbm>>
        %dma_start3A_643 = tpu.memref_slice %arg10[%dma_start3A_632] : memref<8x!tpu.dma_semaphore, #tpu.memory_space<semaphore_mem>> -> memref<1x!tpu.dma_semaphore, #tpu.memory_space<semaphore_mem>>
        %dma_start3A_644 = tpu.memref_squeeze %dma_start3A_643 : memref<1x!tpu.dma_semaphore, #tpu.memory_space<semaphore_mem>> -> memref<!tpu.dma_semaphore, #tpu.memory_space<semaphore_mem>>
        tpu.enqueue_indirect_dma source(%dma_start3A_642 : memref<10016x8xf32, #tpu.memory_space<hbm>>) target(%dma_start3A_636 : memref<128x8xf32, #tpu.memory_space<vmem>>) offsets(%dma_start3A_639 : memref<128xi32, #tpu.memory_space<vmem>>) semaphore(%dma_start3A_644 : memref<!tpu.dma_semaphore, #tpu.memory_space<semaphore_mem>>)
      } else {
      }
      %mul3A_541 = arith.constant 8 : i32
      %mul3A_542 = arith.muli %while3A_313, %mul3A_541 : i32
      %add3A_543 = arith.constant 6 : i32
      %add3A_544 = arith.addi %mul3A_542, %add3A_543 : i32
      %dma_wait3A_545 = arith.constant 6 : i32
      %dma_wait3A_546 = arith.constant 6 : i32
      %dma_wait3A_547 = arith.constant 0 : i32
      %dma_wait3A_548 = arith.constant 0 : i32
      %dma_wait3A_549 = tpu.memref_slice %arg8[%dma_wait3A_545, %dma_wait3A_547, %dma_wait3A_548] : memref<8x128x8xf32, #tpu.memory_space<vmem>> -> memref<1x128x8xf32, #tpu.memory_space<vmem>>
      %dma_wait3A_550 = tpu.memref_squeeze %dma_wait3A_549 : memref<1x128x8xf32, #tpu.memory_space<vmem>> -> memref<128x8xf32, #tpu.memory_space<vmem>>
      %dma_wait3A_551 = arith.constant 0 : i32
      %dma_wait3A_552 = tpu.memref_slice %arg6[%add3A_544, %dma_wait3A_551] : memref<112x128xi32, #tpu.memory_space<vmem>> -> memref<1x128xi32, #tpu.memory_space<vmem>>
      %dma_wait3A_553 = tpu.memref_squeeze %dma_wait3A_552 : memref<1x128xi32, #tpu.memory_space<vmem>> -> memref<128xi32, #tpu.memory_space<vmem>>
      %dma_wait3A_554 = arith.constant 0 : i32
      %dma_wait3A_555 = arith.constant 0 : i32
      %dma_wait3A_556 = tpu.memref_slice %arg2[%dma_wait3A_554, %dma_wait3A_555] : memref<10016x8xf32, #tpu.memory_space<hbm>> -> memref<10016x8xf32, #tpu.memory_space<hbm>>
      %dma_wait3A_557 = tpu.memref_slice %arg10[%dma_wait3A_546] : memref<8x!tpu.dma_semaphore, #tpu.memory_space<semaphore_mem>> -> memref<1x!tpu.dma_semaphore, #tpu.memory_space<semaphore_mem>>
      %dma_wait3A_558 = tpu.memref_squeeze %dma_wait3A_557 : memref<1x!tpu.dma_semaphore, #tpu.memory_space<semaphore_mem>> -> memref<!tpu.dma_semaphore, #tpu.memory_space<semaphore_mem>>
      tpu.wait_indirect_dma semaphore(%dma_wait3A_558 : memref<!tpu.dma_semaphore, #tpu.memory_space<semaphore_mem>>) src(%dma_wait3A_556 : memref<10016x8xf32, #tpu.memory_space<hbm>>) dst(%dma_wait3A_550 : memref<128x8xf32, #tpu.memory_space<vmem>>)
      %dma_start3A_559 = arith.constant 6 : i32
      %dma_start3A_560 = arith.constant 6 : i32
      %dma_start3A_561 = arith.constant 0 : i32
      %dma_start3A_562 = arith.constant 0 : i32
      %dma_start3A_563 = tpu.memref_slice %arg8[%dma_start3A_559, %dma_start3A_561, %dma_start3A_562] : memref<8x128x8xf32, #tpu.memory_space<vmem>> -> memref<1x128x8xf32, #tpu.memory_space<vmem>>
      %dma_start3A_564 = tpu.memref_squeeze %dma_start3A_563 : memref<1x128x8xf32, #tpu.memory_space<vmem>> -> memref<128x8xf32, #tpu.memory_space<vmem>>
      %dma_start3A_565 = arith.constant 0 : i32
      %dma_start3A_566 = tpu.memref_slice %arg7[%add3A_544, %dma_start3A_565] : memref<112x128xi32, #tpu.memory_space<vmem>> -> memref<1x128xi32, #tpu.memory_space<vmem>>
      %dma_start3A_567 = tpu.memref_squeeze %dma_start3A_566 : memref<1x128xi32, #tpu.memory_space<vmem>> -> memref<128xi32, #tpu.memory_space<vmem>>
      %dma_start3A_568 = arith.constant 0 : i32
      %dma_start3A_569 = arith.constant 0 : i32
      %dma_start3A_570 = tpu.memref_slice %arg9[%dma_start3A_568, %dma_start3A_569] : memref<10240x8xf32, #tpu.memory_space<vmem_shared>> -> memref<10240x8xf32, #tpu.memory_space<vmem_shared>>
      %dma_start3A_571 = tpu.memref_slice %arg11[%dma_start3A_560] : memref<8x!tpu.dma_semaphore, #tpu.memory_space<semaphore_mem>> -> memref<1x!tpu.dma_semaphore, #tpu.memory_space<semaphore_mem>>
      %dma_start3A_572 = tpu.memref_squeeze %dma_start3A_571 : memref<1x!tpu.dma_semaphore, #tpu.memory_space<semaphore_mem>> -> memref<!tpu.dma_semaphore, #tpu.memory_space<semaphore_mem>>
      tpu.enqueue_indirect_dma source(%dma_start3A_564 : memref<128x8xf32, #tpu.memory_space<vmem>>) target(%dma_start3A_570 : memref<10240x8xf32, #tpu.memory_space<vmem_shared>>) offsets(%dma_start3A_567 : memref<128xi32, #tpu.memory_space<vmem>>) semaphore(%dma_start3A_572 : memref<!tpu.dma_semaphore, #tpu.memory_space<semaphore_mem>>) {add = true}
      %add3A_573 = arith.constant 8 : i32
      %add3A_574 = arith.addi %add3A_544, %add3A_573 : i32
      %lt3A_575 = arith.cmpi slt, %add3A_574, %select_n3A_7 : i32
      %convert_element_type3A_576 = arith.extui %lt3A_575 : i1 to i32
      %cond3A_577 = arith.constant 0 : i32
      %cond3A_578 = arith.cmpi ne, %convert_element_type3A_576, %cond3A_577 : i32
      scf.if %cond3A_578 {
        %dma_wait3A_617 = arith.constant 6 : i32
        %dma_wait3A_618 = arith.constant 6 : i32
        %dma_wait3A_619 = arith.constant 0 : i32
        %dma_wait3A_620 = arith.constant 0 : i32
        %dma_wait3A_621 = tpu.memref_slice %arg8[%dma_wait3A_617, %dma_wait3A_619, %dma_wait3A_620] : memref<8x128x8xf32, #tpu.memory_space<vmem>> -> memref<1x128x8xf32, #tpu.memory_space<vmem>>
        %dma_wait3A_622 = tpu.memref_squeeze %dma_wait3A_621 : memref<1x128x8xf32, #tpu.memory_space<vmem>> -> memref<128x8xf32, #tpu.memory_space<vmem>>
        %dma_wait3A_623 = arith.constant 0 : i32
        %dma_wait3A_624 = tpu.memref_slice %arg7[%add3A_544, %dma_wait3A_623] : memref<112x128xi32, #tpu.memory_space<vmem>> -> memref<1x128xi32, #tpu.memory_space<vmem>>
        %dma_wait3A_625 = tpu.memref_squeeze %dma_wait3A_624 : memref<1x128xi32, #tpu.memory_space<vmem>> -> memref<128xi32, #tpu.memory_space<vmem>>
        %dma_wait3A_626 = arith.constant 0 : i32
        %dma_wait3A_627 = arith.constant 0 : i32
        %dma_wait3A_628 = tpu.memref_slice %arg9[%dma_wait3A_626, %dma_wait3A_627] : memref<10240x8xf32, #tpu.memory_space<vmem_shared>> -> memref<10240x8xf32, #tpu.memory_space<vmem_shared>>
        %dma_wait3A_629 = tpu.memref_slice %arg11[%dma_wait3A_618] : memref<8x!tpu.dma_semaphore, #tpu.memory_space<semaphore_mem>> -> memref<1x!tpu.dma_semaphore, #tpu.memory_space<semaphore_mem>>
        %dma_wait3A_630 = tpu.memref_squeeze %dma_wait3A_629 : memref<1x!tpu.dma_semaphore, #tpu.memory_space<semaphore_mem>> -> memref<!tpu.dma_semaphore, #tpu.memory_space<semaphore_mem>>
        tpu.wait_indirect_dma semaphore(%dma_wait3A_630 : memref<!tpu.dma_semaphore, #tpu.memory_space<semaphore_mem>>) src(%dma_wait3A_622 : memref<128x8xf32, #tpu.memory_space<vmem>>) dst(%dma_wait3A_628 : memref<10240x8xf32, #tpu.memory_space<vmem_shared>>)
        %dma_start3A_631 = arith.constant 6 : i32
        %dma_start3A_632 = arith.constant 6 : i32
        %dma_start3A_633 = arith.constant 0 : i32
        %dma_start3A_634 = arith.constant 0 : i32
        %dma_start3A_635 = tpu.memref_slice %arg8[%dma_start3A_631, %dma_start3A_633, %dma_start3A_634] : memref<8x128x8xf32, #tpu.memory_space<vmem>> -> memref<1x128x8xf32, #tpu.memory_space<vmem>>
        %dma_start3A_636 = tpu.memref_squeeze %dma_start3A_635 : memref<1x128x8xf32, #tpu.memory_space<vmem>> -> memref<128x8xf32, #tpu.memory_space<vmem>>
        %dma_start3A_637 = arith.constant 0 : i32
        %dma_start3A_638 = tpu.memref_slice %arg6[%add3A_574, %dma_start3A_637] : memref<112x128xi32, #tpu.memory_space<vmem>> -> memref<1x128xi32, #tpu.memory_space<vmem>>
        %dma_start3A_639 = tpu.memref_squeeze %dma_start3A_638 : memref<1x128xi32, #tpu.memory_space<vmem>> -> memref<128xi32, #tpu.memory_space<vmem>>
        %dma_start3A_640 = arith.constant 0 : i32
        %dma_start3A_641 = arith.constant 0 : i32
        %dma_start3A_642 = tpu.memref_slice %arg2[%dma_start3A_640, %dma_start3A_641] : memref<10016x8xf32, #tpu.memory_space<hbm>> -> memref<10016x8xf32, #tpu.memory_space<hbm>>
        %dma_start3A_643 = tpu.memref_slice %arg10[%dma_start3A_632] : memref<8x!tpu.dma_semaphore, #tpu.memory_space<semaphore_mem>> -> memref<1x!tpu.dma_semaphore, #tpu.memory_space<semaphore_mem>>
        %dma_start3A_644 = tpu.memref_squeeze %dma_start3A_643 : memref<1x!tpu.dma_semaphore, #tpu.memory_space<semaphore_mem>> -> memref<!tpu.dma_semaphore, #tpu.memory_space<semaphore_mem>>
        tpu.enqueue_indirect_dma source(%dma_start3A_642 : memref<10016x8xf32, #tpu.memory_space<hbm>>) target(%dma_start3A_636 : memref<128x8xf32, #tpu.memory_space<vmem>>) offsets(%dma_start3A_639 : memref<128xi32, #tpu.memory_space<vmem>>) semaphore(%dma_start3A_644 : memref<!tpu.dma_semaphore, #tpu.memory_space<semaphore_mem>>)
      } else {
      }
      %mul3A_579 = arith.constant 8 : i32
      %mul3A_580 = arith.muli %while3A_313, %mul3A_579 : i32
      %add3A_581 = arith.constant 7 : i32
      %add3A_582 = arith.addi %mul3A_580, %add3A_581 : i32
      %dma_wait3A_583 = arith.constant 7 : i32
      %dma_wait3A_584 = arith.constant 7 : i32
      %dma_wait3A_585 = arith.constant 0 : i32
      %dma_wait3A_586 = arith.constant 0 : i32
      %dma_wait3A_587 = tpu.memref_slice %arg8[%dma_wait3A_583, %dma_wait3A_585, %dma_wait3A_586] : memref<8x128x8xf32, #tpu.memory_space<vmem>> -> memref<1x128x8xf32, #tpu.memory_space<vmem>>
      %dma_wait3A_588 = tpu.memref_squeeze %dma_wait3A_587 : memref<1x128x8xf32, #tpu.memory_space<vmem>> -> memref<128x8xf32, #tpu.memory_space<vmem>>
      %dma_wait3A_589 = arith.constant 0 : i32
      %dma_wait3A_590 = tpu.memref_slice %arg6[%add3A_582, %dma_wait3A_589] : memref<112x128xi32, #tpu.memory_space<vmem>> -> memref<1x128xi32, #tpu.memory_space<vmem>>
      %dma_wait3A_591 = tpu.memref_squeeze %dma_wait3A_590 : memref<1x128xi32, #tpu.memory_space<vmem>> -> memref<128xi32, #tpu.memory_space<vmem>>
      %dma_wait3A_592 = arith.constant 0 : i32
      %dma_wait3A_593 = arith.constant 0 : i32
      %dma_wait3A_594 = tpu.memref_slice %arg2[%dma_wait3A_592, %dma_wait3A_593] : memref<10016x8xf32, #tpu.memory_space<hbm>> -> memref<10016x8xf32, #tpu.memory_space<hbm>>
      %dma_wait3A_595 = tpu.memref_slice %arg10[%dma_wait3A_584] : memref<8x!tpu.dma_semaphore, #tpu.memory_space<semaphore_mem>> -> memref<1x!tpu.dma_semaphore, #tpu.memory_space<semaphore_mem>>
      %dma_wait3A_596 = tpu.memref_squeeze %dma_wait3A_595 : memref<1x!tpu.dma_semaphore, #tpu.memory_space<semaphore_mem>> -> memref<!tpu.dma_semaphore, #tpu.memory_space<semaphore_mem>>
      tpu.wait_indirect_dma semaphore(%dma_wait3A_596 : memref<!tpu.dma_semaphore, #tpu.memory_space<semaphore_mem>>) src(%dma_wait3A_594 : memref<10016x8xf32, #tpu.memory_space<hbm>>) dst(%dma_wait3A_588 : memref<128x8xf32, #tpu.memory_space<vmem>>)
      %dma_start3A_597 = arith.constant 7 : i32
      %dma_start3A_598 = arith.constant 7 : i32
      %dma_start3A_599 = arith.constant 0 : i32
      %dma_start3A_600 = arith.constant 0 : i32
      %dma_start3A_601 = tpu.memref_slice %arg8[%dma_start3A_597, %dma_start3A_599, %dma_start3A_600] : memref<8x128x8xf32, #tpu.memory_space<vmem>> -> memref<1x128x8xf32, #tpu.memory_space<vmem>>
      %dma_start3A_602 = tpu.memref_squeeze %dma_start3A_601 : memref<1x128x8xf32, #tpu.memory_space<vmem>> -> memref<128x8xf32, #tpu.memory_space<vmem>>
      %dma_start3A_603 = arith.constant 0 : i32
      %dma_start3A_604 = tpu.memref_slice %arg7[%add3A_582, %dma_start3A_603] : memref<112x128xi32, #tpu.memory_space<vmem>> -> memref<1x128xi32, #tpu.memory_space<vmem>>
      %dma_start3A_605 = tpu.memref_squeeze %dma_start3A_604 : memref<1x128xi32, #tpu.memory_space<vmem>> -> memref<128xi32, #tpu.memory_space<vmem>>
      %dma_start3A_606 = arith.constant 0 : i32
      %dma_start3A_607 = arith.constant 0 : i32
      %dma_start3A_608 = tpu.memref_slice %arg9[%dma_start3A_606, %dma_start3A_607] : memref<10240x8xf32, #tpu.memory_space<vmem_shared>> -> memref<10240x8xf32, #tpu.memory_space<vmem_shared>>
      %dma_start3A_609 = tpu.memref_slice %arg11[%dma_start3A_598] : memref<8x!tpu.dma_semaphore, #tpu.memory_space<semaphore_mem>> -> memref<1x!tpu.dma_semaphore, #tpu.memory_space<semaphore_mem>>
      %dma_start3A_610 = tpu.memref_squeeze %dma_start3A_609 : memref<1x!tpu.dma_semaphore, #tpu.memory_space<semaphore_mem>> -> memref<!tpu.dma_semaphore, #tpu.memory_space<semaphore_mem>>
      tpu.enqueue_indirect_dma source(%dma_start3A_602 : memref<128x8xf32, #tpu.memory_space<vmem>>) target(%dma_start3A_608 : memref<10240x8xf32, #tpu.memory_space<vmem_shared>>) offsets(%dma_start3A_605 : memref<128xi32, #tpu.memory_space<vmem>>) semaphore(%dma_start3A_610 : memref<!tpu.dma_semaphore, #tpu.memory_space<semaphore_mem>>) {add = true}
      %add3A_611 = arith.constant 8 : i32
      %add3A_612 = arith.addi %add3A_582, %add3A_611 : i32
      %lt3A_613 = arith.cmpi slt, %add3A_612, %select_n3A_7 : i32
      %convert_element_type3A_614 = arith.extui %lt3A_613 : i1 to i32
      %cond3A_615 = arith.constant 0 : i32
      %cond3A_616 = arith.cmpi ne, %convert_element_type3A_614, %cond3A_615 : i32
      scf.if %cond3A_616 {
        %dma_wait3A_617 = arith.constant 7 : i32
        %dma_wait3A_618 = arith.constant 7 : i32
        %dma_wait3A_619 = arith.constant 0 : i32
        %dma_wait3A_620 = arith.constant 0 : i32
        %dma_wait3A_621 = tpu.memref_slice %arg8[%dma_wait3A_617, %dma_wait3A_619, %dma_wait3A_620] : memref<8x128x8xf32, #tpu.memory_space<vmem>> -> memref<1x128x8xf32, #tpu.memory_space<vmem>>
        %dma_wait3A_622 = tpu.memref_squeeze %dma_wait3A_621 : memref<1x128x8xf32, #tpu.memory_space<vmem>> -> memref<128x8xf32, #tpu.memory_space<vmem>>
        %dma_wait3A_623 = arith.constant 0 : i32
        %dma_wait3A_624 = tpu.memref_slice %arg7[%add3A_582, %dma_wait3A_623] : memref<112x128xi32, #tpu.memory_space<vmem>> -> memref<1x128xi32, #tpu.memory_space<vmem>>
        %dma_wait3A_625 = tpu.memref_squeeze %dma_wait3A_624 : memref<1x128xi32, #tpu.memory_space<vmem>> -> memref<128xi32, #tpu.memory_space<vmem>>
        %dma_wait3A_626 = arith.constant 0 : i32
        %dma_wait3A_627 = arith.constant 0 : i32
        %dma_wait3A_628 = tpu.memref_slice %arg9[%dma_wait3A_626, %dma_wait3A_627] : memref<10240x8xf32, #tpu.memory_space<vmem_shared>> -> memref<10240x8xf32, #tpu.memory_space<vmem_shared>>
        %dma_wait3A_629 = tpu.memref_slice %arg11[%dma_wait3A_618] : memref<8x!tpu.dma_semaphore, #tpu.memory_space<semaphore_mem>> -> memref<1x!tpu.dma_semaphore, #tpu.memory_space<semaphore_mem>>
        %dma_wait3A_630 = tpu.memref_squeeze %dma_wait3A_629 : memref<1x!tpu.dma_semaphore, #tpu.memory_space<semaphore_mem>> -> memref<!tpu.dma_semaphore, #tpu.memory_space<semaphore_mem>>
        tpu.wait_indirect_dma semaphore(%dma_wait3A_630 : memref<!tpu.dma_semaphore, #tpu.memory_space<semaphore_mem>>) src(%dma_wait3A_622 : memref<128x8xf32, #tpu.memory_space<vmem>>) dst(%dma_wait3A_628 : memref<10240x8xf32, #tpu.memory_space<vmem_shared>>)
        %dma_start3A_631 = arith.constant 7 : i32
        %dma_start3A_632 = arith.constant 7 : i32
        %dma_start3A_633 = arith.constant 0 : i32
        %dma_start3A_634 = arith.constant 0 : i32
        %dma_start3A_635 = tpu.memref_slice %arg8[%dma_start3A_631, %dma_start3A_633, %dma_start3A_634] : memref<8x128x8xf32, #tpu.memory_space<vmem>> -> memref<1x128x8xf32, #tpu.memory_space<vmem>>
        %dma_start3A_636 = tpu.memref_squeeze %dma_start3A_635 : memref<1x128x8xf32, #tpu.memory_space<vmem>> -> memref<128x8xf32, #tpu.memory_space<vmem>>
        %dma_start3A_637 = arith.constant 0 : i32
        %dma_start3A_638 = tpu.memref_slice %arg6[%add3A_612, %dma_start3A_637] : memref<112x128xi32, #tpu.memory_space<vmem>> -> memref<1x128xi32, #tpu.memory_space<vmem>>
        %dma_start3A_639 = tpu.memref_squeeze %dma_start3A_638 : memref<1x128xi32, #tpu.memory_space<vmem>> -> memref<128xi32, #tpu.memory_space<vmem>>
        %dma_start3A_640 = arith.constant 0 : i32
        %dma_start3A_641 = arith.constant 0 : i32
        %dma_start3A_642 = tpu.memref_slice %arg2[%dma_start3A_640, %dma_start3A_641] : memref<10016x8xf32, #tpu.memory_space<hbm>> -> memref<10016x8xf32, #tpu.memory_space<hbm>>
        %dma_start3A_643 = tpu.memref_slice %arg10[%dma_start3A_632] : memref<8x!tpu.dma_semaphore, #tpu.memory_space<semaphore_mem>> -> memref<1x!tpu.dma_semaphore, #tpu.memory_space<semaphore_mem>>
        %dma_start3A_644 = tpu.memref_squeeze %dma_start3A_643 : memref<1x!tpu.dma_semaphore, #tpu.memory_space<semaphore_mem>> -> memref<!tpu.dma_semaphore, #tpu.memory_space<semaphore_mem>>
        tpu.enqueue_indirect_dma source(%dma_start3A_642 : memref<10016x8xf32, #tpu.memory_space<hbm>>) target(%dma_start3A_636 : memref<128x8xf32, #tpu.memory_space<vmem>>) offsets(%dma_start3A_639 : memref<128xi32, #tpu.memory_space<vmem>>) semaphore(%dma_start3A_644 : memref<!tpu.dma_semaphore, #tpu.memory_space<semaphore_mem>>)
      } else {
      }
    }
    %sub3A_167 = arith.constant 8 : i32
    %sub3A_168 = arith.subi %select_n3A_7, %sub3A_167 : i32
    %add3A_169 = arith.constant 0 : i32
    %add3A_170 = arith.addi %sub3A_168, %add3A_169 : i32
    %dma_wait3A = arith.constant 0 : i32
    %dma_wait3A_171 = arith.constant 0 : i32
    %dma_wait3A_172 = arith.constant 0 : i32
    %dma_wait3A_173 = arith.constant 0 : i32
    %dma_wait3A_174 = tpu.memref_slice %arg8[%dma_wait3A, %dma_wait3A_172, %dma_wait3A_173] : memref<8x128x8xf32, #tpu.memory_space<vmem>> -> memref<1x128x8xf32, #tpu.memory_space<vmem>>
    %dma_wait3A_175 = tpu.memref_squeeze %dma_wait3A_174 : memref<1x128x8xf32, #tpu.memory_space<vmem>> -> memref<128x8xf32, #tpu.memory_space<vmem>>
    %dma_wait3A_176 = arith.constant 0 : i32
    %dma_wait3A_177 = tpu.memref_slice %arg7[%add3A_170, %dma_wait3A_176] : memref<112x128xi32, #tpu.memory_space<vmem>> -> memref<1x128xi32, #tpu.memory_space<vmem>>
    %dma_wait3A_178 = tpu.memref_squeeze %dma_wait3A_177 : memref<1x128xi32, #tpu.memory_space<vmem>> -> memref<128xi32, #tpu.memory_space<vmem>>
    %dma_wait3A_179 = arith.constant 0 : i32
    %dma_wait3A_180 = arith.constant 0 : i32
    %dma_wait3A_181 = tpu.memref_slice %arg9[%dma_wait3A_179, %dma_wait3A_180] : memref<10240x8xf32, #tpu.memory_space<vmem_shared>> -> memref<10240x8xf32, #tpu.memory_space<vmem_shared>>
    %dma_wait3A_182 = tpu.memref_slice %arg11[%dma_wait3A_171] : memref<8x!tpu.dma_semaphore, #tpu.memory_space<semaphore_mem>> -> memref<1x!tpu.dma_semaphore, #tpu.memory_space<semaphore_mem>>
    %dma_wait3A_183 = tpu.memref_squeeze %dma_wait3A_182 : memref<1x!tpu.dma_semaphore, #tpu.memory_space<semaphore_mem>> -> memref<!tpu.dma_semaphore, #tpu.memory_space<semaphore_mem>>
    tpu.wait_indirect_dma semaphore(%dma_wait3A_183 : memref<!tpu.dma_semaphore, #tpu.memory_space<semaphore_mem>>) src(%dma_wait3A_175 : memref<128x8xf32, #tpu.memory_space<vmem>>) dst(%dma_wait3A_181 : memref<10240x8xf32, #tpu.memory_space<vmem_shared>>)
    %sub3A_184 = arith.constant 8 : i32
    %sub3A_185 = arith.subi %select_n3A_7, %sub3A_184 : i32
    %add3A_186 = arith.constant 1 : i32
    %add3A_187 = arith.addi %sub3A_185, %add3A_186 : i32
    %dma_wait3A_188 = arith.constant 1 : i32
    %dma_wait3A_189 = arith.constant 1 : i32
    %dma_wait3A_190 = arith.constant 0 : i32
    %dma_wait3A_191 = arith.constant 0 : i32
    %dma_wait3A_192 = tpu.memref_slice %arg8[%dma_wait3A_188, %dma_wait3A_190, %dma_wait3A_191] : memref<8x128x8xf32, #tpu.memory_space<vmem>> -> memref<1x128x8xf32, #tpu.memory_space<vmem>>
    %dma_wait3A_193 = tpu.memref_squeeze %dma_wait3A_192 : memref<1x128x8xf32, #tpu.memory_space<vmem>> -> memref<128x8xf32, #tpu.memory_space<vmem>>
    %dma_wait3A_194 = arith.constant 0 : i32
    %dma_wait3A_195 = tpu.memref_slice %arg7[%add3A_187, %dma_wait3A_194] : memref<112x128xi32, #tpu.memory_space<vmem>> -> memref<1x128xi32, #tpu.memory_space<vmem>>
    %dma_wait3A_196 = tpu.memref_squeeze %dma_wait3A_195 : memref<1x128xi32, #tpu.memory_space<vmem>> -> memref<128xi32, #tpu.memory_space<vmem>>
    %dma_wait3A_197 = arith.constant 0 : i32
    %dma_wait3A_198 = arith.constant 0 : i32
    %dma_wait3A_199 = tpu.memref_slice %arg9[%dma_wait3A_197, %dma_wait3A_198] : memref<10240x8xf32, #tpu.memory_space<vmem_shared>> -> memref<10240x8xf32, #tpu.memory_space<vmem_shared>>
    %dma_wait3A_200 = tpu.memref_slice %arg11[%dma_wait3A_189] : memref<8x!tpu.dma_semaphore, #tpu.memory_space<semaphore_mem>> -> memref<1x!tpu.dma_semaphore, #tpu.memory_space<semaphore_mem>>
    %dma_wait3A_201 = tpu.memref_squeeze %dma_wait3A_200 : memref<1x!tpu.dma_semaphore, #tpu.memory_space<semaphore_mem>> -> memref<!tpu.dma_semaphore, #tpu.memory_space<semaphore_mem>>
    tpu.wait_indirect_dma semaphore(%dma_wait3A_201 : memref<!tpu.dma_semaphore, #tpu.memory_space<semaphore_mem>>) src(%dma_wait3A_193 : memref<128x8xf32, #tpu.memory_space<vmem>>) dst(%dma_wait3A_199 : memref<10240x8xf32, #tpu.memory_space<vmem_shared>>)
    %sub3A_202 = arith.constant 8 : i32
    %sub3A_203 = arith.subi %select_n3A_7, %sub3A_202 : i32
    %add3A_204 = arith.constant 2 : i32
    %add3A_205 = arith.addi %sub3A_203, %add3A_204 : i32
    %dma_wait3A_206 = arith.constant 2 : i32
    %dma_wait3A_207 = arith.constant 2 : i32
    %dma_wait3A_208 = arith.constant 0 : i32
    %dma_wait3A_209 = arith.constant 0 : i32
    %dma_wait3A_210 = tpu.memref_slice %arg8[%dma_wait3A_206, %dma_wait3A_208, %dma_wait3A_209] : memref<8x128x8xf32, #tpu.memory_space<vmem>> -> memref<1x128x8xf32, #tpu.memory_space<vmem>>
    %dma_wait3A_211 = tpu.memref_squeeze %dma_wait3A_210 : memref<1x128x8xf32, #tpu.memory_space<vmem>> -> memref<128x8xf32, #tpu.memory_space<vmem>>
    %dma_wait3A_212 = arith.constant 0 : i32
    %dma_wait3A_213 = tpu.memref_slice %arg7[%add3A_205, %dma_wait3A_212] : memref<112x128xi32, #tpu.memory_space<vmem>> -> memref<1x128xi32, #tpu.memory_space<vmem>>
    %dma_wait3A_214 = tpu.memref_squeeze %dma_wait3A_213 : memref<1x128xi32, #tpu.memory_space<vmem>> -> memref<128xi32, #tpu.memory_space<vmem>>
    %dma_wait3A_215 = arith.constant 0 : i32
    %dma_wait3A_216 = arith.constant 0 : i32
    %dma_wait3A_217 = tpu.memref_slice %arg9[%dma_wait3A_215, %dma_wait3A_216] : memref<10240x8xf32, #tpu.memory_space<vmem_shared>> -> memref<10240x8xf32, #tpu.memory_space<vmem_shared>>
    %dma_wait3A_218 = tpu.memref_slice %arg11[%dma_wait3A_207] : memref<8x!tpu.dma_semaphore, #tpu.memory_space<semaphore_mem>> -> memref<1x!tpu.dma_semaphore, #tpu.memory_space<semaphore_mem>>
    %dma_wait3A_219 = tpu.memref_squeeze %dma_wait3A_218 : memref<1x!tpu.dma_semaphore, #tpu.memory_space<semaphore_mem>> -> memref<!tpu.dma_semaphore, #tpu.memory_space<semaphore_mem>>
    tpu.wait_indirect_dma semaphore(%dma_wait3A_219 : memref<!tpu.dma_semaphore, #tpu.memory_space<semaphore_mem>>) src(%dma_wait3A_211 : memref<128x8xf32, #tpu.memory_space<vmem>>) dst(%dma_wait3A_217 : memref<10240x8xf32, #tpu.memory_space<vmem_shared>>)
    %sub3A_220 = arith.constant 8 : i32
    %sub3A_221 = arith.subi %select_n3A_7, %sub3A_220 : i32
    %add3A_222 = arith.constant 3 : i32
    %add3A_223 = arith.addi %sub3A_221, %add3A_222 : i32
    %dma_wait3A_224 = arith.constant 3 : i32
    %dma_wait3A_225 = arith.constant 3 : i32
    %dma_wait3A_226 = arith.constant 0 : i32
    %dma_wait3A_227 = arith.constant 0 : i32
    %dma_wait3A_228 = tpu.memref_slice %arg8[%dma_wait3A_224, %dma_wait3A_226, %dma_wait3A_227] : memref<8x128x8xf32, #tpu.memory_space<vmem>> -> memref<1x128x8xf32, #tpu.memory_space<vmem>>
    %dma_wait3A_229 = tpu.memref_squeeze %dma_wait3A_228 : memref<1x128x8xf32, #tpu.memory_space<vmem>> -> memref<128x8xf32, #tpu.memory_space<vmem>>
    %dma_wait3A_230 = arith.constant 0 : i32
    %dma_wait3A_231 = tpu.memref_slice %arg7[%add3A_223, %dma_wait3A_230] : memref<112x128xi32, #tpu.memory_space<vmem>> -> memref<1x128xi32, #tpu.memory_space<vmem>>
    %dma_wait3A_232 = tpu.memref_squeeze %dma_wait3A_231 : memref<1x128xi32, #tpu.memory_space<vmem>> -> memref<128xi32, #tpu.memory_space<vmem>>
    %dma_wait3A_233 = arith.constant 0 : i32
    %dma_wait3A_234 = arith.constant 0 : i32
    %dma_wait3A_235 = tpu.memref_slice %arg9[%dma_wait3A_233, %dma_wait3A_234] : memref<10240x8xf32, #tpu.memory_space<vmem_shared>> -> memref<10240x8xf32, #tpu.memory_space<vmem_shared>>
    %dma_wait3A_236 = tpu.memref_slice %arg11[%dma_wait3A_225] : memref<8x!tpu.dma_semaphore, #tpu.memory_space<semaphore_mem>> -> memref<1x!tpu.dma_semaphore, #tpu.memory_space<semaphore_mem>>
    %dma_wait3A_237 = tpu.memref_squeeze %dma_wait3A_236 : memref<1x!tpu.dma_semaphore, #tpu.memory_space<semaphore_mem>> -> memref<!tpu.dma_semaphore, #tpu.memory_space<semaphore_mem>>
    tpu.wait_indirect_dma semaphore(%dma_wait3A_237 : memref<!tpu.dma_semaphore, #tpu.memory_space<semaphore_mem>>) src(%dma_wait3A_229 : memref<128x8xf32, #tpu.memory_space<vmem>>) dst(%dma_wait3A_235 : memref<10240x8xf32, #tpu.memory_space<vmem_shared>>)
    %sub3A_238 = arith.constant 8 : i32
    %sub3A_239 = arith.subi %select_n3A_7, %sub3A_238 : i32
    %add3A_240 = arith.constant 4 : i32
    %add3A_241 = arith.addi %sub3A_239, %add3A_240 : i32
    %dma_wait3A_242 = arith.constant 4 : i32
    %dma_wait3A_243 = arith.constant 4 : i32
    %dma_wait3A_244 = arith.constant 0 : i32
    %dma_wait3A_245 = arith.constant 0 : i32
    %dma_wait3A_246 = tpu.memref_slice %arg8[%dma_wait3A_242, %dma_wait3A_244, %dma_wait3A_245] : memref<8x128x8xf32, #tpu.memory_space<vmem>> -> memref<1x128x8xf32, #tpu.memory_space<vmem>>
    %dma_wait3A_247 = tpu.memref_squeeze %dma_wait3A_246 : memref<1x128x8xf32, #tpu.memory_space<vmem>> -> memref<128x8xf32, #tpu.memory_space<vmem>>
    %dma_wait3A_248 = arith.constant 0 : i32
    %dma_wait3A_249 = tpu.memref_slice %arg7[%add3A_241, %dma_wait3A_248] : memref<112x128xi32, #tpu.memory_space<vmem>> -> memref<1x128xi32, #tpu.memory_space<vmem>>
    %dma_wait3A_250 = tpu.memref_squeeze %dma_wait3A_249 : memref<1x128xi32, #tpu.memory_space<vmem>> -> memref<128xi32, #tpu.memory_space<vmem>>
    %dma_wait3A_251 = arith.constant 0 : i32
    %dma_wait3A_252 = arith.constant 0 : i32
    %dma_wait3A_253 = tpu.memref_slice %arg9[%dma_wait3A_251, %dma_wait3A_252] : memref<10240x8xf32, #tpu.memory_space<vmem_shared>> -> memref<10240x8xf32, #tpu.memory_space<vmem_shared>>
    %dma_wait3A_254 = tpu.memref_slice %arg11[%dma_wait3A_243] : memref<8x!tpu.dma_semaphore, #tpu.memory_space<semaphore_mem>> -> memref<1x!tpu.dma_semaphore, #tpu.memory_space<semaphore_mem>>
    %dma_wait3A_255 = tpu.memref_squeeze %dma_wait3A_254 : memref<1x!tpu.dma_semaphore, #tpu.memory_space<semaphore_mem>> -> memref<!tpu.dma_semaphore, #tpu.memory_space<semaphore_mem>>
    tpu.wait_indirect_dma semaphore(%dma_wait3A_255 : memref<!tpu.dma_semaphore, #tpu.memory_space<semaphore_mem>>) src(%dma_wait3A_247 : memref<128x8xf32, #tpu.memory_space<vmem>>) dst(%dma_wait3A_253 : memref<10240x8xf32, #tpu.memory_space<vmem_shared>>)
    %sub3A_256 = arith.constant 8 : i32
    %sub3A_257 = arith.subi %select_n3A_7, %sub3A_256 : i32
    %add3A_258 = arith.constant 5 : i32
    %add3A_259 = arith.addi %sub3A_257, %add3A_258 : i32
    %dma_wait3A_260 = arith.constant 5 : i32
    %dma_wait3A_261 = arith.constant 5 : i32
    %dma_wait3A_262 = arith.constant 0 : i32
    %dma_wait3A_263 = arith.constant 0 : i32
    %dma_wait3A_264 = tpu.memref_slice %arg8[%dma_wait3A_260, %dma_wait3A_262, %dma_wait3A_263] : memref<8x128x8xf32, #tpu.memory_space<vmem>> -> memref<1x128x8xf32, #tpu.memory_space<vmem>>
    %dma_wait3A_265 = tpu.memref_squeeze %dma_wait3A_264 : memref<1x128x8xf32, #tpu.memory_space<vmem>> -> memref<128x8xf32, #tpu.memory_space<vmem>>
    %dma_wait3A_266 = arith.constant 0 : i32
    %dma_wait3A_267 = tpu.memref_slice %arg7[%add3A_259, %dma_wait3A_266] : memref<112x128xi32, #tpu.memory_space<vmem>> -> memref<1x128xi32, #tpu.memory_space<vmem>>
    %dma_wait3A_268 = tpu.memref_squeeze %dma_wait3A_267 : memref<1x128xi32, #tpu.memory_space<vmem>> -> memref<128xi32, #tpu.memory_space<vmem>>
    %dma_wait3A_269 = arith.constant 0 : i32
    %dma_wait3A_270 = arith.constant 0 : i32
    %dma_wait3A_271 = tpu.memref_slice %arg9[%dma_wait3A_269, %dma_wait3A_270] : memref<10240x8xf32, #tpu.memory_space<vmem_shared>> -> memref<10240x8xf32, #tpu.memory_space<vmem_shared>>
    %dma_wait3A_272 = tpu.memref_slice %arg11[%dma_wait3A_261] : memref<8x!tpu.dma_semaphore, #tpu.memory_space<semaphore_mem>> -> memref<1x!tpu.dma_semaphore, #tpu.memory_space<semaphore_mem>>
    %dma_wait3A_273 = tpu.memref_squeeze %dma_wait3A_272 : memref<1x!tpu.dma_semaphore, #tpu.memory_space<semaphore_mem>> -> memref<!tpu.dma_semaphore, #tpu.memory_space<semaphore_mem>>
    tpu.wait_indirect_dma semaphore(%dma_wait3A_273 : memref<!tpu.dma_semaphore, #tpu.memory_space<semaphore_mem>>) src(%dma_wait3A_265 : memref<128x8xf32, #tpu.memory_space<vmem>>) dst(%dma_wait3A_271 : memref<10240x8xf32, #tpu.memory_space<vmem_shared>>)
    %sub3A_274 = arith.constant 8 : i32
    %sub3A_275 = arith.subi %select_n3A_7, %sub3A_274 : i32
    %add3A_276 = arith.constant 6 : i32
    %add3A_277 = arith.addi %sub3A_275, %add3A_276 : i32
    %dma_wait3A_278 = arith.constant 6 : i32
    %dma_wait3A_279 = arith.constant 6 : i32
    %dma_wait3A_280 = arith.constant 0 : i32
    %dma_wait3A_281 = arith.constant 0 : i32
    %dma_wait3A_282 = tpu.memref_slice %arg8[%dma_wait3A_278, %dma_wait3A_280, %dma_wait3A_281] : memref<8x128x8xf32, #tpu.memory_space<vmem>> -> memref<1x128x8xf32, #tpu.memory_space<vmem>>
    %dma_wait3A_283 = tpu.memref_squeeze %dma_wait3A_282 : memref<1x128x8xf32, #tpu.memory_space<vmem>> -> memref<128x8xf32, #tpu.memory_space<vmem>>
    %dma_wait3A_284 = arith.constant 0 : i32
    %dma_wait3A_285 = tpu.memref_slice %arg7[%add3A_277, %dma_wait3A_284] : memref<112x128xi32, #tpu.memory_space<vmem>> -> memref<1x128xi32, #tpu.memory_space<vmem>>
    %dma_wait3A_286 = tpu.memref_squeeze %dma_wait3A_285 : memref<1x128xi32, #tpu.memory_space<vmem>> -> memref<128xi32, #tpu.memory_space<vmem>>
    %dma_wait3A_287 = arith.constant 0 : i32
    %dma_wait3A_288 = arith.constant 0 : i32
    %dma_wait3A_289 = tpu.memref_slice %arg9[%dma_wait3A_287, %dma_wait3A_288] : memref<10240x8xf32, #tpu.memory_space<vmem_shared>> -> memref<10240x8xf32, #tpu.memory_space<vmem_shared>>
    %dma_wait3A_290 = tpu.memref_slice %arg11[%dma_wait3A_279] : memref<8x!tpu.dma_semaphore, #tpu.memory_space<semaphore_mem>> -> memref<1x!tpu.dma_semaphore, #tpu.memory_space<semaphore_mem>>
    %dma_wait3A_291 = tpu.memref_squeeze %dma_wait3A_290 : memref<1x!tpu.dma_semaphore, #tpu.memory_space<semaphore_mem>> -> memref<!tpu.dma_semaphore, #tpu.memory_space<semaphore_mem>>
    tpu.wait_indirect_dma semaphore(%dma_wait3A_291 : memref<!tpu.dma_semaphore, #tpu.memory_space<semaphore_mem>>) src(%dma_wait3A_283 : memref<128x8xf32, #tpu.memory_space<vmem>>) dst(%dma_wait3A_289 : memref<10240x8xf32, #tpu.memory_space<vmem_shared>>)
    %sub3A_292 = arith.constant 8 : i32
    %sub3A_293 = arith.subi %select_n3A_7, %sub3A_292 : i32
    %add3A_294 = arith.constant 7 : i32
    %add3A_295 = arith.addi %sub3A_293, %add3A_294 : i32
    %dma_wait3A_296 = arith.constant 7 : i32
    %dma_wait3A_297 = arith.constant 7 : i32
    %dma_wait3A_298 = arith.constant 0 : i32
    %dma_wait3A_299 = arith.constant 0 : i32
    %dma_wait3A_300 = tpu.memref_slice %arg8[%dma_wait3A_296, %dma_wait3A_298, %dma_wait3A_299] : memref<8x128x8xf32, #tpu.memory_space<vmem>> -> memref<1x128x8xf32, #tpu.memory_space<vmem>>
    %dma_wait3A_301 = tpu.memref_squeeze %dma_wait3A_300 : memref<1x128x8xf32, #tpu.memory_space<vmem>> -> memref<128x8xf32, #tpu.memory_space<vmem>>
    %dma_wait3A_302 = arith.constant 0 : i32
    %dma_wait3A_303 = tpu.memref_slice %arg7[%add3A_295, %dma_wait3A_302] : memref<112x128xi32, #tpu.memory_space<vmem>> -> memref<1x128xi32, #tpu.memory_space<vmem>>
    %dma_wait3A_304 = tpu.memref_squeeze %dma_wait3A_303 : memref<1x128xi32, #tpu.memory_space<vmem>> -> memref<128xi32, #tpu.memory_space<vmem>>
    %dma_wait3A_305 = arith.constant 0 : i32
    %dma_wait3A_306 = arith.constant 0 : i32
    %dma_wait3A_307 = tpu.memref_slice %arg9[%dma_wait3A_305, %dma_wait3A_306] : memref<10240x8xf32, #tpu.memory_space<vmem_shared>> -> memref<10240x8xf32, #tpu.memory_space<vmem_shared>>
    %dma_wait3A_308 = tpu.memref_slice %arg11[%dma_wait3A_297] : memref<8x!tpu.dma_semaphore, #tpu.memory_space<semaphore_mem>> -> memref<1x!tpu.dma_semaphore, #tpu.memory_space<semaphore_mem>>
    %dma_wait3A_309 = tpu.memref_squeeze %dma_wait3A_308 : memref<1x!tpu.dma_semaphore, #tpu.memory_space<semaphore_mem>> -> memref<!tpu.dma_semaphore, #tpu.memory_space<semaphore_mem>>
    tpu.wait_indirect_dma semaphore(%dma_wait3A_309 : memref<!tpu.dma_semaphore, #tpu.memory_space<semaphore_mem>>) src(%dma_wait3A_301 : memref<128x8xf32, #tpu.memory_space<vmem>>) dst(%dma_wait3A_307 : memref<10240x8xf32, #tpu.memory_space<vmem_shared>>)
    %barrier3A_310 = arith.constant 0 : index
    tpu.barrier barrier_id(%barrier3A_310)
    %mul3A_311 = arith.constant 640 : i32
    %mul3A_312 = arith.muli %arg1, %mul3A_311 : i32
    "tpu.region"() ({
      %run_scoped3A = tpu.sem_alloc : memref<!tpu.dma_semaphore, #tpu.memory_space<semaphore_mem>>
      %dma_start3A_313 = arith.constant 0 : i32
      %dma_start3A_314 = arith.constant 0 : i32
      %dma_start3A_315 = tpu.memref_slice %arg5[%arg0, %dma_start3A_313, %dma_start3A_314] : memref<2x10240x8xf32, #tpu.memory_space<hbm>> -> memref<1x10240x8xf32, #tpu.memory_space<hbm>>
      %dma_start3A_316 = tpu.memref_squeeze %dma_start3A_315 : memref<1x10240x8xf32, #tpu.memory_space<hbm>> -> memref<10240x8xf32, #tpu.memory_space<hbm>>
      %dma_start3A_317 = arith.constant 0 : i32
      %dma_start3A_318 = tpu.memref_slice %dma_start3A_316[%mul3A_312, %dma_start3A_317] : memref<10240x8xf32, #tpu.memory_space<hbm>> -> memref<640x8xf32, #tpu.memory_space<hbm>>
      %dma_start3A_319 = arith.constant 0 : i32
      %dma_start3A_320 = tpu.memref_slice %arg9[%mul3A_312, %dma_start3A_319] : memref<10240x8xf32, #tpu.memory_space<vmem_shared>> -> memref<640x8xf32, #tpu.memory_space<vmem_shared>>
      tpu.enqueue_dma source(%dma_start3A_320 : memref<640x8xf32, #tpu.memory_space<vmem_shared>>) target(%dma_start3A_318 : memref<640x8xf32, #tpu.memory_space<hbm>>) target_semaphore(%run_scoped3A : memref<!tpu.dma_semaphore, #tpu.memory_space<semaphore_mem>>)
      %dma_wait3A_321 = arith.constant 0 : i32
      %dma_wait3A_322 = arith.constant 0 : i32
      %dma_wait3A_323 = tpu.memref_slice %arg5[%arg0, %dma_wait3A_321, %dma_wait3A_322] : memref<2x10240x8xf32, #tpu.memory_space<hbm>> -> memref<1x10240x8xf32, #tpu.memory_space<hbm>>
      %dma_wait3A_324 = tpu.memref_squeeze %dma_wait3A_323 : memref<1x10240x8xf32, #tpu.memory_space<hbm>> -> memref<10240x8xf32, #tpu.memory_space<hbm>>
      %dma_wait3A_325 = arith.constant 0 : i32
      %dma_wait3A_326 = tpu.memref_slice %dma_wait3A_324[%mul3A_312, %dma_wait3A_325] : memref<10240x8xf32, #tpu.memory_space<hbm>> -> memref<640x8xf32, #tpu.memory_space<hbm>>
      %dma_wait3A_327 = arith.constant 0 : i32
      %dma_wait3A_328 = tpu.memref_slice %arg9[%mul3A_312, %dma_wait3A_327] : memref<10240x8xf32, #tpu.memory_space<vmem_shared>> -> memref<640x8xf32, #tpu.memory_space<vmem_shared>>
      tpu.wait_dma2 semaphore(%run_scoped3A : memref<!tpu.dma_semaphore, #tpu.memory_space<semaphore_mem>>) src(%dma_wait3A_328 : memref<640x8xf32, #tpu.memory_space<vmem_shared>>) dst(%dma_wait3A_326 : memref<640x8xf32, #tpu.memory_space<hbm>>)
      tpu.yield
    }) : () -> ()
    return
  }
}

#map = affine_map<(d0, d1) -> (0, 0)>
#map1 = affine_map<(d0, d1) -> (0, 0, 0)>
module attributes {stable_mosaic.version = 14 : i64} {
  func.func @_prop_body(%arg0: i32, %arg1: i32, %arg2: memref<10016x8xf32, #tpu.memory_space<hbm>>, %arg3: memref<2x2560x128xi32, #tpu.memory_space<hbm>>, %arg4: memref<640x8xf32, #tpu.memory_space<hbm>>, %arg5: memref<2x10240x8xf32, #tpu.memory_space<hbm>>, %arg6: memref<112x128xi32, #tpu.memory_space<vmem>>, %arg7: memref<112x128xi32, #tpu.memory_space<vmem>>, %arg8: memref<8x128x8xf32, #tpu.memory_space<vmem>>, %arg9: memref<10240x8xf32, #tpu.memory_space<vmem_shared>>, %arg10: memref<8x!tpu.dma_semaphore, #tpu.memory_space<semaphore_mem>>, %arg11: memref<8x!tpu.dma_semaphore, #tpu.memory_space<semaphore_mem>>) attributes {dimension_semantics = [#tpu.dimension_semantics<core_parallel>, #tpu.dimension_semantics<subcore_parallel>], iteration_bounds = array<i64: 2, 16>, scalar_prefetch = 0 : i64, scratch_operands = 6 : i64, tpu.core_type = #tpu.core_type<sc_vector_subcore>, window_params = [{transform_indices = #map}, {transform_indices = #map1}, {transform_indices = #map}, {transform_indices = #map1}]} {
    %eq3A = arith.constant 0 : i32
    %eq3A_0 = arith.cmpi eq, %arg0, %eq3A : i32
    %mul3A = arith.constant 112 : i32
    %mul3A_1 = arith.muli %arg1, %mul3A : i32
    %mul3A_2 = arith.constant 48 : i32
    %mul3A_3 = arith.muli %arg1, %mul3A_2 : i32
    %add3A = arith.constant 1792 : i32
    %add3A_4 = arith.addi %add3A, %mul3A_3 : i32
    %select_n3A = arith.select %eq3A_0, %mul3A_1, %add3A_4 : i32
    %select_n3A_5 = arith.constant 48 : i32
    %select_n3A_6 = arith.constant 112 : i32
    %select_n3A_7 = arith.select %eq3A_0, %select_n3A_6, %select_n3A_5 : i32
    %mul3A_8 = arith.constant 640 : i32
    %mul3A_9 = arith.muli %arg1, %mul3A_8 : i32
    "tpu.region"() ({
      %run_scoped3A = tpu.sem_alloc : memref<!tpu.dma_semaphore, #tpu.memory_space<semaphore_mem>>
      %dma_start3A_313 = arith.constant 0 : i32
      %dma_start3A_314 = tpu.memref_slice %arg9[%mul3A_9, %dma_start3A_313] : memref<10240x8xf32, #tpu.memory_space<vmem_shared>> -> memref<640x8xf32, #tpu.memory_space<vmem_shared>>
      tpu.enqueue_dma source(%arg4 : memref<640x8xf32, #tpu.memory_space<hbm>>) target(%dma_start3A_314 : memref<640x8xf32, #tpu.memory_space<vmem_shared>>) target_semaphore(%run_scoped3A : memref<!tpu.dma_semaphore, #tpu.memory_space<semaphore_mem>>)
      %dma_wait3A_315 = arith.constant 0 : i32
      %dma_wait3A_316 = tpu.memref_slice %arg9[%mul3A_9, %dma_wait3A_315] : memref<10240x8xf32, #tpu.memory_space<vmem_shared>> -> memref<640x8xf32, #tpu.memory_space<vmem_shared>>
      tpu.wait_dma2 semaphore(%run_scoped3A : memref<!tpu.dma_semaphore, #tpu.memory_space<semaphore_mem>>) src(%arg4 : memref<640x8xf32, #tpu.memory_space<hbm>>) dst(%dma_wait3A_316 : memref<640x8xf32, #tpu.memory_space<vmem_shared>>)
      tpu.yield
    }) : () -> ()
    %convert_element_type3A = arith.extui %eq3A_0 : i1 to i32
    %cond3A = arith.constant 0 : i32
    %cond3A_10 = arith.cmpi ne, %convert_element_type3A, %cond3A : i32
    scf.if %cond3A_10 {
      %run_scoped3A = arith.constant 0 : i32
      "tpu.region"() ({
        %run_scoped3A_313 = tpu.sem_alloc : memref<!tpu.dma_semaphore, #tpu.memory_space<semaphore_mem>>
        %dma_start3A_314 = arith.constant 0 : i32
        %dma_start3A_315 = arith.constant 0 : i32
        %dma_start3A_316 = tpu.memref_slice %arg6[%dma_start3A_314, %dma_start3A_315] : memref<112x128xi32, #tpu.memory_space<vmem>> -> memref<112x128xi32, #tpu.memory_space<vmem>>
        %dma_start3A_317 = arith.constant 0 : i32
        %dma_start3A_318 = arith.constant 0 : i32
        %dma_start3A_319 = tpu.memref_slice %arg3[%run_scoped3A, %dma_start3A_317, %dma_start3A_318] : memref<2x2560x128xi32, #tpu.memory_space<hbm>> -> memref<1x2560x128xi32, #tpu.memory_space<hbm>>
        %dma_start3A_320 = tpu.memref_squeeze %dma_start3A_319 : memref<1x2560x128xi32, #tpu.memory_space<hbm>> -> memref<2560x128xi32, #tpu.memory_space<hbm>>
        %dma_start3A_321 = arith.constant 0 : i32
        %dma_start3A_322 = tpu.memref_slice %dma_start3A_320[%select_n3A, %dma_start3A_321] : memref<2560x128xi32, #tpu.memory_space<hbm>> -> memref<112x128xi32, #tpu.memory_space<hbm>>
        %dma_start3A_323 = arith.constant 0 : i32
        %dma_start3A_324 = arith.constant 0 : i32
        %dma_start3A_325 = tpu.memref_slice %arg6[%dma_start3A_323, %dma_start3A_324] : memref<112x128xi32, #tpu.memory_space<vmem>> -> memref<112x128xi32, #tpu.memory_space<vmem>>
        %dma_start3A_326 = arith.constant 0 : i32
        %dma_start3A_327 = arith.constant 0 : i32
        %dma_start3A_328 = tpu.memref_slice %arg3[%run_scoped3A, %dma_start3A_326, %dma_start3A_327] : memref<2x2560x128xi32, #tpu.memory_space<hbm>> -> memref<1x2560x128xi32, #tpu.memory_space<hbm>>
        %dma_start3A_329 = tpu.memref_squeeze %dma_start3A_328 : memref<1x2560x128xi32, #tpu.memory_space<hbm>> -> memref<2560x128xi32, #tpu.memory_space<hbm>>
        %dma_start3A_330 = arith.constant 0 : i32
        %dma_start3A_331 = tpu.memref_slice %dma_start3A_329[%select_n3A, %dma_start3A_330] : memref<2560x128xi32, #tpu.memory_space<hbm>> -> memref<112x128xi32, #tpu.memory_space<hbm>>
        tpu.enqueue_dma source(%dma_start3A_331 : memref<112x128xi32, #tpu.memory_space<hbm>>) target(%dma_start3A_325 : memref<112x128xi32, #tpu.memory_space<vmem>>) target_semaphore(%run_scoped3A_313 : memref<!tpu.dma_semaphore, #tpu.memory_space<semaphore_mem>>)
        %dma_wait3A_332 = arith.constant 0 : i32
        %dma_wait3A_333 = arith.constant 0 : i32
        %dma_wait3A_334 = tpu.memref_slice %arg6[%dma_wait3A_332, %dma_wait3A_333] : memref<112x128xi32, #tpu.memory_space<vmem>> -> memref<112x128xi32, #tpu.memory_space<vmem>>
        %dma_wait3A_335 = arith.constant 0 : i32
        %dma_wait3A_336 = arith.constant 0 : i32
        %dma_wait3A_337 = tpu.memref_slice %arg3[%run_scoped3A, %dma_wait3A_335, %dma_wait3A_336] : memref<2x2560x128xi32, #tpu.memory_space<hbm>> -> memref<1x2560x128xi32, #tpu.memory_space<hbm>>
        %dma_wait3A_338 = tpu.memref_squeeze %dma_wait3A_337 : memref<1x2560x128xi32, #tpu.memory_space<hbm>> -> memref<2560x128xi32, #tpu.memory_space<hbm>>
        %dma_wait3A_339 = arith.constant 0 : i32
        %dma_wait3A_340 = tpu.memref_slice %dma_wait3A_338[%select_n3A, %dma_wait3A_339] : memref<2560x128xi32, #tpu.memory_space<hbm>> -> memref<112x128xi32, #tpu.memory_space<hbm>>
        %dma_wait3A_341 = arith.constant 0 : i32
        %dma_wait3A_342 = arith.constant 0 : i32
        %dma_wait3A_343 = tpu.memref_slice %arg6[%dma_wait3A_341, %dma_wait3A_342] : memref<112x128xi32, #tpu.memory_space<vmem>> -> memref<112x128xi32, #tpu.memory_space<vmem>>
        %dma_wait3A_344 = arith.constant 0 : i32
        %dma_wait3A_345 = arith.constant 0 : i32
        %dma_wait3A_346 = tpu.memref_slice %arg3[%run_scoped3A, %dma_wait3A_344, %dma_wait3A_345] : memref<2x2560x128xi32, #tpu.memory_space<hbm>> -> memref<1x2560x128xi32, #tpu.memory_space<hbm>>
        %dma_wait3A_347 = tpu.memref_squeeze %dma_wait3A_346 : memref<1x2560x128xi32, #tpu.memory_space<hbm>> -> memref<2560x128xi32, #tpu.memory_space<hbm>>
        %dma_wait3A_348 = arith.constant 0 : i32
        %dma_wait3A_349 = tpu.memref_slice %dma_wait3A_347[%select_n3A, %dma_wait3A_348] : memref<2560x128xi32, #tpu.memory_space<hbm>> -> memref<112x128xi32, #tpu.memory_space<hbm>>
        tpu.wait_dma2 semaphore(%run_scoped3A_313 : memref<!tpu.dma_semaphore, #tpu.memory_space<semaphore_mem>>) src(%dma_wait3A_349 : memref<112x128xi32, #tpu.memory_space<hbm>>) dst(%dma_wait3A_343 : memref<112x128xi32, #tpu.memory_space<vmem>>)
        tpu.yield
      }) : () -> ()
    } else {
    }
    %not3A = arith.constant true
    %not3A_11 = arith.xori %eq3A_0, %not3A : i1
    %convert_element_type3A_12 = arith.extui %not3A_11 : i1 to i32
    %cond3A_13 = arith.constant 0 : i32
    %cond3A_14 = arith.cmpi ne, %convert_element_type3A_12, %cond3A_13 : i32
    scf.if %cond3A_14 {
      %run_scoped3A = arith.constant 0 : i32
      "tpu.region"() ({
        %run_scoped3A_313 = tpu.sem_alloc : memref<!tpu.dma_semaphore, #tpu.memory_space<semaphore_mem>>
        %dma_start3A_314 = arith.constant 0 : i32
        %dma_start3A_315 = arith.constant 0 : i32
        %dma_start3A_316 = tpu.memref_slice %arg6[%dma_start3A_314, %dma_start3A_315] : memref<112x128xi32, #tpu.memory_space<vmem>> -> memref<48x128xi32, #tpu.memory_space<vmem>>
        %dma_start3A_317 = arith.constant 0 : i32
        %dma_start3A_318 = arith.constant 0 : i32
        %dma_start3A_319 = tpu.memref_slice %arg3[%run_scoped3A, %dma_start3A_317, %dma_start3A_318] : memref<2x2560x128xi32, #tpu.memory_space<hbm>> -> memref<1x2560x128xi32, #tpu.memory_space<hbm>>
        %dma_start3A_320 = tpu.memref_squeeze %dma_start3A_319 : memref<1x2560x128xi32, #tpu.memory_space<hbm>> -> memref<2560x128xi32, #tpu.memory_space<hbm>>
        %dma_start3A_321 = arith.constant 0 : i32
        %dma_start3A_322 = tpu.memref_slice %dma_start3A_320[%select_n3A, %dma_start3A_321] : memref<2560x128xi32, #tpu.memory_space<hbm>> -> memref<48x128xi32, #tpu.memory_space<hbm>>
        %dma_start3A_323 = arith.constant 0 : i32
        %dma_start3A_324 = arith.constant 0 : i32
        %dma_start3A_325 = tpu.memref_slice %arg6[%dma_start3A_323, %dma_start3A_324] : memref<112x128xi32, #tpu.memory_space<vmem>> -> memref<48x128xi32, #tpu.memory_space<vmem>>
        %dma_start3A_326 = arith.constant 0 : i32
        %dma_start3A_327 = arith.constant 0 : i32
        %dma_start3A_328 = tpu.memref_slice %arg3[%run_scoped3A, %dma_start3A_326, %dma_start3A_327] : memref<2x2560x128xi32, #tpu.memory_space<hbm>> -> memref<1x2560x128xi32, #tpu.memory_space<hbm>>
        %dma_start3A_329 = tpu.memref_squeeze %dma_start3A_328 : memref<1x2560x128xi32, #tpu.memory_space<hbm>> -> memref<2560x128xi32, #tpu.memory_space<hbm>>
        %dma_start3A_330 = arith.constant 0 : i32
        %dma_start3A_331 = tpu.memref_slice %dma_start3A_329[%select_n3A, %dma_start3A_330] : memref<2560x128xi32, #tpu.memory_space<hbm>> -> memref<48x128xi32, #tpu.memory_space<hbm>>
        tpu.enqueue_dma source(%dma_start3A_331 : memref<48x128xi32, #tpu.memory_space<hbm>>) target(%dma_start3A_325 : memref<48x128xi32, #tpu.memory_space<vmem>>) target_semaphore(%run_scoped3A_313 : memref<!tpu.dma_semaphore, #tpu.memory_space<semaphore_mem>>)
        %dma_wait3A_332 = arith.constant 0 : i32
        %dma_wait3A_333 = arith.constant 0 : i32
        %dma_wait3A_334 = tpu.memref_slice %arg6[%dma_wait3A_332, %dma_wait3A_333] : memref<112x128xi32, #tpu.memory_space<vmem>> -> memref<48x128xi32, #tpu.memory_space<vmem>>
        %dma_wait3A_335 = arith.constant 0 : i32
        %dma_wait3A_336 = arith.constant 0 : i32
        %dma_wait3A_337 = tpu.memref_slice %arg3[%run_scoped3A, %dma_wait3A_335, %dma_wait3A_336] : memref<2x2560x128xi32, #tpu.memory_space<hbm>> -> memref<1x2560x128xi32, #tpu.memory_space<hbm>>
        %dma_wait3A_338 = tpu.memref_squeeze %dma_wait3A_337 : memref<1x2560x128xi32, #tpu.memory_space<hbm>> -> memref<2560x128xi32, #tpu.memory_space<hbm>>
        %dma_wait3A_339 = arith.constant 0 : i32
        %dma_wait3A_340 = tpu.memref_slice %dma_wait3A_338[%select_n3A, %dma_wait3A_339] : memref<2560x128xi32, #tpu.memory_space<hbm>> -> memref<48x128xi32, #tpu.memory_space<hbm>>
        %dma_wait3A_341 = arith.constant 0 : i32
        %dma_wait3A_342 = arith.constant 0 : i32
        %dma_wait3A_343 = tpu.memref_slice %arg6[%dma_wait3A_341, %dma_wait3A_342] : memref<112x128xi32, #tpu.memory_space<vmem>> -> memref<48x128xi32, #tpu.memory_space<vmem>>
        %dma_wait3A_344 = arith.constant 0 : i32
        %dma_wait3A_345 = arith.constant 0 : i32
        %dma_wait3A_346 = tpu.memref_slice %arg3[%run_scoped3A, %dma_wait3A_344, %dma_wait3A_345] : memref<2x2560x128xi32, #tpu.memory_space<hbm>> -> memref<1x2560x128xi32, #tpu.memory_space<hbm>>
        %dma_wait3A_347 = tpu.memref_squeeze %dma_wait3A_346 : memref<1x2560x128xi32, #tpu.memory_space<hbm>> -> memref<2560x128xi32, #tpu.memory_space<hbm>>
        %dma_wait3A_348 = arith.constant 0 : i32
        %dma_wait3A_349 = tpu.memref_slice %dma_wait3A_347[%select_n3A, %dma_wait3A_348] : memref<2560x128xi32, #tpu.memory_space<hbm>> -> memref<48x128xi32, #tpu.memory_space<hbm>>
        tpu.wait_dma2 semaphore(%run_scoped3A_313 : memref<!tpu.dma_semaphore, #tpu.memory_space<semaphore_mem>>) src(%dma_wait3A_349 : memref<48x128xi32, #tpu.memory_space<hbm>>) dst(%dma_wait3A_343 : memref<48x128xi32, #tpu.memory_space<vmem>>)
        tpu.yield
      }) : () -> ()
    } else {
    }
    %convert_element_type3A_15 = arith.extui %eq3A_0 : i1 to i32
    %cond3A_16 = arith.constant 0 : i32
    %cond3A_17 = arith.cmpi ne, %convert_element_type3A_15, %cond3A_16 : i32
    scf.if %cond3A_17 {
      %run_scoped3A = arith.constant 1 : i32
      "tpu.region"() ({
        %run_scoped3A_313 = tpu.sem_alloc : memref<!tpu.dma_semaphore, #tpu.memory_space<semaphore_mem>>
        %dma_start3A_314 = arith.constant 0 : i32
        %dma_start3A_315 = arith.constant 0 : i32
        %dma_start3A_316 = tpu.memref_slice %arg7[%dma_start3A_314, %dma_start3A_315] : memref<112x128xi32, #tpu.memory_space<vmem>> -> memref<112x128xi32, #tpu.memory_space<vmem>>
        %dma_start3A_317 = arith.constant 0 : i32
        %dma_start3A_318 = arith.constant 0 : i32
        %dma_start3A_319 = tpu.memref_slice %arg3[%run_scoped3A, %dma_start3A_317, %dma_start3A_318] : memref<2x2560x128xi32, #tpu.memory_space<hbm>> -> memref<1x2560x128xi32, #tpu.memory_space<hbm>>
        %dma_start3A_320 = tpu.memref_squeeze %dma_start3A_319 : memref<1x2560x128xi32, #tpu.memory_space<hbm>> -> memref<2560x128xi32, #tpu.memory_space<hbm>>
        %dma_start3A_321 = arith.constant 0 : i32
        %dma_start3A_322 = tpu.memref_slice %dma_start3A_320[%select_n3A, %dma_start3A_321] : memref<2560x128xi32, #tpu.memory_space<hbm>> -> memref<112x128xi32, #tpu.memory_space<hbm>>
        %dma_start3A_323 = arith.constant 0 : i32
        %dma_start3A_324 = arith.constant 0 : i32
        %dma_start3A_325 = tpu.memref_slice %arg7[%dma_start3A_323, %dma_start3A_324] : memref<112x128xi32, #tpu.memory_space<vmem>> -> memref<112x128xi32, #tpu.memory_space<vmem>>
        %dma_start3A_326 = arith.constant 0 : i32
        %dma_start3A_327 = arith.constant 0 : i32
        %dma_start3A_328 = tpu.memref_slice %arg3[%run_scoped3A, %dma_start3A_326, %dma_start3A_327] : memref<2x2560x128xi32, #tpu.memory_space<hbm>> -> memref<1x2560x128xi32, #tpu.memory_space<hbm>>
        %dma_start3A_329 = tpu.memref_squeeze %dma_start3A_328 : memref<1x2560x128xi32, #tpu.memory_space<hbm>> -> memref<2560x128xi32, #tpu.memory_space<hbm>>
        %dma_start3A_330 = arith.constant 0 : i32
        %dma_start3A_331 = tpu.memref_slice %dma_start3A_329[%select_n3A, %dma_start3A_330] : memref<2560x128xi32, #tpu.memory_space<hbm>> -> memref<112x128xi32, #tpu.memory_space<hbm>>
        tpu.enqueue_dma source(%dma_start3A_331 : memref<112x128xi32, #tpu.memory_space<hbm>>) target(%dma_start3A_325 : memref<112x128xi32, #tpu.memory_space<vmem>>) target_semaphore(%run_scoped3A_313 : memref<!tpu.dma_semaphore, #tpu.memory_space<semaphore_mem>>)
        %dma_wait3A_332 = arith.constant 0 : i32
        %dma_wait3A_333 = arith.constant 0 : i32
        %dma_wait3A_334 = tpu.memref_slice %arg7[%dma_wait3A_332, %dma_wait3A_333] : memref<112x128xi32, #tpu.memory_space<vmem>> -> memref<112x128xi32, #tpu.memory_space<vmem>>
        %dma_wait3A_335 = arith.constant 0 : i32
        %dma_wait3A_336 = arith.constant 0 : i32
        %dma_wait3A_337 = tpu.memref_slice %arg3[%run_scoped3A, %dma_wait3A_335, %dma_wait3A_336] : memref<2x2560x128xi32, #tpu.memory_space<hbm>> -> memref<1x2560x128xi32, #tpu.memory_space<hbm>>
        %dma_wait3A_338 = tpu.memref_squeeze %dma_wait3A_337 : memref<1x2560x128xi32, #tpu.memory_space<hbm>> -> memref<2560x128xi32, #tpu.memory_space<hbm>>
        %dma_wait3A_339 = arith.constant 0 : i32
        %dma_wait3A_340 = tpu.memref_slice %dma_wait3A_338[%select_n3A, %dma_wait3A_339] : memref<2560x128xi32, #tpu.memory_space<hbm>> -> memref<112x128xi32, #tpu.memory_space<hbm>>
        %dma_wait3A_341 = arith.constant 0 : i32
        %dma_wait3A_342 = arith.constant 0 : i32
        %dma_wait3A_343 = tpu.memref_slice %arg7[%dma_wait3A_341, %dma_wait3A_342] : memref<112x128xi32, #tpu.memory_space<vmem>> -> memref<112x128xi32, #tpu.memory_space<vmem>>
        %dma_wait3A_344 = arith.constant 0 : i32
        %dma_wait3A_345 = arith.constant 0 : i32
        %dma_wait3A_346 = tpu.memref_slice %arg3[%run_scoped3A, %dma_wait3A_344, %dma_wait3A_345] : memref<2x2560x128xi32, #tpu.memory_space<hbm>> -> memref<1x2560x128xi32, #tpu.memory_space<hbm>>
        %dma_wait3A_347 = tpu.memref_squeeze %dma_wait3A_346 : memref<1x2560x128xi32, #tpu.memory_space<hbm>> -> memref<2560x128xi32, #tpu.memory_space<hbm>>
        %dma_wait3A_348 = arith.constant 0 : i32
        %dma_wait3A_349 = tpu.memref_slice %dma_wait3A_347[%select_n3A, %dma_wait3A_348] : memref<2560x128xi32, #tpu.memory_space<hbm>> -> memref<112x128xi32, #tpu.memory_space<hbm>>
        tpu.wait_dma2 semaphore(%run_scoped3A_313 : memref<!tpu.dma_semaphore, #tpu.memory_space<semaphore_mem>>) src(%dma_wait3A_349 : memref<112x128xi32, #tpu.memory_space<hbm>>) dst(%dma_wait3A_343 : memref<112x128xi32, #tpu.memory_space<vmem>>)
        tpu.yield
      }) : () -> ()
    } else {
    }
    %not3A_18 = arith.constant true
    %not3A_19 = arith.xori %eq3A_0, %not3A_18 : i1
    %convert_element_type3A_20 = arith.extui %not3A_19 : i1 to i32
    %cond3A_21 = arith.constant 0 : i32
    %cond3A_22 = arith.cmpi ne, %convert_element_type3A_20, %cond3A_21 : i32
    scf.if %cond3A_22 {
      %run_scoped3A = arith.constant 1 : i32
      "tpu.region"() ({
        %run_scoped3A_313 = tpu.sem_alloc : memref<!tpu.dma_semaphore, #tpu.memory_space<semaphore_mem>>
        %dma_start3A_314 = arith.constant 0 : i32
        %dma_start3A_315 = arith.constant 0 : i32
        %dma_start3A_316 = tpu.memref_slice %arg7[%dma_start3A_314, %dma_start3A_315] : memref<112x128xi32, #tpu.memory_space<vmem>> -> memref<48x128xi32, #tpu.memory_space<vmem>>
        %dma_start3A_317 = arith.constant 0 : i32
        %dma_start3A_318 = arith.constant 0 : i32
        %dma_start3A_319 = tpu.memref_slice %arg3[%run_scoped3A, %dma_start3A_317, %dma_start3A_318] : memref<2x2560x128xi32, #tpu.memory_space<hbm>> -> memref<1x2560x128xi32, #tpu.memory_space<hbm>>
        %dma_start3A_320 = tpu.memref_squeeze %dma_start3A_319 : memref<1x2560x128xi32, #tpu.memory_space<hbm>> -> memref<2560x128xi32, #tpu.memory_space<hbm>>
        %dma_start3A_321 = arith.constant 0 : i32
        %dma_start3A_322 = tpu.memref_slice %dma_start3A_320[%select_n3A, %dma_start3A_321] : memref<2560x128xi32, #tpu.memory_space<hbm>> -> memref<48x128xi32, #tpu.memory_space<hbm>>
        %dma_start3A_323 = arith.constant 0 : i32
        %dma_start3A_324 = arith.constant 0 : i32
        %dma_start3A_325 = tpu.memref_slice %arg7[%dma_start3A_323, %dma_start3A_324] : memref<112x128xi32, #tpu.memory_space<vmem>> -> memref<48x128xi32, #tpu.memory_space<vmem>>
        %dma_start3A_326 = arith.constant 0 : i32
        %dma_start3A_327 = arith.constant 0 : i32
        %dma_start3A_328 = tpu.memref_slice %arg3[%run_scoped3A, %dma_start3A_326, %dma_start3A_327] : memref<2x2560x128xi32, #tpu.memory_space<hbm>> -> memref<1x2560x128xi32, #tpu.memory_space<hbm>>
        %dma_start3A_329 = tpu.memref_squeeze %dma_start3A_328 : memref<1x2560x128xi32, #tpu.memory_space<hbm>> -> memref<2560x128xi32, #tpu.memory_space<hbm>>
        %dma_start3A_330 = arith.constant 0 : i32
        %dma_start3A_331 = tpu.memref_slice %dma_start3A_329[%select_n3A, %dma_start3A_330] : memref<2560x128xi32, #tpu.memory_space<hbm>> -> memref<48x128xi32, #tpu.memory_space<hbm>>
        tpu.enqueue_dma source(%dma_start3A_331 : memref<48x128xi32, #tpu.memory_space<hbm>>) target(%dma_start3A_325 : memref<48x128xi32, #tpu.memory_space<vmem>>) target_semaphore(%run_scoped3A_313 : memref<!tpu.dma_semaphore, #tpu.memory_space<semaphore_mem>>)
        %dma_wait3A_332 = arith.constant 0 : i32
        %dma_wait3A_333 = arith.constant 0 : i32
        %dma_wait3A_334 = tpu.memref_slice %arg7[%dma_wait3A_332, %dma_wait3A_333] : memref<112x128xi32, #tpu.memory_space<vmem>> -> memref<48x128xi32, #tpu.memory_space<vmem>>
        %dma_wait3A_335 = arith.constant 0 : i32
        %dma_wait3A_336 = arith.constant 0 : i32
        %dma_wait3A_337 = tpu.memref_slice %arg3[%run_scoped3A, %dma_wait3A_335, %dma_wait3A_336] : memref<2x2560x128xi32, #tpu.memory_space<hbm>> -> memref<1x2560x128xi32, #tpu.memory_space<hbm>>
        %dma_wait3A_338 = tpu.memref_squeeze %dma_wait3A_337 : memref<1x2560x128xi32, #tpu.memory_space<hbm>> -> memref<2560x128xi32, #tpu.memory_space<hbm>>
        %dma_wait3A_339 = arith.constant 0 : i32
        %dma_wait3A_340 = tpu.memref_slice %dma_wait3A_338[%select_n3A, %dma_wait3A_339] : memref<2560x128xi32, #tpu.memory_space<hbm>> -> memref<48x128xi32, #tpu.memory_space<hbm>>
        %dma_wait3A_341 = arith.constant 0 : i32
        %dma_wait3A_342 = arith.constant 0 : i32
        %dma_wait3A_343 = tpu.memref_slice %arg7[%dma_wait3A_341, %dma_wait3A_342] : memref<112x128xi32, #tpu.memory_space<vmem>> -> memref<48x128xi32, #tpu.memory_space<vmem>>
        %dma_wait3A_344 = arith.constant 0 : i32
        %dma_wait3A_345 = arith.constant 0 : i32
        %dma_wait3A_346 = tpu.memref_slice %arg3[%run_scoped3A, %dma_wait3A_344, %dma_wait3A_345] : memref<2x2560x128xi32, #tpu.memory_space<hbm>> -> memref<1x2560x128xi32, #tpu.memory_space<hbm>>
        %dma_wait3A_347 = tpu.memref_squeeze %dma_wait3A_346 : memref<1x2560x128xi32, #tpu.memory_space<hbm>> -> memref<2560x128xi32, #tpu.memory_space<hbm>>
        %dma_wait3A_348 = arith.constant 0 : i32
        %dma_wait3A_349 = tpu.memref_slice %dma_wait3A_347[%select_n3A, %dma_wait3A_348] : memref<2560x128xi32, #tpu.memory_space<hbm>> -> memref<48x128xi32, #tpu.memory_space<hbm>>
        tpu.wait_dma2 semaphore(%run_scoped3A_313 : memref<!tpu.dma_semaphore, #tpu.memory_space<semaphore_mem>>) src(%dma_wait3A_349 : memref<48x128xi32, #tpu.memory_space<hbm>>) dst(%dma_wait3A_343 : memref<48x128xi32, #tpu.memory_space<vmem>>)
        tpu.yield
      }) : () -> ()
    } else {
    }
    %barrier3A = arith.constant 0 : index
    tpu.barrier barrier_id(%barrier3A)
    %dma_start3A = arith.constant 0 : i32
    %dma_start3A_23 = arith.constant 0 : i32
    %dma_start3A_24 = arith.constant 0 : i32
    %dma_start3A_25 = arith.constant 0 : i32
    %dma_start3A_26 = arith.constant 0 : i32
    %dma_start3A_27 = tpu.memref_slice %arg8[%dma_start3A_23, %dma_start3A_25, %dma_start3A_26] : memref<8x128x8xf32, #tpu.memory_space<vmem>> -> memref<1x128x8xf32, #tpu.memory_space<vmem>>
    %dma_start3A_28 = tpu.memref_squeeze %dma_start3A_27 : memref<1x128x8xf32, #tpu.memory_space<vmem>> -> memref<128x8xf32, #tpu.memory_space<vmem>>
    %dma_start3A_29 = arith.constant 0 : i32
    %dma_start3A_30 = tpu.memref_slice %arg6[%dma_start3A, %dma_start3A_29] : memref<112x128xi32, #tpu.memory_space<vmem>> -> memref<1x128xi32, #tpu.memory_space<vmem>>
    %dma_start3A_31 = tpu.memref_squeeze %dma_start3A_30 : memref<1x128xi32, #tpu.memory_space<vmem>> -> memref<128xi32, #tpu.memory_space<vmem>>
    %dma_start3A_32 = arith.constant 0 : i32
    %dma_start3A_33 = arith.constant 0 : i32
    %dma_start3A_34 = tpu.memref_slice %arg2[%dma_start3A_32, %dma_start3A_33] : memref<10016x8xf32, #tpu.memory_space<hbm>> -> memref<10016x8xf32, #tpu.memory_space<hbm>>
    %dma_start3A_35 = tpu.memref_slice %arg10[%dma_start3A_24] : memref<8x!tpu.dma_semaphore, #tpu.memory_space<semaphore_mem>> -> memref<1x!tpu.dma_semaphore, #tpu.memory_space<semaphore_mem>>
    %dma_start3A_36 = tpu.memref_squeeze %dma_start3A_35 : memref<1x!tpu.dma_semaphore, #tpu.memory_space<semaphore_mem>> -> memref<!tpu.dma_semaphore, #tpu.memory_space<semaphore_mem>>
    tpu.enqueue_indirect_dma source(%dma_start3A_34 : memref<10016x8xf32, #tpu.memory_space<hbm>>) target(%dma_start3A_28 : memref<128x8xf32, #tpu.memory_space<vmem>>) offsets(%dma_start3A_31 : memref<128xi32, #tpu.memory_space<vmem>>) semaphore(%dma_start3A_36 : memref<!tpu.dma_semaphore, #tpu.memory_space<semaphore_mem>>)
    %dma_start3A_37 = arith.constant 1 : i32
    %dma_start3A_38 = arith.constant 1 : i32
    %dma_start3A_39 = arith.constant 1 : i32
    %dma_start3A_40 = arith.constant 0 : i32
    %dma_start3A_41 = arith.constant 0 : i32
    %dma_start3A_42 = tpu.memref_slice %arg8[%dma_start3A_38, %dma_start3A_40, %dma_start3A_41] : memref<8x128x8xf32, #tpu.memory_space<vmem>> -> memref<1x128x8xf32, #tpu.memory_space<vmem>>
    %dma_start3A_43 = tpu.memref_squeeze %dma_start3A_42 : memref<1x128x8xf32, #tpu.memory_space<vmem>> -> memref<128x8xf32, #tpu.memory_space<vmem>>
    %dma_start3A_44 = arith.constant 0 : i32
    %dma_start3A_45 = tpu.memref_slice %arg6[%dma_start3A_37, %dma_start3A_44] : memref<112x128xi32, #tpu.memory_space<vmem>> -> memref<1x128xi32, #tpu.memory_space<vmem>>
    %dma_start3A_46 = tpu.memref_squeeze %dma_start3A_45 : memref<1x128xi32, #tpu.memory_space<vmem>> -> memref<128xi32, #tpu.memory_space<vmem>>
    %dma_start3A_47 = arith.constant 0 : i32
    %dma_start3A_48 = arith.constant 0 : i32
    %dma_start3A_49 = tpu.memref_slice %arg2[%dma_start3A_47, %dma_start3A_48] : memref<10016x8xf32, #tpu.memory_space<hbm>> -> memref<10016x8xf32, #tpu.memory_space<hbm>>
    %dma_start3A_50 = tpu.memref_slice %arg10[%dma_start3A_39] : memref<8x!tpu.dma_semaphore, #tpu.memory_space<semaphore_mem>> -> memref<1x!tpu.dma_semaphore, #tpu.memory_space<semaphore_mem>>
    %dma_start3A_51 = tpu.memref_squeeze %dma_start3A_50 : memref<1x!tpu.dma_semaphore, #tpu.memory_space<semaphore_mem>> -> memref<!tpu.dma_semaphore, #tpu.memory_space<semaphore_mem>>
    tpu.enqueue_indirect_dma source(%dma_start3A_49 : memref<10016x8xf32, #tpu.memory_space<hbm>>) target(%dma_start3A_43 : memref<128x8xf32, #tpu.memory_space<vmem>>) offsets(%dma_start3A_46 : memref<128xi32, #tpu.memory_space<vmem>>) semaphore(%dma_start3A_51 : memref<!tpu.dma_semaphore, #tpu.memory_space<semaphore_mem>>)
    %dma_start3A_52 = arith.constant 2 : i32
    %dma_start3A_53 = arith.constant 2 : i32
    %dma_start3A_54 = arith.constant 2 : i32
    %dma_start3A_55 = arith.constant 0 : i32
    %dma_start3A_56 = arith.constant 0 : i32
    %dma_start3A_57 = tpu.memref_slice %arg8[%dma_start3A_53, %dma_start3A_55, %dma_start3A_56] : memref<8x128x8xf32, #tpu.memory_space<vmem>> -> memref<1x128x8xf32, #tpu.memory_space<vmem>>
    %dma_start3A_58 = tpu.memref_squeeze %dma_start3A_57 : memref<1x128x8xf32, #tpu.memory_space<vmem>> -> memref<128x8xf32, #tpu.memory_space<vmem>>
    %dma_start3A_59 = arith.constant 0 : i32
    %dma_start3A_60 = tpu.memref_slice %arg6[%dma_start3A_52, %dma_start3A_59] : memref<112x128xi32, #tpu.memory_space<vmem>> -> memref<1x128xi32, #tpu.memory_space<vmem>>
    %dma_start3A_61 = tpu.memref_squeeze %dma_start3A_60 : memref<1x128xi32, #tpu.memory_space<vmem>> -> memref<128xi32, #tpu.memory_space<vmem>>
    %dma_start3A_62 = arith.constant 0 : i32
    %dma_start3A_63 = arith.constant 0 : i32
    %dma_start3A_64 = tpu.memref_slice %arg2[%dma_start3A_62, %dma_start3A_63] : memref<10016x8xf32, #tpu.memory_space<hbm>> -> memref<10016x8xf32, #tpu.memory_space<hbm>>
    %dma_start3A_65 = tpu.memref_slice %arg10[%dma_start3A_54] : memref<8x!tpu.dma_semaphore, #tpu.memory_space<semaphore_mem>> -> memref<1x!tpu.dma_semaphore, #tpu.memory_space<semaphore_mem>>
    %dma_start3A_66 = tpu.memref_squeeze %dma_start3A_65 : memref<1x!tpu.dma_semaphore, #tpu.memory_space<semaphore_mem>> -> memref<!tpu.dma_semaphore, #tpu.memory_space<semaphore_mem>>
    tpu.enqueue_indirect_dma source(%dma_start3A_64 : memref<10016x8xf32, #tpu.memory_space<hbm>>) target(%dma_start3A_58 : memref<128x8xf32, #tpu.memory_space<vmem>>) offsets(%dma_start3A_61 : memref<128xi32, #tpu.memory_space<vmem>>) semaphore(%dma_start3A_66 : memref<!tpu.dma_semaphore, #tpu.memory_space<semaphore_mem>>)
    %dma_start3A_67 = arith.constant 3 : i32
    %dma_start3A_68 = arith.constant 3 : i32
    %dma_start3A_69 = arith.constant 3 : i32
    %dma_start3A_70 = arith.constant 0 : i32
    %dma_start3A_71 = arith.constant 0 : i32
    %dma_start3A_72 = tpu.memref_slice %arg8[%dma_start3A_68, %dma_start3A_70, %dma_start3A_71] : memref<8x128x8xf32, #tpu.memory_space<vmem>> -> memref<1x128x8xf32, #tpu.memory_space<vmem>>
    %dma_start3A_73 = tpu.memref_squeeze %dma_start3A_72 : memref<1x128x8xf32, #tpu.memory_space<vmem>> -> memref<128x8xf32, #tpu.memory_space<vmem>>
    %dma_start3A_74 = arith.constant 0 : i32
    %dma_start3A_75 = tpu.memref_slice %arg6[%dma_start3A_67, %dma_start3A_74] : memref<112x128xi32, #tpu.memory_space<vmem>> -> memref<1x128xi32, #tpu.memory_space<vmem>>
    %dma_start3A_76 = tpu.memref_squeeze %dma_start3A_75 : memref<1x128xi32, #tpu.memory_space<vmem>> -> memref<128xi32, #tpu.memory_space<vmem>>
    %dma_start3A_77 = arith.constant 0 : i32
    %dma_start3A_78 = arith.constant 0 : i32
    %dma_start3A_79 = tpu.memref_slice %arg2[%dma_start3A_77, %dma_start3A_78] : memref<10016x8xf32, #tpu.memory_space<hbm>> -> memref<10016x8xf32, #tpu.memory_space<hbm>>
    %dma_start3A_80 = tpu.memref_slice %arg10[%dma_start3A_69] : memref<8x!tpu.dma_semaphore, #tpu.memory_space<semaphore_mem>> -> memref<1x!tpu.dma_semaphore, #tpu.memory_space<semaphore_mem>>
    %dma_start3A_81 = tpu.memref_squeeze %dma_start3A_80 : memref<1x!tpu.dma_semaphore, #tpu.memory_space<semaphore_mem>> -> memref<!tpu.dma_semaphore, #tpu.memory_space<semaphore_mem>>
    tpu.enqueue_indirect_dma source(%dma_start3A_79 : memref<10016x8xf32, #tpu.memory_space<hbm>>) target(%dma_start3A_73 : memref<128x8xf32, #tpu.memory_space<vmem>>) offsets(%dma_start3A_76 : memref<128xi32, #tpu.memory_space<vmem>>) semaphore(%dma_start3A_81 : memref<!tpu.dma_semaphore, #tpu.memory_space<semaphore_mem>>)
    %dma_start3A_82 = arith.constant 4 : i32
    %dma_start3A_83 = arith.constant 4 : i32
    %dma_start3A_84 = arith.constant 4 : i32
    %dma_start3A_85 = arith.constant 0 : i32
    %dma_start3A_86 = arith.constant 0 : i32
    %dma_start3A_87 = tpu.memref_slice %arg8[%dma_start3A_83, %dma_start3A_85, %dma_start3A_86] : memref<8x128x8xf32, #tpu.memory_space<vmem>> -> memref<1x128x8xf32, #tpu.memory_space<vmem>>
    %dma_start3A_88 = tpu.memref_squeeze %dma_start3A_87 : memref<1x128x8xf32, #tpu.memory_space<vmem>> -> memref<128x8xf32, #tpu.memory_space<vmem>>
    %dma_start3A_89 = arith.constant 0 : i32
    %dma_start3A_90 = tpu.memref_slice %arg6[%dma_start3A_82, %dma_start3A_89] : memref<112x128xi32, #tpu.memory_space<vmem>> -> memref<1x128xi32, #tpu.memory_space<vmem>>
    %dma_start3A_91 = tpu.memref_squeeze %dma_start3A_90 : memref<1x128xi32, #tpu.memory_space<vmem>> -> memref<128xi32, #tpu.memory_space<vmem>>
    %dma_start3A_92 = arith.constant 0 : i32
    %dma_start3A_93 = arith.constant 0 : i32
    %dma_start3A_94 = tpu.memref_slice %arg2[%dma_start3A_92, %dma_start3A_93] : memref<10016x8xf32, #tpu.memory_space<hbm>> -> memref<10016x8xf32, #tpu.memory_space<hbm>>
    %dma_start3A_95 = tpu.memref_slice %arg10[%dma_start3A_84] : memref<8x!tpu.dma_semaphore, #tpu.memory_space<semaphore_mem>> -> memref<1x!tpu.dma_semaphore, #tpu.memory_space<semaphore_mem>>
    %dma_start3A_96 = tpu.memref_squeeze %dma_start3A_95 : memref<1x!tpu.dma_semaphore, #tpu.memory_space<semaphore_mem>> -> memref<!tpu.dma_semaphore, #tpu.memory_space<semaphore_mem>>
    tpu.enqueue_indirect_dma source(%dma_start3A_94 : memref<10016x8xf32, #tpu.memory_space<hbm>>) target(%dma_start3A_88 : memref<128x8xf32, #tpu.memory_space<vmem>>) offsets(%dma_start3A_91 : memref<128xi32, #tpu.memory_space<vmem>>) semaphore(%dma_start3A_96 : memref<!tpu.dma_semaphore, #tpu.memory_space<semaphore_mem>>)
    %dma_start3A_97 = arith.constant 5 : i32
    %dma_start3A_98 = arith.constant 5 : i32
    %dma_start3A_99 = arith.constant 5 : i32
    %dma_start3A_100 = arith.constant 0 : i32
    %dma_start3A_101 = arith.constant 0 : i32
    %dma_start3A_102 = tpu.memref_slice %arg8[%dma_start3A_98, %dma_start3A_100, %dma_start3A_101] : memref<8x128x8xf32, #tpu.memory_space<vmem>> -> memref<1x128x8xf32, #tpu.memory_space<vmem>>
    %dma_start3A_103 = tpu.memref_squeeze %dma_start3A_102 : memref<1x128x8xf32, #tpu.memory_space<vmem>> -> memref<128x8xf32, #tpu.memory_space<vmem>>
    %dma_start3A_104 = arith.constant 0 : i32
    %dma_start3A_105 = tpu.memref_slice %arg6[%dma_start3A_97, %dma_start3A_104] : memref<112x128xi32, #tpu.memory_space<vmem>> -> memref<1x128xi32, #tpu.memory_space<vmem>>
    %dma_start3A_106 = tpu.memref_squeeze %dma_start3A_105 : memref<1x128xi32, #tpu.memory_space<vmem>> -> memref<128xi32, #tpu.memory_space<vmem>>
    %dma_start3A_107 = arith.constant 0 : i32
    %dma_start3A_108 = arith.constant 0 : i32
    %dma_start3A_109 = tpu.memref_slice %arg2[%dma_start3A_107, %dma_start3A_108] : memref<10016x8xf32, #tpu.memory_space<hbm>> -> memref<10016x8xf32, #tpu.memory_space<hbm>>
    %dma_start3A_110 = tpu.memref_slice %arg10[%dma_start3A_99] : memref<8x!tpu.dma_semaphore, #tpu.memory_space<semaphore_mem>> -> memref<1x!tpu.dma_semaphore, #tpu.memory_space<semaphore_mem>>
    %dma_start3A_111 = tpu.memref_squeeze %dma_start3A_110 : memref<1x!tpu.dma_semaphore, #tpu.memory_space<semaphore_mem>> -> memref<!tpu.dma_semaphore, #tpu.memory_space<semaphore_mem>>
    tpu.enqueue_indirect_dma source(%dma_start3A_109 : memref<10016x8xf32, #tpu.memory_space<hbm>>) target(%dma_start3A_103 : memref<128x8xf32, #tpu.memory_space<vmem>>) offsets(%dma_start3A_106 : memref<128xi32, #tpu.memory_space<vmem>>) semaphore(%dma_start3A_111 : memref<!tpu.dma_semaphore, #tpu.memory_space<semaphore_mem>>)
    %dma_start3A_112 = arith.constant 6 : i32
    %dma_start3A_113 = arith.constant 6 : i32
    %dma_start3A_114 = arith.constant 6 : i32
    %dma_start3A_115 = arith.constant 0 : i32
    %dma_start3A_116 = arith.constant 0 : i32
    %dma_start3A_117 = tpu.memref_slice %arg8[%dma_start3A_113, %dma_start3A_115, %dma_start3A_116] : memref<8x128x8xf32, #tpu.memory_space<vmem>> -> memref<1x128x8xf32, #tpu.memory_space<vmem>>
    %dma_start3A_118 = tpu.memref_squeeze %dma_start3A_117 : memref<1x128x8xf32, #tpu.memory_space<vmem>> -> memref<128x8xf32, #tpu.memory_space<vmem>>
    %dma_start3A_119 = arith.constant 0 : i32
    %dma_start3A_120 = tpu.memref_slice %arg6[%dma_start3A_112, %dma_start3A_119] : memref<112x128xi32, #tpu.memory_space<vmem>> -> memref<1x128xi32, #tpu.memory_space<vmem>>
    %dma_start3A_121 = tpu.memref_squeeze %dma_start3A_120 : memref<1x128xi32, #tpu.memory_space<vmem>> -> memref<128xi32, #tpu.memory_space<vmem>>
    %dma_start3A_122 = arith.constant 0 : i32
    %dma_start3A_123 = arith.constant 0 : i32
    %dma_start3A_124 = tpu.memref_slice %arg2[%dma_start3A_122, %dma_start3A_123] : memref<10016x8xf32, #tpu.memory_space<hbm>> -> memref<10016x8xf32, #tpu.memory_space<hbm>>
    %dma_start3A_125 = tpu.memref_slice %arg10[%dma_start3A_114] : memref<8x!tpu.dma_semaphore, #tpu.memory_space<semaphore_mem>> -> memref<1x!tpu.dma_semaphore, #tpu.memory_space<semaphore_mem>>
    %dma_start3A_126 = tpu.memref_squeeze %dma_start3A_125 : memref<1x!tpu.dma_semaphore, #tpu.memory_space<semaphore_mem>> -> memref<!tpu.dma_semaphore, #tpu.memory_space<semaphore_mem>>
    tpu.enqueue_indirect_dma source(%dma_start3A_124 : memref<10016x8xf32, #tpu.memory_space<hbm>>) target(%dma_start3A_118 : memref<128x8xf32, #tpu.memory_space<vmem>>) offsets(%dma_start3A_121 : memref<128xi32, #tpu.memory_space<vmem>>) semaphore(%dma_start3A_126 : memref<!tpu.dma_semaphore, #tpu.memory_space<semaphore_mem>>)
    %dma_start3A_127 = arith.constant 7 : i32
    %dma_start3A_128 = arith.constant 7 : i32
    %dma_start3A_129 = arith.constant 7 : i32
    %dma_start3A_130 = arith.constant 0 : i32
    %dma_start3A_131 = arith.constant 0 : i32
    %dma_start3A_132 = tpu.memref_slice %arg8[%dma_start3A_128, %dma_start3A_130, %dma_start3A_131] : memref<8x128x8xf32, #tpu.memory_space<vmem>> -> memref<1x128x8xf32, #tpu.memory_space<vmem>>
    %dma_start3A_133 = tpu.memref_squeeze %dma_start3A_132 : memref<1x128x8xf32, #tpu.memory_space<vmem>> -> memref<128x8xf32, #tpu.memory_space<vmem>>
    %dma_start3A_134 = arith.constant 0 : i32
    %dma_start3A_135 = tpu.memref_slice %arg6[%dma_start3A_127, %dma_start3A_134] : memref<112x128xi32, #tpu.memory_space<vmem>> -> memref<1x128xi32, #tpu.memory_space<vmem>>
    %dma_start3A_136 = tpu.memref_squeeze %dma_start3A_135 : memref<1x128xi32, #tpu.memory_space<vmem>> -> memref<128xi32, #tpu.memory_space<vmem>>
    %dma_start3A_137 = arith.constant 0 : i32
    %dma_start3A_138 = arith.constant 0 : i32
    %dma_start3A_139 = tpu.memref_slice %arg2[%dma_start3A_137, %dma_start3A_138] : memref<10016x8xf32, #tpu.memory_space<hbm>> -> memref<10016x8xf32, #tpu.memory_space<hbm>>
    %dma_start3A_140 = tpu.memref_slice %arg10[%dma_start3A_129] : memref<8x!tpu.dma_semaphore, #tpu.memory_space<semaphore_mem>> -> memref<1x!tpu.dma_semaphore, #tpu.memory_space<semaphore_mem>>
    %dma_start3A_141 = tpu.memref_squeeze %dma_start3A_140 : memref<1x!tpu.dma_semaphore, #tpu.memory_space<semaphore_mem>> -> memref<!tpu.dma_semaphore, #tpu.memory_space<semaphore_mem>>
    tpu.enqueue_indirect_dma source(%dma_start3A_139 : memref<10016x8xf32, #tpu.memory_space<hbm>>) target(%dma_start3A_133 : memref<128x8xf32, #tpu.memory_space<vmem>>) offsets(%dma_start3A_136 : memref<128xi32, #tpu.memory_space<vmem>>) semaphore(%dma_start3A_141 : memref<!tpu.dma_semaphore, #tpu.memory_space<semaphore_mem>>)
    %jit3A = arith.constant 8 : i32
    %div3A = arith.divsi %select_n3A_7, %jit3A : i32
    %sign3A = arith.constant 0 : i32
    %sign3A_142 = arith.cmpi sgt, %select_n3A_7, %sign3A : i32
    %sign3A_143 = arith.extui %sign3A_142 : i1 to i32
    %sign3A_144 = arith.constant 0 : i32
    %sign3A_145 = arith.cmpi slt, %select_n3A_7, %sign3A_144 : i32
    %sign3A_146 = arith.extui %sign3A_145 : i1 to i32
    %sign3A_147 = arith.subi %sign3A_143, %sign3A_146 : i32
    %sign3A_148 = arith.constant 0 : i32
    %sign3A_149 = arith.cmpi sgt, %jit3A, %sign3A_148 : i32
    %sign3A_150 = arith.extui %sign3A_149 : i1 to i32
    %sign3A_151 = arith.constant 0 : i32
    %sign3A_152 = arith.cmpi slt, %jit3A, %sign3A_151 : i32
    %sign3A_153 = arith.extui %sign3A_152 : i1 to i32
    %sign3A_154 = arith.subi %sign3A_150, %sign3A_153 : i32
    %ne3A = arith.cmpi ne, %sign3A_147, %sign3A_154 : i32
    %rem3A = arith.remsi %select_n3A_7, %jit3A : i32
    %ne3A_155 = arith.constant 0 : i32
    %ne3A_156 = arith.cmpi ne, %rem3A, %ne3A_155 : i32
    %and3A = arith.andi %ne3A, %ne3A_156 : i1
    %sub3A = arith.constant 1 : i32
    %sub3A_157 = arith.subi %div3A, %sub3A : i32
    %select_n3A_158 = arith.select %and3A, %sub3A_157, %div3A : i32
    %while3A = arith.constant 0 : i32
    %while3A_159 = arith.subi %select_n3A_158, %while3A : i32
    %while3A_160 = arith.addi %while3A, %while3A_159 : i32
    %while3A_161 = arith.constant 1 : i32
    %while3A_162 = arith.divsi %while3A_159, %while3A_161 : i32
    %while3A_163 = arith.muli %while3A_162, %while3A_161 : i32
    %while3A_164 = arith.addi %while3A, %while3A_163 : i32
    %while3A_165 = arith.constant 1 : i32
    scf.for %while3A_313 = %while3A to %while3A_164 step %while3A_165  : i32 {
      %mul3A_314 = arith.constant 8 : i32
      %mul3A_315 = arith.muli %while3A_313, %mul3A_314 : i32
      %add3A_316 = arith.constant 0 : i32
      %add3A_317 = arith.addi %mul3A_315, %add3A_316 : i32
      %dma_wait3A_318 = arith.constant 0 : i32
      %dma_wait3A_319 = arith.constant 0 : i32
      %dma_wait3A_320 = arith.constant 0 : i32
      %dma_wait3A_321 = arith.constant 0 : i32
      %dma_wait3A_322 = tpu.memref_slice %arg8[%dma_wait3A_318, %dma_wait3A_320, %dma_wait3A_321] : memref<8x128x8xf32, #tpu.memory_space<vmem>> -> memref<1x128x8xf32, #tpu.memory_space<vmem>>
      %dma_wait3A_323 = tpu.memref_squeeze %dma_wait3A_322 : memref<1x128x8xf32, #tpu.memory_space<vmem>> -> memref<128x8xf32, #tpu.memory_space<vmem>>
      %dma_wait3A_324 = arith.constant 0 : i32
      %dma_wait3A_325 = tpu.memref_slice %arg6[%add3A_317, %dma_wait3A_324] : memref<112x128xi32, #tpu.memory_space<vmem>> -> memref<1x128xi32, #tpu.memory_space<vmem>>
      %dma_wait3A_326 = tpu.memref_squeeze %dma_wait3A_325 : memref<1x128xi32, #tpu.memory_space<vmem>> -> memref<128xi32, #tpu.memory_space<vmem>>
      %dma_wait3A_327 = arith.constant 0 : i32
      %dma_wait3A_328 = arith.constant 0 : i32
      %dma_wait3A_329 = tpu.memref_slice %arg2[%dma_wait3A_327, %dma_wait3A_328] : memref<10016x8xf32, #tpu.memory_space<hbm>> -> memref<10016x8xf32, #tpu.memory_space<hbm>>
      %dma_wait3A_330 = tpu.memref_slice %arg10[%dma_wait3A_319] : memref<8x!tpu.dma_semaphore, #tpu.memory_space<semaphore_mem>> -> memref<1x!tpu.dma_semaphore, #tpu.memory_space<semaphore_mem>>
      %dma_wait3A_331 = tpu.memref_squeeze %dma_wait3A_330 : memref<1x!tpu.dma_semaphore, #tpu.memory_space<semaphore_mem>> -> memref<!tpu.dma_semaphore, #tpu.memory_space<semaphore_mem>>
      tpu.wait_indirect_dma semaphore(%dma_wait3A_331 : memref<!tpu.dma_semaphore, #tpu.memory_space<semaphore_mem>>) src(%dma_wait3A_329 : memref<10016x8xf32, #tpu.memory_space<hbm>>) dst(%dma_wait3A_323 : memref<128x8xf32, #tpu.memory_space<vmem>>)
      %dma_start3A_332 = arith.constant 0 : i32
      %dma_start3A_333 = arith.constant 0 : i32
      %dma_start3A_334 = arith.constant 0 : i32
      %dma_start3A_335 = arith.constant 0 : i32
      %dma_start3A_336 = tpu.memref_slice %arg8[%dma_start3A_332, %dma_start3A_334, %dma_start3A_335] : memref<8x128x8xf32, #tpu.memory_space<vmem>> -> memref<1x128x8xf32, #tpu.memory_space<vmem>>
      %dma_start3A_337 = tpu.memref_squeeze %dma_start3A_336 : memref<1x128x8xf32, #tpu.memory_space<vmem>> -> memref<128x8xf32, #tpu.memory_space<vmem>>
      %dma_start3A_338 = arith.constant 0 : i32
      %dma_start3A_339 = tpu.memref_slice %arg7[%add3A_317, %dma_start3A_338] : memref<112x128xi32, #tpu.memory_space<vmem>> -> memref<1x128xi32, #tpu.memory_space<vmem>>
      %dma_start3A_340 = tpu.memref_squeeze %dma_start3A_339 : memref<1x128xi32, #tpu.memory_space<vmem>> -> memref<128xi32, #tpu.memory_space<vmem>>
      %dma_start3A_341 = arith.constant 0 : i32
      %dma_start3A_342 = arith.constant 0 : i32
      %dma_start3A_343 = tpu.memref_slice %arg9[%dma_start3A_341, %dma_start3A_342] : memref<10240x8xf32, #tpu.memory_space<vmem_shared>> -> memref<10240x8xf32, #tpu.memory_space<vmem_shared>>
      %dma_start3A_344 = tpu.memref_slice %arg11[%dma_start3A_333] : memref<8x!tpu.dma_semaphore, #tpu.memory_space<semaphore_mem>> -> memref<1x!tpu.dma_semaphore, #tpu.memory_space<semaphore_mem>>
      %dma_start3A_345 = tpu.memref_squeeze %dma_start3A_344 : memref<1x!tpu.dma_semaphore, #tpu.memory_space<semaphore_mem>> -> memref<!tpu.dma_semaphore, #tpu.memory_space<semaphore_mem>>
      tpu.enqueue_indirect_dma source(%dma_start3A_337 : memref<128x8xf32, #tpu.memory_space<vmem>>) target(%dma_start3A_343 : memref<10240x8xf32, #tpu.memory_space<vmem_shared>>) offsets(%dma_start3A_340 : memref<128xi32, #tpu.memory_space<vmem>>) semaphore(%dma_start3A_345 : memref<!tpu.dma_semaphore, #tpu.memory_space<semaphore_mem>>) {add = true}
      %add3A_346 = arith.constant 8 : i32
      %add3A_347 = arith.addi %add3A_317, %add3A_346 : i32
      %lt3A = arith.cmpi slt, %add3A_347, %select_n3A_7 : i32
      %convert_element_type3A_348 = arith.extui %lt3A : i1 to i32
      %cond3A_349 = arith.constant 0 : i32
      %cond3A_350 = arith.cmpi ne, %convert_element_type3A_348, %cond3A_349 : i32
      scf.if %cond3A_350 {
        %dma_wait3A_617 = arith.constant 0 : i32
        %dma_wait3A_618 = arith.constant 0 : i32
        %dma_wait3A_619 = arith.constant 0 : i32
        %dma_wait3A_620 = arith.constant 0 : i32
        %dma_wait3A_621 = tpu.memref_slice %arg8[%dma_wait3A_617, %dma_wait3A_619, %dma_wait3A_620] : memref<8x128x8xf32, #tpu.memory_space<vmem>> -> memref<1x128x8xf32, #tpu.memory_space<vmem>>
        %dma_wait3A_622 = tpu.memref_squeeze %dma_wait3A_621 : memref<1x128x8xf32, #tpu.memory_space<vmem>> -> memref<128x8xf32, #tpu.memory_space<vmem>>
        %dma_wait3A_623 = arith.constant 0 : i32
        %dma_wait3A_624 = tpu.memref_slice %arg7[%add3A_317, %dma_wait3A_623] : memref<112x128xi32, #tpu.memory_space<vmem>> -> memref<1x128xi32, #tpu.memory_space<vmem>>
        %dma_wait3A_625 = tpu.memref_squeeze %dma_wait3A_624 : memref<1x128xi32, #tpu.memory_space<vmem>> -> memref<128xi32, #tpu.memory_space<vmem>>
        %dma_wait3A_626 = arith.constant 0 : i32
        %dma_wait3A_627 = arith.constant 0 : i32
        %dma_wait3A_628 = tpu.memref_slice %arg9[%dma_wait3A_626, %dma_wait3A_627] : memref<10240x8xf32, #tpu.memory_space<vmem_shared>> -> memref<10240x8xf32, #tpu.memory_space<vmem_shared>>
        %dma_wait3A_629 = tpu.memref_slice %arg11[%dma_wait3A_618] : memref<8x!tpu.dma_semaphore, #tpu.memory_space<semaphore_mem>> -> memref<1x!tpu.dma_semaphore, #tpu.memory_space<semaphore_mem>>
        %dma_wait3A_630 = tpu.memref_squeeze %dma_wait3A_629 : memref<1x!tpu.dma_semaphore, #tpu.memory_space<semaphore_mem>> -> memref<!tpu.dma_semaphore, #tpu.memory_space<semaphore_mem>>
        tpu.wait_indirect_dma semaphore(%dma_wait3A_630 : memref<!tpu.dma_semaphore, #tpu.memory_space<semaphore_mem>>) src(%dma_wait3A_622 : memref<128x8xf32, #tpu.memory_space<vmem>>) dst(%dma_wait3A_628 : memref<10240x8xf32, #tpu.memory_space<vmem_shared>>)
        %dma_start3A_631 = arith.constant 0 : i32
        %dma_start3A_632 = arith.constant 0 : i32
        %dma_start3A_633 = arith.constant 0 : i32
        %dma_start3A_634 = arith.constant 0 : i32
        %dma_start3A_635 = tpu.memref_slice %arg8[%dma_start3A_631, %dma_start3A_633, %dma_start3A_634] : memref<8x128x8xf32, #tpu.memory_space<vmem>> -> memref<1x128x8xf32, #tpu.memory_space<vmem>>
        %dma_start3A_636 = tpu.memref_squeeze %dma_start3A_635 : memref<1x128x8xf32, #tpu.memory_space<vmem>> -> memref<128x8xf32, #tpu.memory_space<vmem>>
        %dma_start3A_637 = arith.constant 0 : i32
        %dma_start3A_638 = tpu.memref_slice %arg6[%add3A_347, %dma_start3A_637] : memref<112x128xi32, #tpu.memory_space<vmem>> -> memref<1x128xi32, #tpu.memory_space<vmem>>
        %dma_start3A_639 = tpu.memref_squeeze %dma_start3A_638 : memref<1x128xi32, #tpu.memory_space<vmem>> -> memref<128xi32, #tpu.memory_space<vmem>>
        %dma_start3A_640 = arith.constant 0 : i32
        %dma_start3A_641 = arith.constant 0 : i32
        %dma_start3A_642 = tpu.memref_slice %arg2[%dma_start3A_640, %dma_start3A_641] : memref<10016x8xf32, #tpu.memory_space<hbm>> -> memref<10016x8xf32, #tpu.memory_space<hbm>>
        %dma_start3A_643 = tpu.memref_slice %arg10[%dma_start3A_632] : memref<8x!tpu.dma_semaphore, #tpu.memory_space<semaphore_mem>> -> memref<1x!tpu.dma_semaphore, #tpu.memory_space<semaphore_mem>>
        %dma_start3A_644 = tpu.memref_squeeze %dma_start3A_643 : memref<1x!tpu.dma_semaphore, #tpu.memory_space<semaphore_mem>> -> memref<!tpu.dma_semaphore, #tpu.memory_space<semaphore_mem>>
        tpu.enqueue_indirect_dma source(%dma_start3A_642 : memref<10016x8xf32, #tpu.memory_space<hbm>>) target(%dma_start3A_636 : memref<128x8xf32, #tpu.memory_space<vmem>>) offsets(%dma_start3A_639 : memref<128xi32, #tpu.memory_space<vmem>>) semaphore(%dma_start3A_644 : memref<!tpu.dma_semaphore, #tpu.memory_space<semaphore_mem>>)
      } else {
      }
      %mul3A_351 = arith.constant 8 : i32
      %mul3A_352 = arith.muli %while3A_313, %mul3A_351 : i32
      %add3A_353 = arith.constant 1 : i32
      %add3A_354 = arith.addi %mul3A_352, %add3A_353 : i32
      %dma_wait3A_355 = arith.constant 1 : i32
      %dma_wait3A_356 = arith.constant 1 : i32
      %dma_wait3A_357 = arith.constant 0 : i32
      %dma_wait3A_358 = arith.constant 0 : i32
      %dma_wait3A_359 = tpu.memref_slice %arg8[%dma_wait3A_355, %dma_wait3A_357, %dma_wait3A_358] : memref<8x128x8xf32, #tpu.memory_space<vmem>> -> memref<1x128x8xf32, #tpu.memory_space<vmem>>
      %dma_wait3A_360 = tpu.memref_squeeze %dma_wait3A_359 : memref<1x128x8xf32, #tpu.memory_space<vmem>> -> memref<128x8xf32, #tpu.memory_space<vmem>>
      %dma_wait3A_361 = arith.constant 0 : i32
      %dma_wait3A_362 = tpu.memref_slice %arg6[%add3A_354, %dma_wait3A_361] : memref<112x128xi32, #tpu.memory_space<vmem>> -> memref<1x128xi32, #tpu.memory_space<vmem>>
      %dma_wait3A_363 = tpu.memref_squeeze %dma_wait3A_362 : memref<1x128xi32, #tpu.memory_space<vmem>> -> memref<128xi32, #tpu.memory_space<vmem>>
      %dma_wait3A_364 = arith.constant 0 : i32
      %dma_wait3A_365 = arith.constant 0 : i32
      %dma_wait3A_366 = tpu.memref_slice %arg2[%dma_wait3A_364, %dma_wait3A_365] : memref<10016x8xf32, #tpu.memory_space<hbm>> -> memref<10016x8xf32, #tpu.memory_space<hbm>>
      %dma_wait3A_367 = tpu.memref_slice %arg10[%dma_wait3A_356] : memref<8x!tpu.dma_semaphore, #tpu.memory_space<semaphore_mem>> -> memref<1x!tpu.dma_semaphore, #tpu.memory_space<semaphore_mem>>
      %dma_wait3A_368 = tpu.memref_squeeze %dma_wait3A_367 : memref<1x!tpu.dma_semaphore, #tpu.memory_space<semaphore_mem>> -> memref<!tpu.dma_semaphore, #tpu.memory_space<semaphore_mem>>
      tpu.wait_indirect_dma semaphore(%dma_wait3A_368 : memref<!tpu.dma_semaphore, #tpu.memory_space<semaphore_mem>>) src(%dma_wait3A_366 : memref<10016x8xf32, #tpu.memory_space<hbm>>) dst(%dma_wait3A_360 : memref<128x8xf32, #tpu.memory_space<vmem>>)
      %dma_start3A_369 = arith.constant 1 : i32
      %dma_start3A_370 = arith.constant 1 : i32
      %dma_start3A_371 = arith.constant 0 : i32
      %dma_start3A_372 = arith.constant 0 : i32
      %dma_start3A_373 = tpu.memref_slice %arg8[%dma_start3A_369, %dma_start3A_371, %dma_start3A_372] : memref<8x128x8xf32, #tpu.memory_space<vmem>> -> memref<1x128x8xf32, #tpu.memory_space<vmem>>
      %dma_start3A_374 = tpu.memref_squeeze %dma_start3A_373 : memref<1x128x8xf32, #tpu.memory_space<vmem>> -> memref<128x8xf32, #tpu.memory_space<vmem>>
      %dma_start3A_375 = arith.constant 0 : i32
      %dma_start3A_376 = tpu.memref_slice %arg7[%add3A_354, %dma_start3A_375] : memref<112x128xi32, #tpu.memory_space<vmem>> -> memref<1x128xi32, #tpu.memory_space<vmem>>
      %dma_start3A_377 = tpu.memref_squeeze %dma_start3A_376 : memref<1x128xi32, #tpu.memory_space<vmem>> -> memref<128xi32, #tpu.memory_space<vmem>>
      %dma_start3A_378 = arith.constant 0 : i32
      %dma_start3A_379 = arith.constant 0 : i32
      %dma_start3A_380 = tpu.memref_slice %arg9[%dma_start3A_378, %dma_start3A_379] : memref<10240x8xf32, #tpu.memory_space<vmem_shared>> -> memref<10240x8xf32, #tpu.memory_space<vmem_shared>>
      %dma_start3A_381 = tpu.memref_slice %arg11[%dma_start3A_370] : memref<8x!tpu.dma_semaphore, #tpu.memory_space<semaphore_mem>> -> memref<1x!tpu.dma_semaphore, #tpu.memory_space<semaphore_mem>>
      %dma_start3A_382 = tpu.memref_squeeze %dma_start3A_381 : memref<1x!tpu.dma_semaphore, #tpu.memory_space<semaphore_mem>> -> memref<!tpu.dma_semaphore, #tpu.memory_space<semaphore_mem>>
      tpu.enqueue_indirect_dma source(%dma_start3A_374 : memref<128x8xf32, #tpu.memory_space<vmem>>) target(%dma_start3A_380 : memref<10240x8xf32, #tpu.memory_space<vmem_shared>>) offsets(%dma_start3A_377 : memref<128xi32, #tpu.memory_space<vmem>>) semaphore(%dma_start3A_382 : memref<!tpu.dma_semaphore, #tpu.memory_space<semaphore_mem>>) {add = true}
      %add3A_383 = arith.constant 8 : i32
      %add3A_384 = arith.addi %add3A_354, %add3A_383 : i32
      %lt3A_385 = arith.cmpi slt, %add3A_384, %select_n3A_7 : i32
      %convert_element_type3A_386 = arith.extui %lt3A_385 : i1 to i32
      %cond3A_387 = arith.constant 0 : i32
      %cond3A_388 = arith.cmpi ne, %convert_element_type3A_386, %cond3A_387 : i32
      scf.if %cond3A_388 {
        %dma_wait3A_617 = arith.constant 1 : i32
        %dma_wait3A_618 = arith.constant 1 : i32
        %dma_wait3A_619 = arith.constant 0 : i32
        %dma_wait3A_620 = arith.constant 0 : i32
        %dma_wait3A_621 = tpu.memref_slice %arg8[%dma_wait3A_617, %dma_wait3A_619, %dma_wait3A_620] : memref<8x128x8xf32, #tpu.memory_space<vmem>> -> memref<1x128x8xf32, #tpu.memory_space<vmem>>
        %dma_wait3A_622 = tpu.memref_squeeze %dma_wait3A_621 : memref<1x128x8xf32, #tpu.memory_space<vmem>> -> memref<128x8xf32, #tpu.memory_space<vmem>>
        %dma_wait3A_623 = arith.constant 0 : i32
        %dma_wait3A_624 = tpu.memref_slice %arg7[%add3A_354, %dma_wait3A_623] : memref<112x128xi32, #tpu.memory_space<vmem>> -> memref<1x128xi32, #tpu.memory_space<vmem>>
        %dma_wait3A_625 = tpu.memref_squeeze %dma_wait3A_624 : memref<1x128xi32, #tpu.memory_space<vmem>> -> memref<128xi32, #tpu.memory_space<vmem>>
        %dma_wait3A_626 = arith.constant 0 : i32
        %dma_wait3A_627 = arith.constant 0 : i32
        %dma_wait3A_628 = tpu.memref_slice %arg9[%dma_wait3A_626, %dma_wait3A_627] : memref<10240x8xf32, #tpu.memory_space<vmem_shared>> -> memref<10240x8xf32, #tpu.memory_space<vmem_shared>>
        %dma_wait3A_629 = tpu.memref_slice %arg11[%dma_wait3A_618] : memref<8x!tpu.dma_semaphore, #tpu.memory_space<semaphore_mem>> -> memref<1x!tpu.dma_semaphore, #tpu.memory_space<semaphore_mem>>
        %dma_wait3A_630 = tpu.memref_squeeze %dma_wait3A_629 : memref<1x!tpu.dma_semaphore, #tpu.memory_space<semaphore_mem>> -> memref<!tpu.dma_semaphore, #tpu.memory_space<semaphore_mem>>
        tpu.wait_indirect_dma semaphore(%dma_wait3A_630 : memref<!tpu.dma_semaphore, #tpu.memory_space<semaphore_mem>>) src(%dma_wait3A_622 : memref<128x8xf32, #tpu.memory_space<vmem>>) dst(%dma_wait3A_628 : memref<10240x8xf32, #tpu.memory_space<vmem_shared>>)
        %dma_start3A_631 = arith.constant 1 : i32
        %dma_start3A_632 = arith.constant 1 : i32
        %dma_start3A_633 = arith.constant 0 : i32
        %dma_start3A_634 = arith.constant 0 : i32
        %dma_start3A_635 = tpu.memref_slice %arg8[%dma_start3A_631, %dma_start3A_633, %dma_start3A_634] : memref<8x128x8xf32, #tpu.memory_space<vmem>> -> memref<1x128x8xf32, #tpu.memory_space<vmem>>
        %dma_start3A_636 = tpu.memref_squeeze %dma_start3A_635 : memref<1x128x8xf32, #tpu.memory_space<vmem>> -> memref<128x8xf32, #tpu.memory_space<vmem>>
        %dma_start3A_637 = arith.constant 0 : i32
        %dma_start3A_638 = tpu.memref_slice %arg6[%add3A_384, %dma_start3A_637] : memref<112x128xi32, #tpu.memory_space<vmem>> -> memref<1x128xi32, #tpu.memory_space<vmem>>
        %dma_start3A_639 = tpu.memref_squeeze %dma_start3A_638 : memref<1x128xi32, #tpu.memory_space<vmem>> -> memref<128xi32, #tpu.memory_space<vmem>>
        %dma_start3A_640 = arith.constant 0 : i32
        %dma_start3A_641 = arith.constant 0 : i32
        %dma_start3A_642 = tpu.memref_slice %arg2[%dma_start3A_640, %dma_start3A_641] : memref<10016x8xf32, #tpu.memory_space<hbm>> -> memref<10016x8xf32, #tpu.memory_space<hbm>>
        %dma_start3A_643 = tpu.memref_slice %arg10[%dma_start3A_632] : memref<8x!tpu.dma_semaphore, #tpu.memory_space<semaphore_mem>> -> memref<1x!tpu.dma_semaphore, #tpu.memory_space<semaphore_mem>>
        %dma_start3A_644 = tpu.memref_squeeze %dma_start3A_643 : memref<1x!tpu.dma_semaphore, #tpu.memory_space<semaphore_mem>> -> memref<!tpu.dma_semaphore, #tpu.memory_space<semaphore_mem>>
        tpu.enqueue_indirect_dma source(%dma_start3A_642 : memref<10016x8xf32, #tpu.memory_space<hbm>>) target(%dma_start3A_636 : memref<128x8xf32, #tpu.memory_space<vmem>>) offsets(%dma_start3A_639 : memref<128xi32, #tpu.memory_space<vmem>>) semaphore(%dma_start3A_644 : memref<!tpu.dma_semaphore, #tpu.memory_space<semaphore_mem>>)
      } else {
      }
      %mul3A_389 = arith.constant 8 : i32
      %mul3A_390 = arith.muli %while3A_313, %mul3A_389 : i32
      %add3A_391 = arith.constant 2 : i32
      %add3A_392 = arith.addi %mul3A_390, %add3A_391 : i32
      %dma_wait3A_393 = arith.constant 2 : i32
      %dma_wait3A_394 = arith.constant 2 : i32
      %dma_wait3A_395 = arith.constant 0 : i32
      %dma_wait3A_396 = arith.constant 0 : i32
      %dma_wait3A_397 = tpu.memref_slice %arg8[%dma_wait3A_393, %dma_wait3A_395, %dma_wait3A_396] : memref<8x128x8xf32, #tpu.memory_space<vmem>> -> memref<1x128x8xf32, #tpu.memory_space<vmem>>
      %dma_wait3A_398 = tpu.memref_squeeze %dma_wait3A_397 : memref<1x128x8xf32, #tpu.memory_space<vmem>> -> memref<128x8xf32, #tpu.memory_space<vmem>>
      %dma_wait3A_399 = arith.constant 0 : i32
      %dma_wait3A_400 = tpu.memref_slice %arg6[%add3A_392, %dma_wait3A_399] : memref<112x128xi32, #tpu.memory_space<vmem>> -> memref<1x128xi32, #tpu.memory_space<vmem>>
      %dma_wait3A_401 = tpu.memref_squeeze %dma_wait3A_400 : memref<1x128xi32, #tpu.memory_space<vmem>> -> memref<128xi32, #tpu.memory_space<vmem>>
      %dma_wait3A_402 = arith.constant 0 : i32
      %dma_wait3A_403 = arith.constant 0 : i32
      %dma_wait3A_404 = tpu.memref_slice %arg2[%dma_wait3A_402, %dma_wait3A_403] : memref<10016x8xf32, #tpu.memory_space<hbm>> -> memref<10016x8xf32, #tpu.memory_space<hbm>>
      %dma_wait3A_405 = tpu.memref_slice %arg10[%dma_wait3A_394] : memref<8x!tpu.dma_semaphore, #tpu.memory_space<semaphore_mem>> -> memref<1x!tpu.dma_semaphore, #tpu.memory_space<semaphore_mem>>
      %dma_wait3A_406 = tpu.memref_squeeze %dma_wait3A_405 : memref<1x!tpu.dma_semaphore, #tpu.memory_space<semaphore_mem>> -> memref<!tpu.dma_semaphore, #tpu.memory_space<semaphore_mem>>
      tpu.wait_indirect_dma semaphore(%dma_wait3A_406 : memref<!tpu.dma_semaphore, #tpu.memory_space<semaphore_mem>>) src(%dma_wait3A_404 : memref<10016x8xf32, #tpu.memory_space<hbm>>) dst(%dma_wait3A_398 : memref<128x8xf32, #tpu.memory_space<vmem>>)
      %dma_start3A_407 = arith.constant 2 : i32
      %dma_start3A_408 = arith.constant 2 : i32
      %dma_start3A_409 = arith.constant 0 : i32
      %dma_start3A_410 = arith.constant 0 : i32
      %dma_start3A_411 = tpu.memref_slice %arg8[%dma_start3A_407, %dma_start3A_409, %dma_start3A_410] : memref<8x128x8xf32, #tpu.memory_space<vmem>> -> memref<1x128x8xf32, #tpu.memory_space<vmem>>
      %dma_start3A_412 = tpu.memref_squeeze %dma_start3A_411 : memref<1x128x8xf32, #tpu.memory_space<vmem>> -> memref<128x8xf32, #tpu.memory_space<vmem>>
      %dma_start3A_413 = arith.constant 0 : i32
      %dma_start3A_414 = tpu.memref_slice %arg7[%add3A_392, %dma_start3A_413] : memref<112x128xi32, #tpu.memory_space<vmem>> -> memref<1x128xi32, #tpu.memory_space<vmem>>
      %dma_start3A_415 = tpu.memref_squeeze %dma_start3A_414 : memref<1x128xi32, #tpu.memory_space<vmem>> -> memref<128xi32, #tpu.memory_space<vmem>>
      %dma_start3A_416 = arith.constant 0 : i32
      %dma_start3A_417 = arith.constant 0 : i32
      %dma_start3A_418 = tpu.memref_slice %arg9[%dma_start3A_416, %dma_start3A_417] : memref<10240x8xf32, #tpu.memory_space<vmem_shared>> -> memref<10240x8xf32, #tpu.memory_space<vmem_shared>>
      %dma_start3A_419 = tpu.memref_slice %arg11[%dma_start3A_408] : memref<8x!tpu.dma_semaphore, #tpu.memory_space<semaphore_mem>> -> memref<1x!tpu.dma_semaphore, #tpu.memory_space<semaphore_mem>>
      %dma_start3A_420 = tpu.memref_squeeze %dma_start3A_419 : memref<1x!tpu.dma_semaphore, #tpu.memory_space<semaphore_mem>> -> memref<!tpu.dma_semaphore, #tpu.memory_space<semaphore_mem>>
      tpu.enqueue_indirect_dma source(%dma_start3A_412 : memref<128x8xf32, #tpu.memory_space<vmem>>) target(%dma_start3A_418 : memref<10240x8xf32, #tpu.memory_space<vmem_shared>>) offsets(%dma_start3A_415 : memref<128xi32, #tpu.memory_space<vmem>>) semaphore(%dma_start3A_420 : memref<!tpu.dma_semaphore, #tpu.memory_space<semaphore_mem>>) {add = true}
      %add3A_421 = arith.constant 8 : i32
      %add3A_422 = arith.addi %add3A_392, %add3A_421 : i32
      %lt3A_423 = arith.cmpi slt, %add3A_422, %select_n3A_7 : i32
      %convert_element_type3A_424 = arith.extui %lt3A_423 : i1 to i32
      %cond3A_425 = arith.constant 0 : i32
      %cond3A_426 = arith.cmpi ne, %convert_element_type3A_424, %cond3A_425 : i32
      scf.if %cond3A_426 {
        %dma_wait3A_617 = arith.constant 2 : i32
        %dma_wait3A_618 = arith.constant 2 : i32
        %dma_wait3A_619 = arith.constant 0 : i32
        %dma_wait3A_620 = arith.constant 0 : i32
        %dma_wait3A_621 = tpu.memref_slice %arg8[%dma_wait3A_617, %dma_wait3A_619, %dma_wait3A_620] : memref<8x128x8xf32, #tpu.memory_space<vmem>> -> memref<1x128x8xf32, #tpu.memory_space<vmem>>
        %dma_wait3A_622 = tpu.memref_squeeze %dma_wait3A_621 : memref<1x128x8xf32, #tpu.memory_space<vmem>> -> memref<128x8xf32, #tpu.memory_space<vmem>>
        %dma_wait3A_623 = arith.constant 0 : i32
        %dma_wait3A_624 = tpu.memref_slice %arg7[%add3A_392, %dma_wait3A_623] : memref<112x128xi32, #tpu.memory_space<vmem>> -> memref<1x128xi32, #tpu.memory_space<vmem>>
        %dma_wait3A_625 = tpu.memref_squeeze %dma_wait3A_624 : memref<1x128xi32, #tpu.memory_space<vmem>> -> memref<128xi32, #tpu.memory_space<vmem>>
        %dma_wait3A_626 = arith.constant 0 : i32
        %dma_wait3A_627 = arith.constant 0 : i32
        %dma_wait3A_628 = tpu.memref_slice %arg9[%dma_wait3A_626, %dma_wait3A_627] : memref<10240x8xf32, #tpu.memory_space<vmem_shared>> -> memref<10240x8xf32, #tpu.memory_space<vmem_shared>>
        %dma_wait3A_629 = tpu.memref_slice %arg11[%dma_wait3A_618] : memref<8x!tpu.dma_semaphore, #tpu.memory_space<semaphore_mem>> -> memref<1x!tpu.dma_semaphore, #tpu.memory_space<semaphore_mem>>
        %dma_wait3A_630 = tpu.memref_squeeze %dma_wait3A_629 : memref<1x!tpu.dma_semaphore, #tpu.memory_space<semaphore_mem>> -> memref<!tpu.dma_semaphore, #tpu.memory_space<semaphore_mem>>
        tpu.wait_indirect_dma semaphore(%dma_wait3A_630 : memref<!tpu.dma_semaphore, #tpu.memory_space<semaphore_mem>>) src(%dma_wait3A_622 : memref<128x8xf32, #tpu.memory_space<vmem>>) dst(%dma_wait3A_628 : memref<10240x8xf32, #tpu.memory_space<vmem_shared>>)
        %dma_start3A_631 = arith.constant 2 : i32
        %dma_start3A_632 = arith.constant 2 : i32
        %dma_start3A_633 = arith.constant 0 : i32
        %dma_start3A_634 = arith.constant 0 : i32
        %dma_start3A_635 = tpu.memref_slice %arg8[%dma_start3A_631, %dma_start3A_633, %dma_start3A_634] : memref<8x128x8xf32, #tpu.memory_space<vmem>> -> memref<1x128x8xf32, #tpu.memory_space<vmem>>
        %dma_start3A_636 = tpu.memref_squeeze %dma_start3A_635 : memref<1x128x8xf32, #tpu.memory_space<vmem>> -> memref<128x8xf32, #tpu.memory_space<vmem>>
        %dma_start3A_637 = arith.constant 0 : i32
        %dma_start3A_638 = tpu.memref_slice %arg6[%add3A_422, %dma_start3A_637] : memref<112x128xi32, #tpu.memory_space<vmem>> -> memref<1x128xi32, #tpu.memory_space<vmem>>
        %dma_start3A_639 = tpu.memref_squeeze %dma_start3A_638 : memref<1x128xi32, #tpu.memory_space<vmem>> -> memref<128xi32, #tpu.memory_space<vmem>>
        %dma_start3A_640 = arith.constant 0 : i32
        %dma_start3A_641 = arith.constant 0 : i32
        %dma_start3A_642 = tpu.memref_slice %arg2[%dma_start3A_640, %dma_start3A_641] : memref<10016x8xf32, #tpu.memory_space<hbm>> -> memref<10016x8xf32, #tpu.memory_space<hbm>>
        %dma_start3A_643 = tpu.memref_slice %arg10[%dma_start3A_632] : memref<8x!tpu.dma_semaphore, #tpu.memory_space<semaphore_mem>> -> memref<1x!tpu.dma_semaphore, #tpu.memory_space<semaphore_mem>>
        %dma_start3A_644 = tpu.memref_squeeze %dma_start3A_643 : memref<1x!tpu.dma_semaphore, #tpu.memory_space<semaphore_mem>> -> memref<!tpu.dma_semaphore, #tpu.memory_space<semaphore_mem>>
        tpu.enqueue_indirect_dma source(%dma_start3A_642 : memref<10016x8xf32, #tpu.memory_space<hbm>>) target(%dma_start3A_636 : memref<128x8xf32, #tpu.memory_space<vmem>>) offsets(%dma_start3A_639 : memref<128xi32, #tpu.memory_space<vmem>>) semaphore(%dma_start3A_644 : memref<!tpu.dma_semaphore, #tpu.memory_space<semaphore_mem>>)
      } else {
      }
      %mul3A_427 = arith.constant 8 : i32
      %mul3A_428 = arith.muli %while3A_313, %mul3A_427 : i32
      %add3A_429 = arith.constant 3 : i32
      %add3A_430 = arith.addi %mul3A_428, %add3A_429 : i32
      %dma_wait3A_431 = arith.constant 3 : i32
      %dma_wait3A_432 = arith.constant 3 : i32
      %dma_wait3A_433 = arith.constant 0 : i32
      %dma_wait3A_434 = arith.constant 0 : i32
      %dma_wait3A_435 = tpu.memref_slice %arg8[%dma_wait3A_431, %dma_wait3A_433, %dma_wait3A_434] : memref<8x128x8xf32, #tpu.memory_space<vmem>> -> memref<1x128x8xf32, #tpu.memory_space<vmem>>
      %dma_wait3A_436 = tpu.memref_squeeze %dma_wait3A_435 : memref<1x128x8xf32, #tpu.memory_space<vmem>> -> memref<128x8xf32, #tpu.memory_space<vmem>>
      %dma_wait3A_437 = arith.constant 0 : i32
      %dma_wait3A_438 = tpu.memref_slice %arg6[%add3A_430, %dma_wait3A_437] : memref<112x128xi32, #tpu.memory_space<vmem>> -> memref<1x128xi32, #tpu.memory_space<vmem>>
      %dma_wait3A_439 = tpu.memref_squeeze %dma_wait3A_438 : memref<1x128xi32, #tpu.memory_space<vmem>> -> memref<128xi32, #tpu.memory_space<vmem>>
      %dma_wait3A_440 = arith.constant 0 : i32
      %dma_wait3A_441 = arith.constant 0 : i32
      %dma_wait3A_442 = tpu.memref_slice %arg2[%dma_wait3A_440, %dma_wait3A_441] : memref<10016x8xf32, #tpu.memory_space<hbm>> -> memref<10016x8xf32, #tpu.memory_space<hbm>>
      %dma_wait3A_443 = tpu.memref_slice %arg10[%dma_wait3A_432] : memref<8x!tpu.dma_semaphore, #tpu.memory_space<semaphore_mem>> -> memref<1x!tpu.dma_semaphore, #tpu.memory_space<semaphore_mem>>
      %dma_wait3A_444 = tpu.memref_squeeze %dma_wait3A_443 : memref<1x!tpu.dma_semaphore, #tpu.memory_space<semaphore_mem>> -> memref<!tpu.dma_semaphore, #tpu.memory_space<semaphore_mem>>
      tpu.wait_indirect_dma semaphore(%dma_wait3A_444 : memref<!tpu.dma_semaphore, #tpu.memory_space<semaphore_mem>>) src(%dma_wait3A_442 : memref<10016x8xf32, #tpu.memory_space<hbm>>) dst(%dma_wait3A_436 : memref<128x8xf32, #tpu.memory_space<vmem>>)
      %dma_start3A_445 = arith.constant 3 : i32
      %dma_start3A_446 = arith.constant 3 : i32
      %dma_start3A_447 = arith.constant 0 : i32
      %dma_start3A_448 = arith.constant 0 : i32
      %dma_start3A_449 = tpu.memref_slice %arg8[%dma_start3A_445, %dma_start3A_447, %dma_start3A_448] : memref<8x128x8xf32, #tpu.memory_space<vmem>> -> memref<1x128x8xf32, #tpu.memory_space<vmem>>
      %dma_start3A_450 = tpu.memref_squeeze %dma_start3A_449 : memref<1x128x8xf32, #tpu.memory_space<vmem>> -> memref<128x8xf32, #tpu.memory_space<vmem>>
      %dma_start3A_451 = arith.constant 0 : i32
      %dma_start3A_452 = tpu.memref_slice %arg7[%add3A_430, %dma_start3A_451] : memref<112x128xi32, #tpu.memory_space<vmem>> -> memref<1x128xi32, #tpu.memory_space<vmem>>
      %dma_start3A_453 = tpu.memref_squeeze %dma_start3A_452 : memref<1x128xi32, #tpu.memory_space<vmem>> -> memref<128xi32, #tpu.memory_space<vmem>>
      %dma_start3A_454 = arith.constant 0 : i32
      %dma_start3A_455 = arith.constant 0 : i32
      %dma_start3A_456 = tpu.memref_slice %arg9[%dma_start3A_454, %dma_start3A_455] : memref<10240x8xf32, #tpu.memory_space<vmem_shared>> -> memref<10240x8xf32, #tpu.memory_space<vmem_shared>>
      %dma_start3A_457 = tpu.memref_slice %arg11[%dma_start3A_446] : memref<8x!tpu.dma_semaphore, #tpu.memory_space<semaphore_mem>> -> memref<1x!tpu.dma_semaphore, #tpu.memory_space<semaphore_mem>>
      %dma_start3A_458 = tpu.memref_squeeze %dma_start3A_457 : memref<1x!tpu.dma_semaphore, #tpu.memory_space<semaphore_mem>> -> memref<!tpu.dma_semaphore, #tpu.memory_space<semaphore_mem>>
      tpu.enqueue_indirect_dma source(%dma_start3A_450 : memref<128x8xf32, #tpu.memory_space<vmem>>) target(%dma_start3A_456 : memref<10240x8xf32, #tpu.memory_space<vmem_shared>>) offsets(%dma_start3A_453 : memref<128xi32, #tpu.memory_space<vmem>>) semaphore(%dma_start3A_458 : memref<!tpu.dma_semaphore, #tpu.memory_space<semaphore_mem>>) {add = true}
      %add3A_459 = arith.constant 8 : i32
      %add3A_460 = arith.addi %add3A_430, %add3A_459 : i32
      %lt3A_461 = arith.cmpi slt, %add3A_460, %select_n3A_7 : i32
      %convert_element_type3A_462 = arith.extui %lt3A_461 : i1 to i32
      %cond3A_463 = arith.constant 0 : i32
      %cond3A_464 = arith.cmpi ne, %convert_element_type3A_462, %cond3A_463 : i32
      scf.if %cond3A_464 {
        %dma_wait3A_617 = arith.constant 3 : i32
        %dma_wait3A_618 = arith.constant 3 : i32
        %dma_wait3A_619 = arith.constant 0 : i32
        %dma_wait3A_620 = arith.constant 0 : i32
        %dma_wait3A_621 = tpu.memref_slice %arg8[%dma_wait3A_617, %dma_wait3A_619, %dma_wait3A_620] : memref<8x128x8xf32, #tpu.memory_space<vmem>> -> memref<1x128x8xf32, #tpu.memory_space<vmem>>
        %dma_wait3A_622 = tpu.memref_squeeze %dma_wait3A_621 : memref<1x128x8xf32, #tpu.memory_space<vmem>> -> memref<128x8xf32, #tpu.memory_space<vmem>>
        %dma_wait3A_623 = arith.constant 0 : i32
        %dma_wait3A_624 = tpu.memref_slice %arg7[%add3A_430, %dma_wait3A_623] : memref<112x128xi32, #tpu.memory_space<vmem>> -> memref<1x128xi32, #tpu.memory_space<vmem>>
        %dma_wait3A_625 = tpu.memref_squeeze %dma_wait3A_624 : memref<1x128xi32, #tpu.memory_space<vmem>> -> memref<128xi32, #tpu.memory_space<vmem>>
        %dma_wait3A_626 = arith.constant 0 : i32
        %dma_wait3A_627 = arith.constant 0 : i32
        %dma_wait3A_628 = tpu.memref_slice %arg9[%dma_wait3A_626, %dma_wait3A_627] : memref<10240x8xf32, #tpu.memory_space<vmem_shared>> -> memref<10240x8xf32, #tpu.memory_space<vmem_shared>>
        %dma_wait3A_629 = tpu.memref_slice %arg11[%dma_wait3A_618] : memref<8x!tpu.dma_semaphore, #tpu.memory_space<semaphore_mem>> -> memref<1x!tpu.dma_semaphore, #tpu.memory_space<semaphore_mem>>
        %dma_wait3A_630 = tpu.memref_squeeze %dma_wait3A_629 : memref<1x!tpu.dma_semaphore, #tpu.memory_space<semaphore_mem>> -> memref<!tpu.dma_semaphore, #tpu.memory_space<semaphore_mem>>
        tpu.wait_indirect_dma semaphore(%dma_wait3A_630 : memref<!tpu.dma_semaphore, #tpu.memory_space<semaphore_mem>>) src(%dma_wait3A_622 : memref<128x8xf32, #tpu.memory_space<vmem>>) dst(%dma_wait3A_628 : memref<10240x8xf32, #tpu.memory_space<vmem_shared>>)
        %dma_start3A_631 = arith.constant 3 : i32
        %dma_start3A_632 = arith.constant 3 : i32
        %dma_start3A_633 = arith.constant 0 : i32
        %dma_start3A_634 = arith.constant 0 : i32
        %dma_start3A_635 = tpu.memref_slice %arg8[%dma_start3A_631, %dma_start3A_633, %dma_start3A_634] : memref<8x128x8xf32, #tpu.memory_space<vmem>> -> memref<1x128x8xf32, #tpu.memory_space<vmem>>
        %dma_start3A_636 = tpu.memref_squeeze %dma_start3A_635 : memref<1x128x8xf32, #tpu.memory_space<vmem>> -> memref<128x8xf32, #tpu.memory_space<vmem>>
        %dma_start3A_637 = arith.constant 0 : i32
        %dma_start3A_638 = tpu.memref_slice %arg6[%add3A_460, %dma_start3A_637] : memref<112x128xi32, #tpu.memory_space<vmem>> -> memref<1x128xi32, #tpu.memory_space<vmem>>
        %dma_start3A_639 = tpu.memref_squeeze %dma_start3A_638 : memref<1x128xi32, #tpu.memory_space<vmem>> -> memref<128xi32, #tpu.memory_space<vmem>>
        %dma_start3A_640 = arith.constant 0 : i32
        %dma_start3A_641 = arith.constant 0 : i32
        %dma_start3A_642 = tpu.memref_slice %arg2[%dma_start3A_640, %dma_start3A_641] : memref<10016x8xf32, #tpu.memory_space<hbm>> -> memref<10016x8xf32, #tpu.memory_space<hbm>>
        %dma_start3A_643 = tpu.memref_slice %arg10[%dma_start3A_632] : memref<8x!tpu.dma_semaphore, #tpu.memory_space<semaphore_mem>> -> memref<1x!tpu.dma_semaphore, #tpu.memory_space<semaphore_mem>>
        %dma_start3A_644 = tpu.memref_squeeze %dma_start3A_643 : memref<1x!tpu.dma_semaphore, #tpu.memory_space<semaphore_mem>> -> memref<!tpu.dma_semaphore, #tpu.memory_space<semaphore_mem>>
        tpu.enqueue_indirect_dma source(%dma_start3A_642 : memref<10016x8xf32, #tpu.memory_space<hbm>>) target(%dma_start3A_636 : memref<128x8xf32, #tpu.memory_space<vmem>>) offsets(%dma_start3A_639 : memref<128xi32, #tpu.memory_space<vmem>>) semaphore(%dma_start3A_644 : memref<!tpu.dma_semaphore, #tpu.memory_space<semaphore_mem>>)
      } else {
      }
      %mul3A_465 = arith.constant 8 : i32
      %mul3A_466 = arith.muli %while3A_313, %mul3A_465 : i32
      %add3A_467 = arith.constant 4 : i32
      %add3A_468 = arith.addi %mul3A_466, %add3A_467 : i32
      %dma_wait3A_469 = arith.constant 4 : i32
      %dma_wait3A_470 = arith.constant 4 : i32
      %dma_wait3A_471 = arith.constant 0 : i32
      %dma_wait3A_472 = arith.constant 0 : i32
      %dma_wait3A_473 = tpu.memref_slice %arg8[%dma_wait3A_469, %dma_wait3A_471, %dma_wait3A_472] : memref<8x128x8xf32, #tpu.memory_space<vmem>> -> memref<1x128x8xf32, #tpu.memory_space<vmem>>
      %dma_wait3A_474 = tpu.memref_squeeze %dma_wait3A_473 : memref<1x128x8xf32, #tpu.memory_space<vmem>> -> memref<128x8xf32, #tpu.memory_space<vmem>>
      %dma_wait3A_475 = arith.constant 0 : i32
      %dma_wait3A_476 = tpu.memref_slice %arg6[%add3A_468, %dma_wait3A_475] : memref<112x128xi32, #tpu.memory_space<vmem>> -> memref<1x128xi32, #tpu.memory_space<vmem>>
      %dma_wait3A_477 = tpu.memref_squeeze %dma_wait3A_476 : memref<1x128xi32, #tpu.memory_space<vmem>> -> memref<128xi32, #tpu.memory_space<vmem>>
      %dma_wait3A_478 = arith.constant 0 : i32
      %dma_wait3A_479 = arith.constant 0 : i32
      %dma_wait3A_480 = tpu.memref_slice %arg2[%dma_wait3A_478, %dma_wait3A_479] : memref<10016x8xf32, #tpu.memory_space<hbm>> -> memref<10016x8xf32, #tpu.memory_space<hbm>>
      %dma_wait3A_481 = tpu.memref_slice %arg10[%dma_wait3A_470] : memref<8x!tpu.dma_semaphore, #tpu.memory_space<semaphore_mem>> -> memref<1x!tpu.dma_semaphore, #tpu.memory_space<semaphore_mem>>
      %dma_wait3A_482 = tpu.memref_squeeze %dma_wait3A_481 : memref<1x!tpu.dma_semaphore, #tpu.memory_space<semaphore_mem>> -> memref<!tpu.dma_semaphore, #tpu.memory_space<semaphore_mem>>
      tpu.wait_indirect_dma semaphore(%dma_wait3A_482 : memref<!tpu.dma_semaphore, #tpu.memory_space<semaphore_mem>>) src(%dma_wait3A_480 : memref<10016x8xf32, #tpu.memory_space<hbm>>) dst(%dma_wait3A_474 : memref<128x8xf32, #tpu.memory_space<vmem>>)
      %dma_start3A_483 = arith.constant 4 : i32
      %dma_start3A_484 = arith.constant 4 : i32
      %dma_start3A_485 = arith.constant 0 : i32
      %dma_start3A_486 = arith.constant 0 : i32
      %dma_start3A_487 = tpu.memref_slice %arg8[%dma_start3A_483, %dma_start3A_485, %dma_start3A_486] : memref<8x128x8xf32, #tpu.memory_space<vmem>> -> memref<1x128x8xf32, #tpu.memory_space<vmem>>
      %dma_start3A_488 = tpu.memref_squeeze %dma_start3A_487 : memref<1x128x8xf32, #tpu.memory_space<vmem>> -> memref<128x8xf32, #tpu.memory_space<vmem>>
      %dma_start3A_489 = arith.constant 0 : i32
      %dma_start3A_490 = tpu.memref_slice %arg7[%add3A_468, %dma_start3A_489] : memref<112x128xi32, #tpu.memory_space<vmem>> -> memref<1x128xi32, #tpu.memory_space<vmem>>
      %dma_start3A_491 = tpu.memref_squeeze %dma_start3A_490 : memref<1x128xi32, #tpu.memory_space<vmem>> -> memref<128xi32, #tpu.memory_space<vmem>>
      %dma_start3A_492 = arith.constant 0 : i32
      %dma_start3A_493 = arith.constant 0 : i32
      %dma_start3A_494 = tpu.memref_slice %arg9[%dma_start3A_492, %dma_start3A_493] : memref<10240x8xf32, #tpu.memory_space<vmem_shared>> -> memref<10240x8xf32, #tpu.memory_space<vmem_shared>>
      %dma_start3A_495 = tpu.memref_slice %arg11[%dma_start3A_484] : memref<8x!tpu.dma_semaphore, #tpu.memory_space<semaphore_mem>> -> memref<1x!tpu.dma_semaphore, #tpu.memory_space<semaphore_mem>>
      %dma_start3A_496 = tpu.memref_squeeze %dma_start3A_495 : memref<1x!tpu.dma_semaphore, #tpu.memory_space<semaphore_mem>> -> memref<!tpu.dma_semaphore, #tpu.memory_space<semaphore_mem>>
      tpu.enqueue_indirect_dma source(%dma_start3A_488 : memref<128x8xf32, #tpu.memory_space<vmem>>) target(%dma_start3A_494 : memref<10240x8xf32, #tpu.memory_space<vmem_shared>>) offsets(%dma_start3A_491 : memref<128xi32, #tpu.memory_space<vmem>>) semaphore(%dma_start3A_496 : memref<!tpu.dma_semaphore, #tpu.memory_space<semaphore_mem>>) {add = true}
      %add3A_497 = arith.constant 8 : i32
      %add3A_498 = arith.addi %add3A_468, %add3A_497 : i32
      %lt3A_499 = arith.cmpi slt, %add3A_498, %select_n3A_7 : i32
      %convert_element_type3A_500 = arith.extui %lt3A_499 : i1 to i32
      %cond3A_501 = arith.constant 0 : i32
      %cond3A_502 = arith.cmpi ne, %convert_element_type3A_500, %cond3A_501 : i32
      scf.if %cond3A_502 {
        %dma_wait3A_617 = arith.constant 4 : i32
        %dma_wait3A_618 = arith.constant 4 : i32
        %dma_wait3A_619 = arith.constant 0 : i32
        %dma_wait3A_620 = arith.constant 0 : i32
        %dma_wait3A_621 = tpu.memref_slice %arg8[%dma_wait3A_617, %dma_wait3A_619, %dma_wait3A_620] : memref<8x128x8xf32, #tpu.memory_space<vmem>> -> memref<1x128x8xf32, #tpu.memory_space<vmem>>
        %dma_wait3A_622 = tpu.memref_squeeze %dma_wait3A_621 : memref<1x128x8xf32, #tpu.memory_space<vmem>> -> memref<128x8xf32, #tpu.memory_space<vmem>>
        %dma_wait3A_623 = arith.constant 0 : i32
        %dma_wait3A_624 = tpu.memref_slice %arg7[%add3A_468, %dma_wait3A_623] : memref<112x128xi32, #tpu.memory_space<vmem>> -> memref<1x128xi32, #tpu.memory_space<vmem>>
        %dma_wait3A_625 = tpu.memref_squeeze %dma_wait3A_624 : memref<1x128xi32, #tpu.memory_space<vmem>> -> memref<128xi32, #tpu.memory_space<vmem>>
        %dma_wait3A_626 = arith.constant 0 : i32
        %dma_wait3A_627 = arith.constant 0 : i32
        %dma_wait3A_628 = tpu.memref_slice %arg9[%dma_wait3A_626, %dma_wait3A_627] : memref<10240x8xf32, #tpu.memory_space<vmem_shared>> -> memref<10240x8xf32, #tpu.memory_space<vmem_shared>>
        %dma_wait3A_629 = tpu.memref_slice %arg11[%dma_wait3A_618] : memref<8x!tpu.dma_semaphore, #tpu.memory_space<semaphore_mem>> -> memref<1x!tpu.dma_semaphore, #tpu.memory_space<semaphore_mem>>
        %dma_wait3A_630 = tpu.memref_squeeze %dma_wait3A_629 : memref<1x!tpu.dma_semaphore, #tpu.memory_space<semaphore_mem>> -> memref<!tpu.dma_semaphore, #tpu.memory_space<semaphore_mem>>
        tpu.wait_indirect_dma semaphore(%dma_wait3A_630 : memref<!tpu.dma_semaphore, #tpu.memory_space<semaphore_mem>>) src(%dma_wait3A_622 : memref<128x8xf32, #tpu.memory_space<vmem>>) dst(%dma_wait3A_628 : memref<10240x8xf32, #tpu.memory_space<vmem_shared>>)
        %dma_start3A_631 = arith.constant 4 : i32
        %dma_start3A_632 = arith.constant 4 : i32
        %dma_start3A_633 = arith.constant 0 : i32
        %dma_start3A_634 = arith.constant 0 : i32
        %dma_start3A_635 = tpu.memref_slice %arg8[%dma_start3A_631, %dma_start3A_633, %dma_start3A_634] : memref<8x128x8xf32, #tpu.memory_space<vmem>> -> memref<1x128x8xf32, #tpu.memory_space<vmem>>
        %dma_start3A_636 = tpu.memref_squeeze %dma_start3A_635 : memref<1x128x8xf32, #tpu.memory_space<vmem>> -> memref<128x8xf32, #tpu.memory_space<vmem>>
        %dma_start3A_637 = arith.constant 0 : i32
        %dma_start3A_638 = tpu.memref_slice %arg6[%add3A_498, %dma_start3A_637] : memref<112x128xi32, #tpu.memory_space<vmem>> -> memref<1x128xi32, #tpu.memory_space<vmem>>
        %dma_start3A_639 = tpu.memref_squeeze %dma_start3A_638 : memref<1x128xi32, #tpu.memory_space<vmem>> -> memref<128xi32, #tpu.memory_space<vmem>>
        %dma_start3A_640 = arith.constant 0 : i32
        %dma_start3A_641 = arith.constant 0 : i32
        %dma_start3A_642 = tpu.memref_slice %arg2[%dma_start3A_640, %dma_start3A_641] : memref<10016x8xf32, #tpu.memory_space<hbm>> -> memref<10016x8xf32, #tpu.memory_space<hbm>>
        %dma_start3A_643 = tpu.memref_slice %arg10[%dma_start3A_632] : memref<8x!tpu.dma_semaphore, #tpu.memory_space<semaphore_mem>> -> memref<1x!tpu.dma_semaphore, #tpu.memory_space<semaphore_mem>>
        %dma_start3A_644 = tpu.memref_squeeze %dma_start3A_643 : memref<1x!tpu.dma_semaphore, #tpu.memory_space<semaphore_mem>> -> memref<!tpu.dma_semaphore, #tpu.memory_space<semaphore_mem>>
        tpu.enqueue_indirect_dma source(%dma_start3A_642 : memref<10016x8xf32, #tpu.memory_space<hbm>>) target(%dma_start3A_636 : memref<128x8xf32, #tpu.memory_space<vmem>>) offsets(%dma_start3A_639 : memref<128xi32, #tpu.memory_space<vmem>>) semaphore(%dma_start3A_644 : memref<!tpu.dma_semaphore, #tpu.memory_space<semaphore_mem>>)
      } else {
      }
      %mul3A_503 = arith.constant 8 : i32
      %mul3A_504 = arith.muli %while3A_313, %mul3A_503 : i32
      %add3A_505 = arith.constant 5 : i32
      %add3A_506 = arith.addi %mul3A_504, %add3A_505 : i32
      %dma_wait3A_507 = arith.constant 5 : i32
      %dma_wait3A_508 = arith.constant 5 : i32
      %dma_wait3A_509 = arith.constant 0 : i32
      %dma_wait3A_510 = arith.constant 0 : i32
      %dma_wait3A_511 = tpu.memref_slice %arg8[%dma_wait3A_507, %dma_wait3A_509, %dma_wait3A_510] : memref<8x128x8xf32, #tpu.memory_space<vmem>> -> memref<1x128x8xf32, #tpu.memory_space<vmem>>
      %dma_wait3A_512 = tpu.memref_squeeze %dma_wait3A_511 : memref<1x128x8xf32, #tpu.memory_space<vmem>> -> memref<128x8xf32, #tpu.memory_space<vmem>>
      %dma_wait3A_513 = arith.constant 0 : i32
      %dma_wait3A_514 = tpu.memref_slice %arg6[%add3A_506, %dma_wait3A_513] : memref<112x128xi32, #tpu.memory_space<vmem>> -> memref<1x128xi32, #tpu.memory_space<vmem>>
      %dma_wait3A_515 = tpu.memref_squeeze %dma_wait3A_514 : memref<1x128xi32, #tpu.memory_space<vmem>> -> memref<128xi32, #tpu.memory_space<vmem>>
      %dma_wait3A_516 = arith.constant 0 : i32
      %dma_wait3A_517 = arith.constant 0 : i32
      %dma_wait3A_518 = tpu.memref_slice %arg2[%dma_wait3A_516, %dma_wait3A_517] : memref<10016x8xf32, #tpu.memory_space<hbm>> -> memref<10016x8xf32, #tpu.memory_space<hbm>>
      %dma_wait3A_519 = tpu.memref_slice %arg10[%dma_wait3A_508] : memref<8x!tpu.dma_semaphore, #tpu.memory_space<semaphore_mem>> -> memref<1x!tpu.dma_semaphore, #tpu.memory_space<semaphore_mem>>
      %dma_wait3A_520 = tpu.memref_squeeze %dma_wait3A_519 : memref<1x!tpu.dma_semaphore, #tpu.memory_space<semaphore_mem>> -> memref<!tpu.dma_semaphore, #tpu.memory_space<semaphore_mem>>
      tpu.wait_indirect_dma semaphore(%dma_wait3A_520 : memref<!tpu.dma_semaphore, #tpu.memory_space<semaphore_mem>>) src(%dma_wait3A_518 : memref<10016x8xf32, #tpu.memory_space<hbm>>) dst(%dma_wait3A_512 : memref<128x8xf32, #tpu.memory_space<vmem>>)
      %dma_start3A_521 = arith.constant 5 : i32
      %dma_start3A_522 = arith.constant 5 : i32
      %dma_start3A_523 = arith.constant 0 : i32
      %dma_start3A_524 = arith.constant 0 : i32
      %dma_start3A_525 = tpu.memref_slice %arg8[%dma_start3A_521, %dma_start3A_523, %dma_start3A_524] : memref<8x128x8xf32, #tpu.memory_space<vmem>> -> memref<1x128x8xf32, #tpu.memory_space<vmem>>
      %dma_start3A_526 = tpu.memref_squeeze %dma_start3A_525 : memref<1x128x8xf32, #tpu.memory_space<vmem>> -> memref<128x8xf32, #tpu.memory_space<vmem>>
      %dma_start3A_527 = arith.constant 0 : i32
      %dma_start3A_528 = tpu.memref_slice %arg7[%add3A_506, %dma_start3A_527] : memref<112x128xi32, #tpu.memory_space<vmem>> -> memref<1x128xi32, #tpu.memory_space<vmem>>
      %dma_start3A_529 = tpu.memref_squeeze %dma_start3A_528 : memref<1x128xi32, #tpu.memory_space<vmem>> -> memref<128xi32, #tpu.memory_space<vmem>>
      %dma_start3A_530 = arith.constant 0 : i32
      %dma_start3A_531 = arith.constant 0 : i32
      %dma_start3A_532 = tpu.memref_slice %arg9[%dma_start3A_530, %dma_start3A_531] : memref<10240x8xf32, #tpu.memory_space<vmem_shared>> -> memref<10240x8xf32, #tpu.memory_space<vmem_shared>>
      %dma_start3A_533 = tpu.memref_slice %arg11[%dma_start3A_522] : memref<8x!tpu.dma_semaphore, #tpu.memory_space<semaphore_mem>> -> memref<1x!tpu.dma_semaphore, #tpu.memory_space<semaphore_mem>>
      %dma_start3A_534 = tpu.memref_squeeze %dma_start3A_533 : memref<1x!tpu.dma_semaphore, #tpu.memory_space<semaphore_mem>> -> memref<!tpu.dma_semaphore, #tpu.memory_space<semaphore_mem>>
      tpu.enqueue_indirect_dma source(%dma_start3A_526 : memref<128x8xf32, #tpu.memory_space<vmem>>) target(%dma_start3A_532 : memref<10240x8xf32, #tpu.memory_space<vmem_shared>>) offsets(%dma_start3A_529 : memref<128xi32, #tpu.memory_space<vmem>>) semaphore(%dma_start3A_534 : memref<!tpu.dma_semaphore, #tpu.memory_space<semaphore_mem>>) {add = true}
      %add3A_535 = arith.constant 8 : i32
      %add3A_536 = arith.addi %add3A_506, %add3A_535 : i32
      %lt3A_537 = arith.cmpi slt, %add3A_536, %select_n3A_7 : i32
      %convert_element_type3A_538 = arith.extui %lt3A_537 : i1 to i32
      %cond3A_539 = arith.constant 0 : i32
      %cond3A_540 = arith.cmpi ne, %convert_element_type3A_538, %cond3A_539 : i32
      scf.if %cond3A_540 {
        %dma_wait3A_617 = arith.constant 5 : i32
        %dma_wait3A_618 = arith.constant 5 : i32
        %dma_wait3A_619 = arith.constant 0 : i32
        %dma_wait3A_620 = arith.constant 0 : i32
        %dma_wait3A_621 = tpu.memref_slice %arg8[%dma_wait3A_617, %dma_wait3A_619, %dma_wait3A_620] : memref<8x128x8xf32, #tpu.memory_space<vmem>> -> memref<1x128x8xf32, #tpu.memory_space<vmem>>
        %dma_wait3A_622 = tpu.memref_squeeze %dma_wait3A_621 : memref<1x128x8xf32, #tpu.memory_space<vmem>> -> memref<128x8xf32, #tpu.memory_space<vmem>>
        %dma_wait3A_623 = arith.constant 0 : i32
        %dma_wait3A_624 = tpu.memref_slice %arg7[%add3A_506, %dma_wait3A_623] : memref<112x128xi32, #tpu.memory_space<vmem>> -> memref<1x128xi32, #tpu.memory_space<vmem>>
        %dma_wait3A_625 = tpu.memref_squeeze %dma_wait3A_624 : memref<1x128xi32, #tpu.memory_space<vmem>> -> memref<128xi32, #tpu.memory_space<vmem>>
        %dma_wait3A_626 = arith.constant 0 : i32
        %dma_wait3A_627 = arith.constant 0 : i32
        %dma_wait3A_628 = tpu.memref_slice %arg9[%dma_wait3A_626, %dma_wait3A_627] : memref<10240x8xf32, #tpu.memory_space<vmem_shared>> -> memref<10240x8xf32, #tpu.memory_space<vmem_shared>>
        %dma_wait3A_629 = tpu.memref_slice %arg11[%dma_wait3A_618] : memref<8x!tpu.dma_semaphore, #tpu.memory_space<semaphore_mem>> -> memref<1x!tpu.dma_semaphore, #tpu.memory_space<semaphore_mem>>
        %dma_wait3A_630 = tpu.memref_squeeze %dma_wait3A_629 : memref<1x!tpu.dma_semaphore, #tpu.memory_space<semaphore_mem>> -> memref<!tpu.dma_semaphore, #tpu.memory_space<semaphore_mem>>
        tpu.wait_indirect_dma semaphore(%dma_wait3A_630 : memref<!tpu.dma_semaphore, #tpu.memory_space<semaphore_mem>>) src(%dma_wait3A_622 : memref<128x8xf32, #tpu.memory_space<vmem>>) dst(%dma_wait3A_628 : memref<10240x8xf32, #tpu.memory_space<vmem_shared>>)
        %dma_start3A_631 = arith.constant 5 : i32
        %dma_start3A_632 = arith.constant 5 : i32
        %dma_start3A_633 = arith.constant 0 : i32
        %dma_start3A_634 = arith.constant 0 : i32
        %dma_start3A_635 = tpu.memref_slice %arg8[%dma_start3A_631, %dma_start3A_633, %dma_start3A_634] : memref<8x128x8xf32, #tpu.memory_space<vmem>> -> memref<1x128x8xf32, #tpu.memory_space<vmem>>
        %dma_start3A_636 = tpu.memref_squeeze %dma_start3A_635 : memref<1x128x8xf32, #tpu.memory_space<vmem>> -> memref<128x8xf32, #tpu.memory_space<vmem>>
        %dma_start3A_637 = arith.constant 0 : i32
        %dma_start3A_638 = tpu.memref_slice %arg6[%add3A_536, %dma_start3A_637] : memref<112x128xi32, #tpu.memory_space<vmem>> -> memref<1x128xi32, #tpu.memory_space<vmem>>
        %dma_start3A_639 = tpu.memref_squeeze %dma_start3A_638 : memref<1x128xi32, #tpu.memory_space<vmem>> -> memref<128xi32, #tpu.memory_space<vmem>>
        %dma_start3A_640 = arith.constant 0 : i32
        %dma_start3A_641 = arith.constant 0 : i32
        %dma_start3A_642 = tpu.memref_slice %arg2[%dma_start3A_640, %dma_start3A_641] : memref<10016x8xf32, #tpu.memory_space<hbm>> -> memref<10016x8xf32, #tpu.memory_space<hbm>>
        %dma_start3A_643 = tpu.memref_slice %arg10[%dma_start3A_632] : memref<8x!tpu.dma_semaphore, #tpu.memory_space<semaphore_mem>> -> memref<1x!tpu.dma_semaphore, #tpu.memory_space<semaphore_mem>>
        %dma_start3A_644 = tpu.memref_squeeze %dma_start3A_643 : memref<1x!tpu.dma_semaphore, #tpu.memory_space<semaphore_mem>> -> memref<!tpu.dma_semaphore, #tpu.memory_space<semaphore_mem>>
        tpu.enqueue_indirect_dma source(%dma_start3A_642 : memref<10016x8xf32, #tpu.memory_space<hbm>>) target(%dma_start3A_636 : memref<128x8xf32, #tpu.memory_space<vmem>>) offsets(%dma_start3A_639 : memref<128xi32, #tpu.memory_space<vmem>>) semaphore(%dma_start3A_644 : memref<!tpu.dma_semaphore, #tpu.memory_space<semaphore_mem>>)
      } else {
      }
      %mul3A_541 = arith.constant 8 : i32
      %mul3A_542 = arith.muli %while3A_313, %mul3A_541 : i32
      %add3A_543 = arith.constant 6 : i32
      %add3A_544 = arith.addi %mul3A_542, %add3A_543 : i32
      %dma_wait3A_545 = arith.constant 6 : i32
      %dma_wait3A_546 = arith.constant 6 : i32
      %dma_wait3A_547 = arith.constant 0 : i32
      %dma_wait3A_548 = arith.constant 0 : i32
      %dma_wait3A_549 = tpu.memref_slice %arg8[%dma_wait3A_545, %dma_wait3A_547, %dma_wait3A_548] : memref<8x128x8xf32, #tpu.memory_space<vmem>> -> memref<1x128x8xf32, #tpu.memory_space<vmem>>
      %dma_wait3A_550 = tpu.memref_squeeze %dma_wait3A_549 : memref<1x128x8xf32, #tpu.memory_space<vmem>> -> memref<128x8xf32, #tpu.memory_space<vmem>>
      %dma_wait3A_551 = arith.constant 0 : i32
      %dma_wait3A_552 = tpu.memref_slice %arg6[%add3A_544, %dma_wait3A_551] : memref<112x128xi32, #tpu.memory_space<vmem>> -> memref<1x128xi32, #tpu.memory_space<vmem>>
      %dma_wait3A_553 = tpu.memref_squeeze %dma_wait3A_552 : memref<1x128xi32, #tpu.memory_space<vmem>> -> memref<128xi32, #tpu.memory_space<vmem>>
      %dma_wait3A_554 = arith.constant 0 : i32
      %dma_wait3A_555 = arith.constant 0 : i32
      %dma_wait3A_556 = tpu.memref_slice %arg2[%dma_wait3A_554, %dma_wait3A_555] : memref<10016x8xf32, #tpu.memory_space<hbm>> -> memref<10016x8xf32, #tpu.memory_space<hbm>>
      %dma_wait3A_557 = tpu.memref_slice %arg10[%dma_wait3A_546] : memref<8x!tpu.dma_semaphore, #tpu.memory_space<semaphore_mem>> -> memref<1x!tpu.dma_semaphore, #tpu.memory_space<semaphore_mem>>
      %dma_wait3A_558 = tpu.memref_squeeze %dma_wait3A_557 : memref<1x!tpu.dma_semaphore, #tpu.memory_space<semaphore_mem>> -> memref<!tpu.dma_semaphore, #tpu.memory_space<semaphore_mem>>
      tpu.wait_indirect_dma semaphore(%dma_wait3A_558 : memref<!tpu.dma_semaphore, #tpu.memory_space<semaphore_mem>>) src(%dma_wait3A_556 : memref<10016x8xf32, #tpu.memory_space<hbm>>) dst(%dma_wait3A_550 : memref<128x8xf32, #tpu.memory_space<vmem>>)
      %dma_start3A_559 = arith.constant 6 : i32
      %dma_start3A_560 = arith.constant 6 : i32
      %dma_start3A_561 = arith.constant 0 : i32
      %dma_start3A_562 = arith.constant 0 : i32
      %dma_start3A_563 = tpu.memref_slice %arg8[%dma_start3A_559, %dma_start3A_561, %dma_start3A_562] : memref<8x128x8xf32, #tpu.memory_space<vmem>> -> memref<1x128x8xf32, #tpu.memory_space<vmem>>
      %dma_start3A_564 = tpu.memref_squeeze %dma_start3A_563 : memref<1x128x8xf32, #tpu.memory_space<vmem>> -> memref<128x8xf32, #tpu.memory_space<vmem>>
      %dma_start3A_565 = arith.constant 0 : i32
      %dma_start3A_566 = tpu.memref_slice %arg7[%add3A_544, %dma_start3A_565] : memref<112x128xi32, #tpu.memory_space<vmem>> -> memref<1x128xi32, #tpu.memory_space<vmem>>
      %dma_start3A_567 = tpu.memref_squeeze %dma_start3A_566 : memref<1x128xi32, #tpu.memory_space<vmem>> -> memref<128xi32, #tpu.memory_space<vmem>>
      %dma_start3A_568 = arith.constant 0 : i32
      %dma_start3A_569 = arith.constant 0 : i32
      %dma_start3A_570 = tpu.memref_slice %arg9[%dma_start3A_568, %dma_start3A_569] : memref<10240x8xf32, #tpu.memory_space<vmem_shared>> -> memref<10240x8xf32, #tpu.memory_space<vmem_shared>>
      %dma_start3A_571 = tpu.memref_slice %arg11[%dma_start3A_560] : memref<8x!tpu.dma_semaphore, #tpu.memory_space<semaphore_mem>> -> memref<1x!tpu.dma_semaphore, #tpu.memory_space<semaphore_mem>>
      %dma_start3A_572 = tpu.memref_squeeze %dma_start3A_571 : memref<1x!tpu.dma_semaphore, #tpu.memory_space<semaphore_mem>> -> memref<!tpu.dma_semaphore, #tpu.memory_space<semaphore_mem>>
      tpu.enqueue_indirect_dma source(%dma_start3A_564 : memref<128x8xf32, #tpu.memory_space<vmem>>) target(%dma_start3A_570 : memref<10240x8xf32, #tpu.memory_space<vmem_shared>>) offsets(%dma_start3A_567 : memref<128xi32, #tpu.memory_space<vmem>>) semaphore(%dma_start3A_572 : memref<!tpu.dma_semaphore, #tpu.memory_space<semaphore_mem>>) {add = true}
      %add3A_573 = arith.constant 8 : i32
      %add3A_574 = arith.addi %add3A_544, %add3A_573 : i32
      %lt3A_575 = arith.cmpi slt, %add3A_574, %select_n3A_7 : i32
      %convert_element_type3A_576 = arith.extui %lt3A_575 : i1 to i32
      %cond3A_577 = arith.constant 0 : i32
      %cond3A_578 = arith.cmpi ne, %convert_element_type3A_576, %cond3A_577 : i32
      scf.if %cond3A_578 {
        %dma_wait3A_617 = arith.constant 6 : i32
        %dma_wait3A_618 = arith.constant 6 : i32
        %dma_wait3A_619 = arith.constant 0 : i32
        %dma_wait3A_620 = arith.constant 0 : i32
        %dma_wait3A_621 = tpu.memref_slice %arg8[%dma_wait3A_617, %dma_wait3A_619, %dma_wait3A_620] : memref<8x128x8xf32, #tpu.memory_space<vmem>> -> memref<1x128x8xf32, #tpu.memory_space<vmem>>
        %dma_wait3A_622 = tpu.memref_squeeze %dma_wait3A_621 : memref<1x128x8xf32, #tpu.memory_space<vmem>> -> memref<128x8xf32, #tpu.memory_space<vmem>>
        %dma_wait3A_623 = arith.constant 0 : i32
        %dma_wait3A_624 = tpu.memref_slice %arg7[%add3A_544, %dma_wait3A_623] : memref<112x128xi32, #tpu.memory_space<vmem>> -> memref<1x128xi32, #tpu.memory_space<vmem>>
        %dma_wait3A_625 = tpu.memref_squeeze %dma_wait3A_624 : memref<1x128xi32, #tpu.memory_space<vmem>> -> memref<128xi32, #tpu.memory_space<vmem>>
        %dma_wait3A_626 = arith.constant 0 : i32
        %dma_wait3A_627 = arith.constant 0 : i32
        %dma_wait3A_628 = tpu.memref_slice %arg9[%dma_wait3A_626, %dma_wait3A_627] : memref<10240x8xf32, #tpu.memory_space<vmem_shared>> -> memref<10240x8xf32, #tpu.memory_space<vmem_shared>>
        %dma_wait3A_629 = tpu.memref_slice %arg11[%dma_wait3A_618] : memref<8x!tpu.dma_semaphore, #tpu.memory_space<semaphore_mem>> -> memref<1x!tpu.dma_semaphore, #tpu.memory_space<semaphore_mem>>
        %dma_wait3A_630 = tpu.memref_squeeze %dma_wait3A_629 : memref<1x!tpu.dma_semaphore, #tpu.memory_space<semaphore_mem>> -> memref<!tpu.dma_semaphore, #tpu.memory_space<semaphore_mem>>
        tpu.wait_indirect_dma semaphore(%dma_wait3A_630 : memref<!tpu.dma_semaphore, #tpu.memory_space<semaphore_mem>>) src(%dma_wait3A_622 : memref<128x8xf32, #tpu.memory_space<vmem>>) dst(%dma_wait3A_628 : memref<10240x8xf32, #tpu.memory_space<vmem_shared>>)
        %dma_start3A_631 = arith.constant 6 : i32
        %dma_start3A_632 = arith.constant 6 : i32
        %dma_start3A_633 = arith.constant 0 : i32
        %dma_start3A_634 = arith.constant 0 : i32
        %dma_start3A_635 = tpu.memref_slice %arg8[%dma_start3A_631, %dma_start3A_633, %dma_start3A_634] : memref<8x128x8xf32, #tpu.memory_space<vmem>> -> memref<1x128x8xf32, #tpu.memory_space<vmem>>
        %dma_start3A_636 = tpu.memref_squeeze %dma_start3A_635 : memref<1x128x8xf32, #tpu.memory_space<vmem>> -> memref<128x8xf32, #tpu.memory_space<vmem>>
        %dma_start3A_637 = arith.constant 0 : i32
        %dma_start3A_638 = tpu.memref_slice %arg6[%add3A_574, %dma_start3A_637] : memref<112x128xi32, #tpu.memory_space<vmem>> -> memref<1x128xi32, #tpu.memory_space<vmem>>
        %dma_start3A_639 = tpu.memref_squeeze %dma_start3A_638 : memref<1x128xi32, #tpu.memory_space<vmem>> -> memref<128xi32, #tpu.memory_space<vmem>>
        %dma_start3A_640 = arith.constant 0 : i32
        %dma_start3A_641 = arith.constant 0 : i32
        %dma_start3A_642 = tpu.memref_slice %arg2[%dma_start3A_640, %dma_start3A_641] : memref<10016x8xf32, #tpu.memory_space<hbm>> -> memref<10016x8xf32, #tpu.memory_space<hbm>>
        %dma_start3A_643 = tpu.memref_slice %arg10[%dma_start3A_632] : memref<8x!tpu.dma_semaphore, #tpu.memory_space<semaphore_mem>> -> memref<1x!tpu.dma_semaphore, #tpu.memory_space<semaphore_mem>>
        %dma_start3A_644 = tpu.memref_squeeze %dma_start3A_643 : memref<1x!tpu.dma_semaphore, #tpu.memory_space<semaphore_mem>> -> memref<!tpu.dma_semaphore, #tpu.memory_space<semaphore_mem>>
        tpu.enqueue_indirect_dma source(%dma_start3A_642 : memref<10016x8xf32, #tpu.memory_space<hbm>>) target(%dma_start3A_636 : memref<128x8xf32, #tpu.memory_space<vmem>>) offsets(%dma_start3A_639 : memref<128xi32, #tpu.memory_space<vmem>>) semaphore(%dma_start3A_644 : memref<!tpu.dma_semaphore, #tpu.memory_space<semaphore_mem>>)
      } else {
      }
      %mul3A_579 = arith.constant 8 : i32
      %mul3A_580 = arith.muli %while3A_313, %mul3A_579 : i32
      %add3A_581 = arith.constant 7 : i32
      %add3A_582 = arith.addi %mul3A_580, %add3A_581 : i32
      %dma_wait3A_583 = arith.constant 7 : i32
      %dma_wait3A_584 = arith.constant 7 : i32
      %dma_wait3A_585 = arith.constant 0 : i32
      %dma_wait3A_586 = arith.constant 0 : i32
      %dma_wait3A_587 = tpu.memref_slice %arg8[%dma_wait3A_583, %dma_wait3A_585, %dma_wait3A_586] : memref<8x128x8xf32, #tpu.memory_space<vmem>> -> memref<1x128x8xf32, #tpu.memory_space<vmem>>
      %dma_wait3A_588 = tpu.memref_squeeze %dma_wait3A_587 : memref<1x128x8xf32, #tpu.memory_space<vmem>> -> memref<128x8xf32, #tpu.memory_space<vmem>>
      %dma_wait3A_589 = arith.constant 0 : i32
      %dma_wait3A_590 = tpu.memref_slice %arg6[%add3A_582, %dma_wait3A_589] : memref<112x128xi32, #tpu.memory_space<vmem>> -> memref<1x128xi32, #tpu.memory_space<vmem>>
      %dma_wait3A_591 = tpu.memref_squeeze %dma_wait3A_590 : memref<1x128xi32, #tpu.memory_space<vmem>> -> memref<128xi32, #tpu.memory_space<vmem>>
      %dma_wait3A_592 = arith.constant 0 : i32
      %dma_wait3A_593 = arith.constant 0 : i32
      %dma_wait3A_594 = tpu.memref_slice %arg2[%dma_wait3A_592, %dma_wait3A_593] : memref<10016x8xf32, #tpu.memory_space<hbm>> -> memref<10016x8xf32, #tpu.memory_space<hbm>>
      %dma_wait3A_595 = tpu.memref_slice %arg10[%dma_wait3A_584] : memref<8x!tpu.dma_semaphore, #tpu.memory_space<semaphore_mem>> -> memref<1x!tpu.dma_semaphore, #tpu.memory_space<semaphore_mem>>
      %dma_wait3A_596 = tpu.memref_squeeze %dma_wait3A_595 : memref<1x!tpu.dma_semaphore, #tpu.memory_space<semaphore_mem>> -> memref<!tpu.dma_semaphore, #tpu.memory_space<semaphore_mem>>
      tpu.wait_indirect_dma semaphore(%dma_wait3A_596 : memref<!tpu.dma_semaphore, #tpu.memory_space<semaphore_mem>>) src(%dma_wait3A_594 : memref<10016x8xf32, #tpu.memory_space<hbm>>) dst(%dma_wait3A_588 : memref<128x8xf32, #tpu.memory_space<vmem>>)
      %dma_start3A_597 = arith.constant 7 : i32
      %dma_start3A_598 = arith.constant 7 : i32
      %dma_start3A_599 = arith.constant 0 : i32
      %dma_start3A_600 = arith.constant 0 : i32
      %dma_start3A_601 = tpu.memref_slice %arg8[%dma_start3A_597, %dma_start3A_599, %dma_start3A_600] : memref<8x128x8xf32, #tpu.memory_space<vmem>> -> memref<1x128x8xf32, #tpu.memory_space<vmem>>
      %dma_start3A_602 = tpu.memref_squeeze %dma_start3A_601 : memref<1x128x8xf32, #tpu.memory_space<vmem>> -> memref<128x8xf32, #tpu.memory_space<vmem>>
      %dma_start3A_603 = arith.constant 0 : i32
      %dma_start3A_604 = tpu.memref_slice %arg7[%add3A_582, %dma_start3A_603] : memref<112x128xi32, #tpu.memory_space<vmem>> -> memref<1x128xi32, #tpu.memory_space<vmem>>
      %dma_start3A_605 = tpu.memref_squeeze %dma_start3A_604 : memref<1x128xi32, #tpu.memory_space<vmem>> -> memref<128xi32, #tpu.memory_space<vmem>>
      %dma_start3A_606 = arith.constant 0 : i32
      %dma_start3A_607 = arith.constant 0 : i32
      %dma_start3A_608 = tpu.memref_slice %arg9[%dma_start3A_606, %dma_start3A_607] : memref<10240x8xf32, #tpu.memory_space<vmem_shared>> -> memref<10240x8xf32, #tpu.memory_space<vmem_shared>>
      %dma_start3A_609 = tpu.memref_slice %arg11[%dma_start3A_598] : memref<8x!tpu.dma_semaphore, #tpu.memory_space<semaphore_mem>> -> memref<1x!tpu.dma_semaphore, #tpu.memory_space<semaphore_mem>>
      %dma_start3A_610 = tpu.memref_squeeze %dma_start3A_609 : memref<1x!tpu.dma_semaphore, #tpu.memory_space<semaphore_mem>> -> memref<!tpu.dma_semaphore, #tpu.memory_space<semaphore_mem>>
      tpu.enqueue_indirect_dma source(%dma_start3A_602 : memref<128x8xf32, #tpu.memory_space<vmem>>) target(%dma_start3A_608 : memref<10240x8xf32, #tpu.memory_space<vmem_shared>>) offsets(%dma_start3A_605 : memref<128xi32, #tpu.memory_space<vmem>>) semaphore(%dma_start3A_610 : memref<!tpu.dma_semaphore, #tpu.memory_space<semaphore_mem>>) {add = true}
      %add3A_611 = arith.constant 8 : i32
      %add3A_612 = arith.addi %add3A_582, %add3A_611 : i32
      %lt3A_613 = arith.cmpi slt, %add3A_612, %select_n3A_7 : i32
      %convert_element_type3A_614 = arith.extui %lt3A_613 : i1 to i32
      %cond3A_615 = arith.constant 0 : i32
      %cond3A_616 = arith.cmpi ne, %convert_element_type3A_614, %cond3A_615 : i32
      scf.if %cond3A_616 {
        %dma_wait3A_617 = arith.constant 7 : i32
        %dma_wait3A_618 = arith.constant 7 : i32
        %dma_wait3A_619 = arith.constant 0 : i32
        %dma_wait3A_620 = arith.constant 0 : i32
        %dma_wait3A_621 = tpu.memref_slice %arg8[%dma_wait3A_617, %dma_wait3A_619, %dma_wait3A_620] : memref<8x128x8xf32, #tpu.memory_space<vmem>> -> memref<1x128x8xf32, #tpu.memory_space<vmem>>
        %dma_wait3A_622 = tpu.memref_squeeze %dma_wait3A_621 : memref<1x128x8xf32, #tpu.memory_space<vmem>> -> memref<128x8xf32, #tpu.memory_space<vmem>>
        %dma_wait3A_623 = arith.constant 0 : i32
        %dma_wait3A_624 = tpu.memref_slice %arg7[%add3A_582, %dma_wait3A_623] : memref<112x128xi32, #tpu.memory_space<vmem>> -> memref<1x128xi32, #tpu.memory_space<vmem>>
        %dma_wait3A_625 = tpu.memref_squeeze %dma_wait3A_624 : memref<1x128xi32, #tpu.memory_space<vmem>> -> memref<128xi32, #tpu.memory_space<vmem>>
        %dma_wait3A_626 = arith.constant 0 : i32
        %dma_wait3A_627 = arith.constant 0 : i32
        %dma_wait3A_628 = tpu.memref_slice %arg9[%dma_wait3A_626, %dma_wait3A_627] : memref<10240x8xf32, #tpu.memory_space<vmem_shared>> -> memref<10240x8xf32, #tpu.memory_space<vmem_shared>>
        %dma_wait3A_629 = tpu.memref_slice %arg11[%dma_wait3A_618] : memref<8x!tpu.dma_semaphore, #tpu.memory_space<semaphore_mem>> -> memref<1x!tpu.dma_semaphore, #tpu.memory_space<semaphore_mem>>
        %dma_wait3A_630 = tpu.memref_squeeze %dma_wait3A_629 : memref<1x!tpu.dma_semaphore, #tpu.memory_space<semaphore_mem>> -> memref<!tpu.dma_semaphore, #tpu.memory_space<semaphore_mem>>
        tpu.wait_indirect_dma semaphore(%dma_wait3A_630 : memref<!tpu.dma_semaphore, #tpu.memory_space<semaphore_mem>>) src(%dma_wait3A_622 : memref<128x8xf32, #tpu.memory_space<vmem>>) dst(%dma_wait3A_628 : memref<10240x8xf32, #tpu.memory_space<vmem_shared>>)
        %dma_start3A_631 = arith.constant 7 : i32
        %dma_start3A_632 = arith.constant 7 : i32
        %dma_start3A_633 = arith.constant 0 : i32
        %dma_start3A_634 = arith.constant 0 : i32
        %dma_start3A_635 = tpu.memref_slice %arg8[%dma_start3A_631, %dma_start3A_633, %dma_start3A_634] : memref<8x128x8xf32, #tpu.memory_space<vmem>> -> memref<1x128x8xf32, #tpu.memory_space<vmem>>
        %dma_start3A_636 = tpu.memref_squeeze %dma_start3A_635 : memref<1x128x8xf32, #tpu.memory_space<vmem>> -> memref<128x8xf32, #tpu.memory_space<vmem>>
        %dma_start3A_637 = arith.constant 0 : i32
        %dma_start3A_638 = tpu.memref_slice %arg6[%add3A_612, %dma_start3A_637] : memref<112x128xi32, #tpu.memory_space<vmem>> -> memref<1x128xi32, #tpu.memory_space<vmem>>
        %dma_start3A_639 = tpu.memref_squeeze %dma_start3A_638 : memref<1x128xi32, #tpu.memory_space<vmem>> -> memref<128xi32, #tpu.memory_space<vmem>>
        %dma_start3A_640 = arith.constant 0 : i32
        %dma_start3A_641 = arith.constant 0 : i32
        %dma_start3A_642 = tpu.memref_slice %arg2[%dma_start3A_640, %dma_start3A_641] : memref<10016x8xf32, #tpu.memory_space<hbm>> -> memref<10016x8xf32, #tpu.memory_space<hbm>>
        %dma_start3A_643 = tpu.memref_slice %arg10[%dma_start3A_632] : memref<8x!tpu.dma_semaphore, #tpu.memory_space<semaphore_mem>> -> memref<1x!tpu.dma_semaphore, #tpu.memory_space<semaphore_mem>>
        %dma_start3A_644 = tpu.memref_squeeze %dma_start3A_643 : memref<1x!tpu.dma_semaphore, #tpu.memory_space<semaphore_mem>> -> memref<!tpu.dma_semaphore, #tpu.memory_space<semaphore_mem>>
        tpu.enqueue_indirect_dma source(%dma_start3A_642 : memref<10016x8xf32, #tpu.memory_space<hbm>>) target(%dma_start3A_636 : memref<128x8xf32, #tpu.memory_space<vmem>>) offsets(%dma_start3A_639 : memref<128xi32, #tpu.memory_space<vmem>>) semaphore(%dma_start3A_644 : memref<!tpu.dma_semaphore, #tpu.memory_space<semaphore_mem>>)
      } else {
      }
    }
    %while3A_166 = arith.constant 1 : i32
    scf.for %while3A_313 = %while3A_164 to %while3A_160 step %while3A_166  : i32 {
      %mul3A_314 = arith.constant 8 : i32
      %mul3A_315 = arith.muli %while3A_313, %mul3A_314 : i32
      %add3A_316 = arith.constant 0 : i32
      %add3A_317 = arith.addi %mul3A_315, %add3A_316 : i32
      %dma_wait3A_318 = arith.constant 0 : i32
      %dma_wait3A_319 = arith.constant 0 : i32
      %dma_wait3A_320 = arith.constant 0 : i32
      %dma_wait3A_321 = arith.constant 0 : i32
      %dma_wait3A_322 = tpu.memref_slice %arg8[%dma_wait3A_318, %dma_wait3A_320, %dma_wait3A_321] : memref<8x128x8xf32, #tpu.memory_space<vmem>> -> memref<1x128x8xf32, #tpu.memory_space<vmem>>
      %dma_wait3A_323 = tpu.memref_squeeze %dma_wait3A_322 : memref<1x128x8xf32, #tpu.memory_space<vmem>> -> memref<128x8xf32, #tpu.memory_space<vmem>>
      %dma_wait3A_324 = arith.constant 0 : i32
      %dma_wait3A_325 = tpu.memref_slice %arg6[%add3A_317, %dma_wait3A_324] : memref<112x128xi32, #tpu.memory_space<vmem>> -> memref<1x128xi32, #tpu.memory_space<vmem>>
      %dma_wait3A_326 = tpu.memref_squeeze %dma_wait3A_325 : memref<1x128xi32, #tpu.memory_space<vmem>> -> memref<128xi32, #tpu.memory_space<vmem>>
      %dma_wait3A_327 = arith.constant 0 : i32
      %dma_wait3A_328 = arith.constant 0 : i32
      %dma_wait3A_329 = tpu.memref_slice %arg2[%dma_wait3A_327, %dma_wait3A_328] : memref<10016x8xf32, #tpu.memory_space<hbm>> -> memref<10016x8xf32, #tpu.memory_space<hbm>>
      %dma_wait3A_330 = tpu.memref_slice %arg10[%dma_wait3A_319] : memref<8x!tpu.dma_semaphore, #tpu.memory_space<semaphore_mem>> -> memref<1x!tpu.dma_semaphore, #tpu.memory_space<semaphore_mem>>
      %dma_wait3A_331 = tpu.memref_squeeze %dma_wait3A_330 : memref<1x!tpu.dma_semaphore, #tpu.memory_space<semaphore_mem>> -> memref<!tpu.dma_semaphore, #tpu.memory_space<semaphore_mem>>
      tpu.wait_indirect_dma semaphore(%dma_wait3A_331 : memref<!tpu.dma_semaphore, #tpu.memory_space<semaphore_mem>>) src(%dma_wait3A_329 : memref<10016x8xf32, #tpu.memory_space<hbm>>) dst(%dma_wait3A_323 : memref<128x8xf32, #tpu.memory_space<vmem>>)
      %dma_start3A_332 = arith.constant 0 : i32
      %dma_start3A_333 = arith.constant 0 : i32
      %dma_start3A_334 = arith.constant 0 : i32
      %dma_start3A_335 = arith.constant 0 : i32
      %dma_start3A_336 = tpu.memref_slice %arg8[%dma_start3A_332, %dma_start3A_334, %dma_start3A_335] : memref<8x128x8xf32, #tpu.memory_space<vmem>> -> memref<1x128x8xf32, #tpu.memory_space<vmem>>
      %dma_start3A_337 = tpu.memref_squeeze %dma_start3A_336 : memref<1x128x8xf32, #tpu.memory_space<vmem>> -> memref<128x8xf32, #tpu.memory_space<vmem>>
      %dma_start3A_338 = arith.constant 0 : i32
      %dma_start3A_339 = tpu.memref_slice %arg7[%add3A_317, %dma_start3A_338] : memref<112x128xi32, #tpu.memory_space<vmem>> -> memref<1x128xi32, #tpu.memory_space<vmem>>
      %dma_start3A_340 = tpu.memref_squeeze %dma_start3A_339 : memref<1x128xi32, #tpu.memory_space<vmem>> -> memref<128xi32, #tpu.memory_space<vmem>>
      %dma_start3A_341 = arith.constant 0 : i32
      %dma_start3A_342 = arith.constant 0 : i32
      %dma_start3A_343 = tpu.memref_slice %arg9[%dma_start3A_341, %dma_start3A_342] : memref<10240x8xf32, #tpu.memory_space<vmem_shared>> -> memref<10240x8xf32, #tpu.memory_space<vmem_shared>>
      %dma_start3A_344 = tpu.memref_slice %arg11[%dma_start3A_333] : memref<8x!tpu.dma_semaphore, #tpu.memory_space<semaphore_mem>> -> memref<1x!tpu.dma_semaphore, #tpu.memory_space<semaphore_mem>>
      %dma_start3A_345 = tpu.memref_squeeze %dma_start3A_344 : memref<1x!tpu.dma_semaphore, #tpu.memory_space<semaphore_mem>> -> memref<!tpu.dma_semaphore, #tpu.memory_space<semaphore_mem>>
      tpu.enqueue_indirect_dma source(%dma_start3A_337 : memref<128x8xf32, #tpu.memory_space<vmem>>) target(%dma_start3A_343 : memref<10240x8xf32, #tpu.memory_space<vmem_shared>>) offsets(%dma_start3A_340 : memref<128xi32, #tpu.memory_space<vmem>>) semaphore(%dma_start3A_345 : memref<!tpu.dma_semaphore, #tpu.memory_space<semaphore_mem>>) {add = true}
      %add3A_346 = arith.constant 8 : i32
      %add3A_347 = arith.addi %add3A_317, %add3A_346 : i32
      %lt3A = arith.cmpi slt, %add3A_347, %select_n3A_7 : i32
      %convert_element_type3A_348 = arith.extui %lt3A : i1 to i32
      %cond3A_349 = arith.constant 0 : i32
      %cond3A_350 = arith.cmpi ne, %convert_element_type3A_348, %cond3A_349 : i32
      scf.if %cond3A_350 {
        %dma_wait3A_617 = arith.constant 0 : i32
        %dma_wait3A_618 = arith.constant 0 : i32
        %dma_wait3A_619 = arith.constant 0 : i32
        %dma_wait3A_620 = arith.constant 0 : i32
        %dma_wait3A_621 = tpu.memref_slice %arg8[%dma_wait3A_617, %dma_wait3A_619, %dma_wait3A_620] : memref<8x128x8xf32, #tpu.memory_space<vmem>> -> memref<1x128x8xf32, #tpu.memory_space<vmem>>
        %dma_wait3A_622 = tpu.memref_squeeze %dma_wait3A_621 : memref<1x128x8xf32, #tpu.memory_space<vmem>> -> memref<128x8xf32, #tpu.memory_space<vmem>>
        %dma_wait3A_623 = arith.constant 0 : i32
        %dma_wait3A_624 = tpu.memref_slice %arg7[%add3A_317, %dma_wait3A_623] : memref<112x128xi32, #tpu.memory_space<vmem>> -> memref<1x128xi32, #tpu.memory_space<vmem>>
        %dma_wait3A_625 = tpu.memref_squeeze %dma_wait3A_624 : memref<1x128xi32, #tpu.memory_space<vmem>> -> memref<128xi32, #tpu.memory_space<vmem>>
        %dma_wait3A_626 = arith.constant 0 : i32
        %dma_wait3A_627 = arith.constant 0 : i32
        %dma_wait3A_628 = tpu.memref_slice %arg9[%dma_wait3A_626, %dma_wait3A_627] : memref<10240x8xf32, #tpu.memory_space<vmem_shared>> -> memref<10240x8xf32, #tpu.memory_space<vmem_shared>>
        %dma_wait3A_629 = tpu.memref_slice %arg11[%dma_wait3A_618] : memref<8x!tpu.dma_semaphore, #tpu.memory_space<semaphore_mem>> -> memref<1x!tpu.dma_semaphore, #tpu.memory_space<semaphore_mem>>
        %dma_wait3A_630 = tpu.memref_squeeze %dma_wait3A_629 : memref<1x!tpu.dma_semaphore, #tpu.memory_space<semaphore_mem>> -> memref<!tpu.dma_semaphore, #tpu.memory_space<semaphore_mem>>
        tpu.wait_indirect_dma semaphore(%dma_wait3A_630 : memref<!tpu.dma_semaphore, #tpu.memory_space<semaphore_mem>>) src(%dma_wait3A_622 : memref<128x8xf32, #tpu.memory_space<vmem>>) dst(%dma_wait3A_628 : memref<10240x8xf32, #tpu.memory_space<vmem_shared>>)
        %dma_start3A_631 = arith.constant 0 : i32
        %dma_start3A_632 = arith.constant 0 : i32
        %dma_start3A_633 = arith.constant 0 : i32
        %dma_start3A_634 = arith.constant 0 : i32
        %dma_start3A_635 = tpu.memref_slice %arg8[%dma_start3A_631, %dma_start3A_633, %dma_start3A_634] : memref<8x128x8xf32, #tpu.memory_space<vmem>> -> memref<1x128x8xf32, #tpu.memory_space<vmem>>
        %dma_start3A_636 = tpu.memref_squeeze %dma_start3A_635 : memref<1x128x8xf32, #tpu.memory_space<vmem>> -> memref<128x8xf32, #tpu.memory_space<vmem>>
        %dma_start3A_637 = arith.constant 0 : i32
        %dma_start3A_638 = tpu.memref_slice %arg6[%add3A_347, %dma_start3A_637] : memref<112x128xi32, #tpu.memory_space<vmem>> -> memref<1x128xi32, #tpu.memory_space<vmem>>
        %dma_start3A_639 = tpu.memref_squeeze %dma_start3A_638 : memref<1x128xi32, #tpu.memory_space<vmem>> -> memref<128xi32, #tpu.memory_space<vmem>>
        %dma_start3A_640 = arith.constant 0 : i32
        %dma_start3A_641 = arith.constant 0 : i32
        %dma_start3A_642 = tpu.memref_slice %arg2[%dma_start3A_640, %dma_start3A_641] : memref<10016x8xf32, #tpu.memory_space<hbm>> -> memref<10016x8xf32, #tpu.memory_space<hbm>>
        %dma_start3A_643 = tpu.memref_slice %arg10[%dma_start3A_632] : memref<8x!tpu.dma_semaphore, #tpu.memory_space<semaphore_mem>> -> memref<1x!tpu.dma_semaphore, #tpu.memory_space<semaphore_mem>>
        %dma_start3A_644 = tpu.memref_squeeze %dma_start3A_643 : memref<1x!tpu.dma_semaphore, #tpu.memory_space<semaphore_mem>> -> memref<!tpu.dma_semaphore, #tpu.memory_space<semaphore_mem>>
        tpu.enqueue_indirect_dma source(%dma_start3A_642 : memref<10016x8xf32, #tpu.memory_space<hbm>>) target(%dma_start3A_636 : memref<128x8xf32, #tpu.memory_space<vmem>>) offsets(%dma_start3A_639 : memref<128xi32, #tpu.memory_space<vmem>>) semaphore(%dma_start3A_644 : memref<!tpu.dma_semaphore, #tpu.memory_space<semaphore_mem>>)
      } else {
      }
      %mul3A_351 = arith.constant 8 : i32
      %mul3A_352 = arith.muli %while3A_313, %mul3A_351 : i32
      %add3A_353 = arith.constant 1 : i32
      %add3A_354 = arith.addi %mul3A_352, %add3A_353 : i32
      %dma_wait3A_355 = arith.constant 1 : i32
      %dma_wait3A_356 = arith.constant 1 : i32
      %dma_wait3A_357 = arith.constant 0 : i32
      %dma_wait3A_358 = arith.constant 0 : i32
      %dma_wait3A_359 = tpu.memref_slice %arg8[%dma_wait3A_355, %dma_wait3A_357, %dma_wait3A_358] : memref<8x128x8xf32, #tpu.memory_space<vmem>> -> memref<1x128x8xf32, #tpu.memory_space<vmem>>
      %dma_wait3A_360 = tpu.memref_squeeze %dma_wait3A_359 : memref<1x128x8xf32, #tpu.memory_space<vmem>> -> memref<128x8xf32, #tpu.memory_space<vmem>>
      %dma_wait3A_361 = arith.constant 0 : i32
      %dma_wait3A_362 = tpu.memref_slice %arg6[%add3A_354, %dma_wait3A_361] : memref<112x128xi32, #tpu.memory_space<vmem>> -> memref<1x128xi32, #tpu.memory_space<vmem>>
      %dma_wait3A_363 = tpu.memref_squeeze %dma_wait3A_362 : memref<1x128xi32, #tpu.memory_space<vmem>> -> memref<128xi32, #tpu.memory_space<vmem>>
      %dma_wait3A_364 = arith.constant 0 : i32
      %dma_wait3A_365 = arith.constant 0 : i32
      %dma_wait3A_366 = tpu.memref_slice %arg2[%dma_wait3A_364, %dma_wait3A_365] : memref<10016x8xf32, #tpu.memory_space<hbm>> -> memref<10016x8xf32, #tpu.memory_space<hbm>>
      %dma_wait3A_367 = tpu.memref_slice %arg10[%dma_wait3A_356] : memref<8x!tpu.dma_semaphore, #tpu.memory_space<semaphore_mem>> -> memref<1x!tpu.dma_semaphore, #tpu.memory_space<semaphore_mem>>
      %dma_wait3A_368 = tpu.memref_squeeze %dma_wait3A_367 : memref<1x!tpu.dma_semaphore, #tpu.memory_space<semaphore_mem>> -> memref<!tpu.dma_semaphore, #tpu.memory_space<semaphore_mem>>
      tpu.wait_indirect_dma semaphore(%dma_wait3A_368 : memref<!tpu.dma_semaphore, #tpu.memory_space<semaphore_mem>>) src(%dma_wait3A_366 : memref<10016x8xf32, #tpu.memory_space<hbm>>) dst(%dma_wait3A_360 : memref<128x8xf32, #tpu.memory_space<vmem>>)
      %dma_start3A_369 = arith.constant 1 : i32
      %dma_start3A_370 = arith.constant 1 : i32
      %dma_start3A_371 = arith.constant 0 : i32
      %dma_start3A_372 = arith.constant 0 : i32
      %dma_start3A_373 = tpu.memref_slice %arg8[%dma_start3A_369, %dma_start3A_371, %dma_start3A_372] : memref<8x128x8xf32, #tpu.memory_space<vmem>> -> memref<1x128x8xf32, #tpu.memory_space<vmem>>
      %dma_start3A_374 = tpu.memref_squeeze %dma_start3A_373 : memref<1x128x8xf32, #tpu.memory_space<vmem>> -> memref<128x8xf32, #tpu.memory_space<vmem>>
      %dma_start3A_375 = arith.constant 0 : i32
      %dma_start3A_376 = tpu.memref_slice %arg7[%add3A_354, %dma_start3A_375] : memref<112x128xi32, #tpu.memory_space<vmem>> -> memref<1x128xi32, #tpu.memory_space<vmem>>
      %dma_start3A_377 = tpu.memref_squeeze %dma_start3A_376 : memref<1x128xi32, #tpu.memory_space<vmem>> -> memref<128xi32, #tpu.memory_space<vmem>>
      %dma_start3A_378 = arith.constant 0 : i32
      %dma_start3A_379 = arith.constant 0 : i32
      %dma_start3A_380 = tpu.memref_slice %arg9[%dma_start3A_378, %dma_start3A_379] : memref<10240x8xf32, #tpu.memory_space<vmem_shared>> -> memref<10240x8xf32, #tpu.memory_space<vmem_shared>>
      %dma_start3A_381 = tpu.memref_slice %arg11[%dma_start3A_370] : memref<8x!tpu.dma_semaphore, #tpu.memory_space<semaphore_mem>> -> memref<1x!tpu.dma_semaphore, #tpu.memory_space<semaphore_mem>>
      %dma_start3A_382 = tpu.memref_squeeze %dma_start3A_381 : memref<1x!tpu.dma_semaphore, #tpu.memory_space<semaphore_mem>> -> memref<!tpu.dma_semaphore, #tpu.memory_space<semaphore_mem>>
      tpu.enqueue_indirect_dma source(%dma_start3A_374 : memref<128x8xf32, #tpu.memory_space<vmem>>) target(%dma_start3A_380 : memref<10240x8xf32, #tpu.memory_space<vmem_shared>>) offsets(%dma_start3A_377 : memref<128xi32, #tpu.memory_space<vmem>>) semaphore(%dma_start3A_382 : memref<!tpu.dma_semaphore, #tpu.memory_space<semaphore_mem>>) {add = true}
      %add3A_383 = arith.constant 8 : i32
      %add3A_384 = arith.addi %add3A_354, %add3A_383 : i32
      %lt3A_385 = arith.cmpi slt, %add3A_384, %select_n3A_7 : i32
      %convert_element_type3A_386 = arith.extui %lt3A_385 : i1 to i32
      %cond3A_387 = arith.constant 0 : i32
      %cond3A_388 = arith.cmpi ne, %convert_element_type3A_386, %cond3A_387 : i32
      scf.if %cond3A_388 {
        %dma_wait3A_617 = arith.constant 1 : i32
        %dma_wait3A_618 = arith.constant 1 : i32
        %dma_wait3A_619 = arith.constant 0 : i32
        %dma_wait3A_620 = arith.constant 0 : i32
        %dma_wait3A_621 = tpu.memref_slice %arg8[%dma_wait3A_617, %dma_wait3A_619, %dma_wait3A_620] : memref<8x128x8xf32, #tpu.memory_space<vmem>> -> memref<1x128x8xf32, #tpu.memory_space<vmem>>
        %dma_wait3A_622 = tpu.memref_squeeze %dma_wait3A_621 : memref<1x128x8xf32, #tpu.memory_space<vmem>> -> memref<128x8xf32, #tpu.memory_space<vmem>>
        %dma_wait3A_623 = arith.constant 0 : i32
        %dma_wait3A_624 = tpu.memref_slice %arg7[%add3A_354, %dma_wait3A_623] : memref<112x128xi32, #tpu.memory_space<vmem>> -> memref<1x128xi32, #tpu.memory_space<vmem>>
        %dma_wait3A_625 = tpu.memref_squeeze %dma_wait3A_624 : memref<1x128xi32, #tpu.memory_space<vmem>> -> memref<128xi32, #tpu.memory_space<vmem>>
        %dma_wait3A_626 = arith.constant 0 : i32
        %dma_wait3A_627 = arith.constant 0 : i32
        %dma_wait3A_628 = tpu.memref_slice %arg9[%dma_wait3A_626, %dma_wait3A_627] : memref<10240x8xf32, #tpu.memory_space<vmem_shared>> -> memref<10240x8xf32, #tpu.memory_space<vmem_shared>>
        %dma_wait3A_629 = tpu.memref_slice %arg11[%dma_wait3A_618] : memref<8x!tpu.dma_semaphore, #tpu.memory_space<semaphore_mem>> -> memref<1x!tpu.dma_semaphore, #tpu.memory_space<semaphore_mem>>
        %dma_wait3A_630 = tpu.memref_squeeze %dma_wait3A_629 : memref<1x!tpu.dma_semaphore, #tpu.memory_space<semaphore_mem>> -> memref<!tpu.dma_semaphore, #tpu.memory_space<semaphore_mem>>
        tpu.wait_indirect_dma semaphore(%dma_wait3A_630 : memref<!tpu.dma_semaphore, #tpu.memory_space<semaphore_mem>>) src(%dma_wait3A_622 : memref<128x8xf32, #tpu.memory_space<vmem>>) dst(%dma_wait3A_628 : memref<10240x8xf32, #tpu.memory_space<vmem_shared>>)
        %dma_start3A_631 = arith.constant 1 : i32
        %dma_start3A_632 = arith.constant 1 : i32
        %dma_start3A_633 = arith.constant 0 : i32
        %dma_start3A_634 = arith.constant 0 : i32
        %dma_start3A_635 = tpu.memref_slice %arg8[%dma_start3A_631, %dma_start3A_633, %dma_start3A_634] : memref<8x128x8xf32, #tpu.memory_space<vmem>> -> memref<1x128x8xf32, #tpu.memory_space<vmem>>
        %dma_start3A_636 = tpu.memref_squeeze %dma_start3A_635 : memref<1x128x8xf32, #tpu.memory_space<vmem>> -> memref<128x8xf32, #tpu.memory_space<vmem>>
        %dma_start3A_637 = arith.constant 0 : i32
        %dma_start3A_638 = tpu.memref_slice %arg6[%add3A_384, %dma_start3A_637] : memref<112x128xi32, #tpu.memory_space<vmem>> -> memref<1x128xi32, #tpu.memory_space<vmem>>
        %dma_start3A_639 = tpu.memref_squeeze %dma_start3A_638 : memref<1x128xi32, #tpu.memory_space<vmem>> -> memref<128xi32, #tpu.memory_space<vmem>>
        %dma_start3A_640 = arith.constant 0 : i32
        %dma_start3A_641 = arith.constant 0 : i32
        %dma_start3A_642 = tpu.memref_slice %arg2[%dma_start3A_640, %dma_start3A_641] : memref<10016x8xf32, #tpu.memory_space<hbm>> -> memref<10016x8xf32, #tpu.memory_space<hbm>>
        %dma_start3A_643 = tpu.memref_slice %arg10[%dma_start3A_632] : memref<8x!tpu.dma_semaphore, #tpu.memory_space<semaphore_mem>> -> memref<1x!tpu.dma_semaphore, #tpu.memory_space<semaphore_mem>>
        %dma_start3A_644 = tpu.memref_squeeze %dma_start3A_643 : memref<1x!tpu.dma_semaphore, #tpu.memory_space<semaphore_mem>> -> memref<!tpu.dma_semaphore, #tpu.memory_space<semaphore_mem>>
        tpu.enqueue_indirect_dma source(%dma_start3A_642 : memref<10016x8xf32, #tpu.memory_space<hbm>>) target(%dma_start3A_636 : memref<128x8xf32, #tpu.memory_space<vmem>>) offsets(%dma_start3A_639 : memref<128xi32, #tpu.memory_space<vmem>>) semaphore(%dma_start3A_644 : memref<!tpu.dma_semaphore, #tpu.memory_space<semaphore_mem>>)
      } else {
      }
      %mul3A_389 = arith.constant 8 : i32
      %mul3A_390 = arith.muli %while3A_313, %mul3A_389 : i32
      %add3A_391 = arith.constant 2 : i32
      %add3A_392 = arith.addi %mul3A_390, %add3A_391 : i32
      %dma_wait3A_393 = arith.constant 2 : i32
      %dma_wait3A_394 = arith.constant 2 : i32
      %dma_wait3A_395 = arith.constant 0 : i32
      %dma_wait3A_396 = arith.constant 0 : i32
      %dma_wait3A_397 = tpu.memref_slice %arg8[%dma_wait3A_393, %dma_wait3A_395, %dma_wait3A_396] : memref<8x128x8xf32, #tpu.memory_space<vmem>> -> memref<1x128x8xf32, #tpu.memory_space<vmem>>
      %dma_wait3A_398 = tpu.memref_squeeze %dma_wait3A_397 : memref<1x128x8xf32, #tpu.memory_space<vmem>> -> memref<128x8xf32, #tpu.memory_space<vmem>>
      %dma_wait3A_399 = arith.constant 0 : i32
      %dma_wait3A_400 = tpu.memref_slice %arg6[%add3A_392, %dma_wait3A_399] : memref<112x128xi32, #tpu.memory_space<vmem>> -> memref<1x128xi32, #tpu.memory_space<vmem>>
      %dma_wait3A_401 = tpu.memref_squeeze %dma_wait3A_400 : memref<1x128xi32, #tpu.memory_space<vmem>> -> memref<128xi32, #tpu.memory_space<vmem>>
      %dma_wait3A_402 = arith.constant 0 : i32
      %dma_wait3A_403 = arith.constant 0 : i32
      %dma_wait3A_404 = tpu.memref_slice %arg2[%dma_wait3A_402, %dma_wait3A_403] : memref<10016x8xf32, #tpu.memory_space<hbm>> -> memref<10016x8xf32, #tpu.memory_space<hbm>>
      %dma_wait3A_405 = tpu.memref_slice %arg10[%dma_wait3A_394] : memref<8x!tpu.dma_semaphore, #tpu.memory_space<semaphore_mem>> -> memref<1x!tpu.dma_semaphore, #tpu.memory_space<semaphore_mem>>
      %dma_wait3A_406 = tpu.memref_squeeze %dma_wait3A_405 : memref<1x!tpu.dma_semaphore, #tpu.memory_space<semaphore_mem>> -> memref<!tpu.dma_semaphore, #tpu.memory_space<semaphore_mem>>
      tpu.wait_indirect_dma semaphore(%dma_wait3A_406 : memref<!tpu.dma_semaphore, #tpu.memory_space<semaphore_mem>>) src(%dma_wait3A_404 : memref<10016x8xf32, #tpu.memory_space<hbm>>) dst(%dma_wait3A_398 : memref<128x8xf32, #tpu.memory_space<vmem>>)
      %dma_start3A_407 = arith.constant 2 : i32
      %dma_start3A_408 = arith.constant 2 : i32
      %dma_start3A_409 = arith.constant 0 : i32
      %dma_start3A_410 = arith.constant 0 : i32
      %dma_start3A_411 = tpu.memref_slice %arg8[%dma_start3A_407, %dma_start3A_409, %dma_start3A_410] : memref<8x128x8xf32, #tpu.memory_space<vmem>> -> memref<1x128x8xf32, #tpu.memory_space<vmem>>
      %dma_start3A_412 = tpu.memref_squeeze %dma_start3A_411 : memref<1x128x8xf32, #tpu.memory_space<vmem>> -> memref<128x8xf32, #tpu.memory_space<vmem>>
      %dma_start3A_413 = arith.constant 0 : i32
      %dma_start3A_414 = tpu.memref_slice %arg7[%add3A_392, %dma_start3A_413] : memref<112x128xi32, #tpu.memory_space<vmem>> -> memref<1x128xi32, #tpu.memory_space<vmem>>
      %dma_start3A_415 = tpu.memref_squeeze %dma_start3A_414 : memref<1x128xi32, #tpu.memory_space<vmem>> -> memref<128xi32, #tpu.memory_space<vmem>>
      %dma_start3A_416 = arith.constant 0 : i32
      %dma_start3A_417 = arith.constant 0 : i32
      %dma_start3A_418 = tpu.memref_slice %arg9[%dma_start3A_416, %dma_start3A_417] : memref<10240x8xf32, #tpu.memory_space<vmem_shared>> -> memref<10240x8xf32, #tpu.memory_space<vmem_shared>>
      %dma_start3A_419 = tpu.memref_slice %arg11[%dma_start3A_408] : memref<8x!tpu.dma_semaphore, #tpu.memory_space<semaphore_mem>> -> memref<1x!tpu.dma_semaphore, #tpu.memory_space<semaphore_mem>>
      %dma_start3A_420 = tpu.memref_squeeze %dma_start3A_419 : memref<1x!tpu.dma_semaphore, #tpu.memory_space<semaphore_mem>> -> memref<!tpu.dma_semaphore, #tpu.memory_space<semaphore_mem>>
      tpu.enqueue_indirect_dma source(%dma_start3A_412 : memref<128x8xf32, #tpu.memory_space<vmem>>) target(%dma_start3A_418 : memref<10240x8xf32, #tpu.memory_space<vmem_shared>>) offsets(%dma_start3A_415 : memref<128xi32, #tpu.memory_space<vmem>>) semaphore(%dma_start3A_420 : memref<!tpu.dma_semaphore, #tpu.memory_space<semaphore_mem>>) {add = true}
      %add3A_421 = arith.constant 8 : i32
      %add3A_422 = arith.addi %add3A_392, %add3A_421 : i32
      %lt3A_423 = arith.cmpi slt, %add3A_422, %select_n3A_7 : i32
      %convert_element_type3A_424 = arith.extui %lt3A_423 : i1 to i32
      %cond3A_425 = arith.constant 0 : i32
      %cond3A_426 = arith.cmpi ne, %convert_element_type3A_424, %cond3A_425 : i32
      scf.if %cond3A_426 {
        %dma_wait3A_617 = arith.constant 2 : i32
        %dma_wait3A_618 = arith.constant 2 : i32
        %dma_wait3A_619 = arith.constant 0 : i32
        %dma_wait3A_620 = arith.constant 0 : i32
        %dma_wait3A_621 = tpu.memref_slice %arg8[%dma_wait3A_617, %dma_wait3A_619, %dma_wait3A_620] : memref<8x128x8xf32, #tpu.memory_space<vmem>> -> memref<1x128x8xf32, #tpu.memory_space<vmem>>
        %dma_wait3A_622 = tpu.memref_squeeze %dma_wait3A_621 : memref<1x128x8xf32, #tpu.memory_space<vmem>> -> memref<128x8xf32, #tpu.memory_space<vmem>>
        %dma_wait3A_623 = arith.constant 0 : i32
        %dma_wait3A_624 = tpu.memref_slice %arg7[%add3A_392, %dma_wait3A_623] : memref<112x128xi32, #tpu.memory_space<vmem>> -> memref<1x128xi32, #tpu.memory_space<vmem>>
        %dma_wait3A_625 = tpu.memref_squeeze %dma_wait3A_624 : memref<1x128xi32, #tpu.memory_space<vmem>> -> memref<128xi32, #tpu.memory_space<vmem>>
        %dma_wait3A_626 = arith.constant 0 : i32
        %dma_wait3A_627 = arith.constant 0 : i32
        %dma_wait3A_628 = tpu.memref_slice %arg9[%dma_wait3A_626, %dma_wait3A_627] : memref<10240x8xf32, #tpu.memory_space<vmem_shared>> -> memref<10240x8xf32, #tpu.memory_space<vmem_shared>>
        %dma_wait3A_629 = tpu.memref_slice %arg11[%dma_wait3A_618] : memref<8x!tpu.dma_semaphore, #tpu.memory_space<semaphore_mem>> -> memref<1x!tpu.dma_semaphore, #tpu.memory_space<semaphore_mem>>
        %dma_wait3A_630 = tpu.memref_squeeze %dma_wait3A_629 : memref<1x!tpu.dma_semaphore, #tpu.memory_space<semaphore_mem>> -> memref<!tpu.dma_semaphore, #tpu.memory_space<semaphore_mem>>
        tpu.wait_indirect_dma semaphore(%dma_wait3A_630 : memref<!tpu.dma_semaphore, #tpu.memory_space<semaphore_mem>>) src(%dma_wait3A_622 : memref<128x8xf32, #tpu.memory_space<vmem>>) dst(%dma_wait3A_628 : memref<10240x8xf32, #tpu.memory_space<vmem_shared>>)
        %dma_start3A_631 = arith.constant 2 : i32
        %dma_start3A_632 = arith.constant 2 : i32
        %dma_start3A_633 = arith.constant 0 : i32
        %dma_start3A_634 = arith.constant 0 : i32
        %dma_start3A_635 = tpu.memref_slice %arg8[%dma_start3A_631, %dma_start3A_633, %dma_start3A_634] : memref<8x128x8xf32, #tpu.memory_space<vmem>> -> memref<1x128x8xf32, #tpu.memory_space<vmem>>
        %dma_start3A_636 = tpu.memref_squeeze %dma_start3A_635 : memref<1x128x8xf32, #tpu.memory_space<vmem>> -> memref<128x8xf32, #tpu.memory_space<vmem>>
        %dma_start3A_637 = arith.constant 0 : i32
        %dma_start3A_638 = tpu.memref_slice %arg6[%add3A_422, %dma_start3A_637] : memref<112x128xi32, #tpu.memory_space<vmem>> -> memref<1x128xi32, #tpu.memory_space<vmem>>
        %dma_start3A_639 = tpu.memref_squeeze %dma_start3A_638 : memref<1x128xi32, #tpu.memory_space<vmem>> -> memref<128xi32, #tpu.memory_space<vmem>>
        %dma_start3A_640 = arith.constant 0 : i32
        %dma_start3A_641 = arith.constant 0 : i32
        %dma_start3A_642 = tpu.memref_slice %arg2[%dma_start3A_640, %dma_start3A_641] : memref<10016x8xf32, #tpu.memory_space<hbm>> -> memref<10016x8xf32, #tpu.memory_space<hbm>>
        %dma_start3A_643 = tpu.memref_slice %arg10[%dma_start3A_632] : memref<8x!tpu.dma_semaphore, #tpu.memory_space<semaphore_mem>> -> memref<1x!tpu.dma_semaphore, #tpu.memory_space<semaphore_mem>>
        %dma_start3A_644 = tpu.memref_squeeze %dma_start3A_643 : memref<1x!tpu.dma_semaphore, #tpu.memory_space<semaphore_mem>> -> memref<!tpu.dma_semaphore, #tpu.memory_space<semaphore_mem>>
        tpu.enqueue_indirect_dma source(%dma_start3A_642 : memref<10016x8xf32, #tpu.memory_space<hbm>>) target(%dma_start3A_636 : memref<128x8xf32, #tpu.memory_space<vmem>>) offsets(%dma_start3A_639 : memref<128xi32, #tpu.memory_space<vmem>>) semaphore(%dma_start3A_644 : memref<!tpu.dma_semaphore, #tpu.memory_space<semaphore_mem>>)
      } else {
      }
      %mul3A_427 = arith.constant 8 : i32
      %mul3A_428 = arith.muli %while3A_313, %mul3A_427 : i32
      %add3A_429 = arith.constant 3 : i32
      %add3A_430 = arith.addi %mul3A_428, %add3A_429 : i32
      %dma_wait3A_431 = arith.constant 3 : i32
      %dma_wait3A_432 = arith.constant 3 : i32
      %dma_wait3A_433 = arith.constant 0 : i32
      %dma_wait3A_434 = arith.constant 0 : i32
      %dma_wait3A_435 = tpu.memref_slice %arg8[%dma_wait3A_431, %dma_wait3A_433, %dma_wait3A_434] : memref<8x128x8xf32, #tpu.memory_space<vmem>> -> memref<1x128x8xf32, #tpu.memory_space<vmem>>
      %dma_wait3A_436 = tpu.memref_squeeze %dma_wait3A_435 : memref<1x128x8xf32, #tpu.memory_space<vmem>> -> memref<128x8xf32, #tpu.memory_space<vmem>>
      %dma_wait3A_437 = arith.constant 0 : i32
      %dma_wait3A_438 = tpu.memref_slice %arg6[%add3A_430, %dma_wait3A_437] : memref<112x128xi32, #tpu.memory_space<vmem>> -> memref<1x128xi32, #tpu.memory_space<vmem>>
      %dma_wait3A_439 = tpu.memref_squeeze %dma_wait3A_438 : memref<1x128xi32, #tpu.memory_space<vmem>> -> memref<128xi32, #tpu.memory_space<vmem>>
      %dma_wait3A_440 = arith.constant 0 : i32
      %dma_wait3A_441 = arith.constant 0 : i32
      %dma_wait3A_442 = tpu.memref_slice %arg2[%dma_wait3A_440, %dma_wait3A_441] : memref<10016x8xf32, #tpu.memory_space<hbm>> -> memref<10016x8xf32, #tpu.memory_space<hbm>>
      %dma_wait3A_443 = tpu.memref_slice %arg10[%dma_wait3A_432] : memref<8x!tpu.dma_semaphore, #tpu.memory_space<semaphore_mem>> -> memref<1x!tpu.dma_semaphore, #tpu.memory_space<semaphore_mem>>
      %dma_wait3A_444 = tpu.memref_squeeze %dma_wait3A_443 : memref<1x!tpu.dma_semaphore, #tpu.memory_space<semaphore_mem>> -> memref<!tpu.dma_semaphore, #tpu.memory_space<semaphore_mem>>
      tpu.wait_indirect_dma semaphore(%dma_wait3A_444 : memref<!tpu.dma_semaphore, #tpu.memory_space<semaphore_mem>>) src(%dma_wait3A_442 : memref<10016x8xf32, #tpu.memory_space<hbm>>) dst(%dma_wait3A_436 : memref<128x8xf32, #tpu.memory_space<vmem>>)
      %dma_start3A_445 = arith.constant 3 : i32
      %dma_start3A_446 = arith.constant 3 : i32
      %dma_start3A_447 = arith.constant 0 : i32
      %dma_start3A_448 = arith.constant 0 : i32
      %dma_start3A_449 = tpu.memref_slice %arg8[%dma_start3A_445, %dma_start3A_447, %dma_start3A_448] : memref<8x128x8xf32, #tpu.memory_space<vmem>> -> memref<1x128x8xf32, #tpu.memory_space<vmem>>
      %dma_start3A_450 = tpu.memref_squeeze %dma_start3A_449 : memref<1x128x8xf32, #tpu.memory_space<vmem>> -> memref<128x8xf32, #tpu.memory_space<vmem>>
      %dma_start3A_451 = arith.constant 0 : i32
      %dma_start3A_452 = tpu.memref_slice %arg7[%add3A_430, %dma_start3A_451] : memref<112x128xi32, #tpu.memory_space<vmem>> -> memref<1x128xi32, #tpu.memory_space<vmem>>
      %dma_start3A_453 = tpu.memref_squeeze %dma_start3A_452 : memref<1x128xi32, #tpu.memory_space<vmem>> -> memref<128xi32, #tpu.memory_space<vmem>>
      %dma_start3A_454 = arith.constant 0 : i32
      %dma_start3A_455 = arith.constant 0 : i32
      %dma_start3A_456 = tpu.memref_slice %arg9[%dma_start3A_454, %dma_start3A_455] : memref<10240x8xf32, #tpu.memory_space<vmem_shared>> -> memref<10240x8xf32, #tpu.memory_space<vmem_shared>>
      %dma_start3A_457 = tpu.memref_slice %arg11[%dma_start3A_446] : memref<8x!tpu.dma_semaphore, #tpu.memory_space<semaphore_mem>> -> memref<1x!tpu.dma_semaphore, #tpu.memory_space<semaphore_mem>>
      %dma_start3A_458 = tpu.memref_squeeze %dma_start3A_457 : memref<1x!tpu.dma_semaphore, #tpu.memory_space<semaphore_mem>> -> memref<!tpu.dma_semaphore, #tpu.memory_space<semaphore_mem>>
      tpu.enqueue_indirect_dma source(%dma_start3A_450 : memref<128x8xf32, #tpu.memory_space<vmem>>) target(%dma_start3A_456 : memref<10240x8xf32, #tpu.memory_space<vmem_shared>>) offsets(%dma_start3A_453 : memref<128xi32, #tpu.memory_space<vmem>>) semaphore(%dma_start3A_458 : memref<!tpu.dma_semaphore, #tpu.memory_space<semaphore_mem>>) {add = true}
      %add3A_459 = arith.constant 8 : i32
      %add3A_460 = arith.addi %add3A_430, %add3A_459 : i32
      %lt3A_461 = arith.cmpi slt, %add3A_460, %select_n3A_7 : i32
      %convert_element_type3A_462 = arith.extui %lt3A_461 : i1 to i32
      %cond3A_463 = arith.constant 0 : i32
      %cond3A_464 = arith.cmpi ne, %convert_element_type3A_462, %cond3A_463 : i32
      scf.if %cond3A_464 {
        %dma_wait3A_617 = arith.constant 3 : i32
        %dma_wait3A_618 = arith.constant 3 : i32
        %dma_wait3A_619 = arith.constant 0 : i32
        %dma_wait3A_620 = arith.constant 0 : i32
        %dma_wait3A_621 = tpu.memref_slice %arg8[%dma_wait3A_617, %dma_wait3A_619, %dma_wait3A_620] : memref<8x128x8xf32, #tpu.memory_space<vmem>> -> memref<1x128x8xf32, #tpu.memory_space<vmem>>
        %dma_wait3A_622 = tpu.memref_squeeze %dma_wait3A_621 : memref<1x128x8xf32, #tpu.memory_space<vmem>> -> memref<128x8xf32, #tpu.memory_space<vmem>>
        %dma_wait3A_623 = arith.constant 0 : i32
        %dma_wait3A_624 = tpu.memref_slice %arg7[%add3A_430, %dma_wait3A_623] : memref<112x128xi32, #tpu.memory_space<vmem>> -> memref<1x128xi32, #tpu.memory_space<vmem>>
        %dma_wait3A_625 = tpu.memref_squeeze %dma_wait3A_624 : memref<1x128xi32, #tpu.memory_space<vmem>> -> memref<128xi32, #tpu.memory_space<vmem>>
        %dma_wait3A_626 = arith.constant 0 : i32
        %dma_wait3A_627 = arith.constant 0 : i32
        %dma_wait3A_628 = tpu.memref_slice %arg9[%dma_wait3A_626, %dma_wait3A_627] : memref<10240x8xf32, #tpu.memory_space<vmem_shared>> -> memref<10240x8xf32, #tpu.memory_space<vmem_shared>>
        %dma_wait3A_629 = tpu.memref_slice %arg11[%dma_wait3A_618] : memref<8x!tpu.dma_semaphore, #tpu.memory_space<semaphore_mem>> -> memref<1x!tpu.dma_semaphore, #tpu.memory_space<semaphore_mem>>
        %dma_wait3A_630 = tpu.memref_squeeze %dma_wait3A_629 : memref<1x!tpu.dma_semaphore, #tpu.memory_space<semaphore_mem>> -> memref<!tpu.dma_semaphore, #tpu.memory_space<semaphore_mem>>
        tpu.wait_indirect_dma semaphore(%dma_wait3A_630 : memref<!tpu.dma_semaphore, #tpu.memory_space<semaphore_mem>>) src(%dma_wait3A_622 : memref<128x8xf32, #tpu.memory_space<vmem>>) dst(%dma_wait3A_628 : memref<10240x8xf32, #tpu.memory_space<vmem_shared>>)
        %dma_start3A_631 = arith.constant 3 : i32
        %dma_start3A_632 = arith.constant 3 : i32
        %dma_start3A_633 = arith.constant 0 : i32
        %dma_start3A_634 = arith.constant 0 : i32
        %dma_start3A_635 = tpu.memref_slice %arg8[%dma_start3A_631, %dma_start3A_633, %dma_start3A_634] : memref<8x128x8xf32, #tpu.memory_space<vmem>> -> memref<1x128x8xf32, #tpu.memory_space<vmem>>
        %dma_start3A_636 = tpu.memref_squeeze %dma_start3A_635 : memref<1x128x8xf32, #tpu.memory_space<vmem>> -> memref<128x8xf32, #tpu.memory_space<vmem>>
        %dma_start3A_637 = arith.constant 0 : i32
        %dma_start3A_638 = tpu.memref_slice %arg6[%add3A_460, %dma_start3A_637] : memref<112x128xi32, #tpu.memory_space<vmem>> -> memref<1x128xi32, #tpu.memory_space<vmem>>
        %dma_start3A_639 = tpu.memref_squeeze %dma_start3A_638 : memref<1x128xi32, #tpu.memory_space<vmem>> -> memref<128xi32, #tpu.memory_space<vmem>>
        %dma_start3A_640 = arith.constant 0 : i32
        %dma_start3A_641 = arith.constant 0 : i32
        %dma_start3A_642 = tpu.memref_slice %arg2[%dma_start3A_640, %dma_start3A_641] : memref<10016x8xf32, #tpu.memory_space<hbm>> -> memref<10016x8xf32, #tpu.memory_space<hbm>>
        %dma_start3A_643 = tpu.memref_slice %arg10[%dma_start3A_632] : memref<8x!tpu.dma_semaphore, #tpu.memory_space<semaphore_mem>> -> memref<1x!tpu.dma_semaphore, #tpu.memory_space<semaphore_mem>>
        %dma_start3A_644 = tpu.memref_squeeze %dma_start3A_643 : memref<1x!tpu.dma_semaphore, #tpu.memory_space<semaphore_mem>> -> memref<!tpu.dma_semaphore, #tpu.memory_space<semaphore_mem>>
        tpu.enqueue_indirect_dma source(%dma_start3A_642 : memref<10016x8xf32, #tpu.memory_space<hbm>>) target(%dma_start3A_636 : memref<128x8xf32, #tpu.memory_space<vmem>>) offsets(%dma_start3A_639 : memref<128xi32, #tpu.memory_space<vmem>>) semaphore(%dma_start3A_644 : memref<!tpu.dma_semaphore, #tpu.memory_space<semaphore_mem>>)
      } else {
      }
      %mul3A_465 = arith.constant 8 : i32
      %mul3A_466 = arith.muli %while3A_313, %mul3A_465 : i32
      %add3A_467 = arith.constant 4 : i32
      %add3A_468 = arith.addi %mul3A_466, %add3A_467 : i32
      %dma_wait3A_469 = arith.constant 4 : i32
      %dma_wait3A_470 = arith.constant 4 : i32
      %dma_wait3A_471 = arith.constant 0 : i32
      %dma_wait3A_472 = arith.constant 0 : i32
      %dma_wait3A_473 = tpu.memref_slice %arg8[%dma_wait3A_469, %dma_wait3A_471, %dma_wait3A_472] : memref<8x128x8xf32, #tpu.memory_space<vmem>> -> memref<1x128x8xf32, #tpu.memory_space<vmem>>
      %dma_wait3A_474 = tpu.memref_squeeze %dma_wait3A_473 : memref<1x128x8xf32, #tpu.memory_space<vmem>> -> memref<128x8xf32, #tpu.memory_space<vmem>>
      %dma_wait3A_475 = arith.constant 0 : i32
      %dma_wait3A_476 = tpu.memref_slice %arg6[%add3A_468, %dma_wait3A_475] : memref<112x128xi32, #tpu.memory_space<vmem>> -> memref<1x128xi32, #tpu.memory_space<vmem>>
      %dma_wait3A_477 = tpu.memref_squeeze %dma_wait3A_476 : memref<1x128xi32, #tpu.memory_space<vmem>> -> memref<128xi32, #tpu.memory_space<vmem>>
      %dma_wait3A_478 = arith.constant 0 : i32
      %dma_wait3A_479 = arith.constant 0 : i32
      %dma_wait3A_480 = tpu.memref_slice %arg2[%dma_wait3A_478, %dma_wait3A_479] : memref<10016x8xf32, #tpu.memory_space<hbm>> -> memref<10016x8xf32, #tpu.memory_space<hbm>>
      %dma_wait3A_481 = tpu.memref_slice %arg10[%dma_wait3A_470] : memref<8x!tpu.dma_semaphore, #tpu.memory_space<semaphore_mem>> -> memref<1x!tpu.dma_semaphore, #tpu.memory_space<semaphore_mem>>
      %dma_wait3A_482 = tpu.memref_squeeze %dma_wait3A_481 : memref<1x!tpu.dma_semaphore, #tpu.memory_space<semaphore_mem>> -> memref<!tpu.dma_semaphore, #tpu.memory_space<semaphore_mem>>
      tpu.wait_indirect_dma semaphore(%dma_wait3A_482 : memref<!tpu.dma_semaphore, #tpu.memory_space<semaphore_mem>>) src(%dma_wait3A_480 : memref<10016x8xf32, #tpu.memory_space<hbm>>) dst(%dma_wait3A_474 : memref<128x8xf32, #tpu.memory_space<vmem>>)
      %dma_start3A_483 = arith.constant 4 : i32
      %dma_start3A_484 = arith.constant 4 : i32
      %dma_start3A_485 = arith.constant 0 : i32
      %dma_start3A_486 = arith.constant 0 : i32
      %dma_start3A_487 = tpu.memref_slice %arg8[%dma_start3A_483, %dma_start3A_485, %dma_start3A_486] : memref<8x128x8xf32, #tpu.memory_space<vmem>> -> memref<1x128x8xf32, #tpu.memory_space<vmem>>
      %dma_start3A_488 = tpu.memref_squeeze %dma_start3A_487 : memref<1x128x8xf32, #tpu.memory_space<vmem>> -> memref<128x8xf32, #tpu.memory_space<vmem>>
      %dma_start3A_489 = arith.constant 0 : i32
      %dma_start3A_490 = tpu.memref_slice %arg7[%add3A_468, %dma_start3A_489] : memref<112x128xi32, #tpu.memory_space<vmem>> -> memref<1x128xi32, #tpu.memory_space<vmem>>
      %dma_start3A_491 = tpu.memref_squeeze %dma_start3A_490 : memref<1x128xi32, #tpu.memory_space<vmem>> -> memref<128xi32, #tpu.memory_space<vmem>>
      %dma_start3A_492 = arith.constant 0 : i32
      %dma_start3A_493 = arith.constant 0 : i32
      %dma_start3A_494 = tpu.memref_slice %arg9[%dma_start3A_492, %dma_start3A_493] : memref<10240x8xf32, #tpu.memory_space<vmem_shared>> -> memref<10240x8xf32, #tpu.memory_space<vmem_shared>>
      %dma_start3A_495 = tpu.memref_slice %arg11[%dma_start3A_484] : memref<8x!tpu.dma_semaphore, #tpu.memory_space<semaphore_mem>> -> memref<1x!tpu.dma_semaphore, #tpu.memory_space<semaphore_mem>>
      %dma_start3A_496 = tpu.memref_squeeze %dma_start3A_495 : memref<1x!tpu.dma_semaphore, #tpu.memory_space<semaphore_mem>> -> memref<!tpu.dma_semaphore, #tpu.memory_space<semaphore_mem>>
      tpu.enqueue_indirect_dma source(%dma_start3A_488 : memref<128x8xf32, #tpu.memory_space<vmem>>) target(%dma_start3A_494 : memref<10240x8xf32, #tpu.memory_space<vmem_shared>>) offsets(%dma_start3A_491 : memref<128xi32, #tpu.memory_space<vmem>>) semaphore(%dma_start3A_496 : memref<!tpu.dma_semaphore, #tpu.memory_space<semaphore_mem>>) {add = true}
      %add3A_497 = arith.constant 8 : i32
      %add3A_498 = arith.addi %add3A_468, %add3A_497 : i32
      %lt3A_499 = arith.cmpi slt, %add3A_498, %select_n3A_7 : i32
      %convert_element_type3A_500 = arith.extui %lt3A_499 : i1 to i32
      %cond3A_501 = arith.constant 0 : i32
      %cond3A_502 = arith.cmpi ne, %convert_element_type3A_500, %cond3A_501 : i32
      scf.if %cond3A_502 {
        %dma_wait3A_617 = arith.constant 4 : i32
        %dma_wait3A_618 = arith.constant 4 : i32
        %dma_wait3A_619 = arith.constant 0 : i32
        %dma_wait3A_620 = arith.constant 0 : i32
        %dma_wait3A_621 = tpu.memref_slice %arg8[%dma_wait3A_617, %dma_wait3A_619, %dma_wait3A_620] : memref<8x128x8xf32, #tpu.memory_space<vmem>> -> memref<1x128x8xf32, #tpu.memory_space<vmem>>
        %dma_wait3A_622 = tpu.memref_squeeze %dma_wait3A_621 : memref<1x128x8xf32, #tpu.memory_space<vmem>> -> memref<128x8xf32, #tpu.memory_space<vmem>>
        %dma_wait3A_623 = arith.constant 0 : i32
        %dma_wait3A_624 = tpu.memref_slice %arg7[%add3A_468, %dma_wait3A_623] : memref<112x128xi32, #tpu.memory_space<vmem>> -> memref<1x128xi32, #tpu.memory_space<vmem>>
        %dma_wait3A_625 = tpu.memref_squeeze %dma_wait3A_624 : memref<1x128xi32, #tpu.memory_space<vmem>> -> memref<128xi32, #tpu.memory_space<vmem>>
        %dma_wait3A_626 = arith.constant 0 : i32
        %dma_wait3A_627 = arith.constant 0 : i32
        %dma_wait3A_628 = tpu.memref_slice %arg9[%dma_wait3A_626, %dma_wait3A_627] : memref<10240x8xf32, #tpu.memory_space<vmem_shared>> -> memref<10240x8xf32, #tpu.memory_space<vmem_shared>>
        %dma_wait3A_629 = tpu.memref_slice %arg11[%dma_wait3A_618] : memref<8x!tpu.dma_semaphore, #tpu.memory_space<semaphore_mem>> -> memref<1x!tpu.dma_semaphore, #tpu.memory_space<semaphore_mem>>
        %dma_wait3A_630 = tpu.memref_squeeze %dma_wait3A_629 : memref<1x!tpu.dma_semaphore, #tpu.memory_space<semaphore_mem>> -> memref<!tpu.dma_semaphore, #tpu.memory_space<semaphore_mem>>
        tpu.wait_indirect_dma semaphore(%dma_wait3A_630 : memref<!tpu.dma_semaphore, #tpu.memory_space<semaphore_mem>>) src(%dma_wait3A_622 : memref<128x8xf32, #tpu.memory_space<vmem>>) dst(%dma_wait3A_628 : memref<10240x8xf32, #tpu.memory_space<vmem_shared>>)
        %dma_start3A_631 = arith.constant 4 : i32
        %dma_start3A_632 = arith.constant 4 : i32
        %dma_start3A_633 = arith.constant 0 : i32
        %dma_start3A_634 = arith.constant 0 : i32
        %dma_start3A_635 = tpu.memref_slice %arg8[%dma_start3A_631, %dma_start3A_633, %dma_start3A_634] : memref<8x128x8xf32, #tpu.memory_space<vmem>> -> memref<1x128x8xf32, #tpu.memory_space<vmem>>
        %dma_start3A_636 = tpu.memref_squeeze %dma_start3A_635 : memref<1x128x8xf32, #tpu.memory_space<vmem>> -> memref<128x8xf32, #tpu.memory_space<vmem>>
        %dma_start3A_637 = arith.constant 0 : i32
        %dma_start3A_638 = tpu.memref_slice %arg6[%add3A_498, %dma_start3A_637] : memref<112x128xi32, #tpu.memory_space<vmem>> -> memref<1x128xi32, #tpu.memory_space<vmem>>
        %dma_start3A_639 = tpu.memref_squeeze %dma_start3A_638 : memref<1x128xi32, #tpu.memory_space<vmem>> -> memref<128xi32, #tpu.memory_space<vmem>>
        %dma_start3A_640 = arith.constant 0 : i32
        %dma_start3A_641 = arith.constant 0 : i32
        %dma_start3A_642 = tpu.memref_slice %arg2[%dma_start3A_640, %dma_start3A_641] : memref<10016x8xf32, #tpu.memory_space<hbm>> -> memref<10016x8xf32, #tpu.memory_space<hbm>>
        %dma_start3A_643 = tpu.memref_slice %arg10[%dma_start3A_632] : memref<8x!tpu.dma_semaphore, #tpu.memory_space<semaphore_mem>> -> memref<1x!tpu.dma_semaphore, #tpu.memory_space<semaphore_mem>>
        %dma_start3A_644 = tpu.memref_squeeze %dma_start3A_643 : memref<1x!tpu.dma_semaphore, #tpu.memory_space<semaphore_mem>> -> memref<!tpu.dma_semaphore, #tpu.memory_space<semaphore_mem>>
        tpu.enqueue_indirect_dma source(%dma_start3A_642 : memref<10016x8xf32, #tpu.memory_space<hbm>>) target(%dma_start3A_636 : memref<128x8xf32, #tpu.memory_space<vmem>>) offsets(%dma_start3A_639 : memref<128xi32, #tpu.memory_space<vmem>>) semaphore(%dma_start3A_644 : memref<!tpu.dma_semaphore, #tpu.memory_space<semaphore_mem>>)
      } else {
      }
      %mul3A_503 = arith.constant 8 : i32
      %mul3A_504 = arith.muli %while3A_313, %mul3A_503 : i32
      %add3A_505 = arith.constant 5 : i32
      %add3A_506 = arith.addi %mul3A_504, %add3A_505 : i32
      %dma_wait3A_507 = arith.constant 5 : i32
      %dma_wait3A_508 = arith.constant 5 : i32
      %dma_wait3A_509 = arith.constant 0 : i32
      %dma_wait3A_510 = arith.constant 0 : i32
      %dma_wait3A_511 = tpu.memref_slice %arg8[%dma_wait3A_507, %dma_wait3A_509, %dma_wait3A_510] : memref<8x128x8xf32, #tpu.memory_space<vmem>> -> memref<1x128x8xf32, #tpu.memory_space<vmem>>
      %dma_wait3A_512 = tpu.memref_squeeze %dma_wait3A_511 : memref<1x128x8xf32, #tpu.memory_space<vmem>> -> memref<128x8xf32, #tpu.memory_space<vmem>>
      %dma_wait3A_513 = arith.constant 0 : i32
      %dma_wait3A_514 = tpu.memref_slice %arg6[%add3A_506, %dma_wait3A_513] : memref<112x128xi32, #tpu.memory_space<vmem>> -> memref<1x128xi32, #tpu.memory_space<vmem>>
      %dma_wait3A_515 = tpu.memref_squeeze %dma_wait3A_514 : memref<1x128xi32, #tpu.memory_space<vmem>> -> memref<128xi32, #tpu.memory_space<vmem>>
      %dma_wait3A_516 = arith.constant 0 : i32
      %dma_wait3A_517 = arith.constant 0 : i32
      %dma_wait3A_518 = tpu.memref_slice %arg2[%dma_wait3A_516, %dma_wait3A_517] : memref<10016x8xf32, #tpu.memory_space<hbm>> -> memref<10016x8xf32, #tpu.memory_space<hbm>>
      %dma_wait3A_519 = tpu.memref_slice %arg10[%dma_wait3A_508] : memref<8x!tpu.dma_semaphore, #tpu.memory_space<semaphore_mem>> -> memref<1x!tpu.dma_semaphore, #tpu.memory_space<semaphore_mem>>
      %dma_wait3A_520 = tpu.memref_squeeze %dma_wait3A_519 : memref<1x!tpu.dma_semaphore, #tpu.memory_space<semaphore_mem>> -> memref<!tpu.dma_semaphore, #tpu.memory_space<semaphore_mem>>
      tpu.wait_indirect_dma semaphore(%dma_wait3A_520 : memref<!tpu.dma_semaphore, #tpu.memory_space<semaphore_mem>>) src(%dma_wait3A_518 : memref<10016x8xf32, #tpu.memory_space<hbm>>) dst(%dma_wait3A_512 : memref<128x8xf32, #tpu.memory_space<vmem>>)
      %dma_start3A_521 = arith.constant 5 : i32
      %dma_start3A_522 = arith.constant 5 : i32
      %dma_start3A_523 = arith.constant 0 : i32
      %dma_start3A_524 = arith.constant 0 : i32
      %dma_start3A_525 = tpu.memref_slice %arg8[%dma_start3A_521, %dma_start3A_523, %dma_start3A_524] : memref<8x128x8xf32, #tpu.memory_space<vmem>> -> memref<1x128x8xf32, #tpu.memory_space<vmem>>
      %dma_start3A_526 = tpu.memref_squeeze %dma_start3A_525 : memref<1x128x8xf32, #tpu.memory_space<vmem>> -> memref<128x8xf32, #tpu.memory_space<vmem>>
      %dma_start3A_527 = arith.constant 0 : i32
      %dma_start3A_528 = tpu.memref_slice %arg7[%add3A_506, %dma_start3A_527] : memref<112x128xi32, #tpu.memory_space<vmem>> -> memref<1x128xi32, #tpu.memory_space<vmem>>
      %dma_start3A_529 = tpu.memref_squeeze %dma_start3A_528 : memref<1x128xi32, #tpu.memory_space<vmem>> -> memref<128xi32, #tpu.memory_space<vmem>>
      %dma_start3A_530 = arith.constant 0 : i32
      %dma_start3A_531 = arith.constant 0 : i32
      %dma_start3A_532 = tpu.memref_slice %arg9[%dma_start3A_530, %dma_start3A_531] : memref<10240x8xf32, #tpu.memory_space<vmem_shared>> -> memref<10240x8xf32, #tpu.memory_space<vmem_shared>>
      %dma_start3A_533 = tpu.memref_slice %arg11[%dma_start3A_522] : memref<8x!tpu.dma_semaphore, #tpu.memory_space<semaphore_mem>> -> memref<1x!tpu.dma_semaphore, #tpu.memory_space<semaphore_mem>>
      %dma_start3A_534 = tpu.memref_squeeze %dma_start3A_533 : memref<1x!tpu.dma_semaphore, #tpu.memory_space<semaphore_mem>> -> memref<!tpu.dma_semaphore, #tpu.memory_space<semaphore_mem>>
      tpu.enqueue_indirect_dma source(%dma_start3A_526 : memref<128x8xf32, #tpu.memory_space<vmem>>) target(%dma_start3A_532 : memref<10240x8xf32, #tpu.memory_space<vmem_shared>>) offsets(%dma_start3A_529 : memref<128xi32, #tpu.memory_space<vmem>>) semaphore(%dma_start3A_534 : memref<!tpu.dma_semaphore, #tpu.memory_space<semaphore_mem>>) {add = true}
      %add3A_535 = arith.constant 8 : i32
      %add3A_536 = arith.addi %add3A_506, %add3A_535 : i32
      %lt3A_537 = arith.cmpi slt, %add3A_536, %select_n3A_7 : i32
      %convert_element_type3A_538 = arith.extui %lt3A_537 : i1 to i32
      %cond3A_539 = arith.constant 0 : i32
      %cond3A_540 = arith.cmpi ne, %convert_element_type3A_538, %cond3A_539 : i32
      scf.if %cond3A_540 {
        %dma_wait3A_617 = arith.constant 5 : i32
        %dma_wait3A_618 = arith.constant 5 : i32
        %dma_wait3A_619 = arith.constant 0 : i32
        %dma_wait3A_620 = arith.constant 0 : i32
        %dma_wait3A_621 = tpu.memref_slice %arg8[%dma_wait3A_617, %dma_wait3A_619, %dma_wait3A_620] : memref<8x128x8xf32, #tpu.memory_space<vmem>> -> memref<1x128x8xf32, #tpu.memory_space<vmem>>
        %dma_wait3A_622 = tpu.memref_squeeze %dma_wait3A_621 : memref<1x128x8xf32, #tpu.memory_space<vmem>> -> memref<128x8xf32, #tpu.memory_space<vmem>>
        %dma_wait3A_623 = arith.constant 0 : i32
        %dma_wait3A_624 = tpu.memref_slice %arg7[%add3A_506, %dma_wait3A_623] : memref<112x128xi32, #tpu.memory_space<vmem>> -> memref<1x128xi32, #tpu.memory_space<vmem>>
        %dma_wait3A_625 = tpu.memref_squeeze %dma_wait3A_624 : memref<1x128xi32, #tpu.memory_space<vmem>> -> memref<128xi32, #tpu.memory_space<vmem>>
        %dma_wait3A_626 = arith.constant 0 : i32
        %dma_wait3A_627 = arith.constant 0 : i32
        %dma_wait3A_628 = tpu.memref_slice %arg9[%dma_wait3A_626, %dma_wait3A_627] : memref<10240x8xf32, #tpu.memory_space<vmem_shared>> -> memref<10240x8xf32, #tpu.memory_space<vmem_shared>>
        %dma_wait3A_629 = tpu.memref_slice %arg11[%dma_wait3A_618] : memref<8x!tpu.dma_semaphore, #tpu.memory_space<semaphore_mem>> -> memref<1x!tpu.dma_semaphore, #tpu.memory_space<semaphore_mem>>
        %dma_wait3A_630 = tpu.memref_squeeze %dma_wait3A_629 : memref<1x!tpu.dma_semaphore, #tpu.memory_space<semaphore_mem>> -> memref<!tpu.dma_semaphore, #tpu.memory_space<semaphore_mem>>
        tpu.wait_indirect_dma semaphore(%dma_wait3A_630 : memref<!tpu.dma_semaphore, #tpu.memory_space<semaphore_mem>>) src(%dma_wait3A_622 : memref<128x8xf32, #tpu.memory_space<vmem>>) dst(%dma_wait3A_628 : memref<10240x8xf32, #tpu.memory_space<vmem_shared>>)
        %dma_start3A_631 = arith.constant 5 : i32
        %dma_start3A_632 = arith.constant 5 : i32
        %dma_start3A_633 = arith.constant 0 : i32
        %dma_start3A_634 = arith.constant 0 : i32
        %dma_start3A_635 = tpu.memref_slice %arg8[%dma_start3A_631, %dma_start3A_633, %dma_start3A_634] : memref<8x128x8xf32, #tpu.memory_space<vmem>> -> memref<1x128x8xf32, #tpu.memory_space<vmem>>
        %dma_start3A_636 = tpu.memref_squeeze %dma_start3A_635 : memref<1x128x8xf32, #tpu.memory_space<vmem>> -> memref<128x8xf32, #tpu.memory_space<vmem>>
        %dma_start3A_637 = arith.constant 0 : i32
        %dma_start3A_638 = tpu.memref_slice %arg6[%add3A_536, %dma_start3A_637] : memref<112x128xi32, #tpu.memory_space<vmem>> -> memref<1x128xi32, #tpu.memory_space<vmem>>
        %dma_start3A_639 = tpu.memref_squeeze %dma_start3A_638 : memref<1x128xi32, #tpu.memory_space<vmem>> -> memref<128xi32, #tpu.memory_space<vmem>>
        %dma_start3A_640 = arith.constant 0 : i32
        %dma_start3A_641 = arith.constant 0 : i32
        %dma_start3A_642 = tpu.memref_slice %arg2[%dma_start3A_640, %dma_start3A_641] : memref<10016x8xf32, #tpu.memory_space<hbm>> -> memref<10016x8xf32, #tpu.memory_space<hbm>>
        %dma_start3A_643 = tpu.memref_slice %arg10[%dma_start3A_632] : memref<8x!tpu.dma_semaphore, #tpu.memory_space<semaphore_mem>> -> memref<1x!tpu.dma_semaphore, #tpu.memory_space<semaphore_mem>>
        %dma_start3A_644 = tpu.memref_squeeze %dma_start3A_643 : memref<1x!tpu.dma_semaphore, #tpu.memory_space<semaphore_mem>> -> memref<!tpu.dma_semaphore, #tpu.memory_space<semaphore_mem>>
        tpu.enqueue_indirect_dma source(%dma_start3A_642 : memref<10016x8xf32, #tpu.memory_space<hbm>>) target(%dma_start3A_636 : memref<128x8xf32, #tpu.memory_space<vmem>>) offsets(%dma_start3A_639 : memref<128xi32, #tpu.memory_space<vmem>>) semaphore(%dma_start3A_644 : memref<!tpu.dma_semaphore, #tpu.memory_space<semaphore_mem>>)
      } else {
      }
      %mul3A_541 = arith.constant 8 : i32
      %mul3A_542 = arith.muli %while3A_313, %mul3A_541 : i32
      %add3A_543 = arith.constant 6 : i32
      %add3A_544 = arith.addi %mul3A_542, %add3A_543 : i32
      %dma_wait3A_545 = arith.constant 6 : i32
      %dma_wait3A_546 = arith.constant 6 : i32
      %dma_wait3A_547 = arith.constant 0 : i32
      %dma_wait3A_548 = arith.constant 0 : i32
      %dma_wait3A_549 = tpu.memref_slice %arg8[%dma_wait3A_545, %dma_wait3A_547, %dma_wait3A_548] : memref<8x128x8xf32, #tpu.memory_space<vmem>> -> memref<1x128x8xf32, #tpu.memory_space<vmem>>
      %dma_wait3A_550 = tpu.memref_squeeze %dma_wait3A_549 : memref<1x128x8xf32, #tpu.memory_space<vmem>> -> memref<128x8xf32, #tpu.memory_space<vmem>>
      %dma_wait3A_551 = arith.constant 0 : i32
      %dma_wait3A_552 = tpu.memref_slice %arg6[%add3A_544, %dma_wait3A_551] : memref<112x128xi32, #tpu.memory_space<vmem>> -> memref<1x128xi32, #tpu.memory_space<vmem>>
      %dma_wait3A_553 = tpu.memref_squeeze %dma_wait3A_552 : memref<1x128xi32, #tpu.memory_space<vmem>> -> memref<128xi32, #tpu.memory_space<vmem>>
      %dma_wait3A_554 = arith.constant 0 : i32
      %dma_wait3A_555 = arith.constant 0 : i32
      %dma_wait3A_556 = tpu.memref_slice %arg2[%dma_wait3A_554, %dma_wait3A_555] : memref<10016x8xf32, #tpu.memory_space<hbm>> -> memref<10016x8xf32, #tpu.memory_space<hbm>>
      %dma_wait3A_557 = tpu.memref_slice %arg10[%dma_wait3A_546] : memref<8x!tpu.dma_semaphore, #tpu.memory_space<semaphore_mem>> -> memref<1x!tpu.dma_semaphore, #tpu.memory_space<semaphore_mem>>
      %dma_wait3A_558 = tpu.memref_squeeze %dma_wait3A_557 : memref<1x!tpu.dma_semaphore, #tpu.memory_space<semaphore_mem>> -> memref<!tpu.dma_semaphore, #tpu.memory_space<semaphore_mem>>
      tpu.wait_indirect_dma semaphore(%dma_wait3A_558 : memref<!tpu.dma_semaphore, #tpu.memory_space<semaphore_mem>>) src(%dma_wait3A_556 : memref<10016x8xf32, #tpu.memory_space<hbm>>) dst(%dma_wait3A_550 : memref<128x8xf32, #tpu.memory_space<vmem>>)
      %dma_start3A_559 = arith.constant 6 : i32
      %dma_start3A_560 = arith.constant 6 : i32
      %dma_start3A_561 = arith.constant 0 : i32
      %dma_start3A_562 = arith.constant 0 : i32
      %dma_start3A_563 = tpu.memref_slice %arg8[%dma_start3A_559, %dma_start3A_561, %dma_start3A_562] : memref<8x128x8xf32, #tpu.memory_space<vmem>> -> memref<1x128x8xf32, #tpu.memory_space<vmem>>
      %dma_start3A_564 = tpu.memref_squeeze %dma_start3A_563 : memref<1x128x8xf32, #tpu.memory_space<vmem>> -> memref<128x8xf32, #tpu.memory_space<vmem>>
      %dma_start3A_565 = arith.constant 0 : i32
      %dma_start3A_566 = tpu.memref_slice %arg7[%add3A_544, %dma_start3A_565] : memref<112x128xi32, #tpu.memory_space<vmem>> -> memref<1x128xi32, #tpu.memory_space<vmem>>
      %dma_start3A_567 = tpu.memref_squeeze %dma_start3A_566 : memref<1x128xi32, #tpu.memory_space<vmem>> -> memref<128xi32, #tpu.memory_space<vmem>>
      %dma_start3A_568 = arith.constant 0 : i32
      %dma_start3A_569 = arith.constant 0 : i32
      %dma_start3A_570 = tpu.memref_slice %arg9[%dma_start3A_568, %dma_start3A_569] : memref<10240x8xf32, #tpu.memory_space<vmem_shared>> -> memref<10240x8xf32, #tpu.memory_space<vmem_shared>>
      %dma_start3A_571 = tpu.memref_slice %arg11[%dma_start3A_560] : memref<8x!tpu.dma_semaphore, #tpu.memory_space<semaphore_mem>> -> memref<1x!tpu.dma_semaphore, #tpu.memory_space<semaphore_mem>>
      %dma_start3A_572 = tpu.memref_squeeze %dma_start3A_571 : memref<1x!tpu.dma_semaphore, #tpu.memory_space<semaphore_mem>> -> memref<!tpu.dma_semaphore, #tpu.memory_space<semaphore_mem>>
      tpu.enqueue_indirect_dma source(%dma_start3A_564 : memref<128x8xf32, #tpu.memory_space<vmem>>) target(%dma_start3A_570 : memref<10240x8xf32, #tpu.memory_space<vmem_shared>>) offsets(%dma_start3A_567 : memref<128xi32, #tpu.memory_space<vmem>>) semaphore(%dma_start3A_572 : memref<!tpu.dma_semaphore, #tpu.memory_space<semaphore_mem>>) {add = true}
      %add3A_573 = arith.constant 8 : i32
      %add3A_574 = arith.addi %add3A_544, %add3A_573 : i32
      %lt3A_575 = arith.cmpi slt, %add3A_574, %select_n3A_7 : i32
      %convert_element_type3A_576 = arith.extui %lt3A_575 : i1 to i32
      %cond3A_577 = arith.constant 0 : i32
      %cond3A_578 = arith.cmpi ne, %convert_element_type3A_576, %cond3A_577 : i32
      scf.if %cond3A_578 {
        %dma_wait3A_617 = arith.constant 6 : i32
        %dma_wait3A_618 = arith.constant 6 : i32
        %dma_wait3A_619 = arith.constant 0 : i32
        %dma_wait3A_620 = arith.constant 0 : i32
        %dma_wait3A_621 = tpu.memref_slice %arg8[%dma_wait3A_617, %dma_wait3A_619, %dma_wait3A_620] : memref<8x128x8xf32, #tpu.memory_space<vmem>> -> memref<1x128x8xf32, #tpu.memory_space<vmem>>
        %dma_wait3A_622 = tpu.memref_squeeze %dma_wait3A_621 : memref<1x128x8xf32, #tpu.memory_space<vmem>> -> memref<128x8xf32, #tpu.memory_space<vmem>>
        %dma_wait3A_623 = arith.constant 0 : i32
        %dma_wait3A_624 = tpu.memref_slice %arg7[%add3A_544, %dma_wait3A_623] : memref<112x128xi32, #tpu.memory_space<vmem>> -> memref<1x128xi32, #tpu.memory_space<vmem>>
        %dma_wait3A_625 = tpu.memref_squeeze %dma_wait3A_624 : memref<1x128xi32, #tpu.memory_space<vmem>> -> memref<128xi32, #tpu.memory_space<vmem>>
        %dma_wait3A_626 = arith.constant 0 : i32
        %dma_wait3A_627 = arith.constant 0 : i32
        %dma_wait3A_628 = tpu.memref_slice %arg9[%dma_wait3A_626, %dma_wait3A_627] : memref<10240x8xf32, #tpu.memory_space<vmem_shared>> -> memref<10240x8xf32, #tpu.memory_space<vmem_shared>>
        %dma_wait3A_629 = tpu.memref_slice %arg11[%dma_wait3A_618] : memref<8x!tpu.dma_semaphore, #tpu.memory_space<semaphore_mem>> -> memref<1x!tpu.dma_semaphore, #tpu.memory_space<semaphore_mem>>
        %dma_wait3A_630 = tpu.memref_squeeze %dma_wait3A_629 : memref<1x!tpu.dma_semaphore, #tpu.memory_space<semaphore_mem>> -> memref<!tpu.dma_semaphore, #tpu.memory_space<semaphore_mem>>
        tpu.wait_indirect_dma semaphore(%dma_wait3A_630 : memref<!tpu.dma_semaphore, #tpu.memory_space<semaphore_mem>>) src(%dma_wait3A_622 : memref<128x8xf32, #tpu.memory_space<vmem>>) dst(%dma_wait3A_628 : memref<10240x8xf32, #tpu.memory_space<vmem_shared>>)
        %dma_start3A_631 = arith.constant 6 : i32
        %dma_start3A_632 = arith.constant 6 : i32
        %dma_start3A_633 = arith.constant 0 : i32
        %dma_start3A_634 = arith.constant 0 : i32
        %dma_start3A_635 = tpu.memref_slice %arg8[%dma_start3A_631, %dma_start3A_633, %dma_start3A_634] : memref<8x128x8xf32, #tpu.memory_space<vmem>> -> memref<1x128x8xf32, #tpu.memory_space<vmem>>
        %dma_start3A_636 = tpu.memref_squeeze %dma_start3A_635 : memref<1x128x8xf32, #tpu.memory_space<vmem>> -> memref<128x8xf32, #tpu.memory_space<vmem>>
        %dma_start3A_637 = arith.constant 0 : i32
        %dma_start3A_638 = tpu.memref_slice %arg6[%add3A_574, %dma_start3A_637] : memref<112x128xi32, #tpu.memory_space<vmem>> -> memref<1x128xi32, #tpu.memory_space<vmem>>
        %dma_start3A_639 = tpu.memref_squeeze %dma_start3A_638 : memref<1x128xi32, #tpu.memory_space<vmem>> -> memref<128xi32, #tpu.memory_space<vmem>>
        %dma_start3A_640 = arith.constant 0 : i32
        %dma_start3A_641 = arith.constant 0 : i32
        %dma_start3A_642 = tpu.memref_slice %arg2[%dma_start3A_640, %dma_start3A_641] : memref<10016x8xf32, #tpu.memory_space<hbm>> -> memref<10016x8xf32, #tpu.memory_space<hbm>>
        %dma_start3A_643 = tpu.memref_slice %arg10[%dma_start3A_632] : memref<8x!tpu.dma_semaphore, #tpu.memory_space<semaphore_mem>> -> memref<1x!tpu.dma_semaphore, #tpu.memory_space<semaphore_mem>>
        %dma_start3A_644 = tpu.memref_squeeze %dma_start3A_643 : memref<1x!tpu.dma_semaphore, #tpu.memory_space<semaphore_mem>> -> memref<!tpu.dma_semaphore, #tpu.memory_space<semaphore_mem>>
        tpu.enqueue_indirect_dma source(%dma_start3A_642 : memref<10016x8xf32, #tpu.memory_space<hbm>>) target(%dma_start3A_636 : memref<128x8xf32, #tpu.memory_space<vmem>>) offsets(%dma_start3A_639 : memref<128xi32, #tpu.memory_space<vmem>>) semaphore(%dma_start3A_644 : memref<!tpu.dma_semaphore, #tpu.memory_space<semaphore_mem>>)
      } else {
      }
      %mul3A_579 = arith.constant 8 : i32
      %mul3A_580 = arith.muli %while3A_313, %mul3A_579 : i32
      %add3A_581 = arith.constant 7 : i32
      %add3A_582 = arith.addi %mul3A_580, %add3A_581 : i32
      %dma_wait3A_583 = arith.constant 7 : i32
      %dma_wait3A_584 = arith.constant 7 : i32
      %dma_wait3A_585 = arith.constant 0 : i32
      %dma_wait3A_586 = arith.constant 0 : i32
      %dma_wait3A_587 = tpu.memref_slice %arg8[%dma_wait3A_583, %dma_wait3A_585, %dma_wait3A_586] : memref<8x128x8xf32, #tpu.memory_space<vmem>> -> memref<1x128x8xf32, #tpu.memory_space<vmem>>
      %dma_wait3A_588 = tpu.memref_squeeze %dma_wait3A_587 : memref<1x128x8xf32, #tpu.memory_space<vmem>> -> memref<128x8xf32, #tpu.memory_space<vmem>>
      %dma_wait3A_589 = arith.constant 0 : i32
      %dma_wait3A_590 = tpu.memref_slice %arg6[%add3A_582, %dma_wait3A_589] : memref<112x128xi32, #tpu.memory_space<vmem>> -> memref<1x128xi32, #tpu.memory_space<vmem>>
      %dma_wait3A_591 = tpu.memref_squeeze %dma_wait3A_590 : memref<1x128xi32, #tpu.memory_space<vmem>> -> memref<128xi32, #tpu.memory_space<vmem>>
      %dma_wait3A_592 = arith.constant 0 : i32
      %dma_wait3A_593 = arith.constant 0 : i32
      %dma_wait3A_594 = tpu.memref_slice %arg2[%dma_wait3A_592, %dma_wait3A_593] : memref<10016x8xf32, #tpu.memory_space<hbm>> -> memref<10016x8xf32, #tpu.memory_space<hbm>>
      %dma_wait3A_595 = tpu.memref_slice %arg10[%dma_wait3A_584] : memref<8x!tpu.dma_semaphore, #tpu.memory_space<semaphore_mem>> -> memref<1x!tpu.dma_semaphore, #tpu.memory_space<semaphore_mem>>
      %dma_wait3A_596 = tpu.memref_squeeze %dma_wait3A_595 : memref<1x!tpu.dma_semaphore, #tpu.memory_space<semaphore_mem>> -> memref<!tpu.dma_semaphore, #tpu.memory_space<semaphore_mem>>
      tpu.wait_indirect_dma semaphore(%dma_wait3A_596 : memref<!tpu.dma_semaphore, #tpu.memory_space<semaphore_mem>>) src(%dma_wait3A_594 : memref<10016x8xf32, #tpu.memory_space<hbm>>) dst(%dma_wait3A_588 : memref<128x8xf32, #tpu.memory_space<vmem>>)
      %dma_start3A_597 = arith.constant 7 : i32
      %dma_start3A_598 = arith.constant 7 : i32
      %dma_start3A_599 = arith.constant 0 : i32
      %dma_start3A_600 = arith.constant 0 : i32
      %dma_start3A_601 = tpu.memref_slice %arg8[%dma_start3A_597, %dma_start3A_599, %dma_start3A_600] : memref<8x128x8xf32, #tpu.memory_space<vmem>> -> memref<1x128x8xf32, #tpu.memory_space<vmem>>
      %dma_start3A_602 = tpu.memref_squeeze %dma_start3A_601 : memref<1x128x8xf32, #tpu.memory_space<vmem>> -> memref<128x8xf32, #tpu.memory_space<vmem>>
      %dma_start3A_603 = arith.constant 0 : i32
      %dma_start3A_604 = tpu.memref_slice %arg7[%add3A_582, %dma_start3A_603] : memref<112x128xi32, #tpu.memory_space<vmem>> -> memref<1x128xi32, #tpu.memory_space<vmem>>
      %dma_start3A_605 = tpu.memref_squeeze %dma_start3A_604 : memref<1x128xi32, #tpu.memory_space<vmem>> -> memref<128xi32, #tpu.memory_space<vmem>>
      %dma_start3A_606 = arith.constant 0 : i32
      %dma_start3A_607 = arith.constant 0 : i32
      %dma_start3A_608 = tpu.memref_slice %arg9[%dma_start3A_606, %dma_start3A_607] : memref<10240x8xf32, #tpu.memory_space<vmem_shared>> -> memref<10240x8xf32, #tpu.memory_space<vmem_shared>>
      %dma_start3A_609 = tpu.memref_slice %arg11[%dma_start3A_598] : memref<8x!tpu.dma_semaphore, #tpu.memory_space<semaphore_mem>> -> memref<1x!tpu.dma_semaphore, #tpu.memory_space<semaphore_mem>>
      %dma_start3A_610 = tpu.memref_squeeze %dma_start3A_609 : memref<1x!tpu.dma_semaphore, #tpu.memory_space<semaphore_mem>> -> memref<!tpu.dma_semaphore, #tpu.memory_space<semaphore_mem>>
      tpu.enqueue_indirect_dma source(%dma_start3A_602 : memref<128x8xf32, #tpu.memory_space<vmem>>) target(%dma_start3A_608 : memref<10240x8xf32, #tpu.memory_space<vmem_shared>>) offsets(%dma_start3A_605 : memref<128xi32, #tpu.memory_space<vmem>>) semaphore(%dma_start3A_610 : memref<!tpu.dma_semaphore, #tpu.memory_space<semaphore_mem>>) {add = true}
      %add3A_611 = arith.constant 8 : i32
      %add3A_612 = arith.addi %add3A_582, %add3A_611 : i32
      %lt3A_613 = arith.cmpi slt, %add3A_612, %select_n3A_7 : i32
      %convert_element_type3A_614 = arith.extui %lt3A_613 : i1 to i32
      %cond3A_615 = arith.constant 0 : i32
      %cond3A_616 = arith.cmpi ne, %convert_element_type3A_614, %cond3A_615 : i32
      scf.if %cond3A_616 {
        %dma_wait3A_617 = arith.constant 7 : i32
        %dma_wait3A_618 = arith.constant 7 : i32
        %dma_wait3A_619 = arith.constant 0 : i32
        %dma_wait3A_620 = arith.constant 0 : i32
        %dma_wait3A_621 = tpu.memref_slice %arg8[%dma_wait3A_617, %dma_wait3A_619, %dma_wait3A_620] : memref<8x128x8xf32, #tpu.memory_space<vmem>> -> memref<1x128x8xf32, #tpu.memory_space<vmem>>
        %dma_wait3A_622 = tpu.memref_squeeze %dma_wait3A_621 : memref<1x128x8xf32, #tpu.memory_space<vmem>> -> memref<128x8xf32, #tpu.memory_space<vmem>>
        %dma_wait3A_623 = arith.constant 0 : i32
        %dma_wait3A_624 = tpu.memref_slice %arg7[%add3A_582, %dma_wait3A_623] : memref<112x128xi32, #tpu.memory_space<vmem>> -> memref<1x128xi32, #tpu.memory_space<vmem>>
        %dma_wait3A_625 = tpu.memref_squeeze %dma_wait3A_624 : memref<1x128xi32, #tpu.memory_space<vmem>> -> memref<128xi32, #tpu.memory_space<vmem>>
        %dma_wait3A_626 = arith.constant 0 : i32
        %dma_wait3A_627 = arith.constant 0 : i32
        %dma_wait3A_628 = tpu.memref_slice %arg9[%dma_wait3A_626, %dma_wait3A_627] : memref<10240x8xf32, #tpu.memory_space<vmem_shared>> -> memref<10240x8xf32, #tpu.memory_space<vmem_shared>>
        %dma_wait3A_629 = tpu.memref_slice %arg11[%dma_wait3A_618] : memref<8x!tpu.dma_semaphore, #tpu.memory_space<semaphore_mem>> -> memref<1x!tpu.dma_semaphore, #tpu.memory_space<semaphore_mem>>
        %dma_wait3A_630 = tpu.memref_squeeze %dma_wait3A_629 : memref<1x!tpu.dma_semaphore, #tpu.memory_space<semaphore_mem>> -> memref<!tpu.dma_semaphore, #tpu.memory_space<semaphore_mem>>
        tpu.wait_indirect_dma semaphore(%dma_wait3A_630 : memref<!tpu.dma_semaphore, #tpu.memory_space<semaphore_mem>>) src(%dma_wait3A_622 : memref<128x8xf32, #tpu.memory_space<vmem>>) dst(%dma_wait3A_628 : memref<10240x8xf32, #tpu.memory_space<vmem_shared>>)
        %dma_start3A_631 = arith.constant 7 : i32
        %dma_start3A_632 = arith.constant 7 : i32
        %dma_start3A_633 = arith.constant 0 : i32
        %dma_start3A_634 = arith.constant 0 : i32
        %dma_start3A_635 = tpu.memref_slice %arg8[%dma_start3A_631, %dma_start3A_633, %dma_start3A_634] : memref<8x128x8xf32, #tpu.memory_space<vmem>> -> memref<1x128x8xf32, #tpu.memory_space<vmem>>
        %dma_start3A_636 = tpu.memref_squeeze %dma_start3A_635 : memref<1x128x8xf32, #tpu.memory_space<vmem>> -> memref<128x8xf32, #tpu.memory_space<vmem>>
        %dma_start3A_637 = arith.constant 0 : i32
        %dma_start3A_638 = tpu.memref_slice %arg6[%add3A_612, %dma_start3A_637] : memref<112x128xi32, #tpu.memory_space<vmem>> -> memref<1x128xi32, #tpu.memory_space<vmem>>
        %dma_start3A_639 = tpu.memref_squeeze %dma_start3A_638 : memref<1x128xi32, #tpu.memory_space<vmem>> -> memref<128xi32, #tpu.memory_space<vmem>>
        %dma_start3A_640 = arith.constant 0 : i32
        %dma_start3A_641 = arith.constant 0 : i32
        %dma_start3A_642 = tpu.memref_slice %arg2[%dma_start3A_640, %dma_start3A_641] : memref<10016x8xf32, #tpu.memory_space<hbm>> -> memref<10016x8xf32, #tpu.memory_space<hbm>>
        %dma_start3A_643 = tpu.memref_slice %arg10[%dma_start3A_632] : memref<8x!tpu.dma_semaphore, #tpu.memory_space<semaphore_mem>> -> memref<1x!tpu.dma_semaphore, #tpu.memory_space<semaphore_mem>>
        %dma_start3A_644 = tpu.memref_squeeze %dma_start3A_643 : memref<1x!tpu.dma_semaphore, #tpu.memory_space<semaphore_mem>> -> memref<!tpu.dma_semaphore, #tpu.memory_space<semaphore_mem>>
        tpu.enqueue_indirect_dma source(%dma_start3A_642 : memref<10016x8xf32, #tpu.memory_space<hbm>>) target(%dma_start3A_636 : memref<128x8xf32, #tpu.memory_space<vmem>>) offsets(%dma_start3A_639 : memref<128xi32, #tpu.memory_space<vmem>>) semaphore(%dma_start3A_644 : memref<!tpu.dma_semaphore, #tpu.memory_space<semaphore_mem>>)
      } else {
      }
    }
    %sub3A_167 = arith.constant 8 : i32
    %sub3A_168 = arith.subi %select_n3A_7, %sub3A_167 : i32
    %add3A_169 = arith.constant 0 : i32
    %add3A_170 = arith.addi %sub3A_168, %add3A_169 : i32
    %dma_wait3A = arith.constant 0 : i32
    %dma_wait3A_171 = arith.constant 0 : i32
    %dma_wait3A_172 = arith.constant 0 : i32
    %dma_wait3A_173 = arith.constant 0 : i32
    %dma_wait3A_174 = tpu.memref_slice %arg8[%dma_wait3A, %dma_wait3A_172, %dma_wait3A_173] : memref<8x128x8xf32, #tpu.memory_space<vmem>> -> memref<1x128x8xf32, #tpu.memory_space<vmem>>
    %dma_wait3A_175 = tpu.memref_squeeze %dma_wait3A_174 : memref<1x128x8xf32, #tpu.memory_space<vmem>> -> memref<128x8xf32, #tpu.memory_space<vmem>>
    %dma_wait3A_176 = arith.constant 0 : i32
    %dma_wait3A_177 = tpu.memref_slice %arg7[%add3A_170, %dma_wait3A_176] : memref<112x128xi32, #tpu.memory_space<vmem>> -> memref<1x128xi32, #tpu.memory_space<vmem>>
    %dma_wait3A_178 = tpu.memref_squeeze %dma_wait3A_177 : memref<1x128xi32, #tpu.memory_space<vmem>> -> memref<128xi32, #tpu.memory_space<vmem>>
    %dma_wait3A_179 = arith.constant 0 : i32
    %dma_wait3A_180 = arith.constant 0 : i32
    %dma_wait3A_181 = tpu.memref_slice %arg9[%dma_wait3A_179, %dma_wait3A_180] : memref<10240x8xf32, #tpu.memory_space<vmem_shared>> -> memref<10240x8xf32, #tpu.memory_space<vmem_shared>>
    %dma_wait3A_182 = tpu.memref_slice %arg11[%dma_wait3A_171] : memref<8x!tpu.dma_semaphore, #tpu.memory_space<semaphore_mem>> -> memref<1x!tpu.dma_semaphore, #tpu.memory_space<semaphore_mem>>
    %dma_wait3A_183 = tpu.memref_squeeze %dma_wait3A_182 : memref<1x!tpu.dma_semaphore, #tpu.memory_space<semaphore_mem>> -> memref<!tpu.dma_semaphore, #tpu.memory_space<semaphore_mem>>
    tpu.wait_indirect_dma semaphore(%dma_wait3A_183 : memref<!tpu.dma_semaphore, #tpu.memory_space<semaphore_mem>>) src(%dma_wait3A_175 : memref<128x8xf32, #tpu.memory_space<vmem>>) dst(%dma_wait3A_181 : memref<10240x8xf32, #tpu.memory_space<vmem_shared>>)
    %sub3A_184 = arith.constant 8 : i32
    %sub3A_185 = arith.subi %select_n3A_7, %sub3A_184 : i32
    %add3A_186 = arith.constant 1 : i32
    %add3A_187 = arith.addi %sub3A_185, %add3A_186 : i32
    %dma_wait3A_188 = arith.constant 1 : i32
    %dma_wait3A_189 = arith.constant 1 : i32
    %dma_wait3A_190 = arith.constant 0 : i32
    %dma_wait3A_191 = arith.constant 0 : i32
    %dma_wait3A_192 = tpu.memref_slice %arg8[%dma_wait3A_188, %dma_wait3A_190, %dma_wait3A_191] : memref<8x128x8xf32, #tpu.memory_space<vmem>> -> memref<1x128x8xf32, #tpu.memory_space<vmem>>
    %dma_wait3A_193 = tpu.memref_squeeze %dma_wait3A_192 : memref<1x128x8xf32, #tpu.memory_space<vmem>> -> memref<128x8xf32, #tpu.memory_space<vmem>>
    %dma_wait3A_194 = arith.constant 0 : i32
    %dma_wait3A_195 = tpu.memref_slice %arg7[%add3A_187, %dma_wait3A_194] : memref<112x128xi32, #tpu.memory_space<vmem>> -> memref<1x128xi32, #tpu.memory_space<vmem>>
    %dma_wait3A_196 = tpu.memref_squeeze %dma_wait3A_195 : memref<1x128xi32, #tpu.memory_space<vmem>> -> memref<128xi32, #tpu.memory_space<vmem>>
    %dma_wait3A_197 = arith.constant 0 : i32
    %dma_wait3A_198 = arith.constant 0 : i32
    %dma_wait3A_199 = tpu.memref_slice %arg9[%dma_wait3A_197, %dma_wait3A_198] : memref<10240x8xf32, #tpu.memory_space<vmem_shared>> -> memref<10240x8xf32, #tpu.memory_space<vmem_shared>>
    %dma_wait3A_200 = tpu.memref_slice %arg11[%dma_wait3A_189] : memref<8x!tpu.dma_semaphore, #tpu.memory_space<semaphore_mem>> -> memref<1x!tpu.dma_semaphore, #tpu.memory_space<semaphore_mem>>
    %dma_wait3A_201 = tpu.memref_squeeze %dma_wait3A_200 : memref<1x!tpu.dma_semaphore, #tpu.memory_space<semaphore_mem>> -> memref<!tpu.dma_semaphore, #tpu.memory_space<semaphore_mem>>
    tpu.wait_indirect_dma semaphore(%dma_wait3A_201 : memref<!tpu.dma_semaphore, #tpu.memory_space<semaphore_mem>>) src(%dma_wait3A_193 : memref<128x8xf32, #tpu.memory_space<vmem>>) dst(%dma_wait3A_199 : memref<10240x8xf32, #tpu.memory_space<vmem_shared>>)
    %sub3A_202 = arith.constant 8 : i32
    %sub3A_203 = arith.subi %select_n3A_7, %sub3A_202 : i32
    %add3A_204 = arith.constant 2 : i32
    %add3A_205 = arith.addi %sub3A_203, %add3A_204 : i32
    %dma_wait3A_206 = arith.constant 2 : i32
    %dma_wait3A_207 = arith.constant 2 : i32
    %dma_wait3A_208 = arith.constant 0 : i32
    %dma_wait3A_209 = arith.constant 0 : i32
    %dma_wait3A_210 = tpu.memref_slice %arg8[%dma_wait3A_206, %dma_wait3A_208, %dma_wait3A_209] : memref<8x128x8xf32, #tpu.memory_space<vmem>> -> memref<1x128x8xf32, #tpu.memory_space<vmem>>
    %dma_wait3A_211 = tpu.memref_squeeze %dma_wait3A_210 : memref<1x128x8xf32, #tpu.memory_space<vmem>> -> memref<128x8xf32, #tpu.memory_space<vmem>>
    %dma_wait3A_212 = arith.constant 0 : i32
    %dma_wait3A_213 = tpu.memref_slice %arg7[%add3A_205, %dma_wait3A_212] : memref<112x128xi32, #tpu.memory_space<vmem>> -> memref<1x128xi32, #tpu.memory_space<vmem>>
    %dma_wait3A_214 = tpu.memref_squeeze %dma_wait3A_213 : memref<1x128xi32, #tpu.memory_space<vmem>> -> memref<128xi32, #tpu.memory_space<vmem>>
    %dma_wait3A_215 = arith.constant 0 : i32
    %dma_wait3A_216 = arith.constant 0 : i32
    %dma_wait3A_217 = tpu.memref_slice %arg9[%dma_wait3A_215, %dma_wait3A_216] : memref<10240x8xf32, #tpu.memory_space<vmem_shared>> -> memref<10240x8xf32, #tpu.memory_space<vmem_shared>>
    %dma_wait3A_218 = tpu.memref_slice %arg11[%dma_wait3A_207] : memref<8x!tpu.dma_semaphore, #tpu.memory_space<semaphore_mem>> -> memref<1x!tpu.dma_semaphore, #tpu.memory_space<semaphore_mem>>
    %dma_wait3A_219 = tpu.memref_squeeze %dma_wait3A_218 : memref<1x!tpu.dma_semaphore, #tpu.memory_space<semaphore_mem>> -> memref<!tpu.dma_semaphore, #tpu.memory_space<semaphore_mem>>
    tpu.wait_indirect_dma semaphore(%dma_wait3A_219 : memref<!tpu.dma_semaphore, #tpu.memory_space<semaphore_mem>>) src(%dma_wait3A_211 : memref<128x8xf32, #tpu.memory_space<vmem>>) dst(%dma_wait3A_217 : memref<10240x8xf32, #tpu.memory_space<vmem_shared>>)
    %sub3A_220 = arith.constant 8 : i32
    %sub3A_221 = arith.subi %select_n3A_7, %sub3A_220 : i32
    %add3A_222 = arith.constant 3 : i32
    %add3A_223 = arith.addi %sub3A_221, %add3A_222 : i32
    %dma_wait3A_224 = arith.constant 3 : i32
    %dma_wait3A_225 = arith.constant 3 : i32
    %dma_wait3A_226 = arith.constant 0 : i32
    %dma_wait3A_227 = arith.constant 0 : i32
    %dma_wait3A_228 = tpu.memref_slice %arg8[%dma_wait3A_224, %dma_wait3A_226, %dma_wait3A_227] : memref<8x128x8xf32, #tpu.memory_space<vmem>> -> memref<1x128x8xf32, #tpu.memory_space<vmem>>
    %dma_wait3A_229 = tpu.memref_squeeze %dma_wait3A_228 : memref<1x128x8xf32, #tpu.memory_space<vmem>> -> memref<128x8xf32, #tpu.memory_space<vmem>>
    %dma_wait3A_230 = arith.constant 0 : i32
    %dma_wait3A_231 = tpu.memref_slice %arg7[%add3A_223, %dma_wait3A_230] : memref<112x128xi32, #tpu.memory_space<vmem>> -> memref<1x128xi32, #tpu.memory_space<vmem>>
    %dma_wait3A_232 = tpu.memref_squeeze %dma_wait3A_231 : memref<1x128xi32, #tpu.memory_space<vmem>> -> memref<128xi32, #tpu.memory_space<vmem>>
    %dma_wait3A_233 = arith.constant 0 : i32
    %dma_wait3A_234 = arith.constant 0 : i32
    %dma_wait3A_235 = tpu.memref_slice %arg9[%dma_wait3A_233, %dma_wait3A_234] : memref<10240x8xf32, #tpu.memory_space<vmem_shared>> -> memref<10240x8xf32, #tpu.memory_space<vmem_shared>>
    %dma_wait3A_236 = tpu.memref_slice %arg11[%dma_wait3A_225] : memref<8x!tpu.dma_semaphore, #tpu.memory_space<semaphore_mem>> -> memref<1x!tpu.dma_semaphore, #tpu.memory_space<semaphore_mem>>
    %dma_wait3A_237 = tpu.memref_squeeze %dma_wait3A_236 : memref<1x!tpu.dma_semaphore, #tpu.memory_space<semaphore_mem>> -> memref<!tpu.dma_semaphore, #tpu.memory_space<semaphore_mem>>
    tpu.wait_indirect_dma semaphore(%dma_wait3A_237 : memref<!tpu.dma_semaphore, #tpu.memory_space<semaphore_mem>>) src(%dma_wait3A_229 : memref<128x8xf32, #tpu.memory_space<vmem>>) dst(%dma_wait3A_235 : memref<10240x8xf32, #tpu.memory_space<vmem_shared>>)
    %sub3A_238 = arith.constant 8 : i32
    %sub3A_239 = arith.subi %select_n3A_7, %sub3A_238 : i32
    %add3A_240 = arith.constant 4 : i32
    %add3A_241 = arith.addi %sub3A_239, %add3A_240 : i32
    %dma_wait3A_242 = arith.constant 4 : i32
    %dma_wait3A_243 = arith.constant 4 : i32
    %dma_wait3A_244 = arith.constant 0 : i32
    %dma_wait3A_245 = arith.constant 0 : i32
    %dma_wait3A_246 = tpu.memref_slice %arg8[%dma_wait3A_242, %dma_wait3A_244, %dma_wait3A_245] : memref<8x128x8xf32, #tpu.memory_space<vmem>> -> memref<1x128x8xf32, #tpu.memory_space<vmem>>
    %dma_wait3A_247 = tpu.memref_squeeze %dma_wait3A_246 : memref<1x128x8xf32, #tpu.memory_space<vmem>> -> memref<128x8xf32, #tpu.memory_space<vmem>>
    %dma_wait3A_248 = arith.constant 0 : i32
    %dma_wait3A_249 = tpu.memref_slice %arg7[%add3A_241, %dma_wait3A_248] : memref<112x128xi32, #tpu.memory_space<vmem>> -> memref<1x128xi32, #tpu.memory_space<vmem>>
    %dma_wait3A_250 = tpu.memref_squeeze %dma_wait3A_249 : memref<1x128xi32, #tpu.memory_space<vmem>> -> memref<128xi32, #tpu.memory_space<vmem>>
    %dma_wait3A_251 = arith.constant 0 : i32
    %dma_wait3A_252 = arith.constant 0 : i32
    %dma_wait3A_253 = tpu.memref_slice %arg9[%dma_wait3A_251, %dma_wait3A_252] : memref<10240x8xf32, #tpu.memory_space<vmem_shared>> -> memref<10240x8xf32, #tpu.memory_space<vmem_shared>>
    %dma_wait3A_254 = tpu.memref_slice %arg11[%dma_wait3A_243] : memref<8x!tpu.dma_semaphore, #tpu.memory_space<semaphore_mem>> -> memref<1x!tpu.dma_semaphore, #tpu.memory_space<semaphore_mem>>
    %dma_wait3A_255 = tpu.memref_squeeze %dma_wait3A_254 : memref<1x!tpu.dma_semaphore, #tpu.memory_space<semaphore_mem>> -> memref<!tpu.dma_semaphore, #tpu.memory_space<semaphore_mem>>
    tpu.wait_indirect_dma semaphore(%dma_wait3A_255 : memref<!tpu.dma_semaphore, #tpu.memory_space<semaphore_mem>>) src(%dma_wait3A_247 : memref<128x8xf32, #tpu.memory_space<vmem>>) dst(%dma_wait3A_253 : memref<10240x8xf32, #tpu.memory_space<vmem_shared>>)
    %sub3A_256 = arith.constant 8 : i32
    %sub3A_257 = arith.subi %select_n3A_7, %sub3A_256 : i32
    %add3A_258 = arith.constant 5 : i32
    %add3A_259 = arith.addi %sub3A_257, %add3A_258 : i32
    %dma_wait3A_260 = arith.constant 5 : i32
    %dma_wait3A_261 = arith.constant 5 : i32
    %dma_wait3A_262 = arith.constant 0 : i32
    %dma_wait3A_263 = arith.constant 0 : i32
    %dma_wait3A_264 = tpu.memref_slice %arg8[%dma_wait3A_260, %dma_wait3A_262, %dma_wait3A_263] : memref<8x128x8xf32, #tpu.memory_space<vmem>> -> memref<1x128x8xf32, #tpu.memory_space<vmem>>
    %dma_wait3A_265 = tpu.memref_squeeze %dma_wait3A_264 : memref<1x128x8xf32, #tpu.memory_space<vmem>> -> memref<128x8xf32, #tpu.memory_space<vmem>>
    %dma_wait3A_266 = arith.constant 0 : i32
    %dma_wait3A_267 = tpu.memref_slice %arg7[%add3A_259, %dma_wait3A_266] : memref<112x128xi32, #tpu.memory_space<vmem>> -> memref<1x128xi32, #tpu.memory_space<vmem>>
    %dma_wait3A_268 = tpu.memref_squeeze %dma_wait3A_267 : memref<1x128xi32, #tpu.memory_space<vmem>> -> memref<128xi32, #tpu.memory_space<vmem>>
    %dma_wait3A_269 = arith.constant 0 : i32
    %dma_wait3A_270 = arith.constant 0 : i32
    %dma_wait3A_271 = tpu.memref_slice %arg9[%dma_wait3A_269, %dma_wait3A_270] : memref<10240x8xf32, #tpu.memory_space<vmem_shared>> -> memref<10240x8xf32, #tpu.memory_space<vmem_shared>>
    %dma_wait3A_272 = tpu.memref_slice %arg11[%dma_wait3A_261] : memref<8x!tpu.dma_semaphore, #tpu.memory_space<semaphore_mem>> -> memref<1x!tpu.dma_semaphore, #tpu.memory_space<semaphore_mem>>
    %dma_wait3A_273 = tpu.memref_squeeze %dma_wait3A_272 : memref<1x!tpu.dma_semaphore, #tpu.memory_space<semaphore_mem>> -> memref<!tpu.dma_semaphore, #tpu.memory_space<semaphore_mem>>
    tpu.wait_indirect_dma semaphore(%dma_wait3A_273 : memref<!tpu.dma_semaphore, #tpu.memory_space<semaphore_mem>>) src(%dma_wait3A_265 : memref<128x8xf32, #tpu.memory_space<vmem>>) dst(%dma_wait3A_271 : memref<10240x8xf32, #tpu.memory_space<vmem_shared>>)
    %sub3A_274 = arith.constant 8 : i32
    %sub3A_275 = arith.subi %select_n3A_7, %sub3A_274 : i32
    %add3A_276 = arith.constant 6 : i32
    %add3A_277 = arith.addi %sub3A_275, %add3A_276 : i32
    %dma_wait3A_278 = arith.constant 6 : i32
    %dma_wait3A_279 = arith.constant 6 : i32
    %dma_wait3A_280 = arith.constant 0 : i32
    %dma_wait3A_281 = arith.constant 0 : i32
    %dma_wait3A_282 = tpu.memref_slice %arg8[%dma_wait3A_278, %dma_wait3A_280, %dma_wait3A_281] : memref<8x128x8xf32, #tpu.memory_space<vmem>> -> memref<1x128x8xf32, #tpu.memory_space<vmem>>
    %dma_wait3A_283 = tpu.memref_squeeze %dma_wait3A_282 : memref<1x128x8xf32, #tpu.memory_space<vmem>> -> memref<128x8xf32, #tpu.memory_space<vmem>>
    %dma_wait3A_284 = arith.constant 0 : i32
    %dma_wait3A_285 = tpu.memref_slice %arg7[%add3A_277, %dma_wait3A_284] : memref<112x128xi32, #tpu.memory_space<vmem>> -> memref<1x128xi32, #tpu.memory_space<vmem>>
    %dma_wait3A_286 = tpu.memref_squeeze %dma_wait3A_285 : memref<1x128xi32, #tpu.memory_space<vmem>> -> memref<128xi32, #tpu.memory_space<vmem>>
    %dma_wait3A_287 = arith.constant 0 : i32
    %dma_wait3A_288 = arith.constant 0 : i32
    %dma_wait3A_289 = tpu.memref_slice %arg9[%dma_wait3A_287, %dma_wait3A_288] : memref<10240x8xf32, #tpu.memory_space<vmem_shared>> -> memref<10240x8xf32, #tpu.memory_space<vmem_shared>>
    %dma_wait3A_290 = tpu.memref_slice %arg11[%dma_wait3A_279] : memref<8x!tpu.dma_semaphore, #tpu.memory_space<semaphore_mem>> -> memref<1x!tpu.dma_semaphore, #tpu.memory_space<semaphore_mem>>
    %dma_wait3A_291 = tpu.memref_squeeze %dma_wait3A_290 : memref<1x!tpu.dma_semaphore, #tpu.memory_space<semaphore_mem>> -> memref<!tpu.dma_semaphore, #tpu.memory_space<semaphore_mem>>
    tpu.wait_indirect_dma semaphore(%dma_wait3A_291 : memref<!tpu.dma_semaphore, #tpu.memory_space<semaphore_mem>>) src(%dma_wait3A_283 : memref<128x8xf32, #tpu.memory_space<vmem>>) dst(%dma_wait3A_289 : memref<10240x8xf32, #tpu.memory_space<vmem_shared>>)
    %sub3A_292 = arith.constant 8 : i32
    %sub3A_293 = arith.subi %select_n3A_7, %sub3A_292 : i32
    %add3A_294 = arith.constant 7 : i32
    %add3A_295 = arith.addi %sub3A_293, %add3A_294 : i32
    %dma_wait3A_296 = arith.constant 7 : i32
    %dma_wait3A_297 = arith.constant 7 : i32
    %dma_wait3A_298 = arith.constant 0 : i32
    %dma_wait3A_299 = arith.constant 0 : i32
    %dma_wait3A_300 = tpu.memref_slice %arg8[%dma_wait3A_296, %dma_wait3A_298, %dma_wait3A_299] : memref<8x128x8xf32, #tpu.memory_space<vmem>> -> memref<1x128x8xf32, #tpu.memory_space<vmem>>
    %dma_wait3A_301 = tpu.memref_squeeze %dma_wait3A_300 : memref<1x128x8xf32, #tpu.memory_space<vmem>> -> memref<128x8xf32, #tpu.memory_space<vmem>>
    %dma_wait3A_302 = arith.constant 0 : i32
    %dma_wait3A_303 = tpu.memref_slice %arg7[%add3A_295, %dma_wait3A_302] : memref<112x128xi32, #tpu.memory_space<vmem>> -> memref<1x128xi32, #tpu.memory_space<vmem>>
    %dma_wait3A_304 = tpu.memref_squeeze %dma_wait3A_303 : memref<1x128xi32, #tpu.memory_space<vmem>> -> memref<128xi32, #tpu.memory_space<vmem>>
    %dma_wait3A_305 = arith.constant 0 : i32
    %dma_wait3A_306 = arith.constant 0 : i32
    %dma_wait3A_307 = tpu.memref_slice %arg9[%dma_wait3A_305, %dma_wait3A_306] : memref<10240x8xf32, #tpu.memory_space<vmem_shared>> -> memref<10240x8xf32, #tpu.memory_space<vmem_shared>>
    %dma_wait3A_308 = tpu.memref_slice %arg11[%dma_wait3A_297] : memref<8x!tpu.dma_semaphore, #tpu.memory_space<semaphore_mem>> -> memref<1x!tpu.dma_semaphore, #tpu.memory_space<semaphore_mem>>
    %dma_wait3A_309 = tpu.memref_squeeze %dma_wait3A_308 : memref<1x!tpu.dma_semaphore, #tpu.memory_space<semaphore_mem>> -> memref<!tpu.dma_semaphore, #tpu.memory_space<semaphore_mem>>
    tpu.wait_indirect_dma semaphore(%dma_wait3A_309 : memref<!tpu.dma_semaphore, #tpu.memory_space<semaphore_mem>>) src(%dma_wait3A_301 : memref<128x8xf32, #tpu.memory_space<vmem>>) dst(%dma_wait3A_307 : memref<10240x8xf32, #tpu.memory_space<vmem_shared>>)
    %barrier3A_310 = arith.constant 0 : index
    tpu.barrier barrier_id(%barrier3A_310)
    %mul3A_311 = arith.constant 640 : i32
    %mul3A_312 = arith.muli %arg1, %mul3A_311 : i32
    "tpu.region"() ({
      %run_scoped3A = tpu.sem_alloc : memref<!tpu.dma_semaphore, #tpu.memory_space<semaphore_mem>>
      %dma_start3A_313 = arith.constant 0 : i32
      %dma_start3A_314 = arith.constant 0 : i32
      %dma_start3A_315 = tpu.memref_slice %arg5[%arg0, %dma_start3A_313, %dma_start3A_314] : memref<2x10240x8xf32, #tpu.memory_space<hbm>> -> memref<1x10240x8xf32, #tpu.memory_space<hbm>>
      %dma_start3A_316 = tpu.memref_squeeze %dma_start3A_315 : memref<1x10240x8xf32, #tpu.memory_space<hbm>> -> memref<10240x8xf32, #tpu.memory_space<hbm>>
      %dma_start3A_317 = arith.constant 0 : i32
      %dma_start3A_318 = tpu.memref_slice %dma_start3A_316[%mul3A_312, %dma_start3A_317] : memref<10240x8xf32, #tpu.memory_space<hbm>> -> memref<640x8xf32, #tpu.memory_space<hbm>>
      %dma_start3A_319 = arith.constant 0 : i32
      %dma_start3A_320 = tpu.memref_slice %arg9[%mul3A_312, %dma_start3A_319] : memref<10240x8xf32, #tpu.memory_space<vmem_shared>> -> memref<640x8xf32, #tpu.memory_space<vmem_shared>>
      tpu.enqueue_dma source(%dma_start3A_320 : memref<640x8xf32, #tpu.memory_space<vmem_shared>>) target(%dma_start3A_318 : memref<640x8xf32, #tpu.memory_space<hbm>>) target_semaphore(%run_scoped3A : memref<!tpu.dma_semaphore, #tpu.memory_space<semaphore_mem>>)
      %dma_wait3A_321 = arith.constant 0 : i32
      %dma_wait3A_322 = arith.constant 0 : i32
      %dma_wait3A_323 = tpu.memref_slice %arg5[%arg0, %dma_wait3A_321, %dma_wait3A_322] : memref<2x10240x8xf32, #tpu.memory_space<hbm>> -> memref<1x10240x8xf32, #tpu.memory_space<hbm>>
      %dma_wait3A_324 = tpu.memref_squeeze %dma_wait3A_323 : memref<1x10240x8xf32, #tpu.memory_space<hbm>> -> memref<10240x8xf32, #tpu.memory_space<hbm>>
      %dma_wait3A_325 = arith.constant 0 : i32
      %dma_wait3A_326 = tpu.memref_slice %dma_wait3A_324[%mul3A_312, %dma_wait3A_325] : memref<10240x8xf32, #tpu.memory_space<hbm>> -> memref<640x8xf32, #tpu.memory_space<hbm>>
      %dma_wait3A_327 = arith.constant 0 : i32
      %dma_wait3A_328 = tpu.memref_slice %arg9[%mul3A_312, %dma_wait3A_327] : memref<10240x8xf32, #tpu.memory_space<vmem_shared>> -> memref<640x8xf32, #tpu.memory_space<vmem_shared>>
      tpu.wait_dma2 semaphore(%run_scoped3A : memref<!tpu.dma_semaphore, #tpu.memory_space<semaphore_mem>>) src(%dma_wait3A_328 : memref<640x8xf32, #tpu.memory_space<vmem_shared>>) dst(%dma_wait3A_326 : memref<640x8xf32, #tpu.memory_space<hbm>>)
      tpu.yield
    }) : () -> ()
    return
  }
}

module attributes {stable_mosaic.version = 14 : i64} {
  func.func @_tca_body(%arg0: memref<10000x128xf32, #tpu.memory_space<vmem>>, %arg1: memref<128x8xf32, #tpu.memory_space<vmem>>, %arg2: memref<10000x8xf32, #tpu.memory_space<vmem>>) attributes {dimension_semantics = [], scalar_prefetch = 0 : i64, scratch_operands = 0 : i64, tpu.core_type = #tpu.core_type<tc>} {
    %get3A = arith.constant 0 : index
    %get3A_0 = arith.constant 0 : index
    %get3A_1 = vector.load %arg0[%get3A, %get3A_0] : memref<10000x128xf32, #tpu.memory_space<vmem>>, vector<10000x128xf32>
    %get3A_2 = arith.constant 0 : index
    %get3A_3 = arith.constant 0 : index
    %get3A_4 = vector.load %arg1[%get3A_2, %get3A_3] : memref<128x8xf32, #tpu.memory_space<vmem>>, vector<128x8xf32>
    %dot_general3A = arith.constant dense<0.000000e+00> : vector<10000x8xf32>
    %dot_general3A_5 = tpu.matmul %get3A_1, %get3A_4, %dot_general3A {dimension_numbers = #tpu.dot_dimension_numbers<[1], [0], [0], [1], [0, 0, 1, 1], [], []>, transpose_lhs_hint = false} : vector<10000x128xf32>, vector<128x8xf32>, vector<10000x8xf32> -> vector<10000x8xf32>
    %swap3A = arith.constant 0 : index
    %swap3A_6 = arith.constant 0 : index
    %swap3A_7 = vector.load %arg2[%swap3A, %swap3A_6] : memref<10000x8xf32, #tpu.memory_space<vmem>>, vector<10000x8xf32>
    tpu.vector_store %arg2[%swap3A, %swap3A_6], %dot_general3A_5 {strides = array<i32>} : memref<10000x8xf32, #tpu.memory_space<vmem>>, vector<10000x8xf32>,
    return
  }
}

module attributes {stable_mosaic.version = 14 : i64} {
  func.func @_tcb_body(%arg0: memref<2x10240x8xf32, #tpu.memory_space<vmem>>, %arg1: memref<10000x8xf32, #tpu.memory_space<vmem>>, %arg2: memref<10016x8xf32, #tpu.memory_space<vmem>>, %arg3: memref<10000x1xf32, #tpu.memory_space<vmem>>) attributes {dimension_semantics = [], scalar_prefetch = 0 : i64, scratch_operands = 0 : i64, tpu.core_type = #tpu.core_type<tc>} {
    %get3A = arith.constant 0 : index
    %get3A_0 = arith.constant 0 : index
    %get3A_1 = arith.constant 0 : index
    %get3A_2 = vector.load %arg0[%get3A, %get3A_0, %get3A_1] : memref<2x10240x8xf32, #tpu.memory_space<vmem>>, vector<1x10000x1xf32>
    %get3A_3 = vector.shape_cast %get3A_2 : vector<1x10000x1xf32> to vector<10000x1xf32>
    %get3A_4 = arith.constant 1 : index
    %get3A_5 = arith.constant 0 : index
    %get3A_6 = arith.constant 0 : index
    %get3A_7 = vector.load %arg0[%get3A_4, %get3A_5, %get3A_6] : memref<2x10240x8xf32, #tpu.memory_space<vmem>>, vector<1x10000x1xf32>
    %get3A_8 = vector.shape_cast %get3A_7 : vector<1x10000x1xf32> to vector<10000x1xf32>
    %add3A = arith.addf %get3A_3, %get3A_8 : vector<10000x1xf32>
    %add3A_9 = arith.constant 1.000000e+00 : f32
    %add3A_10 = vector.broadcast %add3A_9 : f32 to vector<10000x1xf32>
    %add3A_11 = arith.addf %add3A, %add3A_10 : vector<10000x1xf32>
    %rsqrt3A = math.rsqrt %add3A_11 : vector<10000x1xf32>
    %get3A_12 = arith.constant 0 : index
    %get3A_13 = arith.constant 0 : index
    %get3A_14 = vector.load %arg1[%get3A_12, %get3A_13] : memref<10000x8xf32, #tpu.memory_space<vmem>>, vector<10000x8xf32>
    %mul3A = vector.broadcast %rsqrt3A : vector<10000x1xf32> to vector<10000x8xf32>
    %mul3A_15 = arith.mulf %mul3A, %get3A_14 : vector<10000x8xf32>
    %swap3A = arith.constant 0 : index
    %swap3A_16 = arith.constant 0 : index
    %swap3A_17 = vector.load %arg2[%swap3A, %swap3A_16] : memref<10016x8xf32, #tpu.memory_space<vmem>>, vector<10000x8xf32>
    tpu.vector_store %arg2[%swap3A, %swap3A_16], %mul3A_15 {strides = array<i32>} : memref<10016x8xf32, #tpu.memory_space<vmem>>, vector<10000x8xf32>,
    %broadcast_in_dim3A = arith.constant 0.000000e+00 : f32
    %broadcast_in_dim3A_18 = vector.broadcast %broadcast_in_dim3A : f32 to vector<16x8xf32>
    %swap3A_19 = arith.constant 10000 : index
    %swap3A_20 = arith.constant 0 : index
    %swap3A_21 = vector.load %arg2[%swap3A_19, %swap3A_20] : memref<10016x8xf32, #tpu.memory_space<vmem>>, vector<16x8xf32>
    tpu.vector_store %arg2[%swap3A_19, %swap3A_20], %broadcast_in_dim3A_18 {strides = array<i32>} : memref<10016x8xf32, #tpu.memory_space<vmem>>, vector<16x8xf32>,
    %swap3A_22 = arith.constant 0 : index
    %swap3A_23 = arith.constant 0 : index
    %swap3A_24 = vector.load %arg3[%swap3A_22, %swap3A_23] : memref<10000x1xf32, #tpu.memory_space<vmem>>, vector<10000x1xf32>
    tpu.vector_store %arg3[%swap3A_22, %swap3A_23], %rsqrt3A {strides = array<i32>} : memref<10000x1xf32, #tpu.memory_space<vmem>>, vector<10000x1xf32>,
    return
  }
}

module attributes {stable_mosaic.version = 14 : i64} {
  func.func @_tc2_body(%arg0: memref<2x10240x8xf32, #tpu.memory_space<vmem>>, %arg1: memref<10016x8xf32, #tpu.memory_space<vmem>>, %arg2: memref<10000x1xf32, #tpu.memory_space<vmem>>, %arg3: memref<1x8xf32, #tpu.memory_space<vmem>>, %arg4: memref<10016x8xf32, #tpu.memory_space<vmem>>) attributes {dimension_semantics = [], scalar_prefetch = 0 : i64, scratch_operands = 0 : i64, tpu.core_type = #tpu.core_type<tc>} {
    %get3A = arith.constant 0 : index
    %get3A_0 = arith.constant 0 : index
    %get3A_1 = arith.constant 0 : index
    %get3A_2 = vector.load %arg0[%get3A, %get3A_0, %get3A_1] : memref<2x10240x8xf32, #tpu.memory_space<vmem>>, vector<1x10000x8xf32>
    %get3A_3 = vector.shape_cast %get3A_2 : vector<1x10000x8xf32> to vector<10000x8xf32>
    %get3A_4 = arith.constant 1 : index
    %get3A_5 = arith.constant 0 : index
    %get3A_6 = arith.constant 0 : index
    %get3A_7 = vector.load %arg0[%get3A_4, %get3A_5, %get3A_6] : memref<2x10240x8xf32, #tpu.memory_space<vmem>>, vector<1x10000x8xf32>
    %get3A_8 = vector.shape_cast %get3A_7 : vector<1x10000x8xf32> to vector<10000x8xf32>
    %add3A = arith.addf %get3A_3, %get3A_8 : vector<10000x8xf32>
    %get3A_9 = arith.constant 0 : index
    %get3A_10 = arith.constant 0 : index
    %get3A_11 = vector.load %arg2[%get3A_9, %get3A_10] : memref<10000x1xf32, #tpu.memory_space<vmem>>, vector<10000x1xf32>
    %get3A_12 = arith.constant 0 : index
    %get3A_13 = arith.constant 0 : index
    %get3A_14 = vector.load %arg1[%get3A_12, %get3A_13] : memref<10016x8xf32, #tpu.memory_space<vmem>>, vector<10000x8xf32>
    %add3A_15 = arith.addf %add3A, %get3A_14 : vector<10000x8xf32>
    %mul3A = vector.broadcast %get3A_11 : vector<10000x1xf32> to vector<10000x8xf32>
    %mul3A_16 = arith.mulf %mul3A, %add3A_15 : vector<10000x8xf32>
    %get3A_17 = arith.constant 0 : index
    %get3A_18 = arith.constant 0 : index
    %get3A_19 = vector.load %arg3[%get3A_17, %get3A_18] : memref<1x8xf32, #tpu.memory_space<vmem>>, vector<1x8xf32>
    %add3A_20 = vector.broadcast %get3A_19 : vector<1x8xf32> to vector<10000x8xf32>
    %add3A_21 = arith.addf %mul3A_16, %add3A_20 : vector<10000x8xf32>
    %max3A = arith.constant 0.000000e+00 : f32
    %max3A_22 = vector.broadcast %max3A : f32 to vector<10000x8xf32>
    %max3A_23 = arith.maximumf %add3A_21, %max3A_22 : vector<10000x8xf32>
    %mul3A_24 = vector.broadcast %get3A_11 : vector<10000x1xf32> to vector<10000x8xf32>
    %mul3A_25 = arith.mulf %mul3A_24, %max3A_23 : vector<10000x8xf32>
    %swap3A = arith.constant 0 : index
    %swap3A_26 = arith.constant 0 : index
    %swap3A_27 = vector.load %arg4[%swap3A, %swap3A_26] : memref<10016x8xf32, #tpu.memory_space<vmem>>, vector<10000x8xf32>
    tpu.vector_store %arg4[%swap3A, %swap3A_26], %mul3A_25 {strides = array<i32>} : memref<10016x8xf32, #tpu.memory_space<vmem>>, vector<10000x8xf32>,
    %broadcast_in_dim3A = arith.constant 0.000000e+00 : f32
    %broadcast_in_dim3A_28 = vector.broadcast %broadcast_in_dim3A : f32 to vector<16x8xf32>
    %swap3A_29 = arith.constant 10000 : index
    %swap3A_30 = arith.constant 0 : index
    %swap3A_31 = vector.load %arg4[%swap3A_29, %swap3A_30] : memref<10016x8xf32, #tpu.memory_space<vmem>>, vector<16x8xf32>
    tpu.vector_store %arg4[%swap3A_29, %swap3A_30], %broadcast_in_dim3A_28 {strides = array<i32>} : memref<10016x8xf32, #tpu.memory_space<vmem>>, vector<16x8xf32>,
    return
  }
}

module attributes {stable_mosaic.version = 14 : i64} {
  func.func @_tc3_body(%arg0: memref<2x10240x8xf32, #tpu.memory_space<vmem>>, %arg1: memref<10016x8xf32, #tpu.memory_space<vmem>>, %arg2: memref<10000x1xf32, #tpu.memory_space<vmem>>, %arg3: memref<8x2xf32, #tpu.memory_space<vmem>>, %arg4: memref<1x2xf32, #tpu.memory_space<vmem>>, %arg5: memref<2x1xf32, #tpu.memory_space<vmem>>, %arg6: memref<1x1xf32, #tpu.memory_space<vmem>>, %arg7: memref<10000x1xf32, #tpu.memory_space<vmem>>) attributes {dimension_semantics = [], scalar_prefetch = 0 : i64, scratch_operands = 0 : i64, tpu.core_type = #tpu.core_type<tc>} {
    %get3A = arith.constant 0 : index
    %get3A_0 = arith.constant 0 : index
    %get3A_1 = arith.constant 0 : index
    %get3A_2 = vector.load %arg0[%get3A, %get3A_0, %get3A_1] : memref<2x10240x8xf32, #tpu.memory_space<vmem>>, vector<1x10000x8xf32>
    %get3A_3 = vector.shape_cast %get3A_2 : vector<1x10000x8xf32> to vector<10000x8xf32>
    %get3A_4 = arith.constant 1 : index
    %get3A_5 = arith.constant 0 : index
    %get3A_6 = arith.constant 0 : index
    %get3A_7 = vector.load %arg0[%get3A_4, %get3A_5, %get3A_6] : memref<2x10240x8xf32, #tpu.memory_space<vmem>>, vector<1x10000x8xf32>
    %get3A_8 = vector.shape_cast %get3A_7 : vector<1x10000x8xf32> to vector<10000x8xf32>
    %add3A = arith.addf %get3A_3, %get3A_8 : vector<10000x8xf32>
    %get3A_9 = arith.constant 0 : index
    %get3A_10 = arith.constant 0 : index
    %get3A_11 = vector.load %arg1[%get3A_9, %get3A_10] : memref<10016x8xf32, #tpu.memory_space<vmem>>, vector<10000x8xf32>
    %add3A_12 = arith.addf %add3A, %get3A_11 : vector<10000x8xf32>
    %get3A_13 = arith.constant 0 : index
    %get3A_14 = arith.constant 0 : index
    %get3A_15 = vector.load %arg2[%get3A_13, %get3A_14] : memref<10000x1xf32, #tpu.memory_space<vmem>>, vector<10000x1xf32>
    %get3A_16 = arith.constant 0 : index
    %get3A_17 = arith.constant 0 : index
    %get3A_18 = vector.load %arg3[%get3A_16, %get3A_17] : memref<8x2xf32, #tpu.memory_space<vmem>>, vector<8x2xf32>
    %dot_general3A = arith.constant dense<0.000000e+00> : vector<10000x2xf32>
    %dot_general3A_19 = tpu.matmul %add3A_12, %get3A_18, %dot_general3A {dimension_numbers = #tpu.dot_dimension_numbers<[1], [0], [0], [1], [0, 0, 1, 1], [], []>, transpose_lhs_hint = false} : vector<10000x8xf32>, vector<8x2xf32>, vector<10000x2xf32> -> vector<10000x2xf32>
    %mul3A = vector.broadcast %get3A_15 : vector<10000x1xf32> to vector<10000x2xf32>
    %mul3A_20 = arith.mulf %mul3A, %dot_general3A_19 : vector<10000x2xf32>
    %get3A_21 = arith.constant 0 : index
    %get3A_22 = arith.constant 0 : index
    %get3A_23 = vector.load %arg4[%get3A_21, %get3A_22] : memref<1x2xf32, #tpu.memory_space<vmem>>, vector<1x2xf32>
    %add3A_24 = vector.broadcast %get3A_23 : vector<1x2xf32> to vector<10000x2xf32>
    %add3A_25 = arith.addf %mul3A_20, %add3A_24 : vector<10000x2xf32>
    %max3A = arith.constant 0.000000e+00 : f32
    %max3A_26 = vector.broadcast %max3A : f32 to vector<10000x2xf32>
    %max3A_27 = arith.maximumf %add3A_25, %max3A_26 : vector<10000x2xf32>
    %get3A_28 = arith.constant 0 : index
    %get3A_29 = arith.constant 0 : index
    %get3A_30 = vector.load %arg5[%get3A_28, %get3A_29] : memref<2x1xf32, #tpu.memory_space<vmem>>, vector<2x1xf32>
    %dot_general3A_31 = arith.constant dense<0.000000e+00> : vector<10000x1xf32>
    %dot_general3A_32 = tpu.matmul %max3A_27, %get3A_30, %dot_general3A_31 {dimension_numbers = #tpu.dot_dimension_numbers<[1], [0], [0], [1], [0, 0, 1, 1], [], []>, transpose_lhs_hint = false} : vector<10000x2xf32>, vector<2x1xf32>, vector<10000x1xf32> -> vector<10000x1xf32>
    %get3A_33 = arith.constant 0 : index
    %get3A_34 = arith.constant 0 : index
    %get3A_35 = vector.load %arg6[%get3A_33, %get3A_34] : memref<1x1xf32, #tpu.memory_space<vmem>>, vector<1x1xf32>
    %add3A_36 = vector.broadcast %get3A_35 : vector<1x1xf32> to vector<10000x1xf32>
    %add3A_37 = arith.addf %dot_general3A_32, %add3A_36 : vector<10000x1xf32>
    %logistic3A = arith.negf %add3A_37 : vector<10000x1xf32>
    %logistic3A_38 = math.exp %logistic3A : vector<10000x1xf32>
    %logistic3A_39 = arith.constant 1.000000e+00 : f32
    %logistic3A_40 = vector.broadcast %logistic3A_39 : f32 to vector<10000x1xf32>
    %logistic3A_41 = arith.addf %logistic3A_40, %logistic3A_38 : vector<10000x1xf32>
    %logistic3A_42 = arith.divf %logistic3A_40, %logistic3A_41 : vector<10000x1xf32>
    %swap3A = arith.constant 0 : index
    %swap3A_43 = arith.constant 0 : index
    %swap3A_44 = vector.load %arg7[%swap3A, %swap3A_43] : memref<10000x1xf32, #tpu.memory_space<vmem>>, vector<10000x1xf32>
    tpu.vector_store %arg7[%swap3A, %swap3A_43], %logistic3A_42 {strides = array<i32>} : memref<10000x1xf32, #tpu.memory_space<vmem>>, vector<10000x1xf32>,
    return
  }
}

</mosaic_0001>

<sc_bundles>
// kernel: kernel.12.cloned.1.call-start
scs
__scs_entry_jumppad:
0x0: {  	(pc) =	sbr.rel $0x88, $3  }
0x1: {  	(tag) =	ssettag $0x0;
	lr =	simm.s32 $0x1  }
0x2: {  	[smem:$0x3F99] =	sst lr;
	_ =	strace $0xD0000000  }
0x3: {  	_ = 	snop  }
0x4: {  	_ = 	snop  }
0x5: {  	_ = 	snop  }
0x6: {  	_ = 	snop  }
0x7: {  	_ = 	snop  }
__scs_overlays_trampoline_lowered:
0x8: {  	[smem:$0x3FA8] =	sst s0  }
0x9: {  	[smem:$0x3FA9] =	sst s1  }
0xa: {  	[smem:$0x3FAA] =	sst s2  }
0xb: {  	[smem:$0x3FAB] =	sst s3  }
0xc: {  	[smem:$0x3FAC] =	sst s4  }
0xd: {  	[smem:$0x3FAD] =	sst s5  }
0xe: {  	[smem:$0x3FAE] =	sst s6  }
0xf: {  	[smem:$0x3FAF] =	sst s7  }
0x10: {  	[smem:$0x3FB0] =	sst s8  }
0x11: {  	[smem:$0x3FB1] =	sst s9;
	s0 =	simm.s32 @!p0 $0x0  }
0x12: {  	s1 =	sld [smem:$0x3F97];
	s0 =	simm.s32 @p0 $0x1  }
0x13: {  	[smem:$0x3FB2] =	sst s0;
	s0 =	simm.s32 @!p1 $0x0  }
0x14: {  	s2 =	sld [smem:$0x3F96];
	s0 =	simm.s32 @p1 $0x1  }
0x15: {  	[smem:$0x3FB3] =	sst s0;
	s0 =	simm.s32 @!p2 $0x0  }
0x16: {  	s3 =	sld [smem:$0x3FDB];
	s0 =	simm.s32 @p2 $0x1  }
0x17: {  	s4 =	simm.s32 $0x1BF5;
	[smem:$0x3FB5] =	sst s0  }
0x18: {  	s0 =	sld [smem:$0x3F98];
	_ =	swait.ge [sflag:s4], $0x0  }
0x19: {  	s7 =	sld [smem:$0x3F99]  }
0x1a: {  	s8 =	sadd.s32 $0xFFFFE003, lr  }
0x1b: {  	s9 =	sadd.s32 $0xFFFFFEF7, lr;
	s5 =	simm.s32 $0xFFFFFFFF;
	p2 =	slt.u32 s8, $0xFFFFF086  }
0x1c: {  	p1 =	slt.u32 s9, $0xF7A;
	s5 =	simm.s32 @!p2 $0x0  }
0x1d: {  	s5 =	simm.s32 @p1 $0x1;
	p0 =	seq.s32 s7, s2  }
0x1e: {  	s7 =	smul.u32 @!p0 $0xF7A, s2;
	p2 =	seq.s32 @!p0 s5, $0x0  }
0x1f: {  	s9 =	smul.u32 $0xF7A, s1;
	s8 =	simm.s32 @!p0 $0x1BF5;
	p2 =	por !p2, p0  }
0x20: {  	[sflag:s8] =	ssyncset.s32 @!p0 $0xFFFFF086;
	s6 =	sadd.s32 @!p0 s3, s7;
	s7 =	simm.s32 @!p0 $0x108  }
0x21: {  	s3 =	sadd.s32 s3, s9;
	s6 =	sadd.s32 @!p0 $0x88, s6;
	s7 =	simm.s32 @p2 $0x1082  }
0x22: {  	[simem:s7], [sflag:s8] =	dma.local @!p0 [hbm:s6], $0xF7A  }
0x23: {  	s9 =	sor.u32 $0xD0000000, s2;
	s6 =	simm.s32 $0x108;
	_ =	swait.ge @!p0 [sflag:s8], $0x0  }
0x24: {  	s3 =	sadd.s32 $0x88, s3;
	s6 =	simm.s32 @!p1 $0x1082;
	[sflag:s4] =	ssyncset.s32 $0xFFFFF086  }
0x25: {  	[simem:s6], [sflag:s4] =	dma.local [hbm:s3], $0xF7A  }
0x26: {  	[smem:$0x3F99] =	sst s1;
	(tag) =	ssettag s2;
	_ =	strace s9  }
0x27: {  	s1 =	sld [smem:$0x3FA9]  }
0x28: {  	s2 =	sld [smem:$0x3FAA]  }
0x29: {  	s4 =	sld [smem:$0x3FAC]  }
0x2a: {  	p0 =	seq.s32 s5, $0x0;
	s5 =	sld [smem:$0x3FAD]  }
0x2b: {  	s6 =	sld [smem:$0x3FAE]  }
0x2c: {  	s7 =	sld [smem:$0x3FAF]  }
0x2d: {  	s3 =	simm.s32 $0x108;
	s8 =	sld [smem:$0x3FB0]  }
0x2e: {  	s3 =	simm.s32 @!p0 $0x1082;
	s9 =	sld [smem:$0x3FB1]  }
0x2f: {  	lr =	sadd.s32 s0, s3;
	s0 =	sld [smem:$0x3FA8]  }
0x30: {  	s3 =	sld [smem:$0x3FAB]  }
0x31: {  	[smem:$0x3FB4] =	sst s10  }
0x32: {  	s10 =	sld [smem:$0x3FB2];
	_ =	sdelay $0x3  }
0x33: {  	p0 =	seq.s32 s10, $0x1;
	s10 =	sld [smem:$0x3FB4];
	_ =	sdelay $0x3  }
0x34: {  	[smem:$0x3FB4] =	sst s10  }
0x35: {  	s10 =	sld [smem:$0x3FB3];
	_ =	sdelay $0x3  }
0x36: {  	p1 =	seq.s32 s10, $0x1;
	s10 =	sld [smem:$0x3FB4];
	_ =	sdelay $0x3  }
0x37: {  	[smem:$0x3FB4] =	sst s10  }
0x38: {  	s10 =	sld [smem:$0x3FB5]  }
0x39: {  	_ = 	snop;
	(pc) =	sbr.ind lr, $3  }
0x3a: {  	_ = 	snop  }
0x3b: {  	_ = 	snop  }
0x3c: {  	p2 =	seq.s32 s10, $0x1;
	s10 =	sld [smem:$0x3FB4]  }
0x3d: {  	_ =	shalt  }
0x3e: {  	_ =	shalt  }
0x3f: {  	_ =	shalt  }
0x40: {  	_ =	shalt  }
0x41: {  	_ =	shalt  }
0x42: {  	_ =	shalt  }
0x43: {  	_ =	shalt  }
0x44: {  	_ =	shalt  }
0x45: {  	_ =	shalt  }
0x46: {  	_ =	shalt  }
0x47: {  	_ =	shalt  }
0x48: {  	_ =	shalt  }
0x49: {  	_ =	shalt  }
0x4a: {  	_ =	shalt  }
0x4b: {  	_ =	shalt  }
0x4c: {  	_ =	shalt  }
0x4d: {  	_ =	shalt  }
0x4e: {  	_ =	shalt  }
0x4f: {  	_ =	shalt  }
0x50: {  	_ =	shalt  }
0x51: {  	_ =	shalt  }
0x52: {  	_ =	shalt  }
0x53: {  	_ =	shalt  }
0x54: {  	_ =	shalt  }
0x55: {  	_ =	shalt  }
0x56: {  	_ =	shalt  }
0x57: {  	_ =	shalt  }
0x58: {  	_ =	shalt  }
0x59: {  	_ =	shalt  }
0x5a: {  	_ =	shalt  }
0x5b: {  	_ =	shalt  }
0x5c: {  	_ =	shalt  }
0x5d: {  	_ =	shalt  }
0x5e: {  	_ =	shalt  }
0x5f: {  	_ =	shalt  }
0x60: {  	_ =	shalt  }
0x61: {  	_ =	shalt  }
0x62: {  	_ =	shalt  }
0x63: {  	_ =	shalt  }
0x64: {  	_ =	shalt  }
0x65: {  	_ =	shalt  }
0x66: {  	_ =	shalt  }
0x67: {  	_ =	shalt  }
0x68: {  	_ =	shalt  }
0x69: {  	_ =	shalt  }
0x6a: {  	_ =	shalt  }
0x6b: {  	_ =	shalt  }
0x6c: {  	_ =	shalt  }
0x6d: {  	_ =	shalt  }
0x6e: {  	_ =	shalt  }
0x6f: {  	_ =	shalt  }
0x70: {  	_ =	shalt  }
0x71: {  	_ =	shalt  }
0x72: {  	_ =	shalt  }
0x73: {  	_ =	shalt  }
0x74: {  	_ =	shalt  }
0x75: {  	_ =	shalt  }
0x76: {  	_ =	shalt  }
0x77: {  	_ =	shalt  }
0x78: {  	_ =	shalt  }
0x79: {  	_ =	shalt  }
0x7a: {  	_ =	shalt  }
0x7b: {  	_ =	shalt  }
0x7c: {  	_ =	shalt  }
0x7d: {  	_ =	shalt  }
0x7e: {  	_ =	shalt  }
0x7f: {  	_ =	shalt  }
0x80: {  	_ =	shalt  }
0x81: {  	_ =	shalt  }
0x82: {  	_ =	shalt  }
0x83: {  	_ =	shalt  }
0x84: {  	_ =	shalt  }
0x85: {  	_ =	shalt  }
0x86: {  	_ =	shalt  }
0x87: {  	_ =	shalt  }
.Lfunc_end0:
.L_simem_size_0:
called_computation.1_lowered:
.L_overlay_start_0:
0x88: {  	s2 =	sld [smem:$0x3FD9]  }
0x89: {  	s3 =	sld [smem:$0x3FFE];
	_ =	sdelay $0x1  }
0x8a: {  	s1 =	srdreg.scid  }
0x8b: {  	s0 =	sand.u32 $0x1, s1  }
0x8c: {  	s17 =	sshll.u32 s0, $0xA;
	s2 =	sadd.s32 s3, s2  }
0x8d: {  	s2 =	sadd.s32 s2, s17  }
0x8e: {  	[smem:$0x3FC0] =	sst s2  }
0x8f: {  	_ = 	snop  }
0x90: {  	s2 =	sld [smem:$0x3FD0];
	(tm) =	ssettm $0x1  }
0x91: {  	s18 =	sld [smem:$0x3FFB];
	_ =	sdelay $0x3  }
0x92: {  	_ =	strace s18  }
0x93: {  	s3 =	sld [smem:$0x3FFC];
	_ =	sdelay $0x3  }
0x94: {  	_ =	strace s3  }
0x95: {  	s3 =	sld [smem:$0x3FFD];
	_ =	sdelay $0x3  }
0x96: {  	_ =	strace s3  }
0x97: {  	_ =	strace $0x8FFFFFFF  }
0x98: {  	s19 =	sld [smem:$0x3FDB];
	_ =	sdelay $0x1  }
0x99: {  	s4 =	simm.s32 $_scs_section_size  }
0x9a: {  	s5 =	simm.s32 $_size__tile_overlayer_lowered;
	s6 =	simm.s32 $_tile_overlayer_lowered  }
0x9b: {  	s22 =	simm.s32 $0x1BFF;
	s21 =	sshll.u32 s6, $0x1;
	s3 =	sadd.s32 s4, s19  }
0x9c: {  	s7 =	simm.s32 $0x0;
	s20 =	sshll.u32 s5, $0x1;
	s5 =	sadd.s32 s21, s3  }
0x9d: {  	[timem:s7], [sflag:s22] =	dma.local [hbm:s5], s20  }
0x9e: {  	_ =	swait.ge [sflag:s22], s20  }
0x9f: {  	s4 =	ssub.s32 $0x0, s20;
	[sflag:s22] =	ssyncset.done $0x0  }
0xa0: {  	[sflag:s22] =	ssyncadd.s32 s4;
	_ =	sdelay $0x1  }
0xa1: {  	s23 =	simm.s32 $0x1B8B  }
0xa2: {  	_ =	swait.ge [sflag:s23], $0x1  }
0xa3: {  	[sflag:s23] =	ssyncset.done $0x0  }
0xa4: {  	s25 =	simm.s32 $0x1B8E;
	s24 =	sld [smem:$0x3FFE];
	[sflag:s23] =	ssyncadd.s32 $0xFFFFFFFF  }
0xa5: {  	s26 =	simm.s32 $execute0_lowered;
	[smem:$0x3FD2] =	sst s25  }
0xa6: {  	s5 =	sshll.u32 s26, $0x1;
	_ =	strace $0x80000049;
	[dreg:$0x1] =	wrdreg $0xFFFFFFFF  }
0xa7: {  	s28 =	simm.s32 $_size_execute0_lowered;
	s3 =	sadd.s32 s3, s5;
	[dreg:$0x0] =	wrdreg $0x0  }
0xa8: {  	s5 =	sshll.u32 s28, $0x1;
	[dreg:$0x2] =	wrdreg s3  }
0xa9: {  	[dreg:$0x3] =	wrdreg s5  }
0xaa: {  	[dreg:$0x4] =	wrdreg $0xC0  }
0xab: {  	_ =	task [dreg:s7], $0x5FFFF  }
0xac: {  	[dreg:$0x1] =	wrdreg $0xFFFFFFFF  }
0xad: {  	[dreg:$0x0] =	wrdreg $0x60  }
0xae: {  	[dreg:$0x2] =	wrdreg s24  }
0xaf: {  	[dreg:$0x3] =	wrdreg s2  }
0xb0: {  	[dreg:$0x4] =	wrdreg $0x90000  }
0xb1: {  	[dreg:$0x5] =	wrdreg $0x9  }
0xb2: {  	_ =	task.clear_ibuf [dreg:s7], $0x6FFFF;
	_ =	strace $0x90000049  }
0xb3: {  	s29 =	simm.s32 $0x9;
	_ =	strace $0x8000004B  }
0xb4: {  	_ =	swait.ge [sflag:s29], $0x1  }
0xb5: {  	[sflag:s29] =	ssyncadd.s32 $0xFFFFFFFF  }
0xb6: {  	_ =	strace $0x9000004B  }
0xb7: {  	_ =	sfence  }
0xb8: {  	s30 =	sld [smem:$0x0];
	_ =	sdelay $0x2  }
0xb9: {  	s31 =	sshll.u32 s1, $0xD;
	s1 =	sshrl.u32 s1, $0x2  }
0xba: {  	s3 =	sand.u32 $0x4000, s31;
	s1 =	sadd.s32 s1, s30  }
0xbb: {  	s0 =	sor.u32 s3, s0;
	s1 =	sshll.u32 s1, $0x11  }
0xbc: {  	s0 =	sor.u32 s1, s0  }
0xbd: {  	s0 =	sadd.s32 $0x8F2B, s0  }
0xbe: {  	[sflag:s0] =	ssyncadd.remote.s32 $0x1  }
0xbf: {  	_ =	sfence.sel $0xFFFF  }
0xc0: {  	[dreg:$0x0] =	wrdreg $0xFFFFFFFF;
	(pc) =	sbr.abs _section_cstart, $3  }
0xc1: {  	[dreg:$0x1] =	wrdreg $0xFFFFFFFF  }
0xc2: {  	_ =	task.clear_ibuf [dreg:s7], $0x2FFFF;
	_ =	strace $0x9FFFFFFF  }
0xc3: {  	(tm) =	ssettm $0x7FFFFFFF  }
tec
execute0_lowered:
.L_overlay_start_1:
0x0: {  	(tag) =	ssettag $0x1  }
0x1: {  	s0 =	rddreg [dreg:$0x0]  }
0x2: {  	s2 =	rddreg [dreg:$0x2];
	s3 =	simm.s32 $0x0;
	s1 =	srdreg.scid  }
0x3: {  	s11 =	stileid.u32;
	s6 =	simm.s32 $0x70;
	s15 =	simm.s32 $0x80  }
0x4: {  	s16 =	simm.s32 $0x7000;
	s17 =	simm.s32 $0x7400;
	s19 =	simm.s32 $0x7800  }
0x5: {  	s21 =	simm.s32 $0x7C00;
	s29 =	simm.s32 $0x8800;
	s31 =	simm.s32 $0x8C00  }
0x6: {  	s18 =	simm.s32 $0x5;
	s20 =	simm.s32 $0x6;
	s28 =	simm.s32 $0x0  }
0x7: {  	[smem:$0x7FF] =	sst s3;
	s1 =	sand.u32 $0x1, s1;
	s9 =	smul.u32 $0x300, s11  }
0x8: {  	s5 =	sadd.s32 $0x16000, s0;
	s4 =	sadd.s32 $0x2000, s0;
	s10 =	smul.u32 $0x1400, s11  }
0x9: {  	s23 =	sshll.u32 s11, $0x6;
	s13 =	smul.u32 $0x700, s11;
	_ =	strace $0x8000004A  }
0xa: {  	s22 =	smul.u32 $0x2800, s1;
	s7 =	ssub.s32 $0x2, s1;
	p0 =	seq.s32 s1, $0x0  }
0xb: {  	s8 =	sshrl.u32 s7, $0x1;
	s6 =	simm.s32 @!p0 $0x30;
	s9 =	sadd.s32 $0x7000, s9  }
0xc: {  	s24 =	sadd.s32 s10, s2;
	s25 =	sshrl.u32 s10, $0x3;
	p0 =	sne.s32 s1, $0x0  }
0xd: {  	s3 =	sadd.s32 s22, s0;
	s8 =	ssub.s32 s7, s8;
	s7 =	sor.u32 $0x1C11, s23  }
0xe: {  	s12 =	sadd.s32 s4, s9;
	s0 =	sadd.s32 $0xC000, s0;
	s4 =	sadd.s32 s4, s13  }
0xf: {  	s26 =	sshll.u32 s6, $0x9;
	s11 =	sshrl.u32 s24, $0x3;
	[dreg:$0x5] =	wrdreg s12  }
0x10: {  	s23 =	simm.s32 $0x8000;
	s22 =	simm.s32 $0x7;
	[dreg:$0x6] =	wrdreg s4  }
0x11: {  	s24 =	simm.s32 $0x10;
	s8 =	smax.u32 s8, $0x1;
	[dreg:$0x4] =	wrdreg s26  }
0x12: {  	s3 =	sadd.s32 $0x18800, s3;
	s1 =	sadd.s32 @p0 s9, s0;
	[dreg:$0x7] =	wrdreg s8  }
0x13: {  	s12 =	simm.s32 $0x11;
	s0 =	sadd.s32 @!p0 s13, s0;
	[dreg:$0x8] =	wrdreg s1  }
0x14: {  	s26 =	simm.s32 $0x8400;
	s4 =	simm.s32 $0x2;
	[dreg:$0x9] =	wrdreg s0  }
0x15: {  	s30 =	sadd.s32 s25, s3;
	s0 =	simm.s32 $0x1;
	s1 =	simm.s32 $0x3  }
0x16: {  	s3 =	simm.s32 $0x4;
	s25 =	simm.s32 $0x8;
	[dreg:$0xa] =	wrdreg s30  }
.LBB2_1:
0x17: {  	s8 =	rddreg [dreg:$0x1]  }
0x18: {  	[spmem:s11], [sflag:s7] =	dma.local [hbm:s8], $0x280  }
0x19: {  	_ =	swait.ge [sflag:s12], $0x280  }
0x1a: {  	[sflag:s12] =	ssyncset.done $0x0  }
0x1b: {  	s8 =	simm.s32 @p0 $0x0;
	s9 =	rddreg [dreg:$0x5];
	[sflag:s12] =	ssyncadd.s32 $0xFFFFFD80  }
0x1c: {  	[tilespmem:s8], [sflag:$0x11] =	stream.linear.gather @p0 [hbm4b:s9+s8], $0x1800, $0x38;
	[tilespmem:$0xA400] =	vst v63  }
0x1d: {  	s9 =	simm.s32 @p0 $0x11  }
0x1e: {  	_ =	swait.ge @p0 [sflag:s9], $0x1800  }
0x1f: {  	[sflag:s9] =	ssyncset.done @p0 $0x0  }
0x20: {  	s30 =	simm.s32 @p0 $0x3800;
	s10 =	rddreg [dreg:$0x8];
	[sflag:s9] =	ssyncadd.s32 @p0 $0xFFFFE800  }
0x21: {  	[tilespmem:s30], [sflag:$0x11] =	stream.linear.gather @p0 [hbm4b:s10+s8], $0x1800, $0x38;
	[tilespmem:$0xA400] =	vst v63  }
0x22: {  	_ =	swait.ge @p0 [sflag:s9], $0x1800  }
0x23: {  	[sflag:s9] =	ssyncset.done @p0 $0x0  }
0x24: {  	s8 =	simm.s32 @!p0 $0x0;
	[sflag:s9] =	ssyncadd.s32 @p0 $0xFFFFE800;
	s9 =	rddreg [dreg:$0x6]  }
0x25: {  	[tilespmem:s8], [sflag:$0x11] =	stream.linear.gather @!p0 [hbm4b:s9+s8], $0x3800, $0x38;
	[tilespmem:$0xA400] =	vst v63  }
0x26: {  	s9 =	simm.s32 @!p0 $0x11  }
0x27: {  	_ =	swait.ge @!p0 [sflag:s9], $0x3800  }
0x28: {  	[sflag:s9] =	ssyncset.done @!p0 $0x0  }
0x29: {  	s30 =	simm.s32 @!p0 $0x3800;
	s10 =	rddreg [dreg:$0x9];
	[sflag:s9] =	ssyncadd.s32 @!p0 $0xFFFFC800  }
0x2a: {  	[tilespmem:s30], [sflag:$0x11] =	stream.linear.gather @!p0 [hbm4b:s10+s8], $0x3800, $0x38;
	[tilespmem:$0xA400] =	vst v63  }
0x2b: {  	_ =	swait.ge @!p0 [sflag:s9], $0x3800  }
0x2c: {  	[sflag:s9] =	ssyncset.done @!p0 $0x0  }
0x2d: {  	[sflag:s9] =	ssyncadd.s32 @!p0 $0xFFFFC800  }
0x2e: {  	s10 =	simm.s32 $0x0;
	[bflag:$0x0] =	sbarrier.arrive $0xFFFF  }
0x2f: {  	[tilespmem:s16], [sflag:$0x1] =	stream.indirect.gather [hbm4b:s5+s15], $0x8, s10, s15, $0xb8;
	[tilespmem:$0xA400] =	vst v63  }
0x30: {  	_ = 	snop  }
0x31: {  	[tilespmem:s17], [sflag:$0x2] =	stream.indirect.gather [hbm4b:s5+s15], $0x8, s15, s15, $0xb8;
	[tilespmem:$0xA400] =	vst v63  }
0x32: {  	s13 =	simm.s32 $0x100  }
0x33: {  	[tilespmem:s19], [sflag:$0x3] =	stream.indirect.gather [hbm4b:s5+s15], $0x8, s13, s15, $0xb8;
	[tilespmem:$0xA400] =	vst v63  }
0x34: {  	s14 =	simm.s32 $0x180  }
0x35: {  	[tilespmem:s21], [sflag:$0x4] =	stream.indirect.gather [hbm4b:s5+s15], $0x8, s14, s15, $0xb8;
	[tilespmem:$0xA400] =	vst v63  }
0x36: {  	s9 =	simm.s32 $0x200  }
0x37: {  	[tilespmem:s23], [sflag:$0x5] =	stream.indirect.gather [hbm4b:s5+s15], $0x8, s9, s15, $0xb8;
	[tilespmem:$0xA400] =	vst v63  }
0x38: {  	s10 =	simm.s32 $0x280  }
0x39: {  	[tilespmem:s26], [sflag:$0x6] =	stream.indirect.gather [hbm4b:s5+s15], $0x8, s10, s15, $0xb8;
	[tilespmem:$0xA400] =	vst v63  }
0x3a: {  	s13 =	simm.s32 $0x300  }
0x3b: {  	[tilespmem:s29], [sflag:$0x7] =	stream.indirect.gather [hbm4b:s5+s15], $0x8, s13, s15, $0xb8;
	[tilespmem:$0xA400] =	vst v63  }
0x3c: {  	s30 =	simm.s32 $0x8;
	s8 =	simm.s32 $0x0;
	s14 =	simm.s32 $0x380  }
0x3d: {  	[tilespmem:s31], [sflag:$0x8] =	stream.indirect.gather [hbm4b:s5+s15], $0x8, s14, s15, $0xb8;
	[tilespmem:$0xA400] =	vst v63  }
.LBB2_2:
0x3e: {  	_ =	swait.ge [sflag:s0], $0x400  }
0x3f: {  	s9 =	sshra.s32 s8, $0x2;
	[sflag:s0] =	ssyncset.done $0x0  }
0x40: {  	p1 =	sge.u32 s30, s6;
	s10 =	sadd.s32 $0x3800, s9;
	[sflag:s0] =	ssyncadd.s32 $0xFFFFFC00  }
0x41: {  	[spmem:s2] =	stream.indirect.scatter.add.f32 [tilespmem:s16], [sflag:$0x9], $0x8, s10, s15, $0xb8;
	[tilespmem:$0xA400] =	vst v63  }
0x42: {  	s10 =	simm.s32 @!p1 $0x9  }
0x43: {  	_ =	swait.ge @!p1 [sflag:s10], $0x400  }
0x44: {  	[sflag:s10] =	ssyncset.done @!p1 $0x0  }
0x45: {  	[sflag:s10] =	ssyncadd.s32 @!p1 $0xFFFFFC00;
	s10 =	sshra.s32 @!p1 s8, $0x2  }
0x46: {  	s13 =	simm.s32 @!p1 $0x80;
	s14 =	simm.s32 @!p1 $0x7000;
	s10 =	sadd.s32 @!p1 $0x400, s10  }
0x47: {  	[tilespmem:s14], [sflag:$0x1] =	stream.indirect.gather @!p1 [hbm4b:s5+s13], $0x8, s10, s13, $0xb8;
	[tilespmem:$0xA400] =	vst v63  }
0x48: {  	s13 =	sadd.s32 $0x1, s30;
	_ =	swait.ge [sflag:s4], $0x400  }
0x49: {  	p1 =	sge.u32 s13, s6;
	[sflag:s4] =	ssyncset.done $0x0  }
0x4a: {  	s14 =	sadd.s32 $0x3880, s9;
	s10 =	simm.s32 @!p1 $0xA;
	[sflag:s4] =	ssyncadd.s32 $0xFFFFFC00  }
0x4b: {  	[spmem:s2] =	stream.indirect.scatter.add.f32 [tilespmem:s17], [sflag:$0xA], $0x8, s14, s15, $0xb8;
	[tilespmem:$0xA400] =	vst v63  }
0x4c: {  	_ =	swait.ge @!p1 [sflag:s10], $0x400  }
0x4d: {  	[sflag:s10] =	ssyncset.done @!p1 $0x0  }
0x4e: {  	[sflag:s10] =	ssyncadd.s32 @!p1 $0xFFFFFC00;
	s10 =	sshra.s32 @!p1 s8, $0x2  }
0x4f: {  	s13 =	simm.s32 @!p1 $0x80;
	s14 =	simm.s32 @!p1 $0x7400;
	s10 =	sadd.s32 @!p1 $0x480, s10  }
0x50: {  	[tilespmem:s14], [sflag:$0x2] =	stream.indirect.gather @!p1 [hbm4b:s5+s13], $0x8, s10, s13, $0xb8;
	[tilespmem:$0xA400] =	vst v63  }
0x51: {  	s13 =	sadd.s32 $0x2, s30;
	_ =	swait.ge [sflag:s1], $0x400  }
0x52: {  	p1 =	sge.u32 s13, s6;
	[sflag:s1] =	ssyncset.done $0x0  }
0x53: {  	s14 =	sadd.s32 $0x3900, s9;
	s10 =	simm.s32 @!p1 $0xB;
	[sflag:s1] =	ssyncadd.s32 $0xFFFFFC00  }
0x54: {  	[spmem:s2] =	stream.indirect.scatter.add.f32 [tilespmem:s19], [sflag:$0xB], $0x8, s14, s15, $0xb8;
	[tilespmem:$0xA400] =	vst v63  }
0x55: {  	_ =	swait.ge @!p1 [sflag:s10], $0x400  }
0x56: {  	[sflag:s10] =	ssyncset.done @!p1 $0x0  }
0x57: {  	[sflag:s10] =	ssyncadd.s32 @!p1 $0xFFFFFC00;
	s10 =	sshra.s32 @!p1 s8, $0x2  }
0x58: {  	s13 =	simm.s32 @!p1 $0x80;
	s14 =	simm.s32 @!p1 $0x7800;
	s10 =	sadd.s32 @!p1 $0x500, s10  }
0x59: {  	[tilespmem:s14], [sflag:$0x3] =	stream.indirect.gather @!p1 [hbm4b:s5+s13], $0x8, s10, s13, $0xb8;
	[tilespmem:$0xA400] =	vst v63  }
0x5a: {  	s13 =	sadd.s32 $0x3, s30;
	_ =	swait.ge [sflag:s3], $0x400  }
0x5b: {  	p1 =	sge.u32 s13, s6;
	[sflag:s3] =	ssyncset.done $0x0  }
0x5c: {  	s14 =	sadd.s32 $0x3980, s9;
	s10 =	simm.s32 @!p1 $0xC;
	[sflag:s3] =	ssyncadd.s32 $0xFFFFFC00  }
0x5d: {  	[spmem:s2] =	stream.indirect.scatter.add.f32 [tilespmem:s21], [sflag:$0xC], $0x8, s14, s15, $0xb8;
	[tilespmem:$0xA400] =	vst v63  }
0x5e: {  	_ =	swait.ge @!p1 [sflag:s10], $0x400  }
0x5f: {  	[sflag:s10] =	ssyncset.done @!p1 $0x0  }
0x60: {  	[sflag:s10] =	ssyncadd.s32 @!p1 $0xFFFFFC00;
	s10 =	sshra.s32 @!p1 s8, $0x2  }
0x61: {  	s13 =	simm.s32 @!p1 $0x80;
	s14 =	simm.s32 @!p1 $0x7C00;
	s10 =	sadd.s32 @!p1 $0x580, s10  }
0x62: {  	[tilespmem:s14], [sflag:$0x4] =	stream.indirect.gather @!p1 [hbm4b:s5+s13], $0x8, s10, s13, $0xb8;
	[tilespmem:$0xA400] =	vst v63  }
0x63: {  	s13 =	sadd.s32 $0x4, s30;
	_ =	swait.ge [sflag:s18], $0x400  }
0x64: {  	p1 =	sge.u32 s13, s6;
	[sflag:s18] =	ssyncset.done $0x0  }
0x65: {  	s14 =	sadd.s32 $0x3A00, s9;
	s10 =	simm.s32 @!p1 $0xD;
	[sflag:s18] =	ssyncadd.s32 $0xFFFFFC00  }
0x66: {  	[spmem:s2] =	stream.indirect.scatter.add.f32 [tilespmem:s23], [sflag:$0xD], $0x8, s14, s15, $0xb8;
	[tilespmem:$0xA400] =	vst v63  }
0x67: {  	_ =	swait.ge @!p1 [sflag:s10], $0x400  }
0x68: {  	[sflag:s10] =	ssyncset.done @!p1 $0x0  }
0x69: {  	[sflag:s10] =	ssyncadd.s32 @!p1 $0xFFFFFC00;
	s10 =	sshra.s32 @!p1 s8, $0x2  }
0x6a: {  	s13 =	simm.s32 @!p1 $0x80;
	s14 =	simm.s32 @!p1 $0x8000;
	s10 =	sadd.s32 @!p1 $0x600, s10  }
0x6b: {  	[tilespmem:s14], [sflag:$0x5] =	stream.indirect.gather @!p1 [hbm4b:s5+s13], $0x8, s10, s13, $0xb8;
	[tilespmem:$0xA400] =	vst v63  }
0x6c: {  	s13 =	sadd.s32 $0x5, s30;
	_ =	swait.ge [sflag:s20], $0x400  }
0x6d: {  	p1 =	sge.u32 s13, s6;
	[sflag:s20] =	ssyncset.done $0x0  }
0x6e: {  	s14 =	sadd.s32 $0x3A80, s9;
	s10 =	simm.s32 @!p1 $0xE;
	[sflag:s20] =	ssyncadd.s32 $0xFFFFFC00  }
0x6f: {  	[spmem:s2] =	stream.indirect.scatter.add.f32 [tilespmem:s26], [sflag:$0xE], $0x8, s14, s15, $0xb8;
	[tilespmem:$0xA400] =	vst v63  }
0x70: {  	_ =	swait.ge @!p1 [sflag:s10], $0x400  }
0x71: {  	[sflag:s10] =	ssyncset.done @!p1 $0x0  }
0x72: {  	[sflag:s10] =	ssyncadd.s32 @!p1 $0xFFFFFC00;
	s10 =	sshra.s32 @!p1 s8, $0x2  }
0x73: {  	s13 =	simm.s32 @!p1 $0x80;
	s14 =	simm.s32 @!p1 $0x8400;
	s10 =	sadd.s32 @!p1 $0x680, s10  }
0x74: {  	[tilespmem:s14], [sflag:$0x6] =	stream.indirect.gather @!p1 [hbm4b:s5+s13], $0x8, s10, s13, $0xb8;
	[tilespmem:$0xA400] =	vst v63  }
0x75: {  	s13 =	sadd.s32 $0x6, s30;
	_ =	swait.ge [sflag:s22], $0x400  }
0x76: {  	p1 =	sge.u32 s13, s6;
	[sflag:s22] =	ssyncset.done $0x0  }
0x77: {  	s14 =	sadd.s32 $0x3B00, s9;
	s10 =	simm.s32 @!p1 $0xF;
	[sflag:s22] =	ssyncadd.s32 $0xFFFFFC00  }
0x78: {  	[spmem:s2] =	stream.indirect.scatter.add.f32 [tilespmem:s29], [sflag:$0xF], $0x8, s14, s15, $0xb8;
	[tilespmem:$0xA400] =	vst v63  }
0x79: {  	_ =	swait.ge @!p1 [sflag:s10], $0x400  }
0x7a: {  	[sflag:s10] =	ssyncset.done @!p1 $0x0  }
0x7b: {  	[sflag:s10] =	ssyncadd.s32 @!p1 $0xFFFFFC00;
	s10 =	sshra.s32 @!p1 s8, $0x2  }
0x7c: {  	s13 =	simm.s32 @!p1 $0x80;
	s14 =	simm.s32 @!p1 $0x8800;
	s10 =	sadd.s32 @!p1 $0x700, s10  }
0x7d: {  	[tilespmem:s14], [sflag:$0x7] =	stream.indirect.gather @!p1 [hbm4b:s5+s13], $0x8, s10, s13, $0xb8;
	[tilespmem:$0xA400] =	vst v63  }
0x7e: {  	_ =	swait.ge [sflag:s25], $0x400  }
0x7f: {  	s14 =	sadd.s32 $0x7, s30;
	[sflag:s25] =	ssyncset.done $0x0  }
0x80: {  	s9 =	sadd.s32 $0x3B80, s9;
	p1 =	sge.u32 s14, s6;
	[sflag:s25] =	ssyncadd.s32 $0xFFFFFC00  }
0x81: {  	[spmem:s2] =	stream.indirect.scatter.add.f32 [tilespmem:s31], [sflag:$0x10], $0x8, s9, s15, $0xb8;
	[tilespmem:$0xA400] =	vst v63  }
0x82: {  	s9 =	simm.s32 @!p1 $0x10  }
0x83: {  	s10 =	sshra.s32 @!p1 s8, $0x2;
	s13 =	simm.s32 @!p1 $0x8C00;
	_ =	swait.ge @!p1 [sflag:s9], $0x400  }
0x84: {  	s8 =	sadd.s32 $0x1000, s8;
	[sflag:s9] =	ssyncset.done @!p1 $0x0;
	s14 =	rddreg [dreg:$0x4]  }
0x85: {  	[sflag:s9] =	ssyncadd.s32 @!p1 $0xFFFFFC00;
	s9 =	sadd.s32 @!p1 $0x780, s10;
	s10 =	simm.s32 @!p1 $0x80  }
0x86: {  	[tilespmem:s13], [sflag:$0x8] =	stream.indirect.gather @!p1 [hbm4b:s5+s10], $0x8, s9, s10, $0xb8;
	[tilespmem:$0xA400] =	vst v63  }
0x87: {  	p1 =	sne.s32 s14, s8  }
.Ltmp0:
0x88: {  	_ = 	snop;
	(pc) =	sbr.rel @p1 .LBB2_2-.Ltmp0, $2  }
0x89: {  	_ =	sdelay $0x2  }
0x8a: {  	s30 =	sadd.s32 $0x8, s30  }
0x8b: {  	s8 =	simm.s32 $0x9  }
0x8c: {  	_ =	swait.ge [sflag:s8], $0x400  }
0x8d: {  	[sflag:s8] =	ssyncset.done $0x0  }
0x8e: {  	s13 =	simm.s32 $0xA;
	[sflag:s8] =	ssyncadd.s32 $0xFFFFFC00  }
0x8f: {  	_ =	swait.ge [sflag:s13], $0x400  }
0x90: {  	[sflag:s13] =	ssyncset.done $0x0  }
0x91: {  	s14 =	simm.s32 $0xB;
	[sflag:s13] =	ssyncadd.s32 $0xFFFFFC00  }
0x92: {  	_ =	swait.ge [sflag:s14], $0x400  }
0x93: {  	[sflag:s14] =	ssyncset.done $0x0  }
0x94: {  	s30 =	simm.s32 $0xC;
	[sflag:s14] =	ssyncadd.s32 $0xFFFFFC00  }
0x95: {  	_ =	swait.ge [sflag:s30], $0x400  }
0x96: {  	[sflag:s30] =	ssyncset.done $0x0  }
0x97: {  	s9 =	simm.s32 $0xD;
	[sflag:s30] =	ssyncadd.s32 $0xFFFFFC00  }
0x98: {  	_ =	swait.ge [sflag:s9], $0x400  }
0x99: {  	[sflag:s9] =	ssyncset.done $0x0  }
0x9a: {  	s10 =	simm.s32 $0xE;
	[sflag:s9] =	ssyncadd.s32 $0xFFFFFC00  }
0x9b: {  	_ =	swait.ge [sflag:s10], $0x400  }
0x9c: {  	[sflag:s10] =	ssyncset.done $0x0  }
0x9d: {  	s13 =	simm.s32 $0xF;
	[sflag:s10] =	ssyncadd.s32 $0xFFFFFC00  }
0x9e: {  	_ =	swait.ge [sflag:s13], $0x400  }
0x9f: {  	[sflag:s13] =	ssyncset.done $0x0  }
0xa0: {  	[sflag:s13] =	ssyncadd.s32 $0xFFFFFC00  }
0xa1: {  	_ =	swait.ge [sflag:s24], $0x400  }
0xa2: {  	[sflag:s24] =	ssyncset.done $0x0  }
0xa3: {  	[sflag:s24] =	ssyncadd.s32 $0xFFFFFC00  }
0xa4: {  	[bflag:$0x0] =	sbarrier.arrive $0xFFFF  }
0xa5: {  	s14 =	rddreg [dreg:$0xa]  }
0xa6: {  	[hbm:s14], [sflag:s7] =	dma.local [spmem:s11], $0x280  }
0xa7: {  	_ =	swait.ge [sflag:s12], $0x280  }
0xa8: {  	s28 =	sadd.s32 $0x1, s28;
	s30 =	rddreg [dreg:$0x7]  }
0xa9: {  	p1 =	sne.s32 s28, s30  }
.Ltmp1:
0xaa: {  	_ = 	snop;
	(pc) =	sbr.rel @p1 .LBB2_1-.Ltmp1, $3  }
0xab: {  	_ =	sdelay $0x1  }
0xac: {  	[sflag:s12] =	ssyncset.done $0x0  }
0xad: {  	[sflag:s12] =	ssyncadd.s32 $0xFFFFFD80  }
0xae: {  	_ =	sfence.sel $0x180000  }
0xaf: {  	[bflag:$0x0] =	sbarrier.arrive $0xFFFF  }
0xb0: {  	_ =	strace $0x9000004A  }
0xb1: {  	s0 =	stileid.u32;
	[bflag:$0x2] =	sbarrier.arrive $0xFFFF  }
0xb2: {  	p0 =	sne.s32 s0, $0x0;
	s0 =	rddreg [dreg:$0x3]  }
0xb3: {  	s0 =	sadd.s32 @!p0 $0x100000, s0  }
0xb4: {  	[sflag:s0] =	ssyncadd.tile.s32 @!p0 $0x1;
	_ =	shalt  }
.Lfunc_end2:
_tile_overlayer_lowered:
.L_overlay_start_2:
0xb5: {  	(tag) =	ssettag $0x2  }
0xb6: {  	s0 =	rddreg [dreg:$0x0];
	s2 =	stileid.u32  }
0xb7: {  	s1 =	rddreg [dreg:$0x1];
	p0 =	sne.s32 s2, $0x0  }
0xb8: {  	s3 =	rddreg [dreg:$0x2];
	[bflag:$0x3] =	sbarrier.arrive $0xFFFF;
	s2 =	simm.s32 @!p0 $0x1C11  }
0xb9: {  	[timem:s3], [sflag:s2] =	dma.local @!p0 [hbm:s0], s1  }
0xba: {  	s0 =	simm.s32 @!p0 $0x11  }
0xbb: {  	_ =	swait.ge @!p0 [sflag:s0], s1  }
0xbc: {  	s1 =	ssub.s32 @!p0 $0x0, s1;
	[sflag:s0] =	ssyncset.done @!p0 $0x0  }
0xbd: {  	[sflag:s0] =	ssyncadd.s32 @!p0 s1  }
0xbe: {  	[bflag:$0x3] =	sbarrier.arrive $0xFFFF  }
0xbf: {  	_ =	shalt  }

// kernel: kernel.15.cloned.1.call-start
scs
__scs_entry_jumppad:
0x0: {  	(pc) =	sbr.rel $0x88, $3  }
0x1: {  	(tag) =	ssettag $0x0;
	lr =	simm.s32 $0x1  }
0x2: {  	[smem:$0x3F99] =	sst lr;
	_ =	strace $0xD0000000  }
0x3: {  	_ = 	snop  }
0x4: {  	_ = 	snop  }
0x5: {  	_ = 	snop  }
0x6: {  	_ = 	snop  }
0x7: {  	_ = 	snop  }
__scs_overlays_trampoline_lowered:
0x8: {  	[smem:$0x3FA8] =	sst s0  }
0x9: {  	[smem:$0x3FA9] =	sst s1  }
0xa: {  	[smem:$0x3FAA] =	sst s2  }
0xb: {  	[smem:$0x3FAB] =	sst s3  }
0xc: {  	[smem:$0x3FAC] =	sst s4  }
0xd: {  	[smem:$0x3FAD] =	sst s5  }
0xe: {  	[smem:$0x3FAE] =	sst s6  }
0xf: {  	[smem:$0x3FAF] =	sst s7  }
0x10: {  	[smem:$0x3FB0] =	sst s8  }
0x11: {  	[smem:$0x3FB1] =	sst s9;
	s0 =	simm.s32 @!p0 $0x0  }
0x12: {  	s1 =	sld [smem:$0x3F97];
	s0 =	simm.s32 @p0 $0x1  }
0x13: {  	[smem:$0x3FB2] =	sst s0;
	s0 =	simm.s32 @!p1 $0x0  }
0x14: {  	s2 =	sld [smem:$0x3F96];
	s0 =	simm.s32 @p1 $0x1  }
0x15: {  	[smem:$0x3FB3] =	sst s0;
	s0 =	simm.s32 @!p2 $0x0  }
0x16: {  	s3 =	sld [smem:$0x3FDB];
	s0 =	simm.s32 @p2 $0x1  }
0x17: {  	s4 =	simm.s32 $0x1BF5;
	[smem:$0x3FB5] =	sst s0  }
0x18: {  	s0 =	sld [smem:$0x3F98];
	_ =	swait.ge [sflag:s4], $0x0  }
0x19: {  	s7 =	sld [smem:$0x3F99]  }
0x1a: {  	s8 =	sadd.s32 $0xFFFFE003, lr  }
0x1b: {  	s9 =	sadd.s32 $0xFFFFFEF7, lr;
	s5 =	simm.s32 $0xFFFFFFFF;
	p2 =	slt.u32 s8, $0xFFFFF086  }
0x1c: {  	p1 =	slt.u32 s9, $0xF7A;
	s5 =	simm.s32 @!p2 $0x0  }
0x1d: {  	s5 =	simm.s32 @p1 $0x1;
	p0 =	seq.s32 s7, s2  }
0x1e: {  	s7 =	smul.u32 @!p0 $0xF7A, s2;
	p2 =	seq.s32 @!p0 s5, $0x0  }
0x1f: {  	s9 =	smul.u32 $0xF7A, s1;
	s8 =	simm.s32 @!p0 $0x1BF5;
	p2 =	por !p2, p0  }
0x20: {  	[sflag:s8] =	ssyncset.s32 @!p0 $0xFFFFF086;
	s6 =	sadd.s32 @!p0 s3, s7;
	s7 =	simm.s32 @!p0 $0x108  }
0x21: {  	s3 =	sadd.s32 s3, s9;
	s6 =	sadd.s32 @!p0 $0x88, s6;
	s7 =	simm.s32 @p2 $0x1082  }
0x22: {  	[simem:s7], [sflag:s8] =	dma.local @!p0 [hbm:s6], $0xF7A  }
0x23: {  	s9 =	sor.u32 $0xD0000000, s2;
	s6 =	simm.s32 $0x108;
	_ =	swait.ge @!p0 [sflag:s8], $0x0  }
0x24: {  	s3 =	sadd.s32 $0x88, s3;
	s6 =	simm.s32 @!p1 $0x1082;
	[sflag:s4] =	ssyncset.s32 $0xFFFFF086  }
0x25: {  	[simem:s6], [sflag:s4] =	dma.local [hbm:s3], $0xF7A  }
0x26: {  	[smem:$0x3F99] =	sst s1;
	(tag) =	ssettag s2;
	_ =	strace s9  }
0x27: {  	s1 =	sld [smem:$0x3FA9]  }
0x28: {  	s2 =	sld [smem:$0x3FAA]  }
0x29: {  	s4 =	sld [smem:$0x3FAC]  }
0x2a: {  	p0 =	seq.s32 s5, $0x0;
	s5 =	sld [smem:$0x3FAD]  }
0x2b: {  	s6 =	sld [smem:$0x3FAE]  }
0x2c: {  	s7 =	sld [smem:$0x3FAF]  }
0x2d: {  	s3 =	simm.s32 $0x108;
	s8 =	sld [smem:$0x3FB0]  }
0x2e: {  	s3 =	simm.s32 @!p0 $0x1082;
	s9 =	sld [smem:$0x3FB1]  }
0x2f: {  	lr =	sadd.s32 s0, s3;
	s0 =	sld [smem:$0x3FA8]  }
0x30: {  	s3 =	sld [smem:$0x3FAB]  }
0x31: {  	[smem:$0x3FB4] =	sst s10  }
0x32: {  	s10 =	sld [smem:$0x3FB2];
	_ =	sdelay $0x3  }
0x33: {  	p0 =	seq.s32 s10, $0x1;
	s10 =	sld [smem:$0x3FB4];
	_ =	sdelay $0x3  }
0x34: {  	[smem:$0x3FB4] =	sst s10  }
0x35: {  	s10 =	sld [smem:$0x3FB3];
	_ =	sdelay $0x3  }
0x36: {  	p1 =	seq.s32 s10, $0x1;
	s10 =	sld [smem:$0x3FB4];
	_ =	sdelay $0x3  }
0x37: {  	[smem:$0x3FB4] =	sst s10  }
0x38: {  	s10 =	sld [smem:$0x3FB5]  }
0x39: {  	_ = 	snop;
	(pc) =	sbr.ind lr, $3  }
0x3a: {  	_ = 	snop  }
0x3b: {  	_ = 	snop  }
0x3c: {  	p2 =	seq.s32 s10, $0x1;
	s10 =	sld [smem:$0x3FB4]  }
0x3d: {  	_ =	shalt  }
0x3e: {  	_ =	shalt  }
0x3f: {  	_ =	shalt  }
0x40: {  	_ =	shalt  }
0x41: {  	_ =	shalt  }
0x42: {  	_ =	shalt  }
0x43: {  	_ =	shalt  }
0x44: {  	_ =	shalt  }
0x45: {  	_ =	shalt  }
0x46: {  	_ =	shalt  }
0x47: {  	_ =	shalt  }
0x48: {  	_ =	shalt  }
0x49: {  	_ =	shalt  }
0x4a: {  	_ =	shalt  }
0x4b: {  	_ =	shalt  }
0x4c: {  	_ =	shalt  }
0x4d: {  	_ =	shalt  }
0x4e: {  	_ =	shalt  }
0x4f: {  	_ =	shalt  }
0x50: {  	_ =	shalt  }
0x51: {  	_ =	shalt  }
0x52: {  	_ =	shalt  }
0x53: {  	_ =	shalt  }
0x54: {  	_ =	shalt  }
0x55: {  	_ =	shalt  }
0x56: {  	_ =	shalt  }
0x57: {  	_ =	shalt  }
0x58: {  	_ =	shalt  }
0x59: {  	_ =	shalt  }
0x5a: {  	_ =	shalt  }
0x5b: {  	_ =	shalt  }
0x5c: {  	_ =	shalt  }
0x5d: {  	_ =	shalt  }
0x5e: {  	_ =	shalt  }
0x5f: {  	_ =	shalt  }
0x60: {  	_ =	shalt  }
0x61: {  	_ =	shalt  }
0x62: {  	_ =	shalt  }
0x63: {  	_ =	shalt  }
0x64: {  	_ =	shalt  }
0x65: {  	_ =	shalt  }
0x66: {  	_ =	shalt  }
0x67: {  	_ =	shalt  }
0x68: {  	_ =	shalt  }
0x69: {  	_ =	shalt  }
0x6a: {  	_ =	shalt  }
0x6b: {  	_ =	shalt  }
0x6c: {  	_ =	shalt  }
0x6d: {  	_ =	shalt  }
0x6e: {  	_ =	shalt  }
0x6f: {  	_ =	shalt  }
0x70: {  	_ =	shalt  }
0x71: {  	_ =	shalt  }
0x72: {  	_ =	shalt  }
0x73: {  	_ =	shalt  }
0x74: {  	_ =	shalt  }
0x75: {  	_ =	shalt  }
0x76: {  	_ =	shalt  }
0x77: {  	_ =	shalt  }
0x78: {  	_ =	shalt  }
0x79: {  	_ =	shalt  }
0x7a: {  	_ =	shalt  }
0x7b: {  	_ =	shalt  }
0x7c: {  	_ =	shalt  }
0x7d: {  	_ =	shalt  }
0x7e: {  	_ =	shalt  }
0x7f: {  	_ =	shalt  }
0x80: {  	_ =	shalt  }
0x81: {  	_ =	shalt  }
0x82: {  	_ =	shalt  }
0x83: {  	_ =	shalt  }
0x84: {  	_ =	shalt  }
0x85: {  	_ =	shalt  }
0x86: {  	_ =	shalt  }
0x87: {  	_ =	shalt  }
.Lfunc_end0:
.L_simem_size_0:
called_computation.2_lowered:
.L_overlay_start_0:
0x88: {  	s2 =	sld [smem:$0x3FD9]  }
0x89: {  	s3 =	sld [smem:$0x3FFE];
	_ =	sdelay $0x1  }
0x8a: {  	s1 =	srdreg.scid  }
0x8b: {  	s0 =	sand.u32 $0x1, s1  }
0x8c: {  	s17 =	sshll.u32 s0, $0xA;
	s2 =	sadd.s32 s3, s2  }
0x8d: {  	s2 =	sadd.s32 s2, s17  }
0x8e: {  	[smem:$0x3FC0] =	sst s2  }
0x8f: {  	_ = 	snop  }
0x90: {  	s2 =	sld [smem:$0x3FD0];
	(tm) =	ssettm $0x1  }
0x91: {  	s18 =	sld [smem:$0x3FFB];
	_ =	sdelay $0x3  }
0x92: {  	_ =	strace s18  }
0x93: {  	s3 =	sld [smem:$0x3FFC];
	_ =	sdelay $0x3  }
0x94: {  	_ =	strace s3  }
0x95: {  	s3 =	sld [smem:$0x3FFD];
	_ =	sdelay $0x3  }
0x96: {  	_ =	strace s3  }
0x97: {  	_ =	strace $0x8FFFFFFF  }
0x98: {  	s19 =	sld [smem:$0x3FDB];
	_ =	sdelay $0x1  }
0x99: {  	s4 =	simm.s32 $_scs_section_size  }
0x9a: {  	s5 =	simm.s32 $_size__tile_overlayer_lowered;
	s6 =	simm.s32 $_tile_overlayer_lowered  }
0x9b: {  	s22 =	simm.s32 $0x1BFF;
	s21 =	sshll.u32 s6, $0x1;
	s3 =	sadd.s32 s4, s19  }
0x9c: {  	s7 =	simm.s32 $0x0;
	s20 =	sshll.u32 s5, $0x1;
	s5 =	sadd.s32 s21, s3  }
0x9d: {  	[timem:s7], [sflag:s22] =	dma.local [hbm:s5], s20  }
0x9e: {  	_ =	swait.ge [sflag:s22], s20  }
0x9f: {  	s4 =	ssub.s32 $0x0, s20;
	[sflag:s22] =	ssyncset.done $0x0  }
0xa0: {  	[sflag:s22] =	ssyncadd.s32 s4;
	_ =	sdelay $0x1  }
0xa1: {  	s23 =	simm.s32 $0x1B8B  }
0xa2: {  	_ =	swait.ge [sflag:s23], $0x1  }
0xa3: {  	[sflag:s23] =	ssyncset.done $0x0  }
0xa4: {  	s25 =	simm.s32 $0x1B8E;
	s24 =	sld [smem:$0x3FFE];
	[sflag:s23] =	ssyncadd.s32 $0xFFFFFFFF  }
0xa5: {  	s26 =	simm.s32 $execute0_lowered;
	[smem:$0x3FD2] =	sst s25  }
0xa6: {  	s5 =	sshll.u32 s26, $0x1;
	_ =	strace $0x8000004C;
	[dreg:$0x1] =	wrdreg $0xFFFFFFFF  }
0xa7: {  	s28 =	simm.s32 $_size_execute0_lowered;
	s3 =	sadd.s32 s3, s5;
	[dreg:$0x0] =	wrdreg $0x0  }
0xa8: {  	s5 =	sshll.u32 s28, $0x1;
	[dreg:$0x2] =	wrdreg s3  }
0xa9: {  	[dreg:$0x3] =	wrdreg s5  }
0xaa: {  	[dreg:$0x4] =	wrdreg $0xC0  }
0xab: {  	_ =	task [dreg:s7], $0x5FFFF  }
0xac: {  	[dreg:$0x1] =	wrdreg $0xFFFFFFFF  }
0xad: {  	[dreg:$0x0] =	wrdreg $0x60  }
0xae: {  	[dreg:$0x2] =	wrdreg s24  }
0xaf: {  	[dreg:$0x3] =	wrdreg s2  }
0xb0: {  	[dreg:$0x4] =	wrdreg $0x90000  }
0xb1: {  	[dreg:$0x5] =	wrdreg $0x9  }
0xb2: {  	_ =	task.clear_ibuf [dreg:s7], $0x6FFFF;
	_ =	strace $0x9000004C  }
0xb3: {  	s29 =	simm.s32 $0x9;
	_ =	strace $0x8000004E  }
0xb4: {  	_ =	swait.ge [sflag:s29], $0x1  }
0xb5: {  	[sflag:s29] =	ssyncadd.s32 $0xFFFFFFFF  }
0xb6: {  	_ =	strace $0x9000004E  }
0xb7: {  	_ =	sfence  }
0xb8: {  	s30 =	sld [smem:$0x0];
	_ =	sdelay $0x2  }
0xb9: {  	s31 =	sshll.u32 s1, $0xD;
	s1 =	sshrl.u32 s1, $0x2  }
0xba: {  	s3 =	sand.u32 $0x4000, s31;
	s1 =	sadd.s32 s1, s30  }
0xbb: {  	s0 =	sor.u32 s3, s0;
	s1 =	sshll.u32 s1, $0x11  }
0xbc: {  	s0 =	sor.u32 s1, s0  }
0xbd: {  	s0 =	sadd.s32 $0x8F2B, s0  }
0xbe: {  	[sflag:s0] =	ssyncadd.remote.s32 $0x1  }
0xbf: {  	_ =	sfence.sel $0xFFFF  }
0xc0: {  	[dreg:$0x0] =	wrdreg $0xFFFFFFFF;
	(pc) =	sbr.abs _section_cstart, $3  }
0xc1: {  	[dreg:$0x1] =	wrdreg $0xFFFFFFFF  }
0xc2: {  	_ =	task.clear_ibuf [dreg:s7], $0x2FFFF;
	_ =	strace $0x9FFFFFFF  }
0xc3: {  	(tm) =	ssettm $0x7FFFFFFF  }
tec
execute0_lowered:
.L_overlay_start_1:
0x0: {  	(tag) =	ssettag $0x1  }
0x1: {  	s0 =	rddreg [dreg:$0x0]  }
0x2: {  	s2 =	rddreg [dreg:$0x2];
	s3 =	simm.s32 $0x0;
	s1 =	srdreg.scid  }
0x3: {  	s11 =	stileid.u32;
	s6 =	simm.s32 $0x70;
	s15 =	simm.s32 $0x80  }
0x4: {  	s16 =	simm.s32 $0x7000;
	s17 =	simm.s32 $0x7400;
	s19 =	simm.s32 $0x7800  }
0x5: {  	s21 =	simm.s32 $0x7C00;
	s29 =	simm.s32 $0x8800;
	s31 =	simm.s32 $0x8C00  }
0x6: {  	s18 =	simm.s32 $0x5;
	s20 =	simm.s32 $0x6;
	s28 =	simm.s32 $0x0  }
0x7: {  	[smem:$0x7FF] =	sst s3;
	s1 =	sand.u32 $0x1, s1;
	s9 =	smul.u32 $0x300, s11  }
0x8: {  	s5 =	sadd.s32 $0x16000, s0;
	s4 =	sadd.s32 $0x2000, s0;
	s10 =	smul.u32 $0x1400, s11  }
0x9: {  	s23 =	sshll.u32 s11, $0x6;
	s13 =	smul.u32 $0x700, s11;
	_ =	strace $0x8000004D  }
0xa: {  	s22 =	smul.u32 $0x2800, s1;
	s7 =	ssub.s32 $0x2, s1;
	p0 =	seq.s32 s1, $0x0  }
0xb: {  	s8 =	sshrl.u32 s7, $0x1;
	s6 =	simm.s32 @!p0 $0x30;
	s9 =	sadd.s32 $0x7000, s9  }
0xc: {  	s24 =	sadd.s32 s10, s2;
	s25 =	sshrl.u32 s10, $0x3;
	p0 =	sne.s32 s1, $0x0  }
0xd: {  	s3 =	sadd.s32 s22, s0;
	s8 =	ssub.s32 s7, s8;
	s7 =	sor.u32 $0x1C11, s23  }
0xe: {  	s12 =	sadd.s32 s4, s9;
	s0 =	sadd.s32 $0xC000, s0;
	s4 =	sadd.s32 s4, s13  }
0xf: {  	s26 =	sshll.u32 s6, $0x9;
	s11 =	sshrl.u32 s24, $0x3;
	[dreg:$0x5] =	wrdreg s12  }
0x10: {  	s23 =	simm.s32 $0x8000;
	s22 =	simm.s32 $0x7;
	[dreg:$0x6] =	wrdreg s4  }
0x11: {  	s24 =	simm.s32 $0x10;
	s8 =	smax.u32 s8, $0x1;
	[dreg:$0x4] =	wrdreg s26  }
0x12: {  	s3 =	sadd.s32 $0x18800, s3;
	s1 =	sadd.s32 @p0 s9, s0;
	[dreg:$0x7] =	wrdreg s8  }
0x13: {  	s12 =	simm.s32 $0x11;
	s0 =	sadd.s32 @!p0 s13, s0;
	[dreg:$0x8] =	wrdreg s1  }
0x14: {  	s26 =	simm.s32 $0x8400;
	s4 =	simm.s32 $0x2;
	[dreg:$0x9] =	wrdreg s0  }
0x15: {  	s30 =	sadd.s32 s25, s3;
	s0 =	simm.s32 $0x1;
	s1 =	simm.s32 $0x3  }
0x16: {  	s3 =	simm.s32 $0x4;
	s25 =	simm.s32 $0x8;
	[dreg:$0xa] =	wrdreg s30  }
.LBB2_1:
0x17: {  	s8 =	rddreg [dreg:$0x1]  }
0x18: {  	[spmem:s11], [sflag:s7] =	dma.local [hbm:s8], $0x280  }
0x19: {  	_ =	swait.ge [sflag:s12], $0x280  }
0x1a: {  	[sflag:s12] =	ssyncset.done $0x0  }
0x1b: {  	s8 =	simm.s32 @p0 $0x0;
	s9 =	rddreg [dreg:$0x5];
	[sflag:s12] =	ssyncadd.s32 $0xFFFFFD80  }
0x1c: {  	[tilespmem:s8], [sflag:$0x11] =	stream.linear.gather @p0 [hbm4b:s9+s8], $0x1800, $0x38;
	[tilespmem:$0xA400] =	vst v63  }
0x1d: {  	s9 =	simm.s32 @p0 $0x11  }
0x1e: {  	_ =	swait.ge @p0 [sflag:s9], $0x1800  }
0x1f: {  	[sflag:s9] =	ssyncset.done @p0 $0x0  }
0x20: {  	s30 =	simm.s32 @p0 $0x3800;
	s10 =	rddreg [dreg:$0x8];
	[sflag:s9] =	ssyncadd.s32 @p0 $0xFFFFE800  }
0x21: {  	[tilespmem:s30], [sflag:$0x11] =	stream.linear.gather @p0 [hbm4b:s10+s8], $0x1800, $0x38;
	[tilespmem:$0xA400] =	vst v63  }
0x22: {  	_ =	swait.ge @p0 [sflag:s9], $0x1800  }
0x23: {  	[sflag:s9] =	ssyncset.done @p0 $0x0  }
0x24: {  	s8 =	simm.s32 @!p0 $0x0;
	[sflag:s9] =	ssyncadd.s32 @p0 $0xFFFFE800;
	s9 =	rddreg [dreg:$0x6]  }
0x25: {  	[tilespmem:s8], [sflag:$0x11] =	stream.linear.gather @!p0 [hbm4b:s9+s8], $0x3800, $0x38;
	[tilespmem:$0xA400] =	vst v63  }
0x26: {  	s9 =	simm.s32 @!p0 $0x11  }
0x27: {  	_ =	swait.ge @!p0 [sflag:s9], $0x3800  }
0x28: {  	[sflag:s9] =	ssyncset.done @!p0 $0x0  }
0x29: {  	s30 =	simm.s32 @!p0 $0x3800;
	s10 =	rddreg [dreg:$0x9];
	[sflag:s9] =	ssyncadd.s32 @!p0 $0xFFFFC800  }
0x2a: {  	[tilespmem:s30], [sflag:$0x11] =	stream.linear.gather @!p0 [hbm4b:s10+s8], $0x3800, $0x38;
	[tilespmem:$0xA400] =	vst v63  }
0x2b: {  	_ =	swait.ge @!p0 [sflag:s9], $0x3800  }
0x2c: {  	[sflag:s9] =	ssyncset.done @!p0 $0x0  }
0x2d: {  	[sflag:s9] =	ssyncadd.s32 @!p0 $0xFFFFC800  }
0x2e: {  	s10 =	simm.s32 $0x0;
	[bflag:$0x0] =	sbarrier.arrive $0xFFFF  }
0x2f: {  	[tilespmem:s16], [sflag:$0x1] =	stream.indirect.gather [hbm4b:s5+s15], $0x8, s10, s15, $0xb8;
	[tilespmem:$0xA400] =	vst v63  }
0x30: {  	_ = 	snop  }
0x31: {  	[tilespmem:s17], [sflag:$0x2] =	stream.indirect.gather [hbm4b:s5+s15], $0x8, s15, s15, $0xb8;
	[tilespmem:$0xA400] =	vst v63  }
0x32: {  	s13 =	simm.s32 $0x100  }
0x33: {  	[tilespmem:s19], [sflag:$0x3] =	stream.indirect.gather [hbm4b:s5+s15], $0x8, s13, s15, $0xb8;
	[tilespmem:$0xA400] =	vst v63  }
0x34: {  	s14 =	simm.s32 $0x180  }
0x35: {  	[tilespmem:s21], [sflag:$0x4] =	stream.indirect.gather [hbm4b:s5+s15], $0x8, s14, s15, $0xb8;
	[tilespmem:$0xA400] =	vst v63  }
0x36: {  	s9 =	simm.s32 $0x200  }
0x37: {  	[tilespmem:s23], [sflag:$0x5] =	stream.indirect.gather [hbm4b:s5+s15], $0x8, s9, s15, $0xb8;
	[tilespmem:$0xA400] =	vst v63  }
0x38: {  	s10 =	simm.s32 $0x280  }
0x39: {  	[tilespmem:s26], [sflag:$0x6] =	stream.indirect.gather [hbm4b:s5+s15], $0x8, s10, s15, $0xb8;
	[tilespmem:$0xA400] =	vst v63  }
0x3a: {  	s13 =	simm.s32 $0x300  }
0x3b: {  	[tilespmem:s29], [sflag:$0x7] =	stream.indirect.gather [hbm4b:s5+s15], $0x8, s13, s15, $0xb8;
	[tilespmem:$0xA400] =	vst v63  }
0x3c: {  	s30 =	simm.s32 $0x8;
	s8 =	simm.s32 $0x0;
	s14 =	simm.s32 $0x380  }
0x3d: {  	[tilespmem:s31], [sflag:$0x8] =	stream.indirect.gather [hbm4b:s5+s15], $0x8, s14, s15, $0xb8;
	[tilespmem:$0xA400] =	vst v63  }
.LBB2_2:
0x3e: {  	_ =	swait.ge [sflag:s0], $0x400  }
0x3f: {  	s9 =	sshra.s32 s8, $0x2;
	[sflag:s0] =	ssyncset.done $0x0  }
0x40: {  	p1 =	sge.u32 s30, s6;
	s10 =	sadd.s32 $0x3800, s9;
	[sflag:s0] =	ssyncadd.s32 $0xFFFFFC00  }
0x41: {  	[spmem:s2] =	stream.indirect.scatter.add.f32 [tilespmem:s16], [sflag:$0x9], $0x8, s10, s15, $0xb8;
	[tilespmem:$0xA400] =	vst v63  }
0x42: {  	s10 =	simm.s32 @!p1 $0x9  }
0x43: {  	_ =	swait.ge @!p1 [sflag:s10], $0x400  }
0x44: {  	[sflag:s10] =	ssyncset.done @!p1 $0x0  }
0x45: {  	[sflag:s10] =	ssyncadd.s32 @!p1 $0xFFFFFC00;
	s10 =	sshra.s32 @!p1 s8, $0x2  }
0x46: {  	s13 =	simm.s32 @!p1 $0x80;
	s14 =	simm.s32 @!p1 $0x7000;
	s10 =	sadd.s32 @!p1 $0x400, s10  }
0x47: {  	[tilespmem:s14], [sflag:$0x1] =	stream.indirect.gather @!p1 [hbm4b:s5+s13], $0x8, s10, s13, $0xb8;
	[tilespmem:$0xA400] =	vst v63  }
0x48: {  	s13 =	sadd.s32 $0x1, s30;
	_ =	swait.ge [sflag:s4], $0x400  }
0x49: {  	p1 =	sge.u32 s13, s6;
	[sflag:s4] =	ssyncset.done $0x0  }
0x4a: {  	s14 =	sadd.s32 $0x3880, s9;
	s10 =	simm.s32 @!p1 $0xA;
	[sflag:s4] =	ssyncadd.s32 $0xFFFFFC00  }
0x4b: {  	[spmem:s2] =	stream.indirect.scatter.add.f32 [tilespmem:s17], [sflag:$0xA], $0x8, s14, s15, $0xb8;
	[tilespmem:$0xA400] =	vst v63  }
0x4c: {  	_ =	swait.ge @!p1 [sflag:s10], $0x400  }
0x4d: {  	[sflag:s10] =	ssyncset.done @!p1 $0x0  }
0x4e: {  	[sflag:s10] =	ssyncadd.s32 @!p1 $0xFFFFFC00;
	s10 =	sshra.s32 @!p1 s8, $0x2  }
0x4f: {  	s13 =	simm.s32 @!p1 $0x80;
	s14 =	simm.s32 @!p1 $0x7400;
	s10 =	sadd.s32 @!p1 $0x480, s10  }
0x50: {  	[tilespmem:s14], [sflag:$0x2] =	stream.indirect.gather @!p1 [hbm4b:s5+s13], $0x8, s10, s13, $0xb8;
	[tilespmem:$0xA400] =	vst v63  }
0x51: {  	s13 =	sadd.s32 $0x2, s30;
	_ =	swait.ge [sflag:s1], $0x400  }
0x52: {  	p1 =	sge.u32 s13, s6;
	[sflag:s1] =	ssyncset.done $0x0  }
0x53: {  	s14 =	sadd.s32 $0x3900, s9;
	s10 =	simm.s32 @!p1 $0xB;
	[sflag:s1] =	ssyncadd.s32 $0xFFFFFC00  }
0x54: {  	[spmem:s2] =	stream.indirect.scatter.add.f32 [tilespmem:s19], [sflag:$0xB], $0x8, s14, s15, $0xb8;
	[tilespmem:$0xA400] =	vst v63  }
0x55: {  	_ =	swait.ge @!p1 [sflag:s10], $0x400  }
0x56: {  	[sflag:s10] =	ssyncset.done @!p1 $0x0  }
0x57: {  	[sflag:s10] =	ssyncadd.s32 @!p1 $0xFFFFFC00;
	s10 =	sshra.s32 @!p1 s8, $0x2  }
0x58: {  	s13 =	simm.s32 @!p1 $0x80;
	s14 =	simm.s32 @!p1 $0x7800;
	s10 =	sadd.s32 @!p1 $0x500, s10  }
0x59: {  	[tilespmem:s14], [sflag:$0x3] =	stream.indirect.gather @!p1 [hbm4b:s5+s13], $0x8, s10, s13, $0xb8;
	[tilespmem:$0xA400] =	vst v63  }
0x5a: {  	s13 =	sadd.s32 $0x3, s30;
	_ =	swait.ge [sflag:s3], $0x400  }
0x5b: {  	p1 =	sge.u32 s13, s6;
	[sflag:s3] =	ssyncset.done $0x0  }
0x5c: {  	s14 =	sadd.s32 $0x3980, s9;
	s10 =	simm.s32 @!p1 $0xC;
	[sflag:s3] =	ssyncadd.s32 $0xFFFFFC00  }
0x5d: {  	[spmem:s2] =	stream.indirect.scatter.add.f32 [tilespmem:s21], [sflag:$0xC], $0x8, s14, s15, $0xb8;
	[tilespmem:$0xA400] =	vst v63  }
0x5e: {  	_ =	swait.ge @!p1 [sflag:s10], $0x400  }
0x5f: {  	[sflag:s10] =	ssyncset.done @!p1 $0x0  }
0x60: {  	[sflag:s10] =	ssyncadd.s32 @!p1 $0xFFFFFC00;
	s10 =	sshra.s32 @!p1 s8, $0x2  }
0x61: {  	s13 =	simm.s32 @!p1 $0x80;
	s14 =	simm.s32 @!p1 $0x7C00;
	s10 =	sadd.s32 @!p1 $0x580, s10  }
0x62: {  	[tilespmem:s14], [sflag:$0x4] =	stream.indirect.gather @!p1 [hbm4b:s5+s13], $0x8, s10, s13, $0xb8;
	[tilespmem:$0xA400] =	vst v63  }
0x63: {  	s13 =	sadd.s32 $0x4, s30;
	_ =	swait.ge [sflag:s18], $0x400  }
0x64: {  	p1 =	sge.u32 s13, s6;
	[sflag:s18] =	ssyncset.done $0x0  }
0x65: {  	s14 =	sadd.s32 $0x3A00, s9;
	s10 =	simm.s32 @!p1 $0xD;
	[sflag:s18] =	ssyncadd.s32 $0xFFFFFC00  }
0x66: {  	[spmem:s2] =	stream.indirect.scatter.add.f32 [tilespmem:s23], [sflag:$0xD], $0x8, s14, s15, $0xb8;
	[tilespmem:$0xA400] =	vst v63  }
0x67: {  	_ =	swait.ge @!p1 [sflag:s10], $0x400  }
0x68: {  	[sflag:s10] =	ssyncset.done @!p1 $0x0  }
0x69: {  	[sflag:s10] =	ssyncadd.s32 @!p1 $0xFFFFFC00;
	s10 =	sshra.s32 @!p1 s8, $0x2  }
0x6a: {  	s13 =	simm.s32 @!p1 $0x80;
	s14 =	simm.s32 @!p1 $0x8000;
	s10 =	sadd.s32 @!p1 $0x600, s10  }
0x6b: {  	[tilespmem:s14], [sflag:$0x5] =	stream.indirect.gather @!p1 [hbm4b:s5+s13], $0x8, s10, s13, $0xb8;
	[tilespmem:$0xA400] =	vst v63  }
0x6c: {  	s13 =	sadd.s32 $0x5, s30;
	_ =	swait.ge [sflag:s20], $0x400  }
0x6d: {  	p1 =	sge.u32 s13, s6;
	[sflag:s20] =	ssyncset.done $0x0  }
0x6e: {  	s14 =	sadd.s32 $0x3A80, s9;
	s10 =	simm.s32 @!p1 $0xE;
	[sflag:s20] =	ssyncadd.s32 $0xFFFFFC00  }
0x6f: {  	[spmem:s2] =	stream.indirect.scatter.add.f32 [tilespmem:s26], [sflag:$0xE], $0x8, s14, s15, $0xb8;
	[tilespmem:$0xA400] =	vst v63  }
0x70: {  	_ =	swait.ge @!p1 [sflag:s10], $0x400  }
0x71: {  	[sflag:s10] =	ssyncset.done @!p1 $0x0  }
0x72: {  	[sflag:s10] =	ssyncadd.s32 @!p1 $0xFFFFFC00;
	s10 =	sshra.s32 @!p1 s8, $0x2  }
0x73: {  	s13 =	simm.s32 @!p1 $0x80;
	s14 =	simm.s32 @!p1 $0x8400;
	s10 =	sadd.s32 @!p1 $0x680, s10  }
0x74: {  	[tilespmem:s14], [sflag:$0x6] =	stream.indirect.gather @!p1 [hbm4b:s5+s13], $0x8, s10, s13, $0xb8;
	[tilespmem:$0xA400] =	vst v63  }
0x75: {  	s13 =	sadd.s32 $0x6, s30;
	_ =	swait.ge [sflag:s22], $0x400  }
0x76: {  	p1 =	sge.u32 s13, s6;
	[sflag:s22] =	ssyncset.done $0x0  }
0x77: {  	s14 =	sadd.s32 $0x3B00, s9;
	s10 =	simm.s32 @!p1 $0xF;
	[sflag:s22] =	ssyncadd.s32 $0xFFFFFC00  }
0x78: {  	[spmem:s2] =	stream.indirect.scatter.add.f32 [tilespmem:s29], [sflag:$0xF], $0x8, s14, s15, $0xb8;
	[tilespmem:$0xA400] =	vst v63  }
0x79: {  	_ =	swait.ge @!p1 [sflag:s10], $0x400  }
0x7a: {  	[sflag:s10] =	ssyncset.done @!p1 $0x0  }
0x7b: {  	[sflag:s10] =	ssyncadd.s32 @!p1 $0xFFFFFC00;
	s10 =	sshra.s32 @!p1 s8, $0x2  }
0x7c: {  	s13 =	simm.s32 @!p1 $0x80;
	s14 =	simm.s32 @!p1 $0x8800;
	s10 =	sadd.s32 @!p1 $0x700, s10  }
0x7d: {  	[tilespmem:s14], [sflag:$0x7] =	stream.indirect.gather @!p1 [hbm4b:s5+s13], $0x8, s10, s13, $0xb8;
	[tilespmem:$0xA400] =	vst v63  }
0x7e: {  	_ =	swait.ge [sflag:s25], $0x400  }
0x7f: {  	s14 =	sadd.s32 $0x7, s30;
	[sflag:s25] =	ssyncset.done $0x0  }
0x80: {  	s9 =	sadd.s32 $0x3B80, s9;
	p1 =	sge.u32 s14, s6;
	[sflag:s25] =	ssyncadd.s32 $0xFFFFFC00  }
0x81: {  	[spmem:s2] =	stream.indirect.scatter.add.f32 [tilespmem:s31], [sflag:$0x10], $0x8, s9, s15, $0xb8;
	[tilespmem:$0xA400] =	vst v63  }
0x82: {  	s9 =	simm.s32 @!p1 $0x10  }
0x83: {  	s10 =	sshra.s32 @!p1 s8, $0x2;
	s13 =	simm.s32 @!p1 $0x8C00;
	_ =	swait.ge @!p1 [sflag:s9], $0x400  }
0x84: {  	s8 =	sadd.s32 $0x1000, s8;
	[sflag:s9] =	ssyncset.done @!p1 $0x0;
	s14 =	rddreg [dreg:$0x4]  }
0x85: {  	[sflag:s9] =	ssyncadd.s32 @!p1 $0xFFFFFC00;
	s9 =	sadd.s32 @!p1 $0x780, s10;
	s10 =	simm.s32 @!p1 $0x80  }
0x86: {  	[tilespmem:s13], [sflag:$0x8] =	stream.indirect.gather @!p1 [hbm4b:s5+s10], $0x8, s9, s10, $0xb8;
	[tilespmem:$0xA400] =	vst v63  }
0x87: {  	p1 =	sne.s32 s14, s8  }
.Ltmp0:
0x88: {  	_ = 	snop;
	(pc) =	sbr.rel @p1 .LBB2_2-.Ltmp0, $2  }
0x89: {  	_ =	sdelay $0x2  }
0x8a: {  	s30 =	sadd.s32 $0x8, s30  }
0x8b: {  	s8 =	simm.s32 $0x9  }
0x8c: {  	_ =	swait.ge [sflag:s8], $0x400  }
0x8d: {  	[sflag:s8] =	ssyncset.done $0x0  }
0x8e: {  	s13 =	simm.s32 $0xA;
	[sflag:s8] =	ssyncadd.s32 $0xFFFFFC00  }
0x8f: {  	_ =	swait.ge [sflag:s13], $0x400  }
0x90: {  	[sflag:s13] =	ssyncset.done $0x0  }
0x91: {  	s14 =	simm.s32 $0xB;
	[sflag:s13] =	ssyncadd.s32 $0xFFFFFC00  }
0x92: {  	_ =	swait.ge [sflag:s14], $0x400  }
0x93: {  	[sflag:s14] =	ssyncset.done $0x0  }
0x94: {  	s30 =	simm.s32 $0xC;
	[sflag:s14] =	ssyncadd.s32 $0xFFFFFC00  }
0x95: {  	_ =	swait.ge [sflag:s30], $0x400  }
0x96: {  	[sflag:s30] =	ssyncset.done $0x0  }
0x97: {  	s9 =	simm.s32 $0xD;
	[sflag:s30] =	ssyncadd.s32 $0xFFFFFC00  }
0x98: {  	_ =	swait.ge [sflag:s9], $0x400  }
0x99: {  	[sflag:s9] =	ssyncset.done $0x0  }
0x9a: {  	s10 =	simm.s32 $0xE;
	[sflag:s9] =	ssyncadd.s32 $0xFFFFFC00  }
0x9b: {  	_ =	swait.ge [sflag:s10], $0x400  }
0x9c: {  	[sflag:s10] =	ssyncset.done $0x0  }
0x9d: {  	s13 =	simm.s32 $0xF;
	[sflag:s10] =	ssyncadd.s32 $0xFFFFFC00  }
0x9e: {  	_ =	swait.ge [sflag:s13], $0x400  }
0x9f: {  	[sflag:s13] =	ssyncset.done $0x0  }
0xa0: {  	[sflag:s13] =	ssyncadd.s32 $0xFFFFFC00  }
0xa1: {  	_ =	swait.ge [sflag:s24], $0x400  }
0xa2: {  	[sflag:s24] =	ssyncset.done $0x0  }
0xa3: {  	[sflag:s24] =	ssyncadd.s32 $0xFFFFFC00  }
0xa4: {  	[bflag:$0x0] =	sbarrier.arrive $0xFFFF  }
0xa5: {  	s14 =	rddreg [dreg:$0xa]  }
0xa6: {  	[hbm:s14], [sflag:s7] =	dma.local [spmem:s11], $0x280  }
0xa7: {  	_ =	swait.ge [sflag:s12], $0x280  }
0xa8: {  	s28 =	sadd.s32 $0x1, s28;
	s30 =	rddreg [dreg:$0x7]  }
0xa9: {  	p1 =	sne.s32 s28, s30  }
.Ltmp1:
0xaa: {  	_ = 	snop;
	(pc) =	sbr.rel @p1 .LBB2_1-.Ltmp1, $3  }
0xab: {  	_ =	sdelay $0x1  }
0xac: {  	[sflag:s12] =	ssyncset.done $0x0  }
0xad: {  	[sflag:s12] =	ssyncadd.s32 $0xFFFFFD80  }
0xae: {  	_ =	sfence.sel $0x180000  }
0xaf: {  	[bflag:$0x0] =	sbarrier.arrive $0xFFFF  }
0xb0: {  	_ =	strace $0x9000004D  }
0xb1: {  	s0 =	stileid.u32;
	[bflag:$0x2] =	sbarrier.arrive $0xFFFF  }
0xb2: {  	p0 =	sne.s32 s0, $0x0;
	s0 =	rddreg [dreg:$0x3]  }
0xb3: {  	s0 =	sadd.s32 @!p0 $0x100000, s0  }
0xb4: {  	[sflag:s0] =	ssyncadd.tile.s32 @!p0 $0x1;
	_ =	shalt  }
.Lfunc_end2:
_tile_overlayer_lowered:
.L_overlay_start_2:
0xb5: {  	(tag) =	ssettag $0x2  }
0xb6: {  	s0 =	rddreg [dreg:$0x0];
	s2 =	stileid.u32  }
0xb7: {  	s1 =	rddreg [dreg:$0x1];
	p0 =	sne.s32 s2, $0x0  }
0xb8: {  	s3 =	rddreg [dreg:$0x2];
	[bflag:$0x3] =	sbarrier.arrive $0xFFFF;
	s2 =	simm.s32 @!p0 $0x1C11  }
0xb9: {  	[timem:s3], [sflag:s2] =	dma.local @!p0 [hbm:s0], s1  }
0xba: {  	s0 =	simm.s32 @!p0 $0x11  }
0xbb: {  	_ =	swait.ge @!p0 [sflag:s0], s1  }
0xbc: {  	s1 =	ssub.s32 @!p0 $0x0, s1;
	[sflag:s0] =	ssyncset.done @!p0 $0x0  }
0xbd: {  	[sflag:s0] =	ssyncadd.s32 @!p0 s1  }
0xbe: {  	[bflag:$0x3] =	sbarrier.arrive $0xFFFF  }
0xbf: {  	_ =	shalt  }

// kernel: kernel.9.cloned.1.call-start
scs
__scs_entry_jumppad:
0x0: {  	(pc) =	sbr.rel $0x88, $3  }
0x1: {  	(tag) =	ssettag $0x0;
	lr =	simm.s32 $0x1  }
0x2: {  	[smem:$0x3F99] =	sst lr;
	_ =	strace $0xD0000000  }
0x3: {  	_ = 	snop  }
0x4: {  	_ = 	snop  }
0x5: {  	_ = 	snop  }
0x6: {  	_ = 	snop  }
0x7: {  	_ = 	snop  }
__scs_overlays_trampoline_lowered:
0x8: {  	[smem:$0x3FA8] =	sst s0  }
0x9: {  	[smem:$0x3FA9] =	sst s1  }
0xa: {  	[smem:$0x3FAA] =	sst s2  }
0xb: {  	[smem:$0x3FAB] =	sst s3  }
0xc: {  	[smem:$0x3FAC] =	sst s4  }
0xd: {  	[smem:$0x3FAD] =	sst s5  }
0xe: {  	[smem:$0x3FAE] =	sst s6  }
0xf: {  	[smem:$0x3FAF] =	sst s7  }
0x10: {  	[smem:$0x3FB0] =	sst s8  }
0x11: {  	[smem:$0x3FB1] =	sst s9;
	s0 =	simm.s32 @!p0 $0x0  }
0x12: {  	s1 =	sld [smem:$0x3F97];
	s0 =	simm.s32 @p0 $0x1  }
0x13: {  	[smem:$0x3FB2] =	sst s0;
	s0 =	simm.s32 @!p1 $0x0  }
0x14: {  	s2 =	sld [smem:$0x3F96];
	s0 =	simm.s32 @p1 $0x1  }
0x15: {  	[smem:$0x3FB3] =	sst s0;
	s0 =	simm.s32 @!p2 $0x0  }
0x16: {  	s3 =	sld [smem:$0x3FDB];
	s0 =	simm.s32 @p2 $0x1  }
0x17: {  	s4 =	simm.s32 $0x1BF5;
	[smem:$0x3FB5] =	sst s0  }
0x18: {  	s0 =	sld [smem:$0x3F98];
	_ =	swait.ge [sflag:s4], $0x0  }
0x19: {  	s7 =	sld [smem:$0x3F99]  }
0x1a: {  	s8 =	sadd.s32 $0xFFFFE003, lr  }
0x1b: {  	s9 =	sadd.s32 $0xFFFFFEF7, lr;
	s5 =	simm.s32 $0xFFFFFFFF;
	p2 =	slt.u32 s8, $0xFFFFF086  }
0x1c: {  	p1 =	slt.u32 s9, $0xF7A;
	s5 =	simm.s32 @!p2 $0x0  }
0x1d: {  	s5 =	simm.s32 @p1 $0x1;
	p0 =	seq.s32 s7, s2  }
0x1e: {  	s7 =	smul.u32 @!p0 $0xF7A, s2;
	p2 =	seq.s32 @!p0 s5, $0x0  }
0x1f: {  	s9 =	smul.u32 $0xF7A, s1;
	s8 =	simm.s32 @!p0 $0x1BF5;
	p2 =	por !p2, p0  }
0x20: {  	[sflag:s8] =	ssyncset.s32 @!p0 $0xFFFFF086;
	s6 =	sadd.s32 @!p0 s3, s7;
	s7 =	simm.s32 @!p0 $0x108  }
0x21: {  	s3 =	sadd.s32 s3, s9;
	s6 =	sadd.s32 @!p0 $0x88, s6;
	s7 =	simm.s32 @p2 $0x1082  }
0x22: {  	[simem:s7], [sflag:s8] =	dma.local @!p0 [hbm:s6], $0xF7A  }
0x23: {  	s9 =	sor.u32 $0xD0000000, s2;
	s6 =	simm.s32 $0x108;
	_ =	swait.ge @!p0 [sflag:s8], $0x0  }
0x24: {  	s3 =	sadd.s32 $0x88, s3;
	s6 =	simm.s32 @!p1 $0x1082;
	[sflag:s4] =	ssyncset.s32 $0xFFFFF086  }
0x25: {  	[simem:s6], [sflag:s4] =	dma.local [hbm:s3], $0xF7A  }
0x26: {  	[smem:$0x3F99] =	sst s1;
	(tag) =	ssettag s2;
	_ =	strace s9  }
0x27: {  	s1 =	sld [smem:$0x3FA9]  }
0x28: {  	s2 =	sld [smem:$0x3FAA]  }
0x29: {  	s4 =	sld [smem:$0x3FAC]  }
0x2a: {  	p0 =	seq.s32 s5, $0x0;
	s5 =	sld [smem:$0x3FAD]  }
0x2b: {  	s6 =	sld [smem:$0x3FAE]  }
0x2c: {  	s7 =	sld [smem:$0x3FAF]  }
0x2d: {  	s3 =	simm.s32 $0x108;
	s8 =	sld [smem:$0x3FB0]  }
0x2e: {  	s3 =	simm.s32 @!p0 $0x1082;
	s9 =	sld [smem:$0x3FB1]  }
0x2f: {  	lr =	sadd.s32 s0, s3;
	s0 =	sld [smem:$0x3FA8]  }
0x30: {  	s3 =	sld [smem:$0x3FAB]  }
0x31: {  	[smem:$0x3FB4] =	sst s10  }
0x32: {  	s10 =	sld [smem:$0x3FB2];
	_ =	sdelay $0x3  }
0x33: {  	p0 =	seq.s32 s10, $0x1;
	s10 =	sld [smem:$0x3FB4];
	_ =	sdelay $0x3  }
0x34: {  	[smem:$0x3FB4] =	sst s10  }
0x35: {  	s10 =	sld [smem:$0x3FB3];
	_ =	sdelay $0x3  }
0x36: {  	p1 =	seq.s32 s10, $0x1;
	s10 =	sld [smem:$0x3FB4];
	_ =	sdelay $0x3  }
0x37: {  	[smem:$0x3FB4] =	sst s10  }
0x38: {  	s10 =	sld [smem:$0x3FB5]  }
0x39: {  	_ = 	snop;
	(pc) =	sbr.ind lr, $3  }
0x3a: {  	_ = 	snop  }
0x3b: {  	_ = 	snop  }
0x3c: {  	p2 =	seq.s32 s10, $0x1;
	s10 =	sld [smem:$0x3FB4]  }
0x3d: {  	_ =	shalt  }
0x3e: {  	_ =	shalt  }
0x3f: {  	_ =	shalt  }
0x40: {  	_ =	shalt  }
0x41: {  	_ =	shalt  }
0x42: {  	_ =	shalt  }
0x43: {  	_ =	shalt  }
0x44: {  	_ =	shalt  }
0x45: {  	_ =	shalt  }
0x46: {  	_ =	shalt  }
0x47: {  	_ =	shalt  }
0x48: {  	_ =	shalt  }
0x49: {  	_ =	shalt  }
0x4a: {  	_ =	shalt  }
0x4b: {  	_ =	shalt  }
0x4c: {  	_ =	shalt  }
0x4d: {  	_ =	shalt  }
0x4e: {  	_ =	shalt  }
0x4f: {  	_ =	shalt  }
0x50: {  	_ =	shalt  }
0x51: {  	_ =	shalt  }
0x52: {  	_ =	shalt  }
0x53: {  	_ =	shalt  }
0x54: {  	_ =	shalt  }
0x55: {  	_ =	shalt  }
0x56: {  	_ =	shalt  }
0x57: {  	_ =	shalt  }
0x58: {  	_ =	shalt  }
0x59: {  	_ =	shalt  }
0x5a: {  	_ =	shalt  }
0x5b: {  	_ =	shalt  }
0x5c: {  	_ =	shalt  }
0x5d: {  	_ =	shalt  }
0x5e: {  	_ =	shalt  }
0x5f: {  	_ =	shalt  }
0x60: {  	_ =	shalt  }
0x61: {  	_ =	shalt  }
0x62: {  	_ =	shalt  }
0x63: {  	_ =	shalt  }
0x64: {  	_ =	shalt  }
0x65: {  	_ =	shalt  }
0x66: {  	_ =	shalt  }
0x67: {  	_ =	shalt  }
0x68: {  	_ =	shalt  }
0x69: {  	_ =	shalt  }
0x6a: {  	_ =	shalt  }
0x6b: {  	_ =	shalt  }
0x6c: {  	_ =	shalt  }
0x6d: {  	_ =	shalt  }
0x6e: {  	_ =	shalt  }
0x6f: {  	_ =	shalt  }
0x70: {  	_ =	shalt  }
0x71: {  	_ =	shalt  }
0x72: {  	_ =	shalt  }
0x73: {  	_ =	shalt  }
0x74: {  	_ =	shalt  }
0x75: {  	_ =	shalt  }
0x76: {  	_ =	shalt  }
0x77: {  	_ =	shalt  }
0x78: {  	_ =	shalt  }
0x79: {  	_ =	shalt  }
0x7a: {  	_ =	shalt  }
0x7b: {  	_ =	shalt  }
0x7c: {  	_ =	shalt  }
0x7d: {  	_ =	shalt  }
0x7e: {  	_ =	shalt  }
0x7f: {  	_ =	shalt  }
0x80: {  	_ =	shalt  }
0x81: {  	_ =	shalt  }
0x82: {  	_ =	shalt  }
0x83: {  	_ =	shalt  }
0x84: {  	_ =	shalt  }
0x85: {  	_ =	shalt  }
0x86: {  	_ =	shalt  }
0x87: {  	_ =	shalt  }
.Lfunc_end0:
.L_simem_size_0:
called_computation_lowered:
.L_overlay_start_0:
0x88: {  	s2 =	sld [smem:$0x3FD9]  }
0x89: {  	s3 =	sld [smem:$0x3FFE];
	_ =	sdelay $0x1  }
0x8a: {  	s1 =	srdreg.scid  }
0x8b: {  	s0 =	sand.u32 $0x1, s1  }
0x8c: {  	s17 =	sshll.u32 s0, $0xA;
	s2 =	sadd.s32 s3, s2  }
0x8d: {  	s2 =	sadd.s32 s2, s17  }
0x8e: {  	[smem:$0x3FC0] =	sst s2  }
0x8f: {  	_ = 	snop  }
0x90: {  	s2 =	sld [smem:$0x3FD0];
	(tm) =	ssettm $0x1  }
0x91: {  	s18 =	sld [smem:$0x3FFB];
	_ =	sdelay $0x3  }
0x92: {  	_ =	strace s18  }
0x93: {  	s3 =	sld [smem:$0x3FFC];
	_ =	sdelay $0x3  }
0x94: {  	_ =	strace s3  }
0x95: {  	s3 =	sld [smem:$0x3FFD];
	_ =	sdelay $0x3  }
0x96: {  	_ =	strace s3  }
0x97: {  	_ =	strace $0x8FFFFFFF  }
0x98: {  	s19 =	sld [smem:$0x3FDB];
	_ =	sdelay $0x1  }
0x99: {  	s4 =	simm.s32 $_scs_section_size  }
0x9a: {  	s5 =	simm.s32 $_size__tile_overlayer_lowered;
	s6 =	simm.s32 $_tile_overlayer_lowered  }
0x9b: {  	s22 =	simm.s32 $0x1BFF;
	s21 =	sshll.u32 s6, $0x1;
	s3 =	sadd.s32 s4, s19  }
0x9c: {  	s7 =	simm.s32 $0x0;
	s20 =	sshll.u32 s5, $0x1;
	s5 =	sadd.s32 s21, s3  }
0x9d: {  	[timem:s7], [sflag:s22] =	dma.local [hbm:s5], s20  }
0x9e: {  	_ =	swait.ge [sflag:s22], s20  }
0x9f: {  	s4 =	ssub.s32 $0x0, s20;
	[sflag:s22] =	ssyncset.done $0x0  }
0xa0: {  	[sflag:s22] =	ssyncadd.s32 s4;
	_ =	sdelay $0x1  }
0xa1: {  	s23 =	simm.s32 $0x1B8B  }
0xa2: {  	_ =	swait.ge [sflag:s23], $0x1  }
0xa3: {  	[sflag:s23] =	ssyncset.done $0x0  }
0xa4: {  	s25 =	simm.s32 $0x1B8E;
	s24 =	sld [smem:$0x3FFE];
	[sflag:s23] =	ssyncadd.s32 $0xFFFFFFFF  }
0xa5: {  	s26 =	simm.s32 $execute0_lowered;
	[smem:$0x3FD2] =	sst s25  }
0xa6: {  	s5 =	sshll.u32 s26, $0x1;
	_ =	strace $0x80000046;
	[dreg:$0x1] =	wrdreg $0xFFFFFFFF  }
0xa7: {  	s28 =	simm.s32 $_size_execute0_lowered;
	s3 =	sadd.s32 s3, s5;
	[dreg:$0x0] =	wrdreg $0x0  }
0xa8: {  	s5 =	sshll.u32 s28, $0x1;
	[dreg:$0x2] =	wrdreg s3  }
0xa9: {  	[dreg:$0x3] =	wrdreg s5  }
0xaa: {  	[dreg:$0x4] =	wrdreg $0xC0  }
0xab: {  	_ =	task [dreg:s7], $0x5FFFF  }
0xac: {  	[dreg:$0x1] =	wrdreg $0xFFFFFFFF  }
0xad: {  	[dreg:$0x0] =	wrdreg $0x60  }
0xae: {  	[dreg:$0x2] =	wrdreg s24  }
0xaf: {  	[dreg:$0x3] =	wrdreg s2  }
0xb0: {  	[dreg:$0x4] =	wrdreg $0x3C000  }
0xb1: {  	[dreg:$0x5] =	wrdreg $0x9  }
0xb2: {  	_ =	task.clear_ibuf [dreg:s7], $0x6FFFF;
	_ =	strace $0x90000046  }
0xb3: {  	s29 =	simm.s32 $0x9;
	_ =	strace $0x80000048  }
0xb4: {  	_ =	swait.ge [sflag:s29], $0x1  }
0xb5: {  	[sflag:s29] =	ssyncadd.s32 $0xFFFFFFFF  }
0xb6: {  	_ =	strace $0x90000048  }
0xb7: {  	_ =	sfence  }
0xb8: {  	s30 =	sld [smem:$0x0];
	_ =	sdelay $0x2  }
0xb9: {  	s31 =	sshll.u32 s1, $0xD;
	s1 =	sshrl.u32 s1, $0x2  }
0xba: {  	s3 =	sand.u32 $0x4000, s31;
	s1 =	sadd.s32 s1, s30  }
0xbb: {  	s0 =	sor.u32 s3, s0;
	s1 =	sshll.u32 s1, $0x11  }
0xbc: {  	s0 =	sor.u32 s1, s0  }
0xbd: {  	s0 =	sadd.s32 $0x8F2B, s0  }
0xbe: {  	[sflag:s0] =	ssyncadd.remote.s32 $0x1  }
0xbf: {  	_ =	sfence.sel $0xFFFF  }
0xc0: {  	[dreg:$0x0] =	wrdreg $0xFFFFFFFF;
	(pc) =	sbr.abs _section_cstart, $3  }
0xc1: {  	[dreg:$0x1] =	wrdreg $0xFFFFFFFF  }
0xc2: {  	_ =	task.clear_ibuf [dreg:s7], $0x2FFFF;
	_ =	strace $0x9FFFFFFF  }
0xc3: {  	(tm) =	ssettm $0x7FFFFFFF  }
tec
execute0_lowered:
.L_overlay_start_1:
0x0: {  	(tag) =	ssettag $0x1  }
0x1: {  	s7 =	rddreg [dreg:$0x0]  }
0x2: {  	s1 =	rddreg [dreg:$0x1]  }
0x3: {  	s2 =	rddreg [dreg:$0x2]  }
0x4: {  	s0 =	rddreg [dreg:$0x3];
	s3 =	simm.s32 $0x0;
	s4 =	srdreg.scid  }
0x5: {  	[smem:$0x7FF] =	sst s3;
	s8 =	sand.u32 $0x1, s4  }
0x6: {  	s4 =	stileid.u32;
	s6 =	smul.u32 $0x2800, s8  }
0x7: {  	s5 =	sadd.s32 $0x16000, s7;
	s14 =	sadd.s32 $0xC000, s7;
	s11 =	smul.u32 $0x1400, s4  }
0x8: {  	_ =	strace $0x80000047;
	s9 =	ssub.s32 $0x2, s8;
	s12 =	smul.u32 $0x300, s4  }
0x9: {  	s31 =	sshll.u32 s4, $0x6;
	s15 =	smul.u32 $0x700, s4;
	s30 =	sshrl.u32 s9, $0x1  }
0xa: {  	p0 =	sne.s32 s8, $0x0;
	s10 =	sadd.s32 s6, s7;
	s9 =	ssub.s32 s9, s30  }
0xb: {  	s13 =	sadd.s32 s11, s2;
	s6 =	sor.u32 $0x1C02, s31;
	s12 =	sadd.s32 $0x7000, s12  }
0xc: {  	s17 =	sshrl.u32 s11, $0x3;
	s16 =	sadd.s32 $0x16200, s10;
	s7 =	smax.u32 s9, $0x1  }
0xd: {  	s8 =	sshrl.u32 s13, $0x3;
	s9 =	simm.s32 $0x2;
	s10 =	simm.s32 $0x3800  }
0xe: {  	s11 =	sadd.s32 @p0 s14, s12;
	s12 =	sadd.s32 @!p0 s15, s14;
	s13 =	simm.s32 $0x80  }
0xf: {  	s14 =	simm.s32 $0x1;
	s15 =	sadd.s32 s17, s16;
	s16 =	simm.s32 $0x0  }
.LBB2_1:
0x10: {  	[spmem:s8], [sflag:s6] =	dma.local [hbm:s1], $0x280  }
0x11: {  	_ =	swait.ge [sflag:s9], $0x280  }
0x12: {  	[sflag:s9] =	ssyncset.done $0x0  }
0x13: {  	[sflag:s9] =	ssyncadd.s32 $0xFFFFFD80  }
0x14: {  	[tilespmem:s10], [sflag:$0x2] =	stream.linear.gather [hbm4b:s5+s3], $0x400, $0x38;
	[tilespmem:$0x5000] =	vst v63  }
0x15: {  	_ =	swait.ge [sflag:s9], $0x400  }
0x16: {  	[sflag:s9] =	ssyncset.done $0x0  }
0x17: {  	s17 =	simm.s32 @p0 $0x0;
	[sflag:s9] =	ssyncadd.s32 $0xFFFFFC00  }
0x18: {  	[tilespmem:s17], [sflag:$0x2] =	stream.linear.gather @p0 [hbm4b:s11+s17], $0x1800, $0x38;
	[tilespmem:$0x5000] =	vst v63  }
0x19: {  	s17 =	simm.s32 @p0 $0x2  }
0x1a: {  	_ =	swait.ge @p0 [sflag:s17], $0x1800  }
0x1b: {  	[sflag:s17] =	ssyncset.done @p0 $0x0  }
0x1c: {  	[sflag:s17] =	ssyncadd.s32 @p0 $0xFFFFE800;
	s17 =	simm.s32 @!p0 $0x0  }
0x1d: {  	[tilespmem:s17], [sflag:$0x2] =	stream.linear.gather @!p0 [hbm4b:s12+s17], $0x3800, $0x38;
	[tilespmem:$0x5000] =	vst v63  }
0x1e: {  	s17 =	simm.s32 @!p0 $0x2  }
0x1f: {  	s18 =	simm.s32 @!p0 $0xE;
	_ =	swait.ge @!p0 [sflag:s17], $0x3800  }
0x20: {  	s18 =	simm.s32 @p0 $0x6;
	[sflag:s17] =	ssyncset.done @!p0 $0x0  }
0x21: {  	[sflag:s17] =	ssyncadd.s32 @!p0 $0xFFFFC800;
	s17 =	sshll.u32 s18, $0xC  }
0x22: {  	p2 =	sne.s32 s17, $0x1000  }
.Ltmp0:
0x23: {  	_ = 	snop;
	(pc) =	sbr.rel @!p2 .LBB2_6-.Ltmp0, $3  }
0x24: {  	_ =	sdelay $0x1  }
0x25: {  	[bflag:$0x0] =	sbarrier.arrive $0xFFFF  }
0x26: {  	p1 =	por $0x0, $0x0;
	s19 =	simm.s32 $0x0;
	s18 =	simm.s32 $0x1000  }
0x27: {  	s19 =	simm.s32 $0x0  }
0x28: {  	[spmem:s2] =	stream.indirect.scatter.add.f32 [tilespmem:s10], [sflag:$0x1], $0x8, s19, s13, $0xb8;
	[tilespmem:$0x5000] =	vst v63  }
0x29: {  	s24 =	simm.s32 $0x80  }
0x2a: {  	[spmem:s2] =	stream.indirect.scatter.add.f32 [tilespmem:s10], [sflag:$0x1], $0x8, s24, s13, $0xb8;
	[tilespmem:$0x5000] =	vst v63  }
0x2b: {  	s25 =	simm.s32 $0x100  }
0x2c: {  	[spmem:s2] =	stream.indirect.scatter.add.f32 [tilespmem:s10], [sflag:$0x1], $0x8, s25, s13, $0xb8;
	[tilespmem:$0x5000] =	vst v63  }
0x2d: {  	s26 =	simm.s32 $0x180  }
0x2e: {  	[spmem:s2] =	stream.indirect.scatter.add.f32 [tilespmem:s10], [sflag:$0x1], $0x8, s26, s13, $0xb8;
	[tilespmem:$0x5000] =	vst v63  }
0x2f: {  	s28 =	simm.s32 $0x200  }
0x30: {  	[spmem:s2] =	stream.indirect.scatter.add.f32 [tilespmem:s10], [sflag:$0x1], $0x8, s28, s13, $0xb8;
	[tilespmem:$0x5000] =	vst v63  }
0x31: {  	s29 =	simm.s32 $0x280  }
0x32: {  	[spmem:s2] =	stream.indirect.scatter.add.f32 [tilespmem:s10], [sflag:$0x1], $0x8, s29, s13, $0xb8;
	[tilespmem:$0x5000] =	vst v63  }
0x33: {  	s30 =	simm.s32 $0x300  }
0x34: {  	[spmem:s2] =	stream.indirect.scatter.add.f32 [tilespmem:s10], [sflag:$0x1], $0x8, s30, s13, $0xb8;
	[tilespmem:$0x5000] =	vst v63  }
0x35: {  	s31 =	simm.s32 $0x380  }
0x36: {  	[spmem:s2] =	stream.indirect.scatter.add.f32 [tilespmem:s10], [sflag:$0x1], $0x8, s31, s13, $0xb8;
	[tilespmem:$0x5000] =	vst v63  }
0x37: {  	_ =	swait.ge [sflag:s14], $0x400  }
0x38: {  	[sflag:s14] =	ssyncset.done $0x0  }
0x39: {  	[sflag:s14] =	ssyncadd.s32 $0xFFFFFC00  }
0x3a: {  	_ =	swait.ge [sflag:s14], $0x400  }
0x3b: {  	[sflag:s14] =	ssyncset.done $0x0  }
0x3c: {  	[sflag:s14] =	ssyncadd.s32 $0xFFFFFC00  }
0x3d: {  	_ =	swait.ge [sflag:s14], $0x400  }
0x3e: {  	[sflag:s14] =	ssyncset.done $0x0  }
0x3f: {  	[sflag:s14] =	ssyncadd.s32 $0xFFFFFC00  }
0x40: {  	_ =	swait.ge [sflag:s14], $0x400  }
0x41: {  	[sflag:s14] =	ssyncset.done $0x0  }
0x42: {  	[sflag:s14] =	ssyncadd.s32 $0xFFFFFC00  }
0x43: {  	_ =	swait.ge [sflag:s14], $0x400  }
0x44: {  	[sflag:s14] =	ssyncset.done $0x0  }
0x45: {  	[sflag:s14] =	ssyncadd.s32 $0xFFFFFC00  }
0x46: {  	_ =	swait.ge [sflag:s14], $0x400  }
0x47: {  	[sflag:s14] =	ssyncset.done $0x0  }
0x48: {  	p2 =	sne.s32 s17, $0x2000;
	[sflag:s14] =	ssyncadd.s32 $0xFFFFFC00  }
.Ltmp1:
0x49: {  	_ =	swait.ge [sflag:s14], $0x400;
	(pc) =	sbr.rel @!p2 .LBB2_3-.Ltmp1, $4  }
0x4a: {  	[sflag:s14] =	ssyncset.done $0x0  }
0x4b: {  	[sflag:s14] =	ssyncadd.s32 $0xFFFFFC00  }
0x4c: {  	_ =	swait.ge [sflag:s14], $0x400  }
0x4d: {  	p1 =	por $0x1, $0x1;
	s19 =	simm.s32 $0x2000;
	[sflag:s14] =	ssyncset.done $0x0  }
.LBB2_4:
0x4e: {  	s20 =	sshra.s32 s18, $0x2  }
0x4f: {  	[sflag:s14] =	ssyncadd.s32 $0xFFFFFC00;
	s18 =	smov.u32 s19;
	s19 =	sadd.s32 $0x1000, s19  }
0x50: {  	[spmem:s2] =	stream.indirect.scatter.add.f32 [tilespmem:s10], [sflag:$0x1], $0x8, s20, s13, $0xb8;
	[tilespmem:$0x5000] =	vst v63  }
0x51: {  	p2 =	sne.s32 s17, s19;
	s21 =	sadd.s32 $0x80, s20  }
0x52: {  	[spmem:s2] =	stream.indirect.scatter.add.f32 [tilespmem:s10], [sflag:$0x1], $0x8, s21, s13, $0xb8;
	[tilespmem:$0x5000] =	vst v63  }
0x53: {  	s21 =	sadd.s32 $0x100, s20  }
0x54: {  	[spmem:s2] =	stream.indirect.scatter.add.f32 [tilespmem:s10], [sflag:$0x1], $0x8, s21, s13, $0xb8;
	[tilespmem:$0x5000] =	vst v63  }
0x55: {  	s21 =	sadd.s32 $0x180, s20  }
0x56: {  	[spmem:s2] =	stream.indirect.scatter.add.f32 [tilespmem:s10], [sflag:$0x1], $0x8, s21, s13, $0xb8;
	[tilespmem:$0x5000] =	vst v63  }
0x57: {  	s21 =	sadd.s32 $0x200, s20  }
0x58: {  	[spmem:s2] =	stream.indirect.scatter.add.f32 [tilespmem:s10], [sflag:$0x1], $0x8, s21, s13, $0xb8;
	[tilespmem:$0x5000] =	vst v63  }
0x59: {  	s21 =	sadd.s32 $0x280, s20  }
0x5a: {  	[spmem:s2] =	stream.indirect.scatter.add.f32 [tilespmem:s10], [sflag:$0x1], $0x8, s21, s13, $0xb8;
	[tilespmem:$0x5000] =	vst v63  }
0x5b: {  	s21 =	sadd.s32 $0x300, s20  }
0x5c: {  	[spmem:s2] =	stream.indirect.scatter.add.f32 [tilespmem:s10], [sflag:$0x1], $0x8, s21, s13, $0xb8;
	[tilespmem:$0x5000] =	vst v63  }
0x5d: {  	s20 =	sadd.s32 $0x380, s20  }
0x5e: {  	[spmem:s2] =	stream.indirect.scatter.add.f32 [tilespmem:s10], [sflag:$0x1], $0x8, s20, s13, $0xb8;
	[tilespmem:$0x5000] =	vst v63  }
0x5f: {  	_ =	swait.ge [sflag:s14], $0x400  }
0x60: {  	[sflag:s14] =	ssyncset.done $0x0  }
0x61: {  	[sflag:s14] =	ssyncadd.s32 $0xFFFFFC00  }
0x62: {  	_ =	swait.ge [sflag:s14], $0x400  }
0x63: {  	[sflag:s14] =	ssyncset.done $0x0  }
0x64: {  	[sflag:s14] =	ssyncadd.s32 $0xFFFFFC00  }
0x65: {  	_ =	swait.ge [sflag:s14], $0x400  }
0x66: {  	[sflag:s14] =	ssyncset.done $0x0  }
0x67: {  	[sflag:s14] =	ssyncadd.s32 $0xFFFFFC00  }
0x68: {  	_ =	swait.ge [sflag:s14], $0x400  }
0x69: {  	[sflag:s14] =	ssyncset.done $0x0  }
0x6a: {  	[sflag:s14] =	ssyncadd.s32 $0xFFFFFC00  }
0x6b: {  	_ =	swait.ge [sflag:s14], $0x400  }
0x6c: {  	[sflag:s14] =	ssyncset.done $0x0  }
0x6d: {  	[sflag:s14] =	ssyncadd.s32 $0xFFFFFC00  }
0x6e: {  	_ =	swait.ge [sflag:s14], $0x400  }
0x6f: {  	[sflag:s14] =	ssyncset.done $0x0  }
0x70: {  	[sflag:s14] =	ssyncadd.s32 $0xFFFFFC00  }
.Ltmp2:
0x71: {  	_ =	swait.ge [sflag:s14], $0x400;
	(pc) =	sbr.rel @p2 .LBB2_4-.Ltmp2, $4  }
0x72: {  	[sflag:s14] =	ssyncset.done $0x0  }
0x73: {  	[sflag:s14] =	ssyncadd.s32 $0xFFFFFC00  }
0x74: {  	_ =	swait.ge [sflag:s14], $0x400  }
0x75: {  	[sflag:s14] =	ssyncset.done $0x0  }
0x76: {  	s19 =	smov.u32 s18  }
.LBB2_6:
0x77: {  	s17 =	sshra.s32 s19, $0x2;
	[sflag:s14] =	ssyncadd.s32 @p1 $0xFFFFFC00  }
0x78: {  	[spmem:s2] =	stream.indirect.scatter.add.f32 [tilespmem:s10], [sflag:$0x1], $0x8, s17, s13, $0xb8;
	[tilespmem:$0x5000] =	vst v63  }
0x79: {  	s18 =	sadd.s32 $0x80, s17  }
0x7a: {  	[spmem:s2] =	stream.indirect.scatter.add.f32 [tilespmem:s10], [sflag:$0x1], $0x8, s18, s13, $0xb8;
	[tilespmem:$0x5000] =	vst v63  }
0x7b: {  	s26 =	sadd.s32 $0x100, s17  }
0x7c: {  	[spmem:s2] =	stream.indirect.scatter.add.f32 [tilespmem:s10], [sflag:$0x1], $0x8, s26, s13, $0xb8;
	[tilespmem:$0x5000] =	vst v63  }
0x7d: {  	s28 =	sadd.s32 $0x180, s17  }
0x7e: {  	[spmem:s2] =	stream.indirect.scatter.add.f32 [tilespmem:s10], [sflag:$0x1], $0x8, s28, s13, $0xb8;
	[tilespmem:$0x5000] =	vst v63  }
0x7f: {  	s29 =	sadd.s32 $0x200, s17  }
0x80: {  	[spmem:s2] =	stream.indirect.scatter.add.f32 [tilespmem:s10], [sflag:$0x1], $0x8, s29, s13, $0xb8;
	[tilespmem:$0x5000] =	vst v63  }
0x81: {  	s30 =	sadd.s32 $0x280, s17  }
0x82: {  	[spmem:s2] =	stream.indirect.scatter.add.f32 [tilespmem:s10], [sflag:$0x1], $0x8, s30, s13, $0xb8;
	[tilespmem:$0x5000] =	vst v63  }
0x83: {  	s31 =	sadd.s32 $0x300, s17  }
0x84: {  	[spmem:s2] =	stream.indirect.scatter.add.f32 [tilespmem:s10], [sflag:$0x1], $0x8, s31, s13, $0xb8;
	[tilespmem:$0x5000] =	vst v63  }
0x85: {  	s17 =	sadd.s32 $0x380, s17  }
0x86: {  	[spmem:s2] =	stream.indirect.scatter.add.f32 [tilespmem:s10], [sflag:$0x1], $0x8, s17, s13, $0xb8;
	[tilespmem:$0x5000] =	vst v63  }
0x87: {  	_ =	swait.ge [sflag:s14], $0x400  }
0x88: {  	[sflag:s14] =	ssyncset.done $0x0  }
0x89: {  	[sflag:s14] =	ssyncadd.s32 $0xFFFFFC00  }
0x8a: {  	_ =	swait.ge [sflag:s14], $0x400  }
0x8b: {  	[sflag:s14] =	ssyncset.done $0x0  }
0x8c: {  	[sflag:s14] =	ssyncadd.s32 $0xFFFFFC00  }
0x8d: {  	_ =	swait.ge [sflag:s14], $0x400  }
0x8e: {  	[sflag:s14] =	ssyncset.done $0x0  }
0x8f: {  	[sflag:s14] =	ssyncadd.s32 $0xFFFFFC00  }
0x90: {  	_ =	swait.ge [sflag:s14], $0x400  }
0x91: {  	[sflag:s14] =	ssyncset.done $0x0  }
0x92: {  	[sflag:s14] =	ssyncadd.s32 $0xFFFFFC00  }
0x93: {  	_ =	swait.ge [sflag:s14], $0x400  }
0x94: {  	[sflag:s14] =	ssyncset.done $0x0  }
0x95: {  	[sflag:s14] =	ssyncadd.s32 $0xFFFFFC00  }
0x96: {  	_ =	swait.ge [sflag:s14], $0x400  }
0x97: {  	[sflag:s14] =	ssyncset.done $0x0  }
0x98: {  	[sflag:s14] =	ssyncadd.s32 $0xFFFFFC00  }
0x99: {  	_ =	swait.ge [sflag:s14], $0x400  }
0x9a: {  	[sflag:s14] =	ssyncset.done $0x0  }
0x9b: {  	[sflag:s14] =	ssyncadd.s32 $0xFFFFFC00  }
0x9c: {  	_ =	swait.ge [sflag:s14], $0x400  }
0x9d: {  	[sflag:s14] =	ssyncset.done $0x0  }
0x9e: {  	s16 =	sadd.s32 $0x1, s16;
	[sflag:s14] =	ssyncadd.s32 $0xFFFFFC00  }
0x9f: {  	p1 =	sne.s32 s16, s7;
	[bflag:$0x0] =	sbarrier.arrive $0xFFFF  }
0xa0: {  	[hbm:s15], [sflag:s6] =	dma.local [spmem:s8], $0x280  }
.Ltmp3:
0xa1: {  	_ = 	snop;
	(pc) =	sbr.rel @p1 .LBB2_1-.Ltmp3, $4  }
.Ltmp4:
0xa2: {  	_ = 	snop;
	(pc) =	sbr.rel @!p1 .LBB2_7-.Ltmp4, $4  }
0xa3: {  	_ =	swait.ge [sflag:s9], $0x280  }
0xa4: {  	[sflag:s9] =	ssyncset.done $0x0  }
0xa5: {  	[sflag:s9] =	ssyncadd.s32 $0xFFFFFD80  }
0xa6: {  	_ = 	snop  }
.LBB2_3:
.Ltmp5:
0xa7: {  	(pc) =	sbr.rel .LBB2_6-.Ltmp5, $2  }
0xa8: {  	_ =	sdelay $0x2  }
0xa9: {  	s19 =	simm.s32 $0x1000  }
.LBB2_7:
0xaa: {  	_ =	sfence.sel $0x180000  }
0xab: {  	[bflag:$0x0] =	sbarrier.arrive $0xFFFF  }
0xac: {  	p0 =	sne.s32 s4, $0x0;
	_ =	strace $0x90000047  }
0xad: {  	s0 =	sadd.s32 @!p0 $0x100000, s0;
	[bflag:$0x2] =	sbarrier.arrive $0xFFFF  }
0xae: {  	[sflag:s0] =	ssyncadd.tile.s32 @!p0 $0x1;
	_ =	shalt  }
.Lfunc_end2:
_tile_overlayer_lowered:
.L_overlay_start_2:
0xaf: {  	(tag) =	ssettag $0x2  }
0xb0: {  	s0 =	rddreg [dreg:$0x0];
	s2 =	stileid.u32  }
0xb1: {  	s1 =	rddreg [dreg:$0x1];
	p0 =	sne.s32 s2, $0x0  }
0xb2: {  	s3 =	rddreg [dreg:$0x2];
	[bflag:$0x3] =	sbarrier.arrive $0xFFFF;
	s2 =	simm.s32 @!p0 $0x1C02  }
0xb3: {  	[timem:s3], [sflag:s2] =	dma.local @!p0 [hbm:s0], s1  }
0xb4: {  	s0 =	simm.s32 @!p0 $0x2  }
0xb5: {  	_ =	swait.ge @!p0 [sflag:s0], s1  }
0xb6: {  	s1 =	ssub.s32 @!p0 $0x0, s1;
	[sflag:s0] =	ssyncset.done @!p0 $0x0  }
0xb7: {  	[sflag:s0] =	ssyncadd.s32 @!p0 s1  }
0xb8: {  	[bflag:$0x3] =	sbarrier.arrive $0xFFFF  }
0xb9: {  	_ =	shalt  }

</sc_bundles>
